<compile_context>
chip_gen: v7x
topology: tpu7x:2x2x1
jax: 0.10.2.dev20260603
libtpu: 0.0.44.dev20260713+nightly
codegen_flags: <defaults>
</compile_context>

<pallas_src>
import dataclasses
import functools

import jax
import jax.numpy as jnp
from jax import lax
from jax.experimental import pallas as pl
from jax.experimental.pallas import tpu as pltpu
from jax.experimental.pallas import tpu_sc as plsc

N = 10000
E = 320000
F_IN = 128
H1, F1 = 8, 8
D1 = H1 * F1
H2, F2 = 1, 40
D2 = H2 * F2

TW1 = 72
TW2 = 48
GW1 = 96
GW2 = 64
ERW = 16

NTILES = 32
CHUNK = 100
EPT = E // NTILES
NCH = EPT // CHUNK
NBUF = 4
R0 = 624
RLAST = N - 15 * R0

def _bf16_perm(width):
    p = []
    for blk in range(width // 32):
        for i in range(16):
            p.append(32 * blk + i)
            p.append(32 * blk + 16 + i)
    return p


def _unpack32(v):
    return plsc.unpack(v, format=plsc.PackFormat.INTERLEAVED,
                       preferred_element_type=jnp.float32)


def _vgather(x, idx):
    dnums = lax.GatherDimensionNumbers(
        offset_dims=(), collapsed_slice_dims=(0,), start_index_map=(0,))
    return lax.gather(x, idx[:, None], dnums, (1,),
                      mode=lax.GatherScatterMode.PROMISE_IN_BOUNDS)


def _mesh():
    return plsc.VectorSubcoreMesh(core_axis_name="c", subcore_axis_name="s")


def _sc_params():
    cp = pltpu.CompilerParams()
    fields = pltpu.CompilerParams.__dataclass_fields__
    if "needs_layout_passes" in fields:
        cp = dataclasses.replace(cp, needs_layout_passes=False)
    if "use_tc_tiling_on_sc" in fields:
        cp = dataclasses.replace(cp, use_tc_tiling_on_sc=False)
    return cp



def _mm_body(x_ref, w_ref, a_ref, b_ref, split):
    y = jnp.dot(x_ref[...], w_ref[...], preferred_element_type=jnp.float32)
    a_ref[...] = y[:, :split].astype(a_ref.dtype)
    b_ref[...] = y[:, split:]


def _tc_project(x, w, split, rows_per_blk=2000):
    n, k = x.shape
    m = w.shape[1]
    grid = (n // rows_per_blk,)
    return pl.pallas_call(
        functools.partial(_mm_body, split=split),
        grid=grid,
        in_specs=[
            pl.BlockSpec((rows_per_blk, k), lambda i: (i, 0)),
            pl.BlockSpec((k, m), lambda i: (0, 0)),
        ],
        out_specs=[
            pl.BlockSpec((rows_per_blk, split), lambda i: (i, 0)),
            pl.BlockSpec((rows_per_blk, m - split), lambda i: (i, 0)),
        ],
        out_shape=[
            jax.ShapeDtypeStruct((n, split), jnp.bfloat16),
            jax.ShapeDtypeStruct((n, m - split), jnp.float32),
        ],
    )(x, w)


def _mid_body(p_ref, w_ref, b_ref, t2_ref, er_ref):
    a = p_ref[0] + p_ref[1]
    d = a[:, D1:D1 + H1]
    r = 1.0 / jnp.where(d != 0.0, d, 1.0)
    pieces = []
    for h in range(H1):
        pieces.append(a[:, F1 * h:F1 * h + F1] * r[:, h:h + 1])
    o = jnp.concatenate(pieces, axis=1)
    hb = jnp.maximum(o + b_ref[...], 0.0)
    y = jnp.dot(hb, w_ref[...], preferred_element_type=jnp.float32)
    t2_ref[...] = y[:, :GW2].astype(jnp.bfloat16)
    er_ref[...] = y[:, GW2:]


def _tc_mid(p1, w, b1row, rows_per_blk=2000):
    grid = (N // rows_per_blk,)
    return pl.pallas_call(
        _mid_body,
        grid=grid,
        in_specs=[
            pl.BlockSpec((2, rows_per_blk, TW1), lambda i: (0, i, 0)),
            pl.BlockSpec(w.shape, lambda i: (0, 0)),
            pl.BlockSpec((1, D1), lambda i: (0, 0)),
        ],
        out_specs=[
            pl.BlockSpec((rows_per_blk, GW2), lambda i: (i, 0)),
            pl.BlockSpec((rows_per_blk, ERW), lambda i: (i, 0)),
        ],
        out_shape=[
            jax.ShapeDtypeStruct((N, GW2), jnp.bfloat16),
            jax.ShapeDtypeStruct((N, ERW), jnp.float32),
        ],
    )(p1, w, b1row)


def _final_body(p_ref, b_ref, o_ref):
    a = p_ref[0] + p_ref[1]
    d = a[:, F2:F2 + 1]
    d = jnp.where(d != 0.0, d, 1.0)
    z = a[:, :F2] / d + b_ref[...]
    m = jnp.max(z, axis=1, keepdims=True)
    lse = m + jnp.log(jnp.sum(jnp.exp(z - m), axis=1, keepdims=True))
    o_ref[...] = z - lse


def _tc_final(p2, b2row, rows_per_blk=2000):
    grid = (N // rows_per_blk,)
    return pl.pallas_call(
        _final_body,
        grid=grid,
        in_specs=[
            pl.BlockSpec((2, rows_per_blk, TW2), lambda i: (0, i, 0)),
            pl.BlockSpec((1, F2), lambda i: (0, 0)),
        ],
        out_specs=pl.BlockSpec((rows_per_blk, F2), lambda i: (i, 0)),
        out_shape=jax.ShapeDtypeStruct((N, F2), jnp.float32),
    )(p2, b2row)



def _sc_layer1_body(t1_hbm, er_hbm, src_hbm, dst_hbm, z_hbm, out_hbm,
                    srcv, dstv, t1b, erb, msgb, acc,
                    gsem1, gsem2, ssem):
    cid = lax.axis_index("c")
    sid = lax.axis_index("s")
    wid = cid * 16 + sid
    _rowcopy(z_hbm, acc, sid)
    pltpu.sync_copy(src_hbm.at[wid], srcv)
    pltpu.sync_copy(dst_hbm.at[wid], dstv)
    plsc.subcore_barrier()

    il = lax.iota(jnp.int32, 16)
    head_sel = il >> 3
    takeidx = [2 * q + head_sel for q in range(4)]

    def gathers(c, b):
        pltpu.async_copy(t1_hbm.at[srcv.at[c]], t1b.at[b], gsem1.at[b])
        pltpu.async_copy(er_hbm.at[dstv.at[c]], erb.at[b], gsem2.at[b])

    for b in range(NBUF):
        gathers(b, b)

    @pl.loop(0, NCH, step=NBUF)
    def _chunk(j):
        for b in range(NBUF):
            c = j + b
            pltpu.make_async_copy(t1_hbm.at[srcv.at[c]],
                                  t1b.at[b], gsem1.at[b]).wait()
            pltpu.make_async_copy(er_hbm.at[dstv.at[c]],
                                  erb.at[b], gsem2.at[b]).wait()

            @pl.when(c >= NBUF)
            def _():
                pltpu.make_async_copy(msgb.at[b], acc.at[dstv.at[c]],
                                      ssem.at[b]).wait()

            @plsc.parallel_loop(0, CHUNK, unroll=4)
            def _edge(e):
                elv, _ = _unpack32(t1b[b, e, pl.ds(D1, 32)])
                erv = erb[b, e, :]
                ev = elv + erv
                ev = jnp.where(ev >= 0.0, ev, 0.2 * ev)
                sv = jnp.exp(ev)
                plsc.store_scatter(msgb.at[b],
                                   (jnp.full((16,), e, jnp.int32), D1 + il),
                                   sv, mask=il < 8)
                for q2 in range(2):
                    ha, hbv = _unpack32(t1b[b, e, pl.ds(32 * q2, 32)])
                    msgb[b, e, pl.ds(32 * q2, 16)] = (
                        ha * _vgather(sv, takeidx[2 * q2]))
                    msgb[b, e, pl.ds(32 * q2 + 16, 16)] = (
                        hbv * _vgather(sv, takeidx[2 * q2 + 1]))

            pltpu.async_copy(msgb.at[b], acc.at[dstv.at[c]], ssem.at[b],
                             add=True)

            @pl.when(c + NBUF < NCH)
            def _():
                gathers(c + NBUF, b)

    for b in range(NBUF):
        pltpu.make_async_copy(msgb.at[b], acc.at[pl.ds(0, CHUNK)],
                              ssem.at[b]).wait()

    plsc.subcore_barrier()
    _rowcopy(acc, out_hbm.at[cid], sid)


def _rowcopy(src, dst, sid):
    @pl.when(sid < 15)
    def _():
        st = pl.multiple_of(sid * R0, 8)
        pltpu.sync_copy(src.at[pl.ds(st, R0)], dst.at[pl.ds(st, R0)])

    @pl.when(sid == 15)
    def _():
        pltpu.sync_copy(src.at[pl.ds(15 * R0, RLAST)],
                        dst.at[pl.ds(15 * R0, RLAST)])


def _sc_layer1(t1, er1, src_r, dst_r, z80):
    k = pl.kernel(
        _sc_layer1_body,
        out_type=jax.ShapeDtypeStruct((2, N, TW1), jnp.float32),
        mesh=_mesh(),
        compiler_params=_sc_params(),
        scratch_types=[
            pltpu.VMEM((NCH, CHUNK), jnp.int32),
            pltpu.VMEM((NCH, CHUNK), jnp.int32),
            pltpu.VMEM((NBUF, CHUNK, GW1), jnp.bfloat16),
            pltpu.VMEM((NBUF, CHUNK, ERW), jnp.float32),
            pltpu.VMEM((NBUF, CHUNK, TW1), jnp.float32),
            pltpu.VMEM_SHARED((N, TW1), jnp.float32),
            pltpu.SemaphoreType.DMA((NBUF,)),
            pltpu.SemaphoreType.DMA((NBUF,)),
            pltpu.SemaphoreType.DMA((NBUF,)),
        ],
    )
    return k(t1, er1, src_r, dst_r, z80)


def _sc_layer2_body(t2_hbm, er_hbm, src_hbm, dst_hbm, z_hbm, out_hbm,
                    srcv, dstv, t2b, erb, msgb, acc,
                    gsem1, gsem2, ssem):
    cid = lax.axis_index("c")
    sid = lax.axis_index("s")
    wid = cid * 16 + sid
    _rowcopy(z_hbm, acc, sid)
    pltpu.sync_copy(src_hbm.at[wid], srcv)
    pltpu.sync_copy(dst_hbm.at[wid], dstv)
    plsc.subcore_barrier()

    il = lax.iota(jnp.int32, 16)
    zero = jnp.zeros((16,), jnp.float32)
    full8 = jnp.full((16,), 8, jnp.int32)
    full0 = jnp.zeros((16,), jnp.int32)

    def gathers(c, b):
        pltpu.async_copy(t2_hbm.at[srcv.at[c]], t2b.at[b], gsem1.at[b])
        pltpu.async_copy(er_hbm.at[dstv.at[c]], erb.at[b], gsem2.at[b])

    for b in range(NBUF):
        gathers(b, b)

    @pl.loop(0, NCH, step=NBUF)
    def _chunk(j):
        for b in range(NBUF):
            c = j + b
            pltpu.make_async_copy(t2_hbm.at[srcv.at[c]],
                                  t2b.at[b], gsem1.at[b]).wait()
            pltpu.make_async_copy(er_hbm.at[dstv.at[c]],
                                  erb.at[b], gsem2.at[b]).wait()

            @pl.when(c >= NBUF)
            def _():
                pltpu.make_async_copy(msgb.at[b], acc.at[dstv.at[c]],
                                      ssem.at[b]).wait()

            @plsc.parallel_loop(0, CHUNK, unroll=4)
            def _edge(e):
                erv = erb[b, e, :]
                m0, m1 = _unpack32(t2b[b, e, pl.ds(0, 32)])
                m2, _ = _unpack32(t2b[b, e, pl.ds(32, 32)])
                ev = _vgather(m2, full8) + _vgather(erv, full0)
                ev = jnp.where(ev >= 0.0, ev, 0.2 * ev)
                sb = jnp.exp(ev)
                msgb[b, e, pl.ds(0, 16)] = m0 * sb
                msgb[b, e, pl.ds(16, 16)] = m1 * sb
                mv = jnp.where(il < 8, m2 * sb,
                               jnp.where(il == 8, sb, zero))
                msgb[b, e, pl.ds(32, 16)] = mv

            pltpu.async_copy(msgb.at[b], acc.at[dstv.at[c]], ssem.at[b],
                             add=True)

            @pl.when(c + NBUF < NCH)
            def _():
                gathers(c + NBUF, b)

    for b in range(NBUF):
        pltpu.make_async_copy(msgb.at[b], acc.at[pl.ds(0, CHUNK)],
                              ssem.at[b]).wait()

    plsc.subcore_barrier()
    _rowcopy(acc, out_hbm.at[cid], sid)


def _sc_layer2(t2, er2, src_r, dst_r, z48):
    k = pl.kernel(
        _sc_layer2_body,
        out_type=jax.ShapeDtypeStruct((2, N, TW2), jnp.float32),
        mesh=_mesh(),
        compiler_params=_sc_params(),
        scratch_types=[
            pltpu.VMEM((NCH, CHUNK), jnp.int32),
            pltpu.VMEM((NCH, CHUNK), jnp.int32),
            pltpu.VMEM((NBUF, CHUNK, GW2), jnp.bfloat16),
            pltpu.VMEM((NBUF, CHUNK, ERW), jnp.float32),
            pltpu.VMEM((NBUF, CHUNK, TW2), jnp.float32),
            pltpu.VMEM_SHARED((N, TW2), jnp.float32),
            pltpu.SemaphoreType.DMA((NBUF,)),
            pltpu.SemaphoreType.DMA((NBUF,)),
            pltpu.SemaphoreType.DMA((NBUF,)),
        ],
    )
    return k(t2, er2, src_r, dst_r, z48)



def kernel(x, edge_index, W1, al1, ar1, b1, W2, al2, ar2, b2):
    w1r = W1.reshape(H1, F1, F_IN)
    a_l1 = jnp.einsum("hfk,hf->kh", w1r, al1[0])
    a_r1 = jnp.einsum("hfk,hf->kh", w1r, ar1[0])
    t1_nat = jnp.concatenate(
        [W1.T, a_l1, jnp.zeros((F_IN, 24), jnp.float32)], axis=1)
    wc1 = jnp.concatenate(
        [t1_nat[:, _bf16_perm(GW1)], a_r1,
         jnp.zeros((F_IN, 8), jnp.float32)], axis=1)

    w2r = W2.reshape(H2, F2, D1)
    a_l2 = jnp.einsum("hfk,hf->kh", w2r, al2[0])
    a_r2 = jnp.einsum("hfk,hf->kh", w2r, ar2[0])
    t2_nat = jnp.concatenate(
        [W2.T, a_l2, jnp.zeros((D1, 23), jnp.float32)], axis=1)
    wc2 = jnp.concatenate(
        [t2_nat[:, _bf16_perm(GW2)], a_r2,
         jnp.zeros((D1, 15), jnp.float32)], axis=1)

    src_r = edge_index[0].reshape(NTILES, NCH, CHUNK)
    dst_r = edge_index[1].reshape(NTILES, NCH, CHUNK)
    z80 = jnp.zeros((N, TW1), jnp.float32)
    z48 = jnp.zeros((N, TW2), jnp.float32)
    b1row = b1.reshape(1, D1)
    b2row = b2.reshape(1, F2)

    t1, er1 = _tc_project(x, wc1, GW1)
    p1 = _sc_layer1(t1, er1, src_r, dst_r, z80)
    t2, er2 = _tc_mid(p1, wc2, b1row)
    p2 = _sc_layer2(t2, er2, src_r, dst_r, z48)
    return _tc_final(p2, b2row)

# --- scband reference (transcript-rebuilt; emitter-appended) ---
"""Pipeline reference for scband-gat-68805376082493 (READ-ONLY COPY).

The authoritative reference and input builder live on the scoring server;
editing this copy changes nothing except your own understanding.
"""

import jax, jax.numpy as jnp
import numpy as np

N = 10000
E = 320000
F_IN = 128
H1, F1 = 8, 8
H2, F2 = 1, 40


def setup_inputs(seed: int = 0) -> dict:
    key = jax.random.key(seed)
    ks = jax.random.split(key, 12)
    x = jax.random.normal(ks[0], (N, F_IN), dtype=jnp.float32)
    edge_index = jax.random.randint(ks[1], (2, E), 0, N, dtype=jnp.int32)
    W1 = jax.random.normal(ks[2], (H1 * F1, F_IN), dtype=jnp.float32) * (1.0 / np.sqrt(F_IN))
    al1 = jax.random.normal(ks[3], (1, H1, F1), dtype=jnp.float32) * 0.1
    ar1 = jax.random.normal(ks[4], (1, H1, F1), dtype=jnp.float32) * 0.1
    b1 = jnp.zeros((H1 * F1,), dtype=jnp.float32)
    W2 = jax.random.normal(ks[5], (H2 * F2, H1 * F1), dtype=jnp.float32) * (1.0 / np.sqrt(H1 * F1))
    al2 = jax.random.normal(ks[6], (1, H2, F2), dtype=jnp.float32) * 0.1
    ar2 = jax.random.normal(ks[7], (1, H2, F2), dtype=jnp.float32) * 0.1
    b2 = jnp.zeros((H2 * F2,), dtype=jnp.float32)
    return {"x": x, "edge_index": edge_index, "W1": W1, "al1": al1, "ar1": ar1, "b1": b1,
            "W2": W2, "al2": al2, "ar2": ar2, "b2": b2}


def gat_layer(x, W, al, ar, b, src, dst, H, F):
    # DGL GATConv (eval mode: feat_drop/attn_drop are identity)
    h = (x @ W.T).reshape(-1, H, F)                      # [N, H, F]
    el = jnp.sum(h * al, axis=-1)                        # [N, H]
    er = jnp.sum(h * ar, axis=-1)                        # [N, H]
    e = el[src] + er[dst]                                # [E, H]
    e = jax.nn.leaky_relu(e, negative_slope=0.2)
    # edge softmax grouped by destination node
    emax = jax.ops.segment_max(e, dst, num_segments=N)   # [N, H]
    ee = jnp.exp(e - emax[dst])                          # [E, H]
    denom = jax.ops.segment_sum(ee, dst, num_segments=N) # [N, H]
    alpha = ee / denom[dst]                              # [E, H]
    msg = h[src] * alpha[:, :, None]                     # [E, H, F]
    out = jax.ops.segment_sum(msg, dst, num_segments=N)  # [N, H, F]
    out = out + b.reshape(1, H, F)
    return out


def reference(x, edge_index, W1, al1, ar1, b1, W2, al2, ar2, b2):
    src = edge_index[0]
    dst = edge_index[1]
    h1 = gat_layer(x, W1, al1, ar1, b1, src, dst, H1, F1)
    h1 = jax.nn.relu(h1).reshape(N, H1 * F1)             # flatten(1)
    h2 = gat_layer(h1, W2, al2, ar2, b2, src, dst, H2, F2)
    h2 = jnp.mean(h2, axis=1)                            # mean over heads
    return jax.nn.log_softmax(h2, axis=-1)

if __name__ == "__main__":
    import jax
    _d = setup_inputs()
    print(jax.jit(kernel)(*tuple(_d.values())))

</pallas_src>

<mosaic_0001>
#map = affine_map<(d0, d1) -> (0, 0)>
#map1 = affine_map<(d0, d1) -> (0, 0, 0)>
module attributes {stable_mosaic.version = 14 : i64} {
  func.func @_sc_layer2_body(%arg0: i32, %arg1: i32, %arg2: memref<10000x64xbf16, #tpu.memory_space<hbm>>, %arg3: memref<10000x16xf32, #tpu.memory_space<hbm>>, %arg4: memref<32x100x100xi32, #tpu.memory_space<hbm>>, %arg5: memref<32x100x100xi32, #tpu.memory_space<hbm>>, %arg6: memref<10000x48xf32, #tpu.memory_space<hbm>>, %arg7: memref<2x10000x48xf32, #tpu.memory_space<hbm>>, %arg8: memref<100x100xi32, #tpu.memory_space<vmem>>, %arg9: memref<100x100xi32, #tpu.memory_space<vmem>>, %arg10: memref<4x100x64xbf16, #tpu.memory_space<vmem>>, %arg11: memref<4x100x16xf32, #tpu.memory_space<vmem>>, %arg12: memref<4x100x48xf32, #tpu.memory_space<vmem>>, %arg13: memref<10000x48xf32, #tpu.memory_space<vmem_shared>>, %arg14: memref<4x!tpu.dma_semaphore, #tpu.memory_space<semaphore_mem>>, %arg15: memref<4x!tpu.dma_semaphore, #tpu.memory_space<semaphore_mem>>, %arg16: memref<4x!tpu.dma_semaphore, #tpu.memory_space<semaphore_mem>>) attributes {dimension_semantics = [#tpu.dimension_semantics<core_parallel>, #tpu.dimension_semantics<subcore_parallel>], iteration_bounds = array<i64: 2, 16>, scalar_prefetch = 0 : i64, scratch_operands = 9 : i64, tpu.core_type = #tpu.core_type<sc_vector_subcore>, window_params = [{transform_indices = #map}, {transform_indices = #map}, {transform_indices = #map1}, {transform_indices = #map1}, {transform_indices = #map}, {transform_indices = #map1}]} {
    %mul3A = arith.constant 16 : i32
    %mul3A_0 = arith.muli %arg0, %mul3A : i32
    %add3A = arith.addi %mul3A_0, %arg1 : i32
    %lt3A = arith.constant 15 : i32
    %lt3A_1 = arith.cmpi slt, %arg1, %lt3A : i32
    %convert_element_type3A = arith.extui %lt3A_1 : i1 to i32
    %cond3A = arith.constant 0 : i32
    %cond3A_2 = arith.cmpi ne, %convert_element_type3A, %cond3A : i32
    scf.if %cond3A_2 {
      %mul3A_217 = arith.constant 624 : i32
      %mul3A_218 = arith.muli %arg1, %mul3A_217 : i32
      %multiple_of3A = tpu.assume_multiple %mul3A_218, 8 : i32
      "tpu.region"() ({
        %run_scoped3A = tpu.sem_alloc : memref<!tpu.dma_semaphore, #tpu.memory_space<semaphore_mem>>
        %dma_start3A_219 = arith.constant 0 : i32
        %dma_start3A_220 = tpu.memref_slice %arg13[%multiple_of3A, %dma_start3A_219] : memref<10000x48xf32, #tpu.memory_space<vmem_shared>> -> memref<624x48xf32, #tpu.memory_space<vmem_shared>>
        %dma_start3A_221 = arith.constant 0 : i32
        %dma_start3A_222 = tpu.memref_slice %arg6[%multiple_of3A, %dma_start3A_221] : memref<10000x48xf32, #tpu.memory_space<hbm>> -> memref<624x48xf32, #tpu.memory_space<hbm>>
        tpu.enqueue_dma source(%dma_start3A_222 : memref<624x48xf32, #tpu.memory_space<hbm>>) target(%dma_start3A_220 : memref<624x48xf32, #tpu.memory_space<vmem_shared>>) target_semaphore(%run_scoped3A : memref<!tpu.dma_semaphore, #tpu.memory_space<semaphore_mem>>)
        %dma_wait3A_223 = arith.constant 0 : i32
        %dma_wait3A_224 = tpu.memref_slice %arg13[%multiple_of3A, %dma_wait3A_223] : memref<10000x48xf32, #tpu.memory_space<vmem_shared>> -> memref<624x48xf32, #tpu.memory_space<vmem_shared>>
        %dma_wait3A_225 = arith.constant 0 : i32
        %dma_wait3A_226 = tpu.memref_slice %arg6[%multiple_of3A, %dma_wait3A_225] : memref<10000x48xf32, #tpu.memory_space<hbm>> -> memref<624x48xf32, #tpu.memory_space<hbm>>
        tpu.wait_dma2 semaphore(%run_scoped3A : memref<!tpu.dma_semaphore, #tpu.memory_space<semaphore_mem>>) src(%dma_wait3A_226 : memref<624x48xf32, #tpu.memory_space<hbm>>) dst(%dma_wait3A_224 : memref<624x48xf32, #tpu.memory_space<vmem_shared>>)
        tpu.yield
      }) : () -> ()
    } else {
    }
    %eq3A = arith.constant 15 : i32
    %eq3A_3 = arith.cmpi eq, %arg1, %eq3A : i32
    %convert_element_type3A_4 = arith.extui %eq3A_3 : i1 to i32
    %cond3A_5 = arith.constant 0 : i32
    %cond3A_6 = arith.cmpi ne, %convert_element_type3A_4, %cond3A_5 : i32
    scf.if %cond3A_6 {
      "tpu.region"() ({
        %run_scoped3A = tpu.sem_alloc : memref<!tpu.dma_semaphore, #tpu.memory_space<semaphore_mem>>
        %dma_start3A_217 = arith.constant 9360 : i32
        %dma_start3A_218 = arith.constant 0 : i32
        %dma_start3A_219 = tpu.memref_slice %arg13[%dma_start3A_217, %dma_start3A_218] : memref<10000x48xf32, #tpu.memory_space<vmem_shared>> -> memref<640x48xf32, #tpu.memory_space<vmem_shared>>
        %dma_start3A_220 = arith.constant 9360 : i32
        %dma_start3A_221 = arith.constant 0 : i32
        %dma_start3A_222 = tpu.memref_slice %arg6[%dma_start3A_220, %dma_start3A_221] : memref<10000x48xf32, #tpu.memory_space<hbm>> -> memref<640x48xf32, #tpu.memory_space<hbm>>
        tpu.enqueue_dma source(%dma_start3A_222 : memref<640x48xf32, #tpu.memory_space<hbm>>) target(%dma_start3A_219 : memref<640x48xf32, #tpu.memory_space<vmem_shared>>) target_semaphore(%run_scoped3A : memref<!tpu.dma_semaphore, #tpu.memory_space<semaphore_mem>>)
        %dma_wait3A_223 = arith.constant 9360 : i32
        %dma_wait3A_224 = arith.constant 0 : i32
        %dma_wait3A_225 = tpu.memref_slice %arg13[%dma_wait3A_223, %dma_wait3A_224] : memref<10000x48xf32, #tpu.memory_space<vmem_shared>> -> memref<640x48xf32, #tpu.memory_space<vmem_shared>>
        %dma_wait3A_226 = arith.constant 9360 : i32
        %dma_wait3A_227 = arith.constant 0 : i32
        %dma_wait3A_228 = tpu.memref_slice %arg6[%dma_wait3A_226, %dma_wait3A_227] : memref<10000x48xf32, #tpu.memory_space<hbm>> -> memref<640x48xf32, #tpu.memory_space<hbm>>
        tpu.wait_dma2 semaphore(%run_scoped3A : memref<!tpu.dma_semaphore, #tpu.memory_space<semaphore_mem>>) src(%dma_wait3A_228 : memref<640x48xf32, #tpu.memory_space<hbm>>) dst(%dma_wait3A_225 : memref<640x48xf32, #tpu.memory_space<vmem_shared>>)
        tpu.yield
      }) : () -> ()
    } else {
    }
    "tpu.region"() ({
      %run_scoped3A = tpu.sem_alloc : memref<!tpu.dma_semaphore, #tpu.memory_space<semaphore_mem>>
      %dma_start3A_217 = arith.constant 0 : i32
      %dma_start3A_218 = arith.constant 0 : i32
      %dma_start3A_219 = tpu.memref_slice %arg4[%add3A, %dma_start3A_217, %dma_start3A_218] : memref<32x100x100xi32, #tpu.memory_space<hbm>> -> memref<1x100x100xi32, #tpu.memory_space<hbm>>
      %dma_start3A_220 = tpu.memref_squeeze %dma_start3A_219 : memref<1x100x100xi32, #tpu.memory_space<hbm>> -> memref<100x100xi32, #tpu.memory_space<hbm>>
      %dma_start3A_221 = arith.constant 0 : i32
      %dma_start3A_222 = arith.constant 0 : i32
      %dma_start3A_223 = tpu.memref_slice %arg4[%add3A, %dma_start3A_221, %dma_start3A_222] : memref<32x100x100xi32, #tpu.memory_space<hbm>> -> memref<1x100x100xi32, #tpu.memory_space<hbm>>
      %dma_start3A_224 = tpu.memref_squeeze %dma_start3A_223 : memref<1x100x100xi32, #tpu.memory_space<hbm>> -> memref<100x100xi32, #tpu.memory_space<hbm>>
      tpu.enqueue_dma source(%dma_start3A_224 : memref<100x100xi32, #tpu.memory_space<hbm>>) target(%arg8 : memref<100x100xi32, #tpu.memory_space<vmem>>) target_semaphore(%run_scoped3A : memref<!tpu.dma_semaphore, #tpu.memory_space<semaphore_mem>>)
      %dma_wait3A_225 = arith.constant 0 : i32
      %dma_wait3A_226 = arith.constant 0 : i32
      %dma_wait3A_227 = tpu.memref_slice %arg4[%add3A, %dma_wait3A_225, %dma_wait3A_226] : memref<32x100x100xi32, #tpu.memory_space<hbm>> -> memref<1x100x100xi32, #tpu.memory_space<hbm>>
      %dma_wait3A_228 = tpu.memref_squeeze %dma_wait3A_227 : memref<1x100x100xi32, #tpu.memory_space<hbm>> -> memref<100x100xi32, #tpu.memory_space<hbm>>
      %dma_wait3A_229 = arith.constant 0 : i32
      %dma_wait3A_230 = arith.constant 0 : i32
      %dma_wait3A_231 = tpu.memref_slice %arg4[%add3A, %dma_wait3A_229, %dma_wait3A_230] : memref<32x100x100xi32, #tpu.memory_space<hbm>> -> memref<1x100x100xi32, #tpu.memory_space<hbm>>
      %dma_wait3A_232 = tpu.memref_squeeze %dma_wait3A_231 : memref<1x100x100xi32, #tpu.memory_space<hbm>> -> memref<100x100xi32, #tpu.memory_space<hbm>>
      tpu.wait_dma2 semaphore(%run_scoped3A : memref<!tpu.dma_semaphore, #tpu.memory_space<semaphore_mem>>) src(%dma_wait3A_232 : memref<100x100xi32, #tpu.memory_space<hbm>>) dst(%arg8 : memref<100x100xi32, #tpu.memory_space<vmem>>)
      tpu.yield
    }) : () -> ()
    "tpu.region"() ({
      %run_scoped3A = tpu.sem_alloc : memref<!tpu.dma_semaphore, #tpu.memory_space<semaphore_mem>>
      %dma_start3A_217 = arith.constant 0 : i32
      %dma_start3A_218 = arith.constant 0 : i32
      %dma_start3A_219 = tpu.memref_slice %arg5[%add3A, %dma_start3A_217, %dma_start3A_218] : memref<32x100x100xi32, #tpu.memory_space<hbm>> -> memref<1x100x100xi32, #tpu.memory_space<hbm>>
      %dma_start3A_220 = tpu.memref_squeeze %dma_start3A_219 : memref<1x100x100xi32, #tpu.memory_space<hbm>> -> memref<100x100xi32, #tpu.memory_space<hbm>>
      %dma_start3A_221 = arith.constant 0 : i32
      %dma_start3A_222 = arith.constant 0 : i32
      %dma_start3A_223 = tpu.memref_slice %arg5[%add3A, %dma_start3A_221, %dma_start3A_222] : memref<32x100x100xi32, #tpu.memory_space<hbm>> -> memref<1x100x100xi32, #tpu.memory_space<hbm>>
      %dma_start3A_224 = tpu.memref_squeeze %dma_start3A_223 : memref<1x100x100xi32, #tpu.memory_space<hbm>> -> memref<100x100xi32, #tpu.memory_space<hbm>>
      tpu.enqueue_dma source(%dma_start3A_224 : memref<100x100xi32, #tpu.memory_space<hbm>>) target(%arg9 : memref<100x100xi32, #tpu.memory_space<vmem>>) target_semaphore(%run_scoped3A : memref<!tpu.dma_semaphore, #tpu.memory_space<semaphore_mem>>)
      %dma_wait3A_225 = arith.constant 0 : i32
      %dma_wait3A_226 = arith.constant 0 : i32
      %dma_wait3A_227 = tpu.memref_slice %arg5[%add3A, %dma_wait3A_225, %dma_wait3A_226] : memref<32x100x100xi32, #tpu.memory_space<hbm>> -> memref<1x100x100xi32, #tpu.memory_space<hbm>>
      %dma_wait3A_228 = tpu.memref_squeeze %dma_wait3A_227 : memref<1x100x100xi32, #tpu.memory_space<hbm>> -> memref<100x100xi32, #tpu.memory_space<hbm>>
      %dma_wait3A_229 = arith.constant 0 : i32
      %dma_wait3A_230 = arith.constant 0 : i32
      %dma_wait3A_231 = tpu.memref_slice %arg5[%add3A, %dma_wait3A_229, %dma_wait3A_230] : memref<32x100x100xi32, #tpu.memory_space<hbm>> -> memref<1x100x100xi32, #tpu.memory_space<hbm>>
      %dma_wait3A_232 = tpu.memref_squeeze %dma_wait3A_231 : memref<1x100x100xi32, #tpu.memory_space<hbm>> -> memref<100x100xi32, #tpu.memory_space<hbm>>
      tpu.wait_dma2 semaphore(%run_scoped3A : memref<!tpu.dma_semaphore, #tpu.memory_space<semaphore_mem>>) src(%dma_wait3A_232 : memref<100x100xi32, #tpu.memory_space<hbm>>) dst(%arg9 : memref<100x100xi32, #tpu.memory_space<vmem>>)
      tpu.yield
    }) : () -> ()
    %barrier3A = arith.constant 0 : index
    tpu.barrier barrier_id(%barrier3A)
    %iota3A = tpu.iota {dimensions = array<i32: 0>} : vector<16xi32>
    %broadcast_in_dim3A = arith.constant 0.000000e+00 : f32
    %broadcast_in_dim3A_7 = vector.broadcast %broadcast_in_dim3A : f32 to vector<16xf32>
    %broadcast_in_dim3A_8 = arith.constant 8 : i32
    %broadcast_in_dim3A_9 = vector.broadcast %broadcast_in_dim3A_8 : i32 to vector<16xi32>
    %broadcast_in_dim3A_10 = arith.constant 0 : i32
    %broadcast_in_dim3A_11 = vector.broadcast %broadcast_in_dim3A_10 : i32 to vector<16xi32>
    %dma_start3A = arith.constant 0 : i32
    %dma_start3A_12 = arith.constant 0 : i32
    %dma_start3A_13 = arith.constant 0 : i32
    %dma_start3A_14 = arith.constant 0 : i32
    %dma_start3A_15 = arith.constant 0 : i32
    %dma_start3A_16 = tpu.memref_slice %arg10[%dma_start3A_12, %dma_start3A_14, %dma_start3A_15] : memref<4x100x64xbf16, #tpu.memory_space<vmem>> -> memref<1x100x64xbf16, #tpu.memory_space<vmem>>
    %dma_start3A_17 = tpu.memref_squeeze %dma_start3A_16 : memref<1x100x64xbf16, #tpu.memory_space<vmem>> -> memref<100x64xbf16, #tpu.memory_space<vmem>>
    %dma_start3A_18 = arith.constant 0 : i32
    %dma_start3A_19 = tpu.memref_slice %arg8[%dma_start3A, %dma_start3A_18] : memref<100x100xi32, #tpu.memory_space<vmem>> -> memref<1x100xi32, #tpu.memory_space<vmem>>
    %dma_start3A_20 = tpu.memref_squeeze %dma_start3A_19 : memref<1x100xi32, #tpu.memory_space<vmem>> -> memref<100xi32, #tpu.memory_space<vmem>>
    %dma_start3A_21 = arith.constant 0 : i32
    %dma_start3A_22 = arith.constant 0 : i32
    %dma_start3A_23 = tpu.memref_slice %arg2[%dma_start3A_21, %dma_start3A_22] : memref<10000x64xbf16, #tpu.memory_space<hbm>> -> memref<10000x64xbf16, #tpu.memory_space<hbm>>
    %dma_start3A_24 = tpu.memref_slice %arg14[%dma_start3A_13] : memref<4x!tpu.dma_semaphore, #tpu.memory_space<semaphore_mem>> -> memref<1x!tpu.dma_semaphore, #tpu.memory_space<semaphore_mem>>
    %dma_start3A_25 = tpu.memref_squeeze %dma_start3A_24 : memref<1x!tpu.dma_semaphore, #tpu.memory_space<semaphore_mem>> -> memref<!tpu.dma_semaphore, #tpu.memory_space<semaphore_mem>>
    tpu.enqueue_indirect_dma source(%dma_start3A_23 : memref<10000x64xbf16, #tpu.memory_space<hbm>>) target(%dma_start3A_17 : memref<100x64xbf16, #tpu.memory_space<vmem>>) offsets(%dma_start3A_20 : memref<100xi32, #tpu.memory_space<vmem>>) semaphore(%dma_start3A_25 : memref<!tpu.dma_semaphore, #tpu.memory_space<semaphore_mem>>)
    %dma_start3A_26 = arith.constant 0 : i32
    %dma_start3A_27 = arith.constant 0 : i32
    %dma_start3A_28 = arith.constant 0 : i32
    %dma_start3A_29 = arith.constant 0 : i32
    %dma_start3A_30 = arith.constant 0 : i32
    %dma_start3A_31 = tpu.memref_slice %arg11[%dma_start3A_27, %dma_start3A_29, %dma_start3A_30] : memref<4x100x16xf32, #tpu.memory_space<vmem>> -> memref<1x100x16xf32, #tpu.memory_space<vmem>>
    %dma_start3A_32 = tpu.memref_squeeze %dma_start3A_31 : memref<1x100x16xf32, #tpu.memory_space<vmem>> -> memref<100x16xf32, #tpu.memory_space<vmem>>
    %dma_start3A_33 = arith.constant 0 : i32
    %dma_start3A_34 = tpu.memref_slice %arg9[%dma_start3A_26, %dma_start3A_33] : memref<100x100xi32, #tpu.memory_space<vmem>> -> memref<1x100xi32, #tpu.memory_space<vmem>>
    %dma_start3A_35 = tpu.memref_squeeze %dma_start3A_34 : memref<1x100xi32, #tpu.memory_space<vmem>> -> memref<100xi32, #tpu.memory_space<vmem>>
    %dma_start3A_36 = arith.constant 0 : i32
    %dma_start3A_37 = arith.constant 0 : i32
    %dma_start3A_38 = tpu.memref_slice %arg3[%dma_start3A_36, %dma_start3A_37] : memref<10000x16xf32, #tpu.memory_space<hbm>> -> memref<10000x16xf32, #tpu.memory_space<hbm>>
    %dma_start3A_39 = tpu.memref_slice %arg15[%dma_start3A_28] : memref<4x!tpu.dma_semaphore, #tpu.memory_space<semaphore_mem>> -> memref<1x!tpu.dma_semaphore, #tpu.memory_space<semaphore_mem>>
    %dma_start3A_40 = tpu.memref_squeeze %dma_start3A_39 : memref<1x!tpu.dma_semaphore, #tpu.memory_space<semaphore_mem>> -> memref<!tpu.dma_semaphore, #tpu.memory_space<semaphore_mem>>
    tpu.enqueue_indirect_dma source(%dma_start3A_38 : memref<10000x16xf32, #tpu.memory_space<hbm>>) target(%dma_start3A_32 : memref<100x16xf32, #tpu.memory_space<vmem>>) offsets(%dma_start3A_35 : memref<100xi32, #tpu.memory_space<vmem>>) semaphore(%dma_start3A_40 : memref<!tpu.dma_semaphore, #tpu.memory_space<semaphore_mem>>)
    %dma_start3A_41 = arith.constant 1 : i32
    %dma_start3A_42 = arith.constant 1 : i32
    %dma_start3A_43 = arith.constant 1 : i32
    %dma_start3A_44 = arith.constant 0 : i32
    %dma_start3A_45 = arith.constant 0 : i32
    %dma_start3A_46 = tpu.memref_slice %arg10[%dma_start3A_42, %dma_start3A_44, %dma_start3A_45] : memref<4x100x64xbf16, #tpu.memory_space<vmem>> -> memref<1x100x64xbf16, #tpu.memory_space<vmem>>
    %dma_start3A_47 = tpu.memref_squeeze %dma_start3A_46 : memref<1x100x64xbf16, #tpu.memory_space<vmem>> -> memref<100x64xbf16, #tpu.memory_space<vmem>>
    %dma_start3A_48 = arith.constant 0 : i32
    %dma_start3A_49 = tpu.memref_slice %arg8[%dma_start3A_41, %dma_start3A_48] : memref<100x100xi32, #tpu.memory_space<vmem>> -> memref<1x100xi32, #tpu.memory_space<vmem>>
    %dma_start3A_50 = tpu.memref_squeeze %dma_start3A_49 : memref<1x100xi32, #tpu.memory_space<vmem>> -> memref<100xi32, #tpu.memory_space<vmem>>
    %dma_start3A_51 = arith.constant 0 : i32
    %dma_start3A_52 = arith.constant 0 : i32
    %dma_start3A_53 = tpu.memref_slice %arg2[%dma_start3A_51, %dma_start3A_52] : memref<10000x64xbf16, #tpu.memory_space<hbm>> -> memref<10000x64xbf16, #tpu.memory_space<hbm>>
    %dma_start3A_54 = tpu.memref_slice %arg14[%dma_start3A_43] : memref<4x!tpu.dma_semaphore, #tpu.memory_space<semaphore_mem>> -> memref<1x!tpu.dma_semaphore, #tpu.memory_space<semaphore_mem>>
    %dma_start3A_55 = tpu.memref_squeeze %dma_start3A_54 : memref<1x!tpu.dma_semaphore, #tpu.memory_space<semaphore_mem>> -> memref<!tpu.dma_semaphore, #tpu.memory_space<semaphore_mem>>
    tpu.enqueue_indirect_dma source(%dma_start3A_53 : memref<10000x64xbf16, #tpu.memory_space<hbm>>) target(%dma_start3A_47 : memref<100x64xbf16, #tpu.memory_space<vmem>>) offsets(%dma_start3A_50 : memref<100xi32, #tpu.memory_space<vmem>>) semaphore(%dma_start3A_55 : memref<!tpu.dma_semaphore, #tpu.memory_space<semaphore_mem>>)
    %dma_start3A_56 = arith.constant 1 : i32
    %dma_start3A_57 = arith.constant 1 : i32
    %dma_start3A_58 = arith.constant 1 : i32
    %dma_start3A_59 = arith.constant 0 : i32
    %dma_start3A_60 = arith.constant 0 : i32
    %dma_start3A_61 = tpu.memref_slice %arg11[%dma_start3A_57, %dma_start3A_59, %dma_start3A_60] : memref<4x100x16xf32, #tpu.memory_space<vmem>> -> memref<1x100x16xf32, #tpu.memory_space<vmem>>
    %dma_start3A_62 = tpu.memref_squeeze %dma_start3A_61 : memref<1x100x16xf32, #tpu.memory_space<vmem>> -> memref<100x16xf32, #tpu.memory_space<vmem>>
    %dma_start3A_63 = arith.constant 0 : i32
    %dma_start3A_64 = tpu.memref_slice %arg9[%dma_start3A_56, %dma_start3A_63] : memref<100x100xi32, #tpu.memory_space<vmem>> -> memref<1x100xi32, #tpu.memory_space<vmem>>
    %dma_start3A_65 = tpu.memref_squeeze %dma_start3A_64 : memref<1x100xi32, #tpu.memory_space<vmem>> -> memref<100xi32, #tpu.memory_space<vmem>>
    %dma_start3A_66 = arith.constant 0 : i32
    %dma_start3A_67 = arith.constant 0 : i32
    %dma_start3A_68 = tpu.memref_slice %arg3[%dma_start3A_66, %dma_start3A_67] : memref<10000x16xf32, #tpu.memory_space<hbm>> -> memref<10000x16xf32, #tpu.memory_space<hbm>>
    %dma_start3A_69 = tpu.memref_slice %arg15[%dma_start3A_58] : memref<4x!tpu.dma_semaphore, #tpu.memory_space<semaphore_mem>> -> memref<1x!tpu.dma_semaphore, #tpu.memory_space<semaphore_mem>>
    %dma_start3A_70 = tpu.memref_squeeze %dma_start3A_69 : memref<1x!tpu.dma_semaphore, #tpu.memory_space<semaphore_mem>> -> memref<!tpu.dma_semaphore, #tpu.memory_space<semaphore_mem>>
    tpu.enqueue_indirect_dma source(%dma_start3A_68 : memref<10000x16xf32, #tpu.memory_space<hbm>>) target(%dma_start3A_62 : memref<100x16xf32, #tpu.memory_space<vmem>>) offsets(%dma_start3A_65 : memref<100xi32, #tpu.memory_space<vmem>>) semaphore(%dma_start3A_70 : memref<!tpu.dma_semaphore, #tpu.memory_space<semaphore_mem>>)
    %dma_start3A_71 = arith.constant 2 : i32
    %dma_start3A_72 = arith.constant 2 : i32
    %dma_start3A_73 = arith.constant 2 : i32
    %dma_start3A_74 = arith.constant 0 : i32
    %dma_start3A_75 = arith.constant 0 : i32
    %dma_start3A_76 = tpu.memref_slice %arg10[%dma_start3A_72, %dma_start3A_74, %dma_start3A_75] : memref<4x100x64xbf16, #tpu.memory_space<vmem>> -> memref<1x100x64xbf16, #tpu.memory_space<vmem>>
    %dma_start3A_77 = tpu.memref_squeeze %dma_start3A_76 : memref<1x100x64xbf16, #tpu.memory_space<vmem>> -> memref<100x64xbf16, #tpu.memory_space<vmem>>
    %dma_start3A_78 = arith.constant 0 : i32
    %dma_start3A_79 = tpu.memref_slice %arg8[%dma_start3A_71, %dma_start3A_78] : memref<100x100xi32, #tpu.memory_space<vmem>> -> memref<1x100xi32, #tpu.memory_space<vmem>>
    %dma_start3A_80 = tpu.memref_squeeze %dma_start3A_79 : memref<1x100xi32, #tpu.memory_space<vmem>> -> memref<100xi32, #tpu.memory_space<vmem>>
    %dma_start3A_81 = arith.constant 0 : i32
    %dma_start3A_82 = arith.constant 0 : i32
    %dma_start3A_83 = tpu.memref_slice %arg2[%dma_start3A_81, %dma_start3A_82] : memref<10000x64xbf16, #tpu.memory_space<hbm>> -> memref<10000x64xbf16, #tpu.memory_space<hbm>>
    %dma_start3A_84 = tpu.memref_slice %arg14[%dma_start3A_73] : memref<4x!tpu.dma_semaphore, #tpu.memory_space<semaphore_mem>> -> memref<1x!tpu.dma_semaphore, #tpu.memory_space<semaphore_mem>>
    %dma_start3A_85 = tpu.memref_squeeze %dma_start3A_84 : memref<1x!tpu.dma_semaphore, #tpu.memory_space<semaphore_mem>> -> memref<!tpu.dma_semaphore, #tpu.memory_space<semaphore_mem>>
    tpu.enqueue_indirect_dma source(%dma_start3A_83 : memref<10000x64xbf16, #tpu.memory_space<hbm>>) target(%dma_start3A_77 : memref<100x64xbf16, #tpu.memory_space<vmem>>) offsets(%dma_start3A_80 : memref<100xi32, #tpu.memory_space<vmem>>) semaphore(%dma_start3A_85 : memref<!tpu.dma_semaphore, #tpu.memory_space<semaphore_mem>>)
    %dma_start3A_86 = arith.constant 2 : i32
    %dma_start3A_87 = arith.constant 2 : i32
    %dma_start3A_88 = arith.constant 2 : i32
    %dma_start3A_89 = arith.constant 0 : i32
    %dma_start3A_90 = arith.constant 0 : i32
    %dma_start3A_91 = tpu.memref_slice %arg11[%dma_start3A_87, %dma_start3A_89, %dma_start3A_90] : memref<4x100x16xf32, #tpu.memory_space<vmem>> -> memref<1x100x16xf32, #tpu.memory_space<vmem>>
    %dma_start3A_92 = tpu.memref_squeeze %dma_start3A_91 : memref<1x100x16xf32, #tpu.memory_space<vmem>> -> memref<100x16xf32, #tpu.memory_space<vmem>>
    %dma_start3A_93 = arith.constant 0 : i32
    %dma_start3A_94 = tpu.memref_slice %arg9[%dma_start3A_86, %dma_start3A_93] : memref<100x100xi32, #tpu.memory_space<vmem>> -> memref<1x100xi32, #tpu.memory_space<vmem>>
    %dma_start3A_95 = tpu.memref_squeeze %dma_start3A_94 : memref<1x100xi32, #tpu.memory_space<vmem>> -> memref<100xi32, #tpu.memory_space<vmem>>
    %dma_start3A_96 = arith.constant 0 : i32
    %dma_start3A_97 = arith.constant 0 : i32
    %dma_start3A_98 = tpu.memref_slice %arg3[%dma_start3A_96, %dma_start3A_97] : memref<10000x16xf32, #tpu.memory_space<hbm>> -> memref<10000x16xf32, #tpu.memory_space<hbm>>
    %dma_start3A_99 = tpu.memref_slice %arg15[%dma_start3A_88] : memref<4x!tpu.dma_semaphore, #tpu.memory_space<semaphore_mem>> -> memref<1x!tpu.dma_semaphore, #tpu.memory_space<semaphore_mem>>
    %dma_start3A_100 = tpu.memref_squeeze %dma_start3A_99 : memref<1x!tpu.dma_semaphore, #tpu.memory_space<semaphore_mem>> -> memref<!tpu.dma_semaphore, #tpu.memory_space<semaphore_mem>>
    tpu.enqueue_indirect_dma source(%dma_start3A_98 : memref<10000x16xf32, #tpu.memory_space<hbm>>) target(%dma_start3A_92 : memref<100x16xf32, #tpu.memory_space<vmem>>) offsets(%dma_start3A_95 : memref<100xi32, #tpu.memory_space<vmem>>) semaphore(%dma_start3A_100 : memref<!tpu.dma_semaphore, #tpu.memory_space<semaphore_mem>>)
    %dma_start3A_101 = arith.constant 3 : i32
    %dma_start3A_102 = arith.constant 3 : i32
    %dma_start3A_103 = arith.constant 3 : i32
    %dma_start3A_104 = arith.constant 0 : i32
    %dma_start3A_105 = arith.constant 0 : i32
    %dma_start3A_106 = tpu.memref_slice %arg10[%dma_start3A_102, %dma_start3A_104, %dma_start3A_105] : memref<4x100x64xbf16, #tpu.memory_space<vmem>> -> memref<1x100x64xbf16, #tpu.memory_space<vmem>>
    %dma_start3A_107 = tpu.memref_squeeze %dma_start3A_106 : memref<1x100x64xbf16, #tpu.memory_space<vmem>> -> memref<100x64xbf16, #tpu.memory_space<vmem>>
    %dma_start3A_108 = arith.constant 0 : i32
    %dma_start3A_109 = tpu.memref_slice %arg8[%dma_start3A_101, %dma_start3A_108] : memref<100x100xi32, #tpu.memory_space<vmem>> -> memref<1x100xi32, #tpu.memory_space<vmem>>
    %dma_start3A_110 = tpu.memref_squeeze %dma_start3A_109 : memref<1x100xi32, #tpu.memory_space<vmem>> -> memref<100xi32, #tpu.memory_space<vmem>>
    %dma_start3A_111 = arith.constant 0 : i32
    %dma_start3A_112 = arith.constant 0 : i32
    %dma_start3A_113 = tpu.memref_slice %arg2[%dma_start3A_111, %dma_start3A_112] : memref<10000x64xbf16, #tpu.memory_space<hbm>> -> memref<10000x64xbf16, #tpu.memory_space<hbm>>
    %dma_start3A_114 = tpu.memref_slice %arg14[%dma_start3A_103] : memref<4x!tpu.dma_semaphore, #tpu.memory_space<semaphore_mem>> -> memref<1x!tpu.dma_semaphore, #tpu.memory_space<semaphore_mem>>
    %dma_start3A_115 = tpu.memref_squeeze %dma_start3A_114 : memref<1x!tpu.dma_semaphore, #tpu.memory_space<semaphore_mem>> -> memref<!tpu.dma_semaphore, #tpu.memory_space<semaphore_mem>>
    tpu.enqueue_indirect_dma source(%dma_start3A_113 : memref<10000x64xbf16, #tpu.memory_space<hbm>>) target(%dma_start3A_107 : memref<100x64xbf16, #tpu.memory_space<vmem>>) offsets(%dma_start3A_110 : memref<100xi32, #tpu.memory_space<vmem>>) semaphore(%dma_start3A_115 : memref<!tpu.dma_semaphore, #tpu.memory_space<semaphore_mem>>)
    %dma_start3A_116 = arith.constant 3 : i32
    %dma_start3A_117 = arith.constant 3 : i32
    %dma_start3A_118 = arith.constant 3 : i32
    %dma_start3A_119 = arith.constant 0 : i32
    %dma_start3A_120 = arith.constant 0 : i32
    %dma_start3A_121 = tpu.memref_slice %arg11[%dma_start3A_117, %dma_start3A_119, %dma_start3A_120] : memref<4x100x16xf32, #tpu.memory_space<vmem>> -> memref<1x100x16xf32, #tpu.memory_space<vmem>>
    %dma_start3A_122 = tpu.memref_squeeze %dma_start3A_121 : memref<1x100x16xf32, #tpu.memory_space<vmem>> -> memref<100x16xf32, #tpu.memory_space<vmem>>
    %dma_start3A_123 = arith.constant 0 : i32
    %dma_start3A_124 = tpu.memref_slice %arg9[%dma_start3A_116, %dma_start3A_123] : memref<100x100xi32, #tpu.memory_space<vmem>> -> memref<1x100xi32, #tpu.memory_space<vmem>>
    %dma_start3A_125 = tpu.memref_squeeze %dma_start3A_124 : memref<1x100xi32, #tpu.memory_space<vmem>> -> memref<100xi32, #tpu.memory_space<vmem>>
    %dma_start3A_126 = arith.constant 0 : i32
    %dma_start3A_127 = arith.constant 0 : i32
    %dma_start3A_128 = tpu.memref_slice %arg3[%dma_start3A_126, %dma_start3A_127] : memref<10000x16xf32, #tpu.memory_space<hbm>> -> memref<10000x16xf32, #tpu.memory_space<hbm>>
    %dma_start3A_129 = tpu.memref_slice %arg15[%dma_start3A_118] : memref<4x!tpu.dma_semaphore, #tpu.memory_space<semaphore_mem>> -> memref<1x!tpu.dma_semaphore, #tpu.memory_space<semaphore_mem>>
    %dma_start3A_130 = tpu.memref_squeeze %dma_start3A_129 : memref<1x!tpu.dma_semaphore, #tpu.memory_space<semaphore_mem>> -> memref<!tpu.dma_semaphore, #tpu.memory_space<semaphore_mem>>
    tpu.enqueue_indirect_dma source(%dma_start3A_128 : memref<10000x16xf32, #tpu.memory_space<hbm>>) target(%dma_start3A_122 : memref<100x16xf32, #tpu.memory_space<vmem>>) offsets(%dma_start3A_125 : memref<100xi32, #tpu.memory_space<vmem>>) semaphore(%dma_start3A_130 : memref<!tpu.dma_semaphore, #tpu.memory_space<semaphore_mem>>)
    %scan3A = arith.constant 0 : i32
    %scan3A_131 = arith.constant 25 : i32
    %scan3A_132 = arith.addi %scan3A, %scan3A_131 : i32
    %scan3A_133 = arith.constant 1 : i32
    scf.for %scan3A_217 = %scan3A to %scan3A_132 step %scan3A_133  : i32 {
      %mul3A_218 = arith.constant 4 : i32
      %mul3A_219 = arith.muli %scan3A_217, %mul3A_218 : i32
      %add3A_220 = arith.constant 0 : i32
      %add3A_221 = arith.addi %add3A_220, %mul3A_219 : i32
      %add3A_222 = arith.constant 0 : i32
      %add3A_223 = arith.addi %add3A_221, %add3A_222 : i32
      %dma_wait3A_224 = arith.constant 0 : i32
      %dma_wait3A_225 = arith.constant 0 : i32
      %dma_wait3A_226 = arith.constant 0 : i32
      %dma_wait3A_227 = arith.constant 0 : i32
      %dma_wait3A_228 = tpu.memref_slice %arg10[%dma_wait3A_224, %dma_wait3A_226, %dma_wait3A_227] : memref<4x100x64xbf16, #tpu.memory_space<vmem>> -> memref<1x100x64xbf16, #tpu.memory_space<vmem>>
      %dma_wait3A_229 = tpu.memref_squeeze %dma_wait3A_228 : memref<1x100x64xbf16, #tpu.memory_space<vmem>> -> memref<100x64xbf16, #tpu.memory_space<vmem>>
      %dma_wait3A_230 = arith.constant 0 : i32
      %dma_wait3A_231 = tpu.memref_slice %arg8[%add3A_223, %dma_wait3A_230] : memref<100x100xi32, #tpu.memory_space<vmem>> -> memref<1x100xi32, #tpu.memory_space<vmem>>
      %dma_wait3A_232 = tpu.memref_squeeze %dma_wait3A_231 : memref<1x100xi32, #tpu.memory_space<vmem>> -> memref<100xi32, #tpu.memory_space<vmem>>
      %dma_wait3A_233 = arith.constant 0 : i32
      %dma_wait3A_234 = arith.constant 0 : i32
      %dma_wait3A_235 = tpu.memref_slice %arg2[%dma_wait3A_233, %dma_wait3A_234] : memref<10000x64xbf16, #tpu.memory_space<hbm>> -> memref<10000x64xbf16, #tpu.memory_space<hbm>>
      %dma_wait3A_236 = tpu.memref_slice %arg14[%dma_wait3A_225] : memref<4x!tpu.dma_semaphore, #tpu.memory_space<semaphore_mem>> -> memref<1x!tpu.dma_semaphore, #tpu.memory_space<semaphore_mem>>
      %dma_wait3A_237 = tpu.memref_squeeze %dma_wait3A_236 : memref<1x!tpu.dma_semaphore, #tpu.memory_space<semaphore_mem>> -> memref<!tpu.dma_semaphore, #tpu.memory_space<semaphore_mem>>
      tpu.wait_indirect_dma semaphore(%dma_wait3A_237 : memref<!tpu.dma_semaphore, #tpu.memory_space<semaphore_mem>>) src(%dma_wait3A_235 : memref<10000x64xbf16, #tpu.memory_space<hbm>>) dst(%dma_wait3A_229 : memref<100x64xbf16, #tpu.memory_space<vmem>>)
      %dma_wait3A_238 = arith.constant 0 : i32
      %dma_wait3A_239 = arith.constant 0 : i32
      %dma_wait3A_240 = arith.constant 0 : i32
      %dma_wait3A_241 = arith.constant 0 : i32
      %dma_wait3A_242 = tpu.memref_slice %arg11[%dma_wait3A_238, %dma_wait3A_240, %dma_wait3A_241] : memref<4x100x16xf32, #tpu.memory_space<vmem>> -> memref<1x100x16xf32, #tpu.memory_space<vmem>>
      %dma_wait3A_243 = tpu.memref_squeeze %dma_wait3A_242 : memref<1x100x16xf32, #tpu.memory_space<vmem>> -> memref<100x16xf32, #tpu.memory_space<vmem>>
      %dma_wait3A_244 = arith.constant 0 : i32
      %dma_wait3A_245 = tpu.memref_slice %arg9[%add3A_223, %dma_wait3A_244] : memref<100x100xi32, #tpu.memory_space<vmem>> -> memref<1x100xi32, #tpu.memory_space<vmem>>
      %dma_wait3A_246 = tpu.memref_squeeze %dma_wait3A_245 : memref<1x100xi32, #tpu.memory_space<vmem>> -> memref<100xi32, #tpu.memory_space<vmem>>
      %dma_wait3A_247 = arith.constant 0 : i32
      %dma_wait3A_248 = arith.constant 0 : i32
      %dma_wait3A_249 = tpu.memref_slice %arg3[%dma_wait3A_247, %dma_wait3A_248] : memref<10000x16xf32, #tpu.memory_space<hbm>> -> memref<10000x16xf32, #tpu.memory_space<hbm>>
      %dma_wait3A_250 = tpu.memref_slice %arg15[%dma_wait3A_239] : memref<4x!tpu.dma_semaphore, #tpu.memory_space<semaphore_mem>> -> memref<1x!tpu.dma_semaphore, #tpu.memory_space<semaphore_mem>>
      %dma_wait3A_251 = tpu.memref_squeeze %dma_wait3A_250 : memref<1x!tpu.dma_semaphore, #tpu.memory_space<semaphore_mem>> -> memref<!tpu.dma_semaphore, #tpu.memory_space<semaphore_mem>>
      tpu.wait_indirect_dma semaphore(%dma_wait3A_251 : memref<!tpu.dma_semaphore, #tpu.memory_space<semaphore_mem>>) src(%dma_wait3A_249 : memref<10000x16xf32, #tpu.memory_space<hbm>>) dst(%dma_wait3A_243 : memref<100x16xf32, #tpu.memory_space<vmem>>)
      %ge3A = arith.constant 4 : i32
      %ge3A_252 = arith.cmpi sge, %add3A_223, %ge3A : i32
      %convert_element_type3A_253 = arith.extui %ge3A_252 : i1 to i32
      %cond3A_254 = arith.constant 0 : i32
      %cond3A_255 = arith.cmpi ne, %convert_element_type3A_253, %cond3A_254 : i32
      scf.if %cond3A_255 {
        %dma_wait3A_456 = arith.constant 0 : i32
        %dma_wait3A_457 = arith.constant 0 : i32
        %dma_wait3A_458 = arith.constant 0 : i32
        %dma_wait3A_459 = arith.constant 0 : i32
        %dma_wait3A_460 = tpu.memref_slice %arg12[%dma_wait3A_456, %dma_wait3A_458, %dma_wait3A_459] : memref<4x100x48xf32, #tpu.memory_space<vmem>> -> memref<1x100x48xf32, #tpu.memory_space<vmem>>
        %dma_wait3A_461 = tpu.memref_squeeze %dma_wait3A_460 : memref<1x100x48xf32, #tpu.memory_space<vmem>> -> memref<100x48xf32, #tpu.memory_space<vmem>>
        %dma_wait3A_462 = arith.constant 0 : i32
        %dma_wait3A_463 = tpu.memref_slice %arg9[%add3A_223, %dma_wait3A_462] : memref<100x100xi32, #tpu.memory_space<vmem>> -> memref<1x100xi32, #tpu.memory_space<vmem>>
        %dma_wait3A_464 = tpu.memref_squeeze %dma_wait3A_463 : memref<1x100xi32, #tpu.memory_space<vmem>> -> memref<100xi32, #tpu.memory_space<vmem>>
        %dma_wait3A_465 = arith.constant 0 : i32
        %dma_wait3A_466 = arith.constant 0 : i32
        %dma_wait3A_467 = tpu.memref_slice %arg13[%dma_wait3A_465, %dma_wait3A_466] : memref<10000x48xf32, #tpu.memory_space<vmem_shared>> -> memref<10000x48xf32, #tpu.memory_space<vmem_shared>>
        %dma_wait3A_468 = tpu.memref_slice %arg16[%dma_wait3A_457] : memref<4x!tpu.dma_semaphore, #tpu.memory_space<semaphore_mem>> -> memref<1x!tpu.dma_semaphore, #tpu.memory_space<semaphore_mem>>
        %dma_wait3A_469 = tpu.memref_squeeze %dma_wait3A_468 : memref<1x!tpu.dma_semaphore, #tpu.memory_space<semaphore_mem>> -> memref<!tpu.dma_semaphore, #tpu.memory_space<semaphore_mem>>
        tpu.wait_indirect_dma semaphore(%dma_wait3A_469 : memref<!tpu.dma_semaphore, #tpu.memory_space<semaphore_mem>>) src(%dma_wait3A_461 : memref<100x48xf32, #tpu.memory_space<vmem>>) dst(%dma_wait3A_467 : memref<10000x48xf32, #tpu.memory_space<vmem_shared>>)
      } else {
      }
      %parallel_loop3A = arith.constant 0 : i32
      %parallel_loop3A_256 = arith.constant 100 : i32
      %parallel_loop3A_257 = arith.constant 1 : i32
      scf.for %parallel_loop3A_456 = %parallel_loop3A to %parallel_loop3A_256 step %parallel_loop3A_257  : i32 {
        %parallel_loop3A_457 = arith.constant 0 : i32
        %parallel_loop3A_458 = arith.index_cast %parallel_loop3A_457 : i32 to index
        %parallel_loop3A_459 = arith.index_cast %parallel_loop3A_456 : i32 to index
        %parallel_loop3A_460 = arith.constant 0 : index
        %parallel_loop3A_461 = tpu.vector_load %arg11[%parallel_loop3A_458, %parallel_loop3A_459, %parallel_loop3A_460] {strides = array<i32>} : memref<4x100x16xf32, #tpu.memory_space<vmem>>, vector<16xf32>,
        %parallel_loop3A_462 = arith.constant 0 : i32
        %parallel_loop3A_463 = arith.index_cast %parallel_loop3A_462 : i32 to index
        %parallel_loop3A_464 = arith.index_cast %parallel_loop3A_456 : i32 to index
        %parallel_loop3A_465 = arith.constant 0 : index
        %parallel_loop3A_466 = tpu.vector_load %arg10[%parallel_loop3A_463, %parallel_loop3A_464, %parallel_loop3A_465] {strides = array<i32>} : memref<4x100x64xbf16, #tpu.memory_space<vmem>>, vector<32xbf16>,
        %parallel_loop3A_467 = tpu.unpack_subelements %parallel_loop3A_466, 0 {pack_format = #tpu.pack_format<interleaved>} : vector<32xbf16> -> vector<16xf32>
        %parallel_loop3A_468 = tpu.unpack_subelements %parallel_loop3A_466, 1 {pack_format = #tpu.pack_format<interleaved>} : vector<32xbf16> -> vector<16xf32>
        %parallel_loop3A_469 = arith.constant 0 : i32
        %parallel_loop3A_470 = arith.index_cast %parallel_loop3A_469 : i32 to index
        %parallel_loop3A_471 = arith.index_cast %parallel_loop3A_456 : i32 to index
        %parallel_loop3A_472 = arith.constant 32 : index
        %parallel_loop3A_473 = tpu.vector_load %arg10[%parallel_loop3A_470, %parallel_loop3A_471, %parallel_loop3A_472] {strides = array<i32>} : memref<4x100x64xbf16, #tpu.memory_space<vmem>>, vector<32xbf16>,
        %parallel_loop3A_474 = tpu.unpack_subelements %parallel_loop3A_473, 0 {pack_format = #tpu.pack_format<interleaved>} : vector<32xbf16> -> vector<16xf32>
        %parallel_loop3A_475 = tpu.unpack_subelements %parallel_loop3A_473, 1 {pack_format = #tpu.pack_format<interleaved>} : vector<32xbf16> -> vector<16xf32>
        %parallel_loop3A_476 = vector.shape_cast %broadcast_in_dim3A_9 : vector<16xi32> to vector<16x1xi32>
        %parallel_loop3A_477 = vector.shape_cast %parallel_loop3A_476 : vector<16x1xi32> to vector<16xi32>
        %parallel_loop3A_478 = tpu.dynamic_gather %parallel_loop3A_474[%parallel_loop3A_477] in [0] : vector<16xf32>, vector<16xi32> -> vector<16xf32>
        %parallel_loop3A_479 = vector.shape_cast %broadcast_in_dim3A_11 : vector<16xi32> to vector<16x1xi32>
        %parallel_loop3A_480 = vector.shape_cast %parallel_loop3A_479 : vector<16x1xi32> to vector<16xi32>
        %parallel_loop3A_481 = tpu.dynamic_gather %parallel_loop3A_461[%parallel_loop3A_480] in [0] : vector<16xf32>, vector<16xi32> -> vector<16xf32>
        %parallel_loop3A_482 = arith.addf %parallel_loop3A_478, %parallel_loop3A_481 : vector<16xf32>
        %parallel_loop3A_483 = arith.constant 0.000000e+00 : f32
        %parallel_loop3A_484 = vector.broadcast %parallel_loop3A_483 : f32 to vector<16xf32>
        %parallel_loop3A_485 = arith.cmpf oge, %parallel_loop3A_482, %parallel_loop3A_484 : vector<16xf32>
        %parallel_loop3A_486 = arith.constant 2.000000e-01 : f32
        %parallel_loop3A_487 = vector.broadcast %parallel_loop3A_486 : f32 to vector<16xf32>
        %parallel_loop3A_488 = arith.mulf %parallel_loop3A_487, %parallel_loop3A_482 : vector<16xf32>
        %parallel_loop3A_489 = arith.select %parallel_loop3A_485, %parallel_loop3A_482, %parallel_loop3A_488 : vector<16xi1>, vector<16xf32>
        %parallel_loop3A_490 = math.exp %parallel_loop3A_489 : vector<16xf32>
        %parallel_loop3A_491 = arith.mulf %parallel_loop3A_467, %parallel_loop3A_490 : vector<16xf32>
        %parallel_loop3A_492 = arith.constant 0 : i32
        %parallel_loop3A_493 = arith.index_cast %parallel_loop3A_492 : i32 to index
        %parallel_loop3A_494 = arith.index_cast %parallel_loop3A_456 : i32 to index
        %parallel_loop3A_495 = arith.constant 0 : index
        %parallel_loop3A_496 = tpu.vector_load %arg12[%parallel_loop3A_493, %parallel_loop3A_494, %parallel_loop3A_495] {strides = array<i32>} : memref<4x100x48xf32, #tpu.memory_space<vmem>>, vector<16xf32>,
        tpu.vector_store %arg12[%parallel_loop3A_493, %parallel_loop3A_494, %parallel_loop3A_495], %parallel_loop3A_491 {strides = array<i32>} : memref<4x100x48xf32, #tpu.memory_space<vmem>>, vector<16xf32>,
        %parallel_loop3A_497 = arith.mulf %parallel_loop3A_468, %parallel_loop3A_490 : vector<16xf32>
        %parallel_loop3A_498 = arith.constant 0 : i32
        %parallel_loop3A_499 = arith.index_cast %parallel_loop3A_498 : i32 to index
        %parallel_loop3A_500 = arith.index_cast %parallel_loop3A_456 : i32 to index
        %parallel_loop3A_501 = arith.constant 16 : index
        %parallel_loop3A_502 = tpu.vector_load %arg12[%parallel_loop3A_499, %parallel_loop3A_500, %parallel_loop3A_501] {strides = array<i32>} : memref<4x100x48xf32, #tpu.memory_space<vmem>>, vector<16xf32>,
        tpu.vector_store %arg12[%parallel_loop3A_499, %parallel_loop3A_500, %parallel_loop3A_501], %parallel_loop3A_497 {strides = array<i32>} : memref<4x100x48xf32, #tpu.memory_space<vmem>>, vector<16xf32>,
        %parallel_loop3A_503 = arith.constant 8 : i32
        %parallel_loop3A_504 = vector.broadcast %parallel_loop3A_503 : i32 to vector<16xi32>
        %parallel_loop3A_505 = arith.cmpi slt, %iota3A, %parallel_loop3A_504 : vector<16xi32>
        %parallel_loop3A_506 = arith.mulf %parallel_loop3A_474, %parallel_loop3A_490 : vector<16xf32>
        %parallel_loop3A_507 = arith.constant 8 : i32
        %parallel_loop3A_508 = vector.broadcast %parallel_loop3A_507 : i32 to vector<16xi32>
        %parallel_loop3A_509 = arith.cmpi eq, %iota3A, %parallel_loop3A_508 : vector<16xi32>
        %parallel_loop3A_510 = arith.select %parallel_loop3A_509, %parallel_loop3A_490, %broadcast_in_dim3A_7 : vector<16xi1>, vector<16xf32>
        %parallel_loop3A_511 = arith.select %parallel_loop3A_505, %parallel_loop3A_506, %parallel_loop3A_510 : vector<16xi1>, vector<16xf32>
        %parallel_loop3A_512 = arith.constant 0 : i32
        %parallel_loop3A_513 = arith.index_cast %parallel_loop3A_512 : i32 to index
        %parallel_loop3A_514 = arith.index_cast %parallel_loop3A_456 : i32 to index
        %parallel_loop3A_515 = arith.constant 32 : index
        %parallel_loop3A_516 = tpu.vector_load %arg12[%parallel_loop3A_513, %parallel_loop3A_514, %parallel_loop3A_515] {strides = array<i32>} : memref<4x100x48xf32, #tpu.memory_space<vmem>>, vector<16xf32>,
        tpu.vector_store %arg12[%parallel_loop3A_513, %parallel_loop3A_514, %parallel_loop3A_515], %parallel_loop3A_511 {strides = array<i32>} : memref<4x100x48xf32, #tpu.memory_space<vmem>>, vector<16xf32>,
      } {sc.loop_unroll_factor = 4 : i64, sc.parallel_access}
      %dma_start3A_258 = arith.constant 0 : i32
      %dma_start3A_259 = arith.constant 0 : i32
      %dma_start3A_260 = arith.constant 0 : i32
      %dma_start3A_261 = arith.constant 0 : i32
      %dma_start3A_262 = tpu.memref_slice %arg12[%dma_start3A_258, %dma_start3A_260, %dma_start3A_261] : memref<4x100x48xf32, #tpu.memory_space<vmem>> -> memref<1x100x48xf32, #tpu.memory_space<vmem>>
      %dma_start3A_263 = tpu.memref_squeeze %dma_start3A_262 : memref<1x100x48xf32, #tpu.memory_space<vmem>> -> memref<100x48xf32, #tpu.memory_space<vmem>>
      %dma_start3A_264 = arith.constant 0 : i32
      %dma_start3A_265 = tpu.memref_slice %arg9[%add3A_223, %dma_start3A_264] : memref<100x100xi32, #tpu.memory_space<vmem>> -> memref<1x100xi32, #tpu.memory_space<vmem>>
      %dma_start3A_266 = tpu.memref_squeeze %dma_start3A_265 : memref<1x100xi32, #tpu.memory_space<vmem>> -> memref<100xi32, #tpu.memory_space<vmem>>
      %dma_start3A_267 = arith.constant 0 : i32
      %dma_start3A_268 = arith.constant 0 : i32
      %dma_start3A_269 = tpu.memref_slice %arg13[%dma_start3A_267, %dma_start3A_268] : memref<10000x48xf32, #tpu.memory_space<vmem_shared>> -> memref<10000x48xf32, #tpu.memory_space<vmem_shared>>
      %dma_start3A_270 = tpu.memref_slice %arg16[%dma_start3A_259] : memref<4x!tpu.dma_semaphore, #tpu.memory_space<semaphore_mem>> -> memref<1x!tpu.dma_semaphore, #tpu.memory_space<semaphore_mem>>
      %dma_start3A_271 = tpu.memref_squeeze %dma_start3A_270 : memref<1x!tpu.dma_semaphore, #tpu.memory_space<semaphore_mem>> -> memref<!tpu.dma_semaphore, #tpu.memory_space<semaphore_mem>>
      tpu.enqueue_indirect_dma source(%dma_start3A_263 : memref<100x48xf32, #tpu.memory_space<vmem>>) target(%dma_start3A_269 : memref<10000x48xf32, #tpu.memory_space<vmem_shared>>) offsets(%dma_start3A_266 : memref<100xi32, #tpu.memory_space<vmem>>) semaphore(%dma_start3A_271 : memref<!tpu.dma_semaphore, #tpu.memory_space<semaphore_mem>>) {add = true}
      %add3A_272 = arith.constant 4 : i32
      %add3A_273 = arith.addi %add3A_223, %add3A_272 : i32
      %lt3A_274 = arith.constant 100 : i32
      %lt3A_275 = arith.cmpi slt, %add3A_273, %lt3A_274 : i32
      %convert_element_type3A_276 = arith.extui %lt3A_275 : i1 to i32
      %cond3A_277 = arith.constant 0 : i32
      %cond3A_278 = arith.cmpi ne, %convert_element_type3A_276, %cond3A_277 : i32
      scf.if %cond3A_278 {
        %add3A_456 = arith.constant 4 : i32
        %add3A_457 = arith.addi %add3A_223, %add3A_456 : i32
        %dma_start3A_458 = arith.constant 0 : i32
        %dma_start3A_459 = arith.constant 0 : i32
        %dma_start3A_460 = arith.constant 0 : i32
        %dma_start3A_461 = arith.constant 0 : i32
        %dma_start3A_462 = tpu.memref_slice %arg10[%dma_start3A_458, %dma_start3A_460, %dma_start3A_461] : memref<4x100x64xbf16, #tpu.memory_space<vmem>> -> memref<1x100x64xbf16, #tpu.memory_space<vmem>>
        %dma_start3A_463 = tpu.memref_squeeze %dma_start3A_462 : memref<1x100x64xbf16, #tpu.memory_space<vmem>> -> memref<100x64xbf16, #tpu.memory_space<vmem>>
        %dma_start3A_464 = arith.constant 0 : i32
        %dma_start3A_465 = tpu.memref_slice %arg8[%add3A_457, %dma_start3A_464] : memref<100x100xi32, #tpu.memory_space<vmem>> -> memref<1x100xi32, #tpu.memory_space<vmem>>
        %dma_start3A_466 = tpu.memref_squeeze %dma_start3A_465 : memref<1x100xi32, #tpu.memory_space<vmem>> -> memref<100xi32, #tpu.memory_space<vmem>>
        %dma_start3A_467 = arith.constant 0 : i32
        %dma_start3A_468 = arith.constant 0 : i32
        %dma_start3A_469 = tpu.memref_slice %arg2[%dma_start3A_467, %dma_start3A_468] : memref<10000x64xbf16, #tpu.memory_space<hbm>> -> memref<10000x64xbf16, #tpu.memory_space<hbm>>
        %dma_start3A_470 = tpu.memref_slice %arg14[%dma_start3A_459] : memref<4x!tpu.dma_semaphore, #tpu.memory_space<semaphore_mem>> -> memref<1x!tpu.dma_semaphore, #tpu.memory_space<semaphore_mem>>
        %dma_start3A_471 = tpu.memref_squeeze %dma_start3A_470 : memref<1x!tpu.dma_semaphore, #tpu.memory_space<semaphore_mem>> -> memref<!tpu.dma_semaphore, #tpu.memory_space<semaphore_mem>>
        tpu.enqueue_indirect_dma source(%dma_start3A_469 : memref<10000x64xbf16, #tpu.memory_space<hbm>>) target(%dma_start3A_463 : memref<100x64xbf16, #tpu.memory_space<vmem>>) offsets(%dma_start3A_466 : memref<100xi32, #tpu.memory_space<vmem>>) semaphore(%dma_start3A_471 : memref<!tpu.dma_semaphore, #tpu.memory_space<semaphore_mem>>)
        %dma_start3A_472 = arith.constant 0 : i32
        %dma_start3A_473 = arith.constant 0 : i32
        %dma_start3A_474 = arith.constant 0 : i32
        %dma_start3A_475 = arith.constant 0 : i32
        %dma_start3A_476 = tpu.memref_slice %arg11[%dma_start3A_472, %dma_start3A_474, %dma_start3A_475] : memref<4x100x16xf32, #tpu.memory_space<vmem>> -> memref<1x100x16xf32, #tpu.memory_space<vmem>>
        %dma_start3A_477 = tpu.memref_squeeze %dma_start3A_476 : memref<1x100x16xf32, #tpu.memory_space<vmem>> -> memref<100x16xf32, #tpu.memory_space<vmem>>
        %dma_start3A_478 = arith.constant 0 : i32
        %dma_start3A_479 = tpu.memref_slice %arg9[%add3A_457, %dma_start3A_478] : memref<100x100xi32, #tpu.memory_space<vmem>> -> memref<1x100xi32, #tpu.memory_space<vmem>>
        %dma_start3A_480 = tpu.memref_squeeze %dma_start3A_479 : memref<1x100xi32, #tpu.memory_space<vmem>> -> memref<100xi32, #tpu.memory_space<vmem>>
        %dma_start3A_481 = arith.constant 0 : i32
        %dma_start3A_482 = arith.constant 0 : i32
        %dma_start3A_483 = tpu.memref_slice %arg3[%dma_start3A_481, %dma_start3A_482] : memref<10000x16xf32, #tpu.memory_space<hbm>> -> memref<10000x16xf32, #tpu.memory_space<hbm>>
        %dma_start3A_484 = tpu.memref_slice %arg15[%dma_start3A_473] : memref<4x!tpu.dma_semaphore, #tpu.memory_space<semaphore_mem>> -> memref<1x!tpu.dma_semaphore, #tpu.memory_space<semaphore_mem>>
        %dma_start3A_485 = tpu.memref_squeeze %dma_start3A_484 : memref<1x!tpu.dma_semaphore, #tpu.memory_space<semaphore_mem>> -> memref<!tpu.dma_semaphore, #tpu.memory_space<semaphore_mem>>
        tpu.enqueue_indirect_dma source(%dma_start3A_483 : memref<10000x16xf32, #tpu.memory_space<hbm>>) target(%dma_start3A_477 : memref<100x16xf32, #tpu.memory_space<vmem>>) offsets(%dma_start3A_480 : memref<100xi32, #tpu.memory_space<vmem>>) semaphore(%dma_start3A_485 : memref<!tpu.dma_semaphore, #tpu.memory_space<semaphore_mem>>)
      } else {
      }
      %add3A_279 = arith.constant 1 : i32
      %add3A_280 = arith.addi %add3A_221, %add3A_279 : i32
      %dma_wait3A_281 = arith.constant 1 : i32
      %dma_wait3A_282 = arith.constant 1 : i32
      %dma_wait3A_283 = arith.constant 0 : i32
      %dma_wait3A_284 = arith.constant 0 : i32
      %dma_wait3A_285 = tpu.memref_slice %arg10[%dma_wait3A_281, %dma_wait3A_283, %dma_wait3A_284] : memref<4x100x64xbf16, #tpu.memory_space<vmem>> -> memref<1x100x64xbf16, #tpu.memory_space<vmem>>
      %dma_wait3A_286 = tpu.memref_squeeze %dma_wait3A_285 : memref<1x100x64xbf16, #tpu.memory_space<vmem>> -> memref<100x64xbf16, #tpu.memory_space<vmem>>
      %dma_wait3A_287 = arith.constant 0 : i32
      %dma_wait3A_288 = tpu.memref_slice %arg8[%add3A_280, %dma_wait3A_287] : memref<100x100xi32, #tpu.memory_space<vmem>> -> memref<1x100xi32, #tpu.memory_space<vmem>>
      %dma_wait3A_289 = tpu.memref_squeeze %dma_wait3A_288 : memref<1x100xi32, #tpu.memory_space<vmem>> -> memref<100xi32, #tpu.memory_space<vmem>>
      %dma_wait3A_290 = arith.constant 0 : i32
      %dma_wait3A_291 = arith.constant 0 : i32
      %dma_wait3A_292 = tpu.memref_slice %arg2[%dma_wait3A_290, %dma_wait3A_291] : memref<10000x64xbf16, #tpu.memory_space<hbm>> -> memref<10000x64xbf16, #tpu.memory_space<hbm>>
      %dma_wait3A_293 = tpu.memref_slice %arg14[%dma_wait3A_282] : memref<4x!tpu.dma_semaphore, #tpu.memory_space<semaphore_mem>> -> memref<1x!tpu.dma_semaphore, #tpu.memory_space<semaphore_mem>>
      %dma_wait3A_294 = tpu.memref_squeeze %dma_wait3A_293 : memref<1x!tpu.dma_semaphore, #tpu.memory_space<semaphore_mem>> -> memref<!tpu.dma_semaphore, #tpu.memory_space<semaphore_mem>>
      tpu.wait_indirect_dma semaphore(%dma_wait3A_294 : memref<!tpu.dma_semaphore, #tpu.memory_space<semaphore_mem>>) src(%dma_wait3A_292 : memref<10000x64xbf16, #tpu.memory_space<hbm>>) dst(%dma_wait3A_286 : memref<100x64xbf16, #tpu.memory_space<vmem>>)
      %dma_wait3A_295 = arith.constant 1 : i32
      %dma_wait3A_296 = arith.constant 1 : i32
      %dma_wait3A_297 = arith.constant 0 : i32
      %dma_wait3A_298 = arith.constant 0 : i32
      %dma_wait3A_299 = tpu.memref_slice %arg11[%dma_wait3A_295, %dma_wait3A_297, %dma_wait3A_298] : memref<4x100x16xf32, #tpu.memory_space<vmem>> -> memref<1x100x16xf32, #tpu.memory_space<vmem>>
      %dma_wait3A_300 = tpu.memref_squeeze %dma_wait3A_299 : memref<1x100x16xf32, #tpu.memory_space<vmem>> -> memref<100x16xf32, #tpu.memory_space<vmem>>
      %dma_wait3A_301 = arith.constant 0 : i32
      %dma_wait3A_302 = tpu.memref_slice %arg9[%add3A_280, %dma_wait3A_301] : memref<100x100xi32, #tpu.memory_space<vmem>> -> memref<1x100xi32, #tpu.memory_space<vmem>>
      %dma_wait3A_303 = tpu.memref_squeeze %dma_wait3A_302 : memref<1x100xi32, #tpu.memory_space<vmem>> -> memref<100xi32, #tpu.memory_space<vmem>>
      %dma_wait3A_304 = arith.constant 0 : i32
      %dma_wait3A_305 = arith.constant 0 : i32
      %dma_wait3A_306 = tpu.memref_slice %arg3[%dma_wait3A_304, %dma_wait3A_305] : memref<10000x16xf32, #tpu.memory_space<hbm>> -> memref<10000x16xf32, #tpu.memory_space<hbm>>
      %dma_wait3A_307 = tpu.memref_slice %arg15[%dma_wait3A_296] : memref<4x!tpu.dma_semaphore, #tpu.memory_space<semaphore_mem>> -> memref<1x!tpu.dma_semaphore, #tpu.memory_space<semaphore_mem>>
      %dma_wait3A_308 = tpu.memref_squeeze %dma_wait3A_307 : memref<1x!tpu.dma_semaphore, #tpu.memory_space<semaphore_mem>> -> memref<!tpu.dma_semaphore, #tpu.memory_space<semaphore_mem>>
      tpu.wait_indirect_dma semaphore(%dma_wait3A_308 : memref<!tpu.dma_semaphore, #tpu.memory_space<semaphore_mem>>) src(%dma_wait3A_306 : memref<10000x16xf32, #tpu.memory_space<hbm>>) dst(%dma_wait3A_300 : memref<100x16xf32, #tpu.memory_space<vmem>>)
      %ge3A_309 = arith.constant 4 : i32
      %ge3A_310 = arith.cmpi sge, %add3A_280, %ge3A_309 : i32
      %convert_element_type3A_311 = arith.extui %ge3A_310 : i1 to i32
      %cond3A_312 = arith.constant 0 : i32
      %cond3A_313 = arith.cmpi ne, %convert_element_type3A_311, %cond3A_312 : i32
      scf.if %cond3A_313 {
        %dma_wait3A_456 = arith.constant 1 : i32
        %dma_wait3A_457 = arith.constant 1 : i32
        %dma_wait3A_458 = arith.constant 0 : i32
        %dma_wait3A_459 = arith.constant 0 : i32
        %dma_wait3A_460 = tpu.memref_slice %arg12[%dma_wait3A_456, %dma_wait3A_458, %dma_wait3A_459] : memref<4x100x48xf32, #tpu.memory_space<vmem>> -> memref<1x100x48xf32, #tpu.memory_space<vmem>>
        %dma_wait3A_461 = tpu.memref_squeeze %dma_wait3A_460 : memref<1x100x48xf32, #tpu.memory_space<vmem>> -> memref<100x48xf32, #tpu.memory_space<vmem>>
        %dma_wait3A_462 = arith.constant 0 : i32
        %dma_wait3A_463 = tpu.memref_slice %arg9[%add3A_280, %dma_wait3A_462] : memref<100x100xi32, #tpu.memory_space<vmem>> -> memref<1x100xi32, #tpu.memory_space<vmem>>
        %dma_wait3A_464 = tpu.memref_squeeze %dma_wait3A_463 : memref<1x100xi32, #tpu.memory_space<vmem>> -> memref<100xi32, #tpu.memory_space<vmem>>
        %dma_wait3A_465 = arith.constant 0 : i32
        %dma_wait3A_466 = arith.constant 0 : i32
        %dma_wait3A_467 = tpu.memref_slice %arg13[%dma_wait3A_465, %dma_wait3A_466] : memref<10000x48xf32, #tpu.memory_space<vmem_shared>> -> memref<10000x48xf32, #tpu.memory_space<vmem_shared>>
        %dma_wait3A_468 = tpu.memref_slice %arg16[%dma_wait3A_457] : memref<4x!tpu.dma_semaphore, #tpu.memory_space<semaphore_mem>> -> memref<1x!tpu.dma_semaphore, #tpu.memory_space<semaphore_mem>>
        %dma_wait3A_469 = tpu.memref_squeeze %dma_wait3A_468 : memref<1x!tpu.dma_semaphore, #tpu.memory_space<semaphore_mem>> -> memref<!tpu.dma_semaphore, #tpu.memory_space<semaphore_mem>>
        tpu.wait_indirect_dma semaphore(%dma_wait3A_469 : memref<!tpu.dma_semaphore, #tpu.memory_space<semaphore_mem>>) src(%dma_wait3A_461 : memref<100x48xf32, #tpu.memory_space<vmem>>) dst(%dma_wait3A_467 : memref<10000x48xf32, #tpu.memory_space<vmem_shared>>)
      } else {
      }
      %parallel_loop3A_314 = arith.constant 0 : i32
      %parallel_loop3A_315 = arith.constant 100 : i32
      %parallel_loop3A_316 = arith.constant 1 : i32
      scf.for %parallel_loop3A_456 = %parallel_loop3A_314 to %parallel_loop3A_315 step %parallel_loop3A_316  : i32 {
        %parallel_loop3A_457 = arith.constant 1 : i32
        %parallel_loop3A_458 = arith.index_cast %parallel_loop3A_457 : i32 to index
        %parallel_loop3A_459 = arith.index_cast %parallel_loop3A_456 : i32 to index
        %parallel_loop3A_460 = arith.constant 0 : index
        %parallel_loop3A_461 = tpu.vector_load %arg11[%parallel_loop3A_458, %parallel_loop3A_459, %parallel_loop3A_460] {strides = array<i32>} : memref<4x100x16xf32, #tpu.memory_space<vmem>>, vector<16xf32>,
        %parallel_loop3A_462 = arith.constant 1 : i32
        %parallel_loop3A_463 = arith.index_cast %parallel_loop3A_462 : i32 to index
        %parallel_loop3A_464 = arith.index_cast %parallel_loop3A_456 : i32 to index
        %parallel_loop3A_465 = arith.constant 0 : index
        %parallel_loop3A_466 = tpu.vector_load %arg10[%parallel_loop3A_463, %parallel_loop3A_464, %parallel_loop3A_465] {strides = array<i32>} : memref<4x100x64xbf16, #tpu.memory_space<vmem>>, vector<32xbf16>,
        %parallel_loop3A_467 = tpu.unpack_subelements %parallel_loop3A_466, 0 {pack_format = #tpu.pack_format<interleaved>} : vector<32xbf16> -> vector<16xf32>
        %parallel_loop3A_468 = tpu.unpack_subelements %parallel_loop3A_466, 1 {pack_format = #tpu.pack_format<interleaved>} : vector<32xbf16> -> vector<16xf32>
        %parallel_loop3A_469 = arith.constant 1 : i32
        %parallel_loop3A_470 = arith.index_cast %parallel_loop3A_469 : i32 to index
        %parallel_loop3A_471 = arith.index_cast %parallel_loop3A_456 : i32 to index
        %parallel_loop3A_472 = arith.constant 32 : index
        %parallel_loop3A_473 = tpu.vector_load %arg10[%parallel_loop3A_470, %parallel_loop3A_471, %parallel_loop3A_472] {strides = array<i32>} : memref<4x100x64xbf16, #tpu.memory_space<vmem>>, vector<32xbf16>,
        %parallel_loop3A_474 = tpu.unpack_subelements %parallel_loop3A_473, 0 {pack_format = #tpu.pack_format<interleaved>} : vector<32xbf16> -> vector<16xf32>
        %parallel_loop3A_475 = tpu.unpack_subelements %parallel_loop3A_473, 1 {pack_format = #tpu.pack_format<interleaved>} : vector<32xbf16> -> vector<16xf32>
        %parallel_loop3A_476 = vector.shape_cast %broadcast_in_dim3A_9 : vector<16xi32> to vector<16x1xi32>
        %parallel_loop3A_477 = vector.shape_cast %parallel_loop3A_476 : vector<16x1xi32> to vector<16xi32>
        %parallel_loop3A_478 = tpu.dynamic_gather %parallel_loop3A_474[%parallel_loop3A_477] in [0] : vector<16xf32>, vector<16xi32> -> vector<16xf32>
        %parallel_loop3A_479 = vector.shape_cast %broadcast_in_dim3A_11 : vector<16xi32> to vector<16x1xi32>
        %parallel_loop3A_480 = vector.shape_cast %parallel_loop3A_479 : vector<16x1xi32> to vector<16xi32>
        %parallel_loop3A_481 = tpu.dynamic_gather %parallel_loop3A_461[%parallel_loop3A_480] in [0] : vector<16xf32>, vector<16xi32> -> vector<16xf32>
        %parallel_loop3A_482 = arith.addf %parallel_loop3A_478, %parallel_loop3A_481 : vector<16xf32>
        %parallel_loop3A_483 = arith.constant 0.000000e+00 : f32
        %parallel_loop3A_484 = vector.broadcast %parallel_loop3A_483 : f32 to vector<16xf32>
        %parallel_loop3A_485 = arith.cmpf oge, %parallel_loop3A_482, %parallel_loop3A_484 : vector<16xf32>
        %parallel_loop3A_486 = arith.constant 2.000000e-01 : f32
        %parallel_loop3A_487 = vector.broadcast %parallel_loop3A_486 : f32 to vector<16xf32>
        %parallel_loop3A_488 = arith.mulf %parallel_loop3A_487, %parallel_loop3A_482 : vector<16xf32>
        %parallel_loop3A_489 = arith.select %parallel_loop3A_485, %parallel_loop3A_482, %parallel_loop3A_488 : vector<16xi1>, vector<16xf32>
        %parallel_loop3A_490 = math.exp %parallel_loop3A_489 : vector<16xf32>
        %parallel_loop3A_491 = arith.mulf %parallel_loop3A_467, %parallel_loop3A_490 : vector<16xf32>
        %parallel_loop3A_492 = arith.constant 1 : i32
        %parallel_loop3A_493 = arith.index_cast %parallel_loop3A_492 : i32 to index
        %parallel_loop3A_494 = arith.index_cast %parallel_loop3A_456 : i32 to index
        %parallel_loop3A_495 = arith.constant 0 : index
        %parallel_loop3A_496 = tpu.vector_load %arg12[%parallel_loop3A_493, %parallel_loop3A_494, %parallel_loop3A_495] {strides = array<i32>} : memref<4x100x48xf32, #tpu.memory_space<vmem>>, vector<16xf32>,
        tpu.vector_store %arg12[%parallel_loop3A_493, %parallel_loop3A_494, %parallel_loop3A_495], %parallel_loop3A_491 {strides = array<i32>} : memref<4x100x48xf32, #tpu.memory_space<vmem>>, vector<16xf32>,
        %parallel_loop3A_497 = arith.mulf %parallel_loop3A_468, %parallel_loop3A_490 : vector<16xf32>
        %parallel_loop3A_498 = arith.constant 1 : i32
        %parallel_loop3A_499 = arith.index_cast %parallel_loop3A_498 : i32 to index
        %parallel_loop3A_500 = arith.index_cast %parallel_loop3A_456 : i32 to index
        %parallel_loop3A_501 = arith.constant 16 : index
        %parallel_loop3A_502 = tpu.vector_load %arg12[%parallel_loop3A_499, %parallel_loop3A_500, %parallel_loop3A_501] {strides = array<i32>} : memref<4x100x48xf32, #tpu.memory_space<vmem>>, vector<16xf32>,
        tpu.vector_store %arg12[%parallel_loop3A_499, %parallel_loop3A_500, %parallel_loop3A_501], %parallel_loop3A_497 {strides = array<i32>} : memref<4x100x48xf32, #tpu.memory_space<vmem>>, vector<16xf32>,
        %parallel_loop3A_503 = arith.constant 8 : i32
        %parallel_loop3A_504 = vector.broadcast %parallel_loop3A_503 : i32 to vector<16xi32>
        %parallel_loop3A_505 = arith.cmpi slt, %iota3A, %parallel_loop3A_504 : vector<16xi32>
        %parallel_loop3A_506 = arith.mulf %parallel_loop3A_474, %parallel_loop3A_490 : vector<16xf32>
        %parallel_loop3A_507 = arith.constant 8 : i32
        %parallel_loop3A_508 = vector.broadcast %parallel_loop3A_507 : i32 to vector<16xi32>
        %parallel_loop3A_509 = arith.cmpi eq, %iota3A, %parallel_loop3A_508 : vector<16xi32>
        %parallel_loop3A_510 = arith.select %parallel_loop3A_509, %parallel_loop3A_490, %broadcast_in_dim3A_7 : vector<16xi1>, vector<16xf32>
        %parallel_loop3A_511 = arith.select %parallel_loop3A_505, %parallel_loop3A_506, %parallel_loop3A_510 : vector<16xi1>, vector<16xf32>
        %parallel_loop3A_512 = arith.constant 1 : i32
        %parallel_loop3A_513 = arith.index_cast %parallel_loop3A_512 : i32 to index
        %parallel_loop3A_514 = arith.index_cast %parallel_loop3A_456 : i32 to index
        %parallel_loop3A_515 = arith.constant 32 : index
        %parallel_loop3A_516 = tpu.vector_load %arg12[%parallel_loop3A_513, %parallel_loop3A_514, %parallel_loop3A_515] {strides = array<i32>} : memref<4x100x48xf32, #tpu.memory_space<vmem>>, vector<16xf32>,
        tpu.vector_store %arg12[%parallel_loop3A_513, %parallel_loop3A_514, %parallel_loop3A_515], %parallel_loop3A_511 {strides = array<i32>} : memref<4x100x48xf32, #tpu.memory_space<vmem>>, vector<16xf32>,
      } {sc.loop_unroll_factor = 4 : i64, sc.parallel_access}
      %dma_start3A_317 = arith.constant 1 : i32
      %dma_start3A_318 = arith.constant 1 : i32
      %dma_start3A_319 = arith.constant 0 : i32
      %dma_start3A_320 = arith.constant 0 : i32
      %dma_start3A_321 = tpu.memref_slice %arg12[%dma_start3A_317, %dma_start3A_319, %dma_start3A_320] : memref<4x100x48xf32, #tpu.memory_space<vmem>> -> memref<1x100x48xf32, #tpu.memory_space<vmem>>
      %dma_start3A_322 = tpu.memref_squeeze %dma_start3A_321 : memref<1x100x48xf32, #tpu.memory_space<vmem>> -> memref<100x48xf32, #tpu.memory_space<vmem>>
      %dma_start3A_323 = arith.constant 0 : i32
      %dma_start3A_324 = tpu.memref_slice %arg9[%add3A_280, %dma_start3A_323] : memref<100x100xi32, #tpu.memory_space<vmem>> -> memref<1x100xi32, #tpu.memory_space<vmem>>
      %dma_start3A_325 = tpu.memref_squeeze %dma_start3A_324 : memref<1x100xi32, #tpu.memory_space<vmem>> -> memref<100xi32, #tpu.memory_space<vmem>>
      %dma_start3A_326 = arith.constant 0 : i32
      %dma_start3A_327 = arith.constant 0 : i32
      %dma_start3A_328 = tpu.memref_slice %arg13[%dma_start3A_326, %dma_start3A_327] : memref<10000x48xf32, #tpu.memory_space<vmem_shared>> -> memref<10000x48xf32, #tpu.memory_space<vmem_shared>>
      %dma_start3A_329 = tpu.memref_slice %arg16[%dma_start3A_318] : memref<4x!tpu.dma_semaphore, #tpu.memory_space<semaphore_mem>> -> memref<1x!tpu.dma_semaphore, #tpu.memory_space<semaphore_mem>>
      %dma_start3A_330 = tpu.memref_squeeze %dma_start3A_329 : memref<1x!tpu.dma_semaphore, #tpu.memory_space<semaphore_mem>> -> memref<!tpu.dma_semaphore, #tpu.memory_space<semaphore_mem>>
      tpu.enqueue_indirect_dma source(%dma_start3A_322 : memref<100x48xf32, #tpu.memory_space<vmem>>) target(%dma_start3A_328 : memref<10000x48xf32, #tpu.memory_space<vmem_shared>>) offsets(%dma_start3A_325 : memref<100xi32, #tpu.memory_space<vmem>>) semaphore(%dma_start3A_330 : memref<!tpu.dma_semaphore, #tpu.memory_space<semaphore_mem>>) {add = true}
      %add3A_331 = arith.constant 4 : i32
      %add3A_332 = arith.addi %add3A_280, %add3A_331 : i32
      %lt3A_333 = arith.constant 100 : i32
      %lt3A_334 = arith.cmpi slt, %add3A_332, %lt3A_333 : i32
      %convert_element_type3A_335 = arith.extui %lt3A_334 : i1 to i32
      %cond3A_336 = arith.constant 0 : i32
      %cond3A_337 = arith.cmpi ne, %convert_element_type3A_335, %cond3A_336 : i32
      scf.if %cond3A_337 {
        %add3A_456 = arith.constant 4 : i32
        %add3A_457 = arith.addi %add3A_280, %add3A_456 : i32
        %dma_start3A_458 = arith.constant 1 : i32
        %dma_start3A_459 = arith.constant 1 : i32
        %dma_start3A_460 = arith.constant 0 : i32
        %dma_start3A_461 = arith.constant 0 : i32
        %dma_start3A_462 = tpu.memref_slice %arg10[%dma_start3A_458, %dma_start3A_460, %dma_start3A_461] : memref<4x100x64xbf16, #tpu.memory_space<vmem>> -> memref<1x100x64xbf16, #tpu.memory_space<vmem>>
        %dma_start3A_463 = tpu.memref_squeeze %dma_start3A_462 : memref<1x100x64xbf16, #tpu.memory_space<vmem>> -> memref<100x64xbf16, #tpu.memory_space<vmem>>
        %dma_start3A_464 = arith.constant 0 : i32
        %dma_start3A_465 = tpu.memref_slice %arg8[%add3A_457, %dma_start3A_464] : memref<100x100xi32, #tpu.memory_space<vmem>> -> memref<1x100xi32, #tpu.memory_space<vmem>>
        %dma_start3A_466 = tpu.memref_squeeze %dma_start3A_465 : memref<1x100xi32, #tpu.memory_space<vmem>> -> memref<100xi32, #tpu.memory_space<vmem>>
        %dma_start3A_467 = arith.constant 0 : i32
        %dma_start3A_468 = arith.constant 0 : i32
        %dma_start3A_469 = tpu.memref_slice %arg2[%dma_start3A_467, %dma_start3A_468] : memref<10000x64xbf16, #tpu.memory_space<hbm>> -> memref<10000x64xbf16, #tpu.memory_space<hbm>>
        %dma_start3A_470 = tpu.memref_slice %arg14[%dma_start3A_459] : memref<4x!tpu.dma_semaphore, #tpu.memory_space<semaphore_mem>> -> memref<1x!tpu.dma_semaphore, #tpu.memory_space<semaphore_mem>>
        %dma_start3A_471 = tpu.memref_squeeze %dma_start3A_470 : memref<1x!tpu.dma_semaphore, #tpu.memory_space<semaphore_mem>> -> memref<!tpu.dma_semaphore, #tpu.memory_space<semaphore_mem>>
        tpu.enqueue_indirect_dma source(%dma_start3A_469 : memref<10000x64xbf16, #tpu.memory_space<hbm>>) target(%dma_start3A_463 : memref<100x64xbf16, #tpu.memory_space<vmem>>) offsets(%dma_start3A_466 : memref<100xi32, #tpu.memory_space<vmem>>) semaphore(%dma_start3A_471 : memref<!tpu.dma_semaphore, #tpu.memory_space<semaphore_mem>>)
        %dma_start3A_472 = arith.constant 1 : i32
        %dma_start3A_473 = arith.constant 1 : i32
        %dma_start3A_474 = arith.constant 0 : i32
        %dma_start3A_475 = arith.constant 0 : i32
        %dma_start3A_476 = tpu.memref_slice %arg11[%dma_start3A_472, %dma_start3A_474, %dma_start3A_475] : memref<4x100x16xf32, #tpu.memory_space<vmem>> -> memref<1x100x16xf32, #tpu.memory_space<vmem>>
        %dma_start3A_477 = tpu.memref_squeeze %dma_start3A_476 : memref<1x100x16xf32, #tpu.memory_space<vmem>> -> memref<100x16xf32, #tpu.memory_space<vmem>>
        %dma_start3A_478 = arith.constant 0 : i32
        %dma_start3A_479 = tpu.memref_slice %arg9[%add3A_457, %dma_start3A_478] : memref<100x100xi32, #tpu.memory_space<vmem>> -> memref<1x100xi32, #tpu.memory_space<vmem>>
        %dma_start3A_480 = tpu.memref_squeeze %dma_start3A_479 : memref<1x100xi32, #tpu.memory_space<vmem>> -> memref<100xi32, #tpu.memory_space<vmem>>
        %dma_start3A_481 = arith.constant 0 : i32
        %dma_start3A_482 = arith.constant 0 : i32
        %dma_start3A_483 = tpu.memref_slice %arg3[%dma_start3A_481, %dma_start3A_482] : memref<10000x16xf32, #tpu.memory_space<hbm>> -> memref<10000x16xf32, #tpu.memory_space<hbm>>
        %dma_start3A_484 = tpu.memref_slice %arg15[%dma_start3A_473] : memref<4x!tpu.dma_semaphore, #tpu.memory_space<semaphore_mem>> -> memref<1x!tpu.dma_semaphore, #tpu.memory_space<semaphore_mem>>
        %dma_start3A_485 = tpu.memref_squeeze %dma_start3A_484 : memref<1x!tpu.dma_semaphore, #tpu.memory_space<semaphore_mem>> -> memref<!tpu.dma_semaphore, #tpu.memory_space<semaphore_mem>>
        tpu.enqueue_indirect_dma source(%dma_start3A_483 : memref<10000x16xf32, #tpu.memory_space<hbm>>) target(%dma_start3A_477 : memref<100x16xf32, #tpu.memory_space<vmem>>) offsets(%dma_start3A_480 : memref<100xi32, #tpu.memory_space<vmem>>) semaphore(%dma_start3A_485 : memref<!tpu.dma_semaphore, #tpu.memory_space<semaphore_mem>>)
      } else {
      }
      %add3A_338 = arith.constant 2 : i32
      %add3A_339 = arith.addi %add3A_221, %add3A_338 : i32
      %dma_wait3A_340 = arith.constant 2 : i32
      %dma_wait3A_341 = arith.constant 2 : i32
      %dma_wait3A_342 = arith.constant 0 : i32
      %dma_wait3A_343 = arith.constant 0 : i32
      %dma_wait3A_344 = tpu.memref_slice %arg10[%dma_wait3A_340, %dma_wait3A_342, %dma_wait3A_343] : memref<4x100x64xbf16, #tpu.memory_space<vmem>> -> memref<1x100x64xbf16, #tpu.memory_space<vmem>>
      %dma_wait3A_345 = tpu.memref_squeeze %dma_wait3A_344 : memref<1x100x64xbf16, #tpu.memory_space<vmem>> -> memref<100x64xbf16, #tpu.memory_space<vmem>>
      %dma_wait3A_346 = arith.constant 0 : i32
      %dma_wait3A_347 = tpu.memref_slice %arg8[%add3A_339, %dma_wait3A_346] : memref<100x100xi32, #tpu.memory_space<vmem>> -> memref<1x100xi32, #tpu.memory_space<vmem>>
      %dma_wait3A_348 = tpu.memref_squeeze %dma_wait3A_347 : memref<1x100xi32, #tpu.memory_space<vmem>> -> memref<100xi32, #tpu.memory_space<vmem>>
      %dma_wait3A_349 = arith.constant 0 : i32
      %dma_wait3A_350 = arith.constant 0 : i32
      %dma_wait3A_351 = tpu.memref_slice %arg2[%dma_wait3A_349, %dma_wait3A_350] : memref<10000x64xbf16, #tpu.memory_space<hbm>> -> memref<10000x64xbf16, #tpu.memory_space<hbm>>
      %dma_wait3A_352 = tpu.memref_slice %arg14[%dma_wait3A_341] : memref<4x!tpu.dma_semaphore, #tpu.memory_space<semaphore_mem>> -> memref<1x!tpu.dma_semaphore, #tpu.memory_space<semaphore_mem>>
      %dma_wait3A_353 = tpu.memref_squeeze %dma_wait3A_352 : memref<1x!tpu.dma_semaphore, #tpu.memory_space<semaphore_mem>> -> memref<!tpu.dma_semaphore, #tpu.memory_space<semaphore_mem>>
      tpu.wait_indirect_dma semaphore(%dma_wait3A_353 : memref<!tpu.dma_semaphore, #tpu.memory_space<semaphore_mem>>) src(%dma_wait3A_351 : memref<10000x64xbf16, #tpu.memory_space<hbm>>) dst(%dma_wait3A_345 : memref<100x64xbf16, #tpu.memory_space<vmem>>)
      %dma_wait3A_354 = arith.constant 2 : i32
      %dma_wait3A_355 = arith.constant 2 : i32
      %dma_wait3A_356 = arith.constant 0 : i32
      %dma_wait3A_357 = arith.constant 0 : i32
      %dma_wait3A_358 = tpu.memref_slice %arg11[%dma_wait3A_354, %dma_wait3A_356, %dma_wait3A_357] : memref<4x100x16xf32, #tpu.memory_space<vmem>> -> memref<1x100x16xf32, #tpu.memory_space<vmem>>
      %dma_wait3A_359 = tpu.memref_squeeze %dma_wait3A_358 : memref<1x100x16xf32, #tpu.memory_space<vmem>> -> memref<100x16xf32, #tpu.memory_space<vmem>>
      %dma_wait3A_360 = arith.constant 0 : i32
      %dma_wait3A_361 = tpu.memref_slice %arg9[%add3A_339, %dma_wait3A_360] : memref<100x100xi32, #tpu.memory_space<vmem>> -> memref<1x100xi32, #tpu.memory_space<vmem>>
      %dma_wait3A_362 = tpu.memref_squeeze %dma_wait3A_361 : memref<1x100xi32, #tpu.memory_space<vmem>> -> memref<100xi32, #tpu.memory_space<vmem>>
      %dma_wait3A_363 = arith.constant 0 : i32
      %dma_wait3A_364 = arith.constant 0 : i32
      %dma_wait3A_365 = tpu.memref_slice %arg3[%dma_wait3A_363, %dma_wait3A_364] : memref<10000x16xf32, #tpu.memory_space<hbm>> -> memref<10000x16xf32, #tpu.memory_space<hbm>>
      %dma_wait3A_366 = tpu.memref_slice %arg15[%dma_wait3A_355] : memref<4x!tpu.dma_semaphore, #tpu.memory_space<semaphore_mem>> -> memref<1x!tpu.dma_semaphore, #tpu.memory_space<semaphore_mem>>
      %dma_wait3A_367 = tpu.memref_squeeze %dma_wait3A_366 : memref<1x!tpu.dma_semaphore, #tpu.memory_space<semaphore_mem>> -> memref<!tpu.dma_semaphore, #tpu.memory_space<semaphore_mem>>
      tpu.wait_indirect_dma semaphore(%dma_wait3A_367 : memref<!tpu.dma_semaphore, #tpu.memory_space<semaphore_mem>>) src(%dma_wait3A_365 : memref<10000x16xf32, #tpu.memory_space<hbm>>) dst(%dma_wait3A_359 : memref<100x16xf32, #tpu.memory_space<vmem>>)
      %ge3A_368 = arith.constant 4 : i32
      %ge3A_369 = arith.cmpi sge, %add3A_339, %ge3A_368 : i32
      %convert_element_type3A_370 = arith.extui %ge3A_369 : i1 to i32
      %cond3A_371 = arith.constant 0 : i32
      %cond3A_372 = arith.cmpi ne, %convert_element_type3A_370, %cond3A_371 : i32
      scf.if %cond3A_372 {
        %dma_wait3A_456 = arith.constant 2 : i32
        %dma_wait3A_457 = arith.constant 2 : i32
        %dma_wait3A_458 = arith.constant 0 : i32
        %dma_wait3A_459 = arith.constant 0 : i32
        %dma_wait3A_460 = tpu.memref_slice %arg12[%dma_wait3A_456, %dma_wait3A_458, %dma_wait3A_459] : memref<4x100x48xf32, #tpu.memory_space<vmem>> -> memref<1x100x48xf32, #tpu.memory_space<vmem>>
        %dma_wait3A_461 = tpu.memref_squeeze %dma_wait3A_460 : memref<1x100x48xf32, #tpu.memory_space<vmem>> -> memref<100x48xf32, #tpu.memory_space<vmem>>
        %dma_wait3A_462 = arith.constant 0 : i32
        %dma_wait3A_463 = tpu.memref_slice %arg9[%add3A_339, %dma_wait3A_462] : memref<100x100xi32, #tpu.memory_space<vmem>> -> memref<1x100xi32, #tpu.memory_space<vmem>>
        %dma_wait3A_464 = tpu.memref_squeeze %dma_wait3A_463 : memref<1x100xi32, #tpu.memory_space<vmem>> -> memref<100xi32, #tpu.memory_space<vmem>>
        %dma_wait3A_465 = arith.constant 0 : i32
        %dma_wait3A_466 = arith.constant 0 : i32
        %dma_wait3A_467 = tpu.memref_slice %arg13[%dma_wait3A_465, %dma_wait3A_466] : memref<10000x48xf32, #tpu.memory_space<vmem_shared>> -> memref<10000x48xf32, #tpu.memory_space<vmem_shared>>
        %dma_wait3A_468 = tpu.memref_slice %arg16[%dma_wait3A_457] : memref<4x!tpu.dma_semaphore, #tpu.memory_space<semaphore_mem>> -> memref<1x!tpu.dma_semaphore, #tpu.memory_space<semaphore_mem>>
        %dma_wait3A_469 = tpu.memref_squeeze %dma_wait3A_468 : memref<1x!tpu.dma_semaphore, #tpu.memory_space<semaphore_mem>> -> memref<!tpu.dma_semaphore, #tpu.memory_space<semaphore_mem>>
        tpu.wait_indirect_dma semaphore(%dma_wait3A_469 : memref<!tpu.dma_semaphore, #tpu.memory_space<semaphore_mem>>) src(%dma_wait3A_461 : memref<100x48xf32, #tpu.memory_space<vmem>>) dst(%dma_wait3A_467 : memref<10000x48xf32, #tpu.memory_space<vmem_shared>>)
      } else {
      }
      %parallel_loop3A_373 = arith.constant 0 : i32
      %parallel_loop3A_374 = arith.constant 100 : i32
      %parallel_loop3A_375 = arith.constant 1 : i32
      scf.for %parallel_loop3A_456 = %parallel_loop3A_373 to %parallel_loop3A_374 step %parallel_loop3A_375  : i32 {
        %parallel_loop3A_457 = arith.constant 2 : i32
        %parallel_loop3A_458 = arith.index_cast %parallel_loop3A_457 : i32 to index
        %parallel_loop3A_459 = arith.index_cast %parallel_loop3A_456 : i32 to index
        %parallel_loop3A_460 = arith.constant 0 : index
        %parallel_loop3A_461 = tpu.vector_load %arg11[%parallel_loop3A_458, %parallel_loop3A_459, %parallel_loop3A_460] {strides = array<i32>} : memref<4x100x16xf32, #tpu.memory_space<vmem>>, vector<16xf32>,
        %parallel_loop3A_462 = arith.constant 2 : i32
        %parallel_loop3A_463 = arith.index_cast %parallel_loop3A_462 : i32 to index
        %parallel_loop3A_464 = arith.index_cast %parallel_loop3A_456 : i32 to index
        %parallel_loop3A_465 = arith.constant 0 : index
        %parallel_loop3A_466 = tpu.vector_load %arg10[%parallel_loop3A_463, %parallel_loop3A_464, %parallel_loop3A_465] {strides = array<i32>} : memref<4x100x64xbf16, #tpu.memory_space<vmem>>, vector<32xbf16>,
        %parallel_loop3A_467 = tpu.unpack_subelements %parallel_loop3A_466, 0 {pack_format = #tpu.pack_format<interleaved>} : vector<32xbf16> -> vector<16xf32>
        %parallel_loop3A_468 = tpu.unpack_subelements %parallel_loop3A_466, 1 {pack_format = #tpu.pack_format<interleaved>} : vector<32xbf16> -> vector<16xf32>
        %parallel_loop3A_469 = arith.constant 2 : i32
        %parallel_loop3A_470 = arith.index_cast %parallel_loop3A_469 : i32 to index
        %parallel_loop3A_471 = arith.index_cast %parallel_loop3A_456 : i32 to index
        %parallel_loop3A_472 = arith.constant 32 : index
        %parallel_loop3A_473 = tpu.vector_load %arg10[%parallel_loop3A_470, %parallel_loop3A_471, %parallel_loop3A_472] {strides = array<i32>} : memref<4x100x64xbf16, #tpu.memory_space<vmem>>, vector<32xbf16>,
        %parallel_loop3A_474 = tpu.unpack_subelements %parallel_loop3A_473, 0 {pack_format = #tpu.pack_format<interleaved>} : vector<32xbf16> -> vector<16xf32>
        %parallel_loop3A_475 = tpu.unpack_subelements %parallel_loop3A_473, 1 {pack_format = #tpu.pack_format<interleaved>} : vector<32xbf16> -> vector<16xf32>
        %parallel_loop3A_476 = vector.shape_cast %broadcast_in_dim3A_9 : vector<16xi32> to vector<16x1xi32>
        %parallel_loop3A_477 = vector.shape_cast %parallel_loop3A_476 : vector<16x1xi32> to vector<16xi32>
        %parallel_loop3A_478 = tpu.dynamic_gather %parallel_loop3A_474[%parallel_loop3A_477] in [0] : vector<16xf32>, vector<16xi32> -> vector<16xf32>
        %parallel_loop3A_479 = vector.shape_cast %broadcast_in_dim3A_11 : vector<16xi32> to vector<16x1xi32>
        %parallel_loop3A_480 = vector.shape_cast %parallel_loop3A_479 : vector<16x1xi32> to vector<16xi32>
        %parallel_loop3A_481 = tpu.dynamic_gather %parallel_loop3A_461[%parallel_loop3A_480] in [0] : vector<16xf32>, vector<16xi32> -> vector<16xf32>
        %parallel_loop3A_482 = arith.addf %parallel_loop3A_478, %parallel_loop3A_481 : vector<16xf32>
        %parallel_loop3A_483 = arith.constant 0.000000e+00 : f32
        %parallel_loop3A_484 = vector.broadcast %parallel_loop3A_483 : f32 to vector<16xf32>
        %parallel_loop3A_485 = arith.cmpf oge, %parallel_loop3A_482, %parallel_loop3A_484 : vector<16xf32>
        %parallel_loop3A_486 = arith.constant 2.000000e-01 : f32
        %parallel_loop3A_487 = vector.broadcast %parallel_loop3A_486 : f32 to vector<16xf32>
        %parallel_loop3A_488 = arith.mulf %parallel_loop3A_487, %parallel_loop3A_482 : vector<16xf32>
        %parallel_loop3A_489 = arith.select %parallel_loop3A_485, %parallel_loop3A_482, %parallel_loop3A_488 : vector<16xi1>, vector<16xf32>
        %parallel_loop3A_490 = math.exp %parallel_loop3A_489 : vector<16xf32>
        %parallel_loop3A_491 = arith.mulf %parallel_loop3A_467, %parallel_loop3A_490 : vector<16xf32>
        %parallel_loop3A_492 = arith.constant 2 : i32
        %parallel_loop3A_493 = arith.index_cast %parallel_loop3A_492 : i32 to index
        %parallel_loop3A_494 = arith.index_cast %parallel_loop3A_456 : i32 to index
        %parallel_loop3A_495 = arith.constant 0 : index
        %parallel_loop3A_496 = tpu.vector_load %arg12[%parallel_loop3A_493, %parallel_loop3A_494, %parallel_loop3A_495] {strides = array<i32>} : memref<4x100x48xf32, #tpu.memory_space<vmem>>, vector<16xf32>,
        tpu.vector_store %arg12[%parallel_loop3A_493, %parallel_loop3A_494, %parallel_loop3A_495], %parallel_loop3A_491 {strides = array<i32>} : memref<4x100x48xf32, #tpu.memory_space<vmem>>, vector<16xf32>,
        %parallel_loop3A_497 = arith.mulf %parallel_loop3A_468, %parallel_loop3A_490 : vector<16xf32>
        %parallel_loop3A_498 = arith.constant 2 : i32
        %parallel_loop3A_499 = arith.index_cast %parallel_loop3A_498 : i32 to index
        %parallel_loop3A_500 = arith.index_cast %parallel_loop3A_456 : i32 to index
        %parallel_loop3A_501 = arith.constant 16 : index
        %parallel_loop3A_502 = tpu.vector_load %arg12[%parallel_loop3A_499, %parallel_loop3A_500, %parallel_loop3A_501] {strides = array<i32>} : memref<4x100x48xf32, #tpu.memory_space<vmem>>, vector<16xf32>,
        tpu.vector_store %arg12[%parallel_loop3A_499, %parallel_loop3A_500, %parallel_loop3A_501], %parallel_loop3A_497 {strides = array<i32>} : memref<4x100x48xf32, #tpu.memory_space<vmem>>, vector<16xf32>,
        %parallel_loop3A_503 = arith.constant 8 : i32
        %parallel_loop3A_504 = vector.broadcast %parallel_loop3A_503 : i32 to vector<16xi32>
        %parallel_loop3A_505 = arith.cmpi slt, %iota3A, %parallel_loop3A_504 : vector<16xi32>
        %parallel_loop3A_506 = arith.mulf %parallel_loop3A_474, %parallel_loop3A_490 : vector<16xf32>
        %parallel_loop3A_507 = arith.constant 8 : i32
        %parallel_loop3A_508 = vector.broadcast %parallel_loop3A_507 : i32 to vector<16xi32>
        %parallel_loop3A_509 = arith.cmpi eq, %iota3A, %parallel_loop3A_508 : vector<16xi32>
        %parallel_loop3A_510 = arith.select %parallel_loop3A_509, %parallel_loop3A_490, %broadcast_in_dim3A_7 : vector<16xi1>, vector<16xf32>
        %parallel_loop3A_511 = arith.select %parallel_loop3A_505, %parallel_loop3A_506, %parallel_loop3A_510 : vector<16xi1>, vector<16xf32>
        %parallel_loop3A_512 = arith.constant 2 : i32
        %parallel_loop3A_513 = arith.index_cast %parallel_loop3A_512 : i32 to index
        %parallel_loop3A_514 = arith.index_cast %parallel_loop3A_456 : i32 to index
        %parallel_loop3A_515 = arith.constant 32 : index
        %parallel_loop3A_516 = tpu.vector_load %arg12[%parallel_loop3A_513, %parallel_loop3A_514, %parallel_loop3A_515] {strides = array<i32>} : memref<4x100x48xf32, #tpu.memory_space<vmem>>, vector<16xf32>,
        tpu.vector_store %arg12[%parallel_loop3A_513, %parallel_loop3A_514, %parallel_loop3A_515], %parallel_loop3A_511 {strides = array<i32>} : memref<4x100x48xf32, #tpu.memory_space<vmem>>, vector<16xf32>,
      } {sc.loop_unroll_factor = 4 : i64, sc.parallel_access}
      %dma_start3A_376 = arith.constant 2 : i32
      %dma_start3A_377 = arith.constant 2 : i32
      %dma_start3A_378 = arith.constant 0 : i32
      %dma_start3A_379 = arith.constant 0 : i32
      %dma_start3A_380 = tpu.memref_slice %arg12[%dma_start3A_376, %dma_start3A_378, %dma_start3A_379] : memref<4x100x48xf32, #tpu.memory_space<vmem>> -> memref<1x100x48xf32, #tpu.memory_space<vmem>>
      %dma_start3A_381 = tpu.memref_squeeze %dma_start3A_380 : memref<1x100x48xf32, #tpu.memory_space<vmem>> -> memref<100x48xf32, #tpu.memory_space<vmem>>
      %dma_start3A_382 = arith.constant 0 : i32
      %dma_start3A_383 = tpu.memref_slice %arg9[%add3A_339, %dma_start3A_382] : memref<100x100xi32, #tpu.memory_space<vmem>> -> memref<1x100xi32, #tpu.memory_space<vmem>>
      %dma_start3A_384 = tpu.memref_squeeze %dma_start3A_383 : memref<1x100xi32, #tpu.memory_space<vmem>> -> memref<100xi32, #tpu.memory_space<vmem>>
      %dma_start3A_385 = arith.constant 0 : i32
      %dma_start3A_386 = arith.constant 0 : i32
      %dma_start3A_387 = tpu.memref_slice %arg13[%dma_start3A_385, %dma_start3A_386] : memref<10000x48xf32, #tpu.memory_space<vmem_shared>> -> memref<10000x48xf32, #tpu.memory_space<vmem_shared>>
      %dma_start3A_388 = tpu.memref_slice %arg16[%dma_start3A_377] : memref<4x!tpu.dma_semaphore, #tpu.memory_space<semaphore_mem>> -> memref<1x!tpu.dma_semaphore, #tpu.memory_space<semaphore_mem>>
      %dma_start3A_389 = tpu.memref_squeeze %dma_start3A_388 : memref<1x!tpu.dma_semaphore, #tpu.memory_space<semaphore_mem>> -> memref<!tpu.dma_semaphore, #tpu.memory_space<semaphore_mem>>
      tpu.enqueue_indirect_dma source(%dma_start3A_381 : memref<100x48xf32, #tpu.memory_space<vmem>>) target(%dma_start3A_387 : memref<10000x48xf32, #tpu.memory_space<vmem_shared>>) offsets(%dma_start3A_384 : memref<100xi32, #tpu.memory_space<vmem>>) semaphore(%dma_start3A_389 : memref<!tpu.dma_semaphore, #tpu.memory_space<semaphore_mem>>) {add = true}
      %add3A_390 = arith.constant 4 : i32
      %add3A_391 = arith.addi %add3A_339, %add3A_390 : i32
      %lt3A_392 = arith.constant 100 : i32
      %lt3A_393 = arith.cmpi slt, %add3A_391, %lt3A_392 : i32
      %convert_element_type3A_394 = arith.extui %lt3A_393 : i1 to i32
      %cond3A_395 = arith.constant 0 : i32
      %cond3A_396 = arith.cmpi ne, %convert_element_type3A_394, %cond3A_395 : i32
      scf.if %cond3A_396 {
        %add3A_456 = arith.constant 4 : i32
        %add3A_457 = arith.addi %add3A_339, %add3A_456 : i32
        %dma_start3A_458 = arith.constant 2 : i32
        %dma_start3A_459 = arith.constant 2 : i32
        %dma_start3A_460 = arith.constant 0 : i32
        %dma_start3A_461 = arith.constant 0 : i32
        %dma_start3A_462 = tpu.memref_slice %arg10[%dma_start3A_458, %dma_start3A_460, %dma_start3A_461] : memref<4x100x64xbf16, #tpu.memory_space<vmem>> -> memref<1x100x64xbf16, #tpu.memory_space<vmem>>
        %dma_start3A_463 = tpu.memref_squeeze %dma_start3A_462 : memref<1x100x64xbf16, #tpu.memory_space<vmem>> -> memref<100x64xbf16, #tpu.memory_space<vmem>>
        %dma_start3A_464 = arith.constant 0 : i32
        %dma_start3A_465 = tpu.memref_slice %arg8[%add3A_457, %dma_start3A_464] : memref<100x100xi32, #tpu.memory_space<vmem>> -> memref<1x100xi32, #tpu.memory_space<vmem>>
        %dma_start3A_466 = tpu.memref_squeeze %dma_start3A_465 : memref<1x100xi32, #tpu.memory_space<vmem>> -> memref<100xi32, #tpu.memory_space<vmem>>
        %dma_start3A_467 = arith.constant 0 : i32
        %dma_start3A_468 = arith.constant 0 : i32
        %dma_start3A_469 = tpu.memref_slice %arg2[%dma_start3A_467, %dma_start3A_468] : memref<10000x64xbf16, #tpu.memory_space<hbm>> -> memref<10000x64xbf16, #tpu.memory_space<hbm>>
        %dma_start3A_470 = tpu.memref_slice %arg14[%dma_start3A_459] : memref<4x!tpu.dma_semaphore, #tpu.memory_space<semaphore_mem>> -> memref<1x!tpu.dma_semaphore, #tpu.memory_space<semaphore_mem>>
        %dma_start3A_471 = tpu.memref_squeeze %dma_start3A_470 : memref<1x!tpu.dma_semaphore, #tpu.memory_space<semaphore_mem>> -> memref<!tpu.dma_semaphore, #tpu.memory_space<semaphore_mem>>
        tpu.enqueue_indirect_dma source(%dma_start3A_469 : memref<10000x64xbf16, #tpu.memory_space<hbm>>) target(%dma_start3A_463 : memref<100x64xbf16, #tpu.memory_space<vmem>>) offsets(%dma_start3A_466 : memref<100xi32, #tpu.memory_space<vmem>>) semaphore(%dma_start3A_471 : memref<!tpu.dma_semaphore, #tpu.memory_space<semaphore_mem>>)
        %dma_start3A_472 = arith.constant 2 : i32
        %dma_start3A_473 = arith.constant 2 : i32
        %dma_start3A_474 = arith.constant 0 : i32
        %dma_start3A_475 = arith.constant 0 : i32
        %dma_start3A_476 = tpu.memref_slice %arg11[%dma_start3A_472, %dma_start3A_474, %dma_start3A_475] : memref<4x100x16xf32, #tpu.memory_space<vmem>> -> memref<1x100x16xf32, #tpu.memory_space<vmem>>
        %dma_start3A_477 = tpu.memref_squeeze %dma_start3A_476 : memref<1x100x16xf32, #tpu.memory_space<vmem>> -> memref<100x16xf32, #tpu.memory_space<vmem>>
        %dma_start3A_478 = arith.constant 0 : i32
        %dma_start3A_479 = tpu.memref_slice %arg9[%add3A_457, %dma_start3A_478] : memref<100x100xi32, #tpu.memory_space<vmem>> -> memref<1x100xi32, #tpu.memory_space<vmem>>
        %dma_start3A_480 = tpu.memref_squeeze %dma_start3A_479 : memref<1x100xi32, #tpu.memory_space<vmem>> -> memref<100xi32, #tpu.memory_space<vmem>>
        %dma_start3A_481 = arith.constant 0 : i32
        %dma_start3A_482 = arith.constant 0 : i32
        %dma_start3A_483 = tpu.memref_slice %arg3[%dma_start3A_481, %dma_start3A_482] : memref<10000x16xf32, #tpu.memory_space<hbm>> -> memref<10000x16xf32, #tpu.memory_space<hbm>>
        %dma_start3A_484 = tpu.memref_slice %arg15[%dma_start3A_473] : memref<4x!tpu.dma_semaphore, #tpu.memory_space<semaphore_mem>> -> memref<1x!tpu.dma_semaphore, #tpu.memory_space<semaphore_mem>>
        %dma_start3A_485 = tpu.memref_squeeze %dma_start3A_484 : memref<1x!tpu.dma_semaphore, #tpu.memory_space<semaphore_mem>> -> memref<!tpu.dma_semaphore, #tpu.memory_space<semaphore_mem>>
        tpu.enqueue_indirect_dma source(%dma_start3A_483 : memref<10000x16xf32, #tpu.memory_space<hbm>>) target(%dma_start3A_477 : memref<100x16xf32, #tpu.memory_space<vmem>>) offsets(%dma_start3A_480 : memref<100xi32, #tpu.memory_space<vmem>>) semaphore(%dma_start3A_485 : memref<!tpu.dma_semaphore, #tpu.memory_space<semaphore_mem>>)
      } else {
      }
      %add3A_397 = arith.constant 3 : i32
      %add3A_398 = arith.addi %add3A_221, %add3A_397 : i32
      %dma_wait3A_399 = arith.constant 3 : i32
      %dma_wait3A_400 = arith.constant 3 : i32
      %dma_wait3A_401 = arith.constant 0 : i32
      %dma_wait3A_402 = arith.constant 0 : i32
      %dma_wait3A_403 = tpu.memref_slice %arg10[%dma_wait3A_399, %dma_wait3A_401, %dma_wait3A_402] : memref<4x100x64xbf16, #tpu.memory_space<vmem>> -> memref<1x100x64xbf16, #tpu.memory_space<vmem>>
      %dma_wait3A_404 = tpu.memref_squeeze %dma_wait3A_403 : memref<1x100x64xbf16, #tpu.memory_space<vmem>> -> memref<100x64xbf16, #tpu.memory_space<vmem>>
      %dma_wait3A_405 = arith.constant 0 : i32
      %dma_wait3A_406 = tpu.memref_slice %arg8[%add3A_398, %dma_wait3A_405] : memref<100x100xi32, #tpu.memory_space<vmem>> -> memref<1x100xi32, #tpu.memory_space<vmem>>
      %dma_wait3A_407 = tpu.memref_squeeze %dma_wait3A_406 : memref<1x100xi32, #tpu.memory_space<vmem>> -> memref<100xi32, #tpu.memory_space<vmem>>
      %dma_wait3A_408 = arith.constant 0 : i32
      %dma_wait3A_409 = arith.constant 0 : i32
      %dma_wait3A_410 = tpu.memref_slice %arg2[%dma_wait3A_408, %dma_wait3A_409] : memref<10000x64xbf16, #tpu.memory_space<hbm>> -> memref<10000x64xbf16, #tpu.memory_space<hbm>>
      %dma_wait3A_411 = tpu.memref_slice %arg14[%dma_wait3A_400] : memref<4x!tpu.dma_semaphore, #tpu.memory_space<semaphore_mem>> -> memref<1x!tpu.dma_semaphore, #tpu.memory_space<semaphore_mem>>
      %dma_wait3A_412 = tpu.memref_squeeze %dma_wait3A_411 : memref<1x!tpu.dma_semaphore, #tpu.memory_space<semaphore_mem>> -> memref<!tpu.dma_semaphore, #tpu.memory_space<semaphore_mem>>
      tpu.wait_indirect_dma semaphore(%dma_wait3A_412 : memref<!tpu.dma_semaphore, #tpu.memory_space<semaphore_mem>>) src(%dma_wait3A_410 : memref<10000x64xbf16, #tpu.memory_space<hbm>>) dst(%dma_wait3A_404 : memref<100x64xbf16, #tpu.memory_space<vmem>>)
      %dma_wait3A_413 = arith.constant 3 : i32
      %dma_wait3A_414 = arith.constant 3 : i32
      %dma_wait3A_415 = arith.constant 0 : i32
      %dma_wait3A_416 = arith.constant 0 : i32
      %dma_wait3A_417 = tpu.memref_slice %arg11[%dma_wait3A_413, %dma_wait3A_415, %dma_wait3A_416] : memref<4x100x16xf32, #tpu.memory_space<vmem>> -> memref<1x100x16xf32, #tpu.memory_space<vmem>>
      %dma_wait3A_418 = tpu.memref_squeeze %dma_wait3A_417 : memref<1x100x16xf32, #tpu.memory_space<vmem>> -> memref<100x16xf32, #tpu.memory_space<vmem>>
      %dma_wait3A_419 = arith.constant 0 : i32
      %dma_wait3A_420 = tpu.memref_slice %arg9[%add3A_398, %dma_wait3A_419] : memref<100x100xi32, #tpu.memory_space<vmem>> -> memref<1x100xi32, #tpu.memory_space<vmem>>
      %dma_wait3A_421 = tpu.memref_squeeze %dma_wait3A_420 : memref<1x100xi32, #tpu.memory_space<vmem>> -> memref<100xi32, #tpu.memory_space<vmem>>
      %dma_wait3A_422 = arith.constant 0 : i32
      %dma_wait3A_423 = arith.constant 0 : i32
      %dma_wait3A_424 = tpu.memref_slice %arg3[%dma_wait3A_422, %dma_wait3A_423] : memref<10000x16xf32, #tpu.memory_space<hbm>> -> memref<10000x16xf32, #tpu.memory_space<hbm>>
      %dma_wait3A_425 = tpu.memref_slice %arg15[%dma_wait3A_414] : memref<4x!tpu.dma_semaphore, #tpu.memory_space<semaphore_mem>> -> memref<1x!tpu.dma_semaphore, #tpu.memory_space<semaphore_mem>>
      %dma_wait3A_426 = tpu.memref_squeeze %dma_wait3A_425 : memref<1x!tpu.dma_semaphore, #tpu.memory_space<semaphore_mem>> -> memref<!tpu.dma_semaphore, #tpu.memory_space<semaphore_mem>>
      tpu.wait_indirect_dma semaphore(%dma_wait3A_426 : memref<!tpu.dma_semaphore, #tpu.memory_space<semaphore_mem>>) src(%dma_wait3A_424 : memref<10000x16xf32, #tpu.memory_space<hbm>>) dst(%dma_wait3A_418 : memref<100x16xf32, #tpu.memory_space<vmem>>)
      %ge3A_427 = arith.constant 4 : i32
      %ge3A_428 = arith.cmpi sge, %add3A_398, %ge3A_427 : i32
      %convert_element_type3A_429 = arith.extui %ge3A_428 : i1 to i32
      %cond3A_430 = arith.constant 0 : i32
      %cond3A_431 = arith.cmpi ne, %convert_element_type3A_429, %cond3A_430 : i32
      scf.if %cond3A_431 {
        %dma_wait3A_456 = arith.constant 3 : i32
        %dma_wait3A_457 = arith.constant 3 : i32
        %dma_wait3A_458 = arith.constant 0 : i32
        %dma_wait3A_459 = arith.constant 0 : i32
        %dma_wait3A_460 = tpu.memref_slice %arg12[%dma_wait3A_456, %dma_wait3A_458, %dma_wait3A_459] : memref<4x100x48xf32, #tpu.memory_space<vmem>> -> memref<1x100x48xf32, #tpu.memory_space<vmem>>
        %dma_wait3A_461 = tpu.memref_squeeze %dma_wait3A_460 : memref<1x100x48xf32, #tpu.memory_space<vmem>> -> memref<100x48xf32, #tpu.memory_space<vmem>>
        %dma_wait3A_462 = arith.constant 0 : i32
        %dma_wait3A_463 = tpu.memref_slice %arg9[%add3A_398, %dma_wait3A_462] : memref<100x100xi32, #tpu.memory_space<vmem>> -> memref<1x100xi32, #tpu.memory_space<vmem>>
        %dma_wait3A_464 = tpu.memref_squeeze %dma_wait3A_463 : memref<1x100xi32, #tpu.memory_space<vmem>> -> memref<100xi32, #tpu.memory_space<vmem>>
        %dma_wait3A_465 = arith.constant 0 : i32
        %dma_wait3A_466 = arith.constant 0 : i32
        %dma_wait3A_467 = tpu.memref_slice %arg13[%dma_wait3A_465, %dma_wait3A_466] : memref<10000x48xf32, #tpu.memory_space<vmem_shared>> -> memref<10000x48xf32, #tpu.memory_space<vmem_shared>>
        %dma_wait3A_468 = tpu.memref_slice %arg16[%dma_wait3A_457] : memref<4x!tpu.dma_semaphore, #tpu.memory_space<semaphore_mem>> -> memref<1x!tpu.dma_semaphore, #tpu.memory_space<semaphore_mem>>
        %dma_wait3A_469 = tpu.memref_squeeze %dma_wait3A_468 : memref<1x!tpu.dma_semaphore, #tpu.memory_space<semaphore_mem>> -> memref<!tpu.dma_semaphore, #tpu.memory_space<semaphore_mem>>
        tpu.wait_indirect_dma semaphore(%dma_wait3A_469 : memref<!tpu.dma_semaphore, #tpu.memory_space<semaphore_mem>>) src(%dma_wait3A_461 : memref<100x48xf32, #tpu.memory_space<vmem>>) dst(%dma_wait3A_467 : memref<10000x48xf32, #tpu.memory_space<vmem_shared>>)
      } else {
      }
      %parallel_loop3A_432 = arith.constant 0 : i32
      %parallel_loop3A_433 = arith.constant 100 : i32
      %parallel_loop3A_434 = arith.constant 1 : i32
      scf.for %parallel_loop3A_456 = %parallel_loop3A_432 to %parallel_loop3A_433 step %parallel_loop3A_434  : i32 {
        %parallel_loop3A_457 = arith.constant 3 : i32
        %parallel_loop3A_458 = arith.index_cast %parallel_loop3A_457 : i32 to index
        %parallel_loop3A_459 = arith.index_cast %parallel_loop3A_456 : i32 to index
        %parallel_loop3A_460 = arith.constant 0 : index
        %parallel_loop3A_461 = tpu.vector_load %arg11[%parallel_loop3A_458, %parallel_loop3A_459, %parallel_loop3A_460] {strides = array<i32>} : memref<4x100x16xf32, #tpu.memory_space<vmem>>, vector<16xf32>,
        %parallel_loop3A_462 = arith.constant 3 : i32
        %parallel_loop3A_463 = arith.index_cast %parallel_loop3A_462 : i32 to index
        %parallel_loop3A_464 = arith.index_cast %parallel_loop3A_456 : i32 to index
        %parallel_loop3A_465 = arith.constant 0 : index
        %parallel_loop3A_466 = tpu.vector_load %arg10[%parallel_loop3A_463, %parallel_loop3A_464, %parallel_loop3A_465] {strides = array<i32>} : memref<4x100x64xbf16, #tpu.memory_space<vmem>>, vector<32xbf16>,
        %parallel_loop3A_467 = tpu.unpack_subelements %parallel_loop3A_466, 0 {pack_format = #tpu.pack_format<interleaved>} : vector<32xbf16> -> vector<16xf32>
        %parallel_loop3A_468 = tpu.unpack_subelements %parallel_loop3A_466, 1 {pack_format = #tpu.pack_format<interleaved>} : vector<32xbf16> -> vector<16xf32>
        %parallel_loop3A_469 = arith.constant 3 : i32
        %parallel_loop3A_470 = arith.index_cast %parallel_loop3A_469 : i32 to index
        %parallel_loop3A_471 = arith.index_cast %parallel_loop3A_456 : i32 to index
        %parallel_loop3A_472 = arith.constant 32 : index
        %parallel_loop3A_473 = tpu.vector_load %arg10[%parallel_loop3A_470, %parallel_loop3A_471, %parallel_loop3A_472] {strides = array<i32>} : memref<4x100x64xbf16, #tpu.memory_space<vmem>>, vector<32xbf16>,
        %parallel_loop3A_474 = tpu.unpack_subelements %parallel_loop3A_473, 0 {pack_format = #tpu.pack_format<interleaved>} : vector<32xbf16> -> vector<16xf32>
        %parallel_loop3A_475 = tpu.unpack_subelements %parallel_loop3A_473, 1 {pack_format = #tpu.pack_format<interleaved>} : vector<32xbf16> -> vector<16xf32>
        %parallel_loop3A_476 = vector.shape_cast %broadcast_in_dim3A_9 : vector<16xi32> to vector<16x1xi32>
        %parallel_loop3A_477 = vector.shape_cast %parallel_loop3A_476 : vector<16x1xi32> to vector<16xi32>
        %parallel_loop3A_478 = tpu.dynamic_gather %parallel_loop3A_474[%parallel_loop3A_477] in [0] : vector<16xf32>, vector<16xi32> -> vector<16xf32>
        %parallel_loop3A_479 = vector.shape_cast %broadcast_in_dim3A_11 : vector<16xi32> to vector<16x1xi32>
        %parallel_loop3A_480 = vector.shape_cast %parallel_loop3A_479 : vector<16x1xi32> to vector<16xi32>
        %parallel_loop3A_481 = tpu.dynamic_gather %parallel_loop3A_461[%parallel_loop3A_480] in [0] : vector<16xf32>, vector<16xi32> -> vector<16xf32>
        %parallel_loop3A_482 = arith.addf %parallel_loop3A_478, %parallel_loop3A_481 : vector<16xf32>
        %parallel_loop3A_483 = arith.constant 0.000000e+00 : f32
        %parallel_loop3A_484 = vector.broadcast %parallel_loop3A_483 : f32 to vector<16xf32>
        %parallel_loop3A_485 = arith.cmpf oge, %parallel_loop3A_482, %parallel_loop3A_484 : vector<16xf32>
        %parallel_loop3A_486 = arith.constant 2.000000e-01 : f32
        %parallel_loop3A_487 = vector.broadcast %parallel_loop3A_486 : f32 to vector<16xf32>
        %parallel_loop3A_488 = arith.mulf %parallel_loop3A_487, %parallel_loop3A_482 : vector<16xf32>
        %parallel_loop3A_489 = arith.select %parallel_loop3A_485, %parallel_loop3A_482, %parallel_loop3A_488 : vector<16xi1>, vector<16xf32>
        %parallel_loop3A_490 = math.exp %parallel_loop3A_489 : vector<16xf32>
        %parallel_loop3A_491 = arith.mulf %parallel_loop3A_467, %parallel_loop3A_490 : vector<16xf32>
        %parallel_loop3A_492 = arith.constant 3 : i32
        %parallel_loop3A_493 = arith.index_cast %parallel_loop3A_492 : i32 to index
        %parallel_loop3A_494 = arith.index_cast %parallel_loop3A_456 : i32 to index
        %parallel_loop3A_495 = arith.constant 0 : index
        %parallel_loop3A_496 = tpu.vector_load %arg12[%parallel_loop3A_493, %parallel_loop3A_494, %parallel_loop3A_495] {strides = array<i32>} : memref<4x100x48xf32, #tpu.memory_space<vmem>>, vector<16xf32>,
        tpu.vector_store %arg12[%parallel_loop3A_493, %parallel_loop3A_494, %parallel_loop3A_495], %parallel_loop3A_491 {strides = array<i32>} : memref<4x100x48xf32, #tpu.memory_space<vmem>>, vector<16xf32>,
        %parallel_loop3A_497 = arith.mulf %parallel_loop3A_468, %parallel_loop3A_490 : vector<16xf32>
        %parallel_loop3A_498 = arith.constant 3 : i32
        %parallel_loop3A_499 = arith.index_cast %parallel_loop3A_498 : i32 to index
        %parallel_loop3A_500 = arith.index_cast %parallel_loop3A_456 : i32 to index
        %parallel_loop3A_501 = arith.constant 16 : index
        %parallel_loop3A_502 = tpu.vector_load %arg12[%parallel_loop3A_499, %parallel_loop3A_500, %parallel_loop3A_501] {strides = array<i32>} : memref<4x100x48xf32, #tpu.memory_space<vmem>>, vector<16xf32>,
        tpu.vector_store %arg12[%parallel_loop3A_499, %parallel_loop3A_500, %parallel_loop3A_501], %parallel_loop3A_497 {strides = array<i32>} : memref<4x100x48xf32, #tpu.memory_space<vmem>>, vector<16xf32>,
        %parallel_loop3A_503 = arith.constant 8 : i32
        %parallel_loop3A_504 = vector.broadcast %parallel_loop3A_503 : i32 to vector<16xi32>
        %parallel_loop3A_505 = arith.cmpi slt, %iota3A, %parallel_loop3A_504 : vector<16xi32>
        %parallel_loop3A_506 = arith.mulf %parallel_loop3A_474, %parallel_loop3A_490 : vector<16xf32>
        %parallel_loop3A_507 = arith.constant 8 : i32
        %parallel_loop3A_508 = vector.broadcast %parallel_loop3A_507 : i32 to vector<16xi32>
        %parallel_loop3A_509 = arith.cmpi eq, %iota3A, %parallel_loop3A_508 : vector<16xi32>
        %parallel_loop3A_510 = arith.select %parallel_loop3A_509, %parallel_loop3A_490, %broadcast_in_dim3A_7 : vector<16xi1>, vector<16xf32>
        %parallel_loop3A_511 = arith.select %parallel_loop3A_505, %parallel_loop3A_506, %parallel_loop3A_510 : vector<16xi1>, vector<16xf32>
        %parallel_loop3A_512 = arith.constant 3 : i32
        %parallel_loop3A_513 = arith.index_cast %parallel_loop3A_512 : i32 to index
        %parallel_loop3A_514 = arith.index_cast %parallel_loop3A_456 : i32 to index
        %parallel_loop3A_515 = arith.constant 32 : index
        %parallel_loop3A_516 = tpu.vector_load %arg12[%parallel_loop3A_513, %parallel_loop3A_514, %parallel_loop3A_515] {strides = array<i32>} : memref<4x100x48xf32, #tpu.memory_space<vmem>>, vector<16xf32>,
        tpu.vector_store %arg12[%parallel_loop3A_513, %parallel_loop3A_514, %parallel_loop3A_515], %parallel_loop3A_511 {strides = array<i32>} : memref<4x100x48xf32, #tpu.memory_space<vmem>>, vector<16xf32>,
      } {sc.loop_unroll_factor = 4 : i64, sc.parallel_access}
      %dma_start3A_435 = arith.constant 3 : i32
      %dma_start3A_436 = arith.constant 3 : i32
      %dma_start3A_437 = arith.constant 0 : i32
      %dma_start3A_438 = arith.constant 0 : i32
      %dma_start3A_439 = tpu.memref_slice %arg12[%dma_start3A_435, %dma_start3A_437, %dma_start3A_438] : memref<4x100x48xf32, #tpu.memory_space<vmem>> -> memref<1x100x48xf32, #tpu.memory_space<vmem>>
      %dma_start3A_440 = tpu.memref_squeeze %dma_start3A_439 : memref<1x100x48xf32, #tpu.memory_space<vmem>> -> memref<100x48xf32, #tpu.memory_space<vmem>>
      %dma_start3A_441 = arith.constant 0 : i32
      %dma_start3A_442 = tpu.memref_slice %arg9[%add3A_398, %dma_start3A_441] : memref<100x100xi32, #tpu.memory_space<vmem>> -> memref<1x100xi32, #tpu.memory_space<vmem>>
      %dma_start3A_443 = tpu.memref_squeeze %dma_start3A_442 : memref<1x100xi32, #tpu.memory_space<vmem>> -> memref<100xi32, #tpu.memory_space<vmem>>
      %dma_start3A_444 = arith.constant 0 : i32
      %dma_start3A_445 = arith.constant 0 : i32
      %dma_start3A_446 = tpu.memref_slice %arg13[%dma_start3A_444, %dma_start3A_445] : memref<10000x48xf32, #tpu.memory_space<vmem_shared>> -> memref<10000x48xf32, #tpu.memory_space<vmem_shared>>
      %dma_start3A_447 = tpu.memref_slice %arg16[%dma_start3A_436] : memref<4x!tpu.dma_semaphore, #tpu.memory_space<semaphore_mem>> -> memref<1x!tpu.dma_semaphore, #tpu.memory_space<semaphore_mem>>
      %dma_start3A_448 = tpu.memref_squeeze %dma_start3A_447 : memref<1x!tpu.dma_semaphore, #tpu.memory_space<semaphore_mem>> -> memref<!tpu.dma_semaphore, #tpu.memory_space<semaphore_mem>>
      tpu.enqueue_indirect_dma source(%dma_start3A_440 : memref<100x48xf32, #tpu.memory_space<vmem>>) target(%dma_start3A_446 : memref<10000x48xf32, #tpu.memory_space<vmem_shared>>) offsets(%dma_start3A_443 : memref<100xi32, #tpu.memory_space<vmem>>) semaphore(%dma_start3A_448 : memref<!tpu.dma_semaphore, #tpu.memory_space<semaphore_mem>>) {add = true}
      %add3A_449 = arith.constant 4 : i32
      %add3A_450 = arith.addi %add3A_398, %add3A_449 : i32
      %lt3A_451 = arith.constant 100 : i32
      %lt3A_452 = arith.cmpi slt, %add3A_450, %lt3A_451 : i32
      %convert_element_type3A_453 = arith.extui %lt3A_452 : i1 to i32
      %cond3A_454 = arith.constant 0 : i32
      %cond3A_455 = arith.cmpi ne, %convert_element_type3A_453, %cond3A_454 : i32
      scf.if %cond3A_455 {
        %add3A_456 = arith.constant 4 : i32
        %add3A_457 = arith.addi %add3A_398, %add3A_456 : i32
        %dma_start3A_458 = arith.constant 3 : i32
        %dma_start3A_459 = arith.constant 3 : i32
        %dma_start3A_460 = arith.constant 0 : i32
        %dma_start3A_461 = arith.constant 0 : i32
        %dma_start3A_462 = tpu.memref_slice %arg10[%dma_start3A_458, %dma_start3A_460, %dma_start3A_461] : memref<4x100x64xbf16, #tpu.memory_space<vmem>> -> memref<1x100x64xbf16, #tpu.memory_space<vmem>>
        %dma_start3A_463 = tpu.memref_squeeze %dma_start3A_462 : memref<1x100x64xbf16, #tpu.memory_space<vmem>> -> memref<100x64xbf16, #tpu.memory_space<vmem>>
        %dma_start3A_464 = arith.constant 0 : i32
        %dma_start3A_465 = tpu.memref_slice %arg8[%add3A_457, %dma_start3A_464] : memref<100x100xi32, #tpu.memory_space<vmem>> -> memref<1x100xi32, #tpu.memory_space<vmem>>
        %dma_start3A_466 = tpu.memref_squeeze %dma_start3A_465 : memref<1x100xi32, #tpu.memory_space<vmem>> -> memref<100xi32, #tpu.memory_space<vmem>>
        %dma_start3A_467 = arith.constant 0 : i32
        %dma_start3A_468 = arith.constant 0 : i32
        %dma_start3A_469 = tpu.memref_slice %arg2[%dma_start3A_467, %dma_start3A_468] : memref<10000x64xbf16, #tpu.memory_space<hbm>> -> memref<10000x64xbf16, #tpu.memory_space<hbm>>
        %dma_start3A_470 = tpu.memref_slice %arg14[%dma_start3A_459] : memref<4x!tpu.dma_semaphore, #tpu.memory_space<semaphore_mem>> -> memref<1x!tpu.dma_semaphore, #tpu.memory_space<semaphore_mem>>
        %dma_start3A_471 = tpu.memref_squeeze %dma_start3A_470 : memref<1x!tpu.dma_semaphore, #tpu.memory_space<semaphore_mem>> -> memref<!tpu.dma_semaphore, #tpu.memory_space<semaphore_mem>>
        tpu.enqueue_indirect_dma source(%dma_start3A_469 : memref<10000x64xbf16, #tpu.memory_space<hbm>>) target(%dma_start3A_463 : memref<100x64xbf16, #tpu.memory_space<vmem>>) offsets(%dma_start3A_466 : memref<100xi32, #tpu.memory_space<vmem>>) semaphore(%dma_start3A_471 : memref<!tpu.dma_semaphore, #tpu.memory_space<semaphore_mem>>)
        %dma_start3A_472 = arith.constant 3 : i32
        %dma_start3A_473 = arith.constant 3 : i32
        %dma_start3A_474 = arith.constant 0 : i32
        %dma_start3A_475 = arith.constant 0 : i32
        %dma_start3A_476 = tpu.memref_slice %arg11[%dma_start3A_472, %dma_start3A_474, %dma_start3A_475] : memref<4x100x16xf32, #tpu.memory_space<vmem>> -> memref<1x100x16xf32, #tpu.memory_space<vmem>>
        %dma_start3A_477 = tpu.memref_squeeze %dma_start3A_476 : memref<1x100x16xf32, #tpu.memory_space<vmem>> -> memref<100x16xf32, #tpu.memory_space<vmem>>
        %dma_start3A_478 = arith.constant 0 : i32
        %dma_start3A_479 = tpu.memref_slice %arg9[%add3A_457, %dma_start3A_478] : memref<100x100xi32, #tpu.memory_space<vmem>> -> memref<1x100xi32, #tpu.memory_space<vmem>>
        %dma_start3A_480 = tpu.memref_squeeze %dma_start3A_479 : memref<1x100xi32, #tpu.memory_space<vmem>> -> memref<100xi32, #tpu.memory_space<vmem>>
        %dma_start3A_481 = arith.constant 0 : i32
        %dma_start3A_482 = arith.constant 0 : i32
        %dma_start3A_483 = tpu.memref_slice %arg3[%dma_start3A_481, %dma_start3A_482] : memref<10000x16xf32, #tpu.memory_space<hbm>> -> memref<10000x16xf32, #tpu.memory_space<hbm>>
        %dma_start3A_484 = tpu.memref_slice %arg15[%dma_start3A_473] : memref<4x!tpu.dma_semaphore, #tpu.memory_space<semaphore_mem>> -> memref<1x!tpu.dma_semaphore, #tpu.memory_space<semaphore_mem>>
        %dma_start3A_485 = tpu.memref_squeeze %dma_start3A_484 : memref<1x!tpu.dma_semaphore, #tpu.memory_space<semaphore_mem>> -> memref<!tpu.dma_semaphore, #tpu.memory_space<semaphore_mem>>
        tpu.enqueue_indirect_dma source(%dma_start3A_483 : memref<10000x16xf32, #tpu.memory_space<hbm>>) target(%dma_start3A_477 : memref<100x16xf32, #tpu.memory_space<vmem>>) offsets(%dma_start3A_480 : memref<100xi32, #tpu.memory_space<vmem>>) semaphore(%dma_start3A_485 : memref<!tpu.dma_semaphore, #tpu.memory_space<semaphore_mem>>)
      } else {
      }
    }
    %scan3A_134 = arith.constant 25 : i32
    %dma_wait3A = arith.constant 0 : i32
    %dma_wait3A_135 = arith.constant 0 : i32
    %dma_wait3A_136 = arith.constant 0 : i32
    %dma_wait3A_137 = arith.constant 0 : i32
    %dma_wait3A_138 = tpu.memref_slice %arg12[%dma_wait3A, %dma_wait3A_136, %dma_wait3A_137] : memref<4x100x48xf32, #tpu.memory_space<vmem>> -> memref<1x100x48xf32, #tpu.memory_space<vmem>>
    %dma_wait3A_139 = tpu.memref_squeeze %dma_wait3A_138 : memref<1x100x48xf32, #tpu.memory_space<vmem>> -> memref<100x48xf32, #tpu.memory_space<vmem>>
    %dma_wait3A_140 = arith.constant 0 : i32
    %dma_wait3A_141 = arith.constant 0 : i32
    %dma_wait3A_142 = tpu.memref_slice %arg13[%dma_wait3A_140, %dma_wait3A_141] : memref<10000x48xf32, #tpu.memory_space<vmem_shared>> -> memref<100x48xf32, #tpu.memory_space<vmem_shared>>
    %dma_wait3A_143 = tpu.memref_slice %arg16[%dma_wait3A_135] : memref<4x!tpu.dma_semaphore, #tpu.memory_space<semaphore_mem>> -> memref<1x!tpu.dma_semaphore, #tpu.memory_space<semaphore_mem>>
    %dma_wait3A_144 = tpu.memref_squeeze %dma_wait3A_143 : memref<1x!tpu.dma_semaphore, #tpu.memory_space<semaphore_mem>> -> memref<!tpu.dma_semaphore, #tpu.memory_space<semaphore_mem>>
    %dma_wait3A_145 = arith.constant 0 : i32
    %dma_wait3A_146 = arith.constant 0 : i32
    %dma_wait3A_147 = tpu.memref_slice %arg13[%dma_wait3A_145, %dma_wait3A_146] : memref<10000x48xf32, #tpu.memory_space<vmem_shared>> -> memref<100x48xf32, #tpu.memory_space<vmem_shared>>
    %dma_wait3A_148 = arith.constant 0 : i32
    %dma_wait3A_149 = arith.constant 0 : i32
    %dma_wait3A_150 = tpu.memref_slice %arg12[%dma_wait3A, %dma_wait3A_148, %dma_wait3A_149] : memref<4x100x48xf32, #tpu.memory_space<vmem>> -> memref<1x100x48xf32, #tpu.memory_space<vmem>>
    %dma_wait3A_151 = tpu.memref_squeeze %dma_wait3A_150 : memref<1x100x48xf32, #tpu.memory_space<vmem>> -> memref<100x48xf32, #tpu.memory_space<vmem>>
    tpu.wait_dma2 semaphore(%dma_wait3A_144 : memref<!tpu.dma_semaphore, #tpu.memory_space<semaphore_mem>>) src(%dma_wait3A_151 : memref<100x48xf32, #tpu.memory_space<vmem>>) dst(%dma_wait3A_147 : memref<100x48xf32, #tpu.memory_space<vmem_shared>>)
    %dma_wait3A_152 = arith.constant 1 : i32
    %dma_wait3A_153 = arith.constant 1 : i32
    %dma_wait3A_154 = arith.constant 0 : i32
    %dma_wait3A_155 = arith.constant 0 : i32
    %dma_wait3A_156 = tpu.memref_slice %arg12[%dma_wait3A_152, %dma_wait3A_154, %dma_wait3A_155] : memref<4x100x48xf32, #tpu.memory_space<vmem>> -> memref<1x100x48xf32, #tpu.memory_space<vmem>>
    %dma_wait3A_157 = tpu.memref_squeeze %dma_wait3A_156 : memref<1x100x48xf32, #tpu.memory_space<vmem>> -> memref<100x48xf32, #tpu.memory_space<vmem>>
    %dma_wait3A_158 = arith.constant 0 : i32
    %dma_wait3A_159 = arith.constant 0 : i32
    %dma_wait3A_160 = tpu.memref_slice %arg13[%dma_wait3A_158, %dma_wait3A_159] : memref<10000x48xf32, #tpu.memory_space<vmem_shared>> -> memref<100x48xf32, #tpu.memory_space<vmem_shared>>
    %dma_wait3A_161 = tpu.memref_slice %arg16[%dma_wait3A_153] : memref<4x!tpu.dma_semaphore, #tpu.memory_space<semaphore_mem>> -> memref<1x!tpu.dma_semaphore, #tpu.memory_space<semaphore_mem>>
    %dma_wait3A_162 = tpu.memref_squeeze %dma_wait3A_161 : memref<1x!tpu.dma_semaphore, #tpu.memory_space<semaphore_mem>> -> memref<!tpu.dma_semaphore, #tpu.memory_space<semaphore_mem>>
    %dma_wait3A_163 = arith.constant 0 : i32
    %dma_wait3A_164 = arith.constant 0 : i32
    %dma_wait3A_165 = tpu.memref_slice %arg13[%dma_wait3A_163, %dma_wait3A_164] : memref<10000x48xf32, #tpu.memory_space<vmem_shared>> -> memref<100x48xf32, #tpu.memory_space<vmem_shared>>
    %dma_wait3A_166 = arith.constant 0 : i32
    %dma_wait3A_167 = arith.constant 0 : i32
    %dma_wait3A_168 = tpu.memref_slice %arg12[%dma_wait3A_152, %dma_wait3A_166, %dma_wait3A_167] : memref<4x100x48xf32, #tpu.memory_space<vmem>> -> memref<1x100x48xf32, #tpu.memory_space<vmem>>
    %dma_wait3A_169 = tpu.memref_squeeze %dma_wait3A_168 : memref<1x100x48xf32, #tpu.memory_space<vmem>> -> memref<100x48xf32, #tpu.memory_space<vmem>>
    tpu.wait_dma2 semaphore(%dma_wait3A_162 : memref<!tpu.dma_semaphore, #tpu.memory_space<semaphore_mem>>) src(%dma_wait3A_169 : memref<100x48xf32, #tpu.memory_space<vmem>>) dst(%dma_wait3A_165 : memref<100x48xf32, #tpu.memory_space<vmem_shared>>)
    %dma_wait3A_170 = arith.constant 2 : i32
    %dma_wait3A_171 = arith.constant 2 : i32
    %dma_wait3A_172 = arith.constant 0 : i32
    %dma_wait3A_173 = arith.constant 0 : i32
    %dma_wait3A_174 = tpu.memref_slice %arg12[%dma_wait3A_170, %dma_wait3A_172, %dma_wait3A_173] : memref<4x100x48xf32, #tpu.memory_space<vmem>> -> memref<1x100x48xf32, #tpu.memory_space<vmem>>
    %dma_wait3A_175 = tpu.memref_squeeze %dma_wait3A_174 : memref<1x100x48xf32, #tpu.memory_space<vmem>> -> memref<100x48xf32, #tpu.memory_space<vmem>>
    %dma_wait3A_176 = arith.constant 0 : i32
    %dma_wait3A_177 = arith.constant 0 : i32
    %dma_wait3A_178 = tpu.memref_slice %arg13[%dma_wait3A_176, %dma_wait3A_177] : memref<10000x48xf32, #tpu.memory_space<vmem_shared>> -> memref<100x48xf32, #tpu.memory_space<vmem_shared>>
    %dma_wait3A_179 = tpu.memref_slice %arg16[%dma_wait3A_171] : memref<4x!tpu.dma_semaphore, #tpu.memory_space<semaphore_mem>> -> memref<1x!tpu.dma_semaphore, #tpu.memory_space<semaphore_mem>>
    %dma_wait3A_180 = tpu.memref_squeeze %dma_wait3A_179 : memref<1x!tpu.dma_semaphore, #tpu.memory_space<semaphore_mem>> -> memref<!tpu.dma_semaphore, #tpu.memory_space<semaphore_mem>>
    %dma_wait3A_181 = arith.constant 0 : i32
    %dma_wait3A_182 = arith.constant 0 : i32
    %dma_wait3A_183 = tpu.memref_slice %arg13[%dma_wait3A_181, %dma_wait3A_182] : memref<10000x48xf32, #tpu.memory_space<vmem_shared>> -> memref<100x48xf32, #tpu.memory_space<vmem_shared>>
    %dma_wait3A_184 = arith.constant 0 : i32
    %dma_wait3A_185 = arith.constant 0 : i32
    %dma_wait3A_186 = tpu.memref_slice %arg12[%dma_wait3A_170, %dma_wait3A_184, %dma_wait3A_185] : memref<4x100x48xf32, #tpu.memory_space<vmem>> -> memref<1x100x48xf32, #tpu.memory_space<vmem>>
    %dma_wait3A_187 = tpu.memref_squeeze %dma_wait3A_186 : memref<1x100x48xf32, #tpu.memory_space<vmem>> -> memref<100x48xf32, #tpu.memory_space<vmem>>
    tpu.wait_dma2 semaphore(%dma_wait3A_180 : memref<!tpu.dma_semaphore, #tpu.memory_space<semaphore_mem>>) src(%dma_wait3A_187 : memref<100x48xf32, #tpu.memory_space<vmem>>) dst(%dma_wait3A_183 : memref<100x48xf32, #tpu.memory_space<vmem_shared>>)
    %dma_wait3A_188 = arith.constant 3 : i32
    %dma_wait3A_189 = arith.constant 3 : i32
    %dma_wait3A_190 = arith.constant 0 : i32
    %dma_wait3A_191 = arith.constant 0 : i32
    %dma_wait3A_192 = tpu.memref_slice %arg12[%dma_wait3A_188, %dma_wait3A_190, %dma_wait3A_191] : memref<4x100x48xf32, #tpu.memory_space<vmem>> -> memref<1x100x48xf32, #tpu.memory_space<vmem>>
    %dma_wait3A_193 = tpu.memref_squeeze %dma_wait3A_192 : memref<1x100x48xf32, #tpu.memory_space<vmem>> -> memref<100x48xf32, #tpu.memory_space<vmem>>
    %dma_wait3A_194 = arith.constant 0 : i32
    %dma_wait3A_195 = arith.constant 0 : i32
    %dma_wait3A_196 = tpu.memref_slice %arg13[%dma_wait3A_194, %dma_wait3A_195] : memref<10000x48xf32, #tpu.memory_space<vmem_shared>> -> memref<100x48xf32, #tpu.memory_space<vmem_shared>>
    %dma_wait3A_197 = tpu.memref_slice %arg16[%dma_wait3A_189] : memref<4x!tpu.dma_semaphore, #tpu.memory_space<semaphore_mem>> -> memref<1x!tpu.dma_semaphore, #tpu.memory_space<semaphore_mem>>
    %dma_wait3A_198 = tpu.memref_squeeze %dma_wait3A_197 : memref<1x!tpu.dma_semaphore, #tpu.memory_space<semaphore_mem>> -> memref<!tpu.dma_semaphore, #tpu.memory_space<semaphore_mem>>
    %dma_wait3A_199 = arith.constant 0 : i32
    %dma_wait3A_200 = arith.constant 0 : i32
    %dma_wait3A_201 = tpu.memref_slice %arg13[%dma_wait3A_199, %dma_wait3A_200] : memref<10000x48xf32, #tpu.memory_space<vmem_shared>> -> memref<100x48xf32, #tpu.memory_space<vmem_shared>>
    %dma_wait3A_202 = arith.constant 0 : i32
    %dma_wait3A_203 = arith.constant 0 : i32
    %dma_wait3A_204 = tpu.memref_slice %arg12[%dma_wait3A_188, %dma_wait3A_202, %dma_wait3A_203] : memref<4x100x48xf32, #tpu.memory_space<vmem>> -> memref<1x100x48xf32, #tpu.memory_space<vmem>>
    %dma_wait3A_205 = tpu.memref_squeeze %dma_wait3A_204 : memref<1x100x48xf32, #tpu.memory_space<vmem>> -> memref<100x48xf32, #tpu.memory_space<vmem>>
    tpu.wait_dma2 semaphore(%dma_wait3A_198 : memref<!tpu.dma_semaphore, #tpu.memory_space<semaphore_mem>>) src(%dma_wait3A_205 : memref<100x48xf32, #tpu.memory_space<vmem>>) dst(%dma_wait3A_201 : memref<100x48xf32, #tpu.memory_space<vmem_shared>>)
    %barrier3A_206 = arith.constant 0 : index
    tpu.barrier barrier_id(%barrier3A_206)
    %lt3A_207 = arith.constant 15 : i32
    %lt3A_208 = arith.cmpi slt, %arg1, %lt3A_207 : i32
    %convert_element_type3A_209 = arith.extui %lt3A_208 : i1 to i32
    %cond3A_210 = arith.constant 0 : i32
    %cond3A_211 = arith.cmpi ne, %convert_element_type3A_209, %cond3A_210 : i32
    scf.if %cond3A_211 {
      %mul3A_217 = arith.constant 624 : i32
      %mul3A_218 = arith.muli %arg1, %mul3A_217 : i32
      %multiple_of3A = tpu.assume_multiple %mul3A_218, 8 : i32
      "tpu.region"() ({
        %run_scoped3A = tpu.sem_alloc : memref<!tpu.dma_semaphore, #tpu.memory_space<semaphore_mem>>
        %dma_start3A_219 = arith.constant 0 : i32
        %dma_start3A_220 = arith.constant 0 : i32
        %dma_start3A_221 = tpu.memref_slice %arg7[%arg0, %dma_start3A_219, %dma_start3A_220] : memref<2x10000x48xf32, #tpu.memory_space<hbm>> -> memref<1x10000x48xf32, #tpu.memory_space<hbm>>
        %dma_start3A_222 = tpu.memref_squeeze %dma_start3A_221 : memref<1x10000x48xf32, #tpu.memory_space<hbm>> -> memref<10000x48xf32, #tpu.memory_space<hbm>>
        %dma_start3A_223 = arith.constant 0 : i32
        %dma_start3A_224 = tpu.memref_slice %dma_start3A_222[%multiple_of3A, %dma_start3A_223] : memref<10000x48xf32, #tpu.memory_space<hbm>> -> memref<624x48xf32, #tpu.memory_space<hbm>>
        %dma_start3A_225 = arith.constant 0 : i32
        %dma_start3A_226 = tpu.memref_slice %arg13[%multiple_of3A, %dma_start3A_225] : memref<10000x48xf32, #tpu.memory_space<vmem_shared>> -> memref<624x48xf32, #tpu.memory_space<vmem_shared>>
        tpu.enqueue_dma source(%dma_start3A_226 : memref<624x48xf32, #tpu.memory_space<vmem_shared>>) target(%dma_start3A_224 : memref<624x48xf32, #tpu.memory_space<hbm>>) target_semaphore(%run_scoped3A : memref<!tpu.dma_semaphore, #tpu.memory_space<semaphore_mem>>)
        %dma_wait3A_227 = arith.constant 0 : i32
        %dma_wait3A_228 = arith.constant 0 : i32
        %dma_wait3A_229 = tpu.memref_slice %arg7[%arg0, %dma_wait3A_227, %dma_wait3A_228] : memref<2x10000x48xf32, #tpu.memory_space<hbm>> -> memref<1x10000x48xf32, #tpu.memory_space<hbm>>
        %dma_wait3A_230 = tpu.memref_squeeze %dma_wait3A_229 : memref<1x10000x48xf32, #tpu.memory_space<hbm>> -> memref<10000x48xf32, #tpu.memory_space<hbm>>
        %dma_wait3A_231 = arith.constant 0 : i32
        %dma_wait3A_232 = tpu.memref_slice %dma_wait3A_230[%multiple_of3A, %dma_wait3A_231] : memref<10000x48xf32, #tpu.memory_space<hbm>> -> memref<624x48xf32, #tpu.memory_space<hbm>>
        %dma_wait3A_233 = arith.constant 0 : i32
        %dma_wait3A_234 = tpu.memref_slice %arg13[%multiple_of3A, %dma_wait3A_233] : memref<10000x48xf32, #tpu.memory_space<vmem_shared>> -> memref<624x48xf32, #tpu.memory_space<vmem_shared>>
        tpu.wait_dma2 semaphore(%run_scoped3A : memref<!tpu.dma_semaphore, #tpu.memory_space<semaphore_mem>>) src(%dma_wait3A_234 : memref<624x48xf32, #tpu.memory_space<vmem_shared>>) dst(%dma_wait3A_232 : memref<624x48xf32, #tpu.memory_space<hbm>>)
        tpu.yield
      }) : () -> ()
    } else {
    }
    %eq3A_212 = arith.constant 15 : i32
    %eq3A_213 = arith.cmpi eq, %arg1, %eq3A_212 : i32
    %convert_element_type3A_214 = arith.extui %eq3A_213 : i1 to i32
    %cond3A_215 = arith.constant 0 : i32
    %cond3A_216 = arith.cmpi ne, %convert_element_type3A_214, %cond3A_215 : i32
    scf.if %cond3A_216 {
      "tpu.region"() ({
        %run_scoped3A = tpu.sem_alloc : memref<!tpu.dma_semaphore, #tpu.memory_space<semaphore_mem>>
        %dma_start3A_217 = arith.constant 0 : i32
        %dma_start3A_218 = arith.constant 0 : i32
        %dma_start3A_219 = tpu.memref_slice %arg7[%arg0, %dma_start3A_217, %dma_start3A_218] : memref<2x10000x48xf32, #tpu.memory_space<hbm>> -> memref<1x10000x48xf32, #tpu.memory_space<hbm>>
        %dma_start3A_220 = tpu.memref_squeeze %dma_start3A_219 : memref<1x10000x48xf32, #tpu.memory_space<hbm>> -> memref<10000x48xf32, #tpu.memory_space<hbm>>
        %dma_start3A_221 = arith.constant 9360 : i32
        %dma_start3A_222 = arith.constant 0 : i32
        %dma_start3A_223 = tpu.memref_slice %dma_start3A_220[%dma_start3A_221, %dma_start3A_222] : memref<10000x48xf32, #tpu.memory_space<hbm>> -> memref<640x48xf32, #tpu.memory_space<hbm>>
        %dma_start3A_224 = arith.constant 9360 : i32
        %dma_start3A_225 = arith.constant 0 : i32
        %dma_start3A_226 = tpu.memref_slice %arg13[%dma_start3A_224, %dma_start3A_225] : memref<10000x48xf32, #tpu.memory_space<vmem_shared>> -> memref<640x48xf32, #tpu.memory_space<vmem_shared>>
        tpu.enqueue_dma source(%dma_start3A_226 : memref<640x48xf32, #tpu.memory_space<vmem_shared>>) target(%dma_start3A_223 : memref<640x48xf32, #tpu.memory_space<hbm>>) target_semaphore(%run_scoped3A : memref<!tpu.dma_semaphore, #tpu.memory_space<semaphore_mem>>)
        %dma_wait3A_227 = arith.constant 0 : i32
        %dma_wait3A_228 = arith.constant 0 : i32
        %dma_wait3A_229 = tpu.memref_slice %arg7[%arg0, %dma_wait3A_227, %dma_wait3A_228] : memref<2x10000x48xf32, #tpu.memory_space<hbm>> -> memref<1x10000x48xf32, #tpu.memory_space<hbm>>
        %dma_wait3A_230 = tpu.memref_squeeze %dma_wait3A_229 : memref<1x10000x48xf32, #tpu.memory_space<hbm>> -> memref<10000x48xf32, #tpu.memory_space<hbm>>
        %dma_wait3A_231 = arith.constant 9360 : i32
        %dma_wait3A_232 = arith.constant 0 : i32
        %dma_wait3A_233 = tpu.memref_slice %dma_wait3A_230[%dma_wait3A_231, %dma_wait3A_232] : memref<10000x48xf32, #tpu.memory_space<hbm>> -> memref<640x48xf32, #tpu.memory_space<hbm>>
        %dma_wait3A_234 = arith.constant 9360 : i32
        %dma_wait3A_235 = arith.constant 0 : i32
        %dma_wait3A_236 = tpu.memref_slice %arg13[%dma_wait3A_234, %dma_wait3A_235] : memref<10000x48xf32, #tpu.memory_space<vmem_shared>> -> memref<640x48xf32, #tpu.memory_space<vmem_shared>>
        tpu.wait_dma2 semaphore(%run_scoped3A : memref<!tpu.dma_semaphore, #tpu.memory_space<semaphore_mem>>) src(%dma_wait3A_236 : memref<640x48xf32, #tpu.memory_space<vmem_shared>>) dst(%dma_wait3A_233 : memref<640x48xf32, #tpu.memory_space<hbm>>)
        tpu.yield
      }) : () -> ()
    } else {
    }
    return
  }
}

#map = affine_map<(d0, d1) -> (0, 0)>
#map1 = affine_map<(d0, d1) -> (0, 0, 0)>
module attributes {stable_mosaic.version = 14 : i64} {
  func.func @_sc_layer1_body(%arg0: i32, %arg1: i32, %arg2: memref<10000x96xbf16, #tpu.memory_space<hbm>>, %arg3: memref<10000x16xf32, #tpu.memory_space<hbm>>, %arg4: memref<32x100x100xi32, #tpu.memory_space<hbm>>, %arg5: memref<32x100x100xi32, #tpu.memory_space<hbm>>, %arg6: memref<10000x72xf32, #tpu.memory_space<hbm>>, %arg7: memref<2x10000x72xf32, #tpu.memory_space<hbm>>, %arg8: memref<100x100xi32, #tpu.memory_space<vmem>>, %arg9: memref<100x100xi32, #tpu.memory_space<vmem>>, %arg10: memref<4x100x96xbf16, #tpu.memory_space<vmem>>, %arg11: memref<4x100x16xf32, #tpu.memory_space<vmem>>, %arg12: memref<4x100x72xf32, #tpu.memory_space<vmem>>, %arg13: memref<10000x72xf32, #tpu.memory_space<vmem_shared>>, %arg14: memref<4x!tpu.dma_semaphore, #tpu.memory_space<semaphore_mem>>, %arg15: memref<4x!tpu.dma_semaphore, #tpu.memory_space<semaphore_mem>>, %arg16: memref<4x!tpu.dma_semaphore, #tpu.memory_space<semaphore_mem>>) attributes {dimension_semantics = [#tpu.dimension_semantics<core_parallel>, #tpu.dimension_semantics<subcore_parallel>], iteration_bounds = array<i64: 2, 16>, scalar_prefetch = 0 : i64, scratch_operands = 9 : i64, tpu.core_type = #tpu.core_type<sc_vector_subcore>, window_params = [{transform_indices = #map}, {transform_indices = #map}, {transform_indices = #map1}, {transform_indices = #map1}, {transform_indices = #map}, {transform_indices = #map1}]} {
    %mul3A = arith.constant 16 : i32
    %mul3A_0 = arith.muli %arg0, %mul3A : i32
    %add3A = arith.addi %mul3A_0, %arg1 : i32
    %lt3A = arith.constant 15 : i32
    %lt3A_1 = arith.cmpi slt, %arg1, %lt3A : i32
    %convert_element_type3A = arith.extui %lt3A_1 : i1 to i32
    %cond3A = arith.constant 0 : i32
    %cond3A_2 = arith.cmpi ne, %convert_element_type3A, %cond3A : i32
    scf.if %cond3A_2 {
      %mul3A_226 = arith.constant 624 : i32
      %mul3A_227 = arith.muli %arg1, %mul3A_226 : i32
      %multiple_of3A = tpu.assume_multiple %mul3A_227, 8 : i32
      "tpu.region"() ({
        %run_scoped3A = tpu.sem_alloc : memref<!tpu.dma_semaphore, #tpu.memory_space<semaphore_mem>>
        %dma_start3A_228 = arith.constant 0 : i32
        %dma_start3A_229 = tpu.memref_slice %arg13[%multiple_of3A, %dma_start3A_228] : memref<10000x72xf32, #tpu.memory_space<vmem_shared>> -> memref<624x72xf32, #tpu.memory_space<vmem_shared>>
        %dma_start3A_230 = arith.constant 0 : i32
        %dma_start3A_231 = tpu.memref_slice %arg6[%multiple_of3A, %dma_start3A_230] : memref<10000x72xf32, #tpu.memory_space<hbm>> -> memref<624x72xf32, #tpu.memory_space<hbm>>
        tpu.enqueue_dma source(%dma_start3A_231 : memref<624x72xf32, #tpu.memory_space<hbm>>) target(%dma_start3A_229 : memref<624x72xf32, #tpu.memory_space<vmem_shared>>) target_semaphore(%run_scoped3A : memref<!tpu.dma_semaphore, #tpu.memory_space<semaphore_mem>>)
        %dma_wait3A_232 = arith.constant 0 : i32
        %dma_wait3A_233 = tpu.memref_slice %arg13[%multiple_of3A, %dma_wait3A_232] : memref<10000x72xf32, #tpu.memory_space<vmem_shared>> -> memref<624x72xf32, #tpu.memory_space<vmem_shared>>
        %dma_wait3A_234 = arith.constant 0 : i32
        %dma_wait3A_235 = tpu.memref_slice %arg6[%multiple_of3A, %dma_wait3A_234] : memref<10000x72xf32, #tpu.memory_space<hbm>> -> memref<624x72xf32, #tpu.memory_space<hbm>>
        tpu.wait_dma2 semaphore(%run_scoped3A : memref<!tpu.dma_semaphore, #tpu.memory_space<semaphore_mem>>) src(%dma_wait3A_235 : memref<624x72xf32, #tpu.memory_space<hbm>>) dst(%dma_wait3A_233 : memref<624x72xf32, #tpu.memory_space<vmem_shared>>)
        tpu.yield
      }) : () -> ()
    } else {
    }
    %eq3A = arith.constant 15 : i32
    %eq3A_3 = arith.cmpi eq, %arg1, %eq3A : i32
    %convert_element_type3A_4 = arith.extui %eq3A_3 : i1 to i32
    %cond3A_5 = arith.constant 0 : i32
    %cond3A_6 = arith.cmpi ne, %convert_element_type3A_4, %cond3A_5 : i32
    scf.if %cond3A_6 {
      "tpu.region"() ({
        %run_scoped3A = tpu.sem_alloc : memref<!tpu.dma_semaphore, #tpu.memory_space<semaphore_mem>>
        %dma_start3A_226 = arith.constant 9360 : i32
        %dma_start3A_227 = arith.constant 0 : i32
        %dma_start3A_228 = tpu.memref_slice %arg13[%dma_start3A_226, %dma_start3A_227] : memref<10000x72xf32, #tpu.memory_space<vmem_shared>> -> memref<640x72xf32, #tpu.memory_space<vmem_shared>>
        %dma_start3A_229 = arith.constant 9360 : i32
        %dma_start3A_230 = arith.constant 0 : i32
        %dma_start3A_231 = tpu.memref_slice %arg6[%dma_start3A_229, %dma_start3A_230] : memref<10000x72xf32, #tpu.memory_space<hbm>> -> memref<640x72xf32, #tpu.memory_space<hbm>>
        tpu.enqueue_dma source(%dma_start3A_231 : memref<640x72xf32, #tpu.memory_space<hbm>>) target(%dma_start3A_228 : memref<640x72xf32, #tpu.memory_space<vmem_shared>>) target_semaphore(%run_scoped3A : memref<!tpu.dma_semaphore, #tpu.memory_space<semaphore_mem>>)
        %dma_wait3A_232 = arith.constant 9360 : i32
        %dma_wait3A_233 = arith.constant 0 : i32
        %dma_wait3A_234 = tpu.memref_slice %arg13[%dma_wait3A_232, %dma_wait3A_233] : memref<10000x72xf32, #tpu.memory_space<vmem_shared>> -> memref<640x72xf32, #tpu.memory_space<vmem_shared>>
        %dma_wait3A_235 = arith.constant 9360 : i32
        %dma_wait3A_236 = arith.constant 0 : i32
        %dma_wait3A_237 = tpu.memref_slice %arg6[%dma_wait3A_235, %dma_wait3A_236] : memref<10000x72xf32, #tpu.memory_space<hbm>> -> memref<640x72xf32, #tpu.memory_space<hbm>>
        tpu.wait_dma2 semaphore(%run_scoped3A : memref<!tpu.dma_semaphore, #tpu.memory_space<semaphore_mem>>) src(%dma_wait3A_237 : memref<640x72xf32, #tpu.memory_space<hbm>>) dst(%dma_wait3A_234 : memref<640x72xf32, #tpu.memory_space<vmem_shared>>)
        tpu.yield
      }) : () -> ()
    } else {
    }
    "tpu.region"() ({
      %run_scoped3A = tpu.sem_alloc : memref<!tpu.dma_semaphore, #tpu.memory_space<semaphore_mem>>
      %dma_start3A_226 = arith.constant 0 : i32
      %dma_start3A_227 = arith.constant 0 : i32
      %dma_start3A_228 = tpu.memref_slice %arg4[%add3A, %dma_start3A_226, %dma_start3A_227] : memref<32x100x100xi32, #tpu.memory_space<hbm>> -> memref<1x100x100xi32, #tpu.memory_space<hbm>>
      %dma_start3A_229 = tpu.memref_squeeze %dma_start3A_228 : memref<1x100x100xi32, #tpu.memory_space<hbm>> -> memref<100x100xi32, #tpu.memory_space<hbm>>
      %dma_start3A_230 = arith.constant 0 : i32
      %dma_start3A_231 = arith.constant 0 : i32
      %dma_start3A_232 = tpu.memref_slice %arg4[%add3A, %dma_start3A_230, %dma_start3A_231] : memref<32x100x100xi32, #tpu.memory_space<hbm>> -> memref<1x100x100xi32, #tpu.memory_space<hbm>>
      %dma_start3A_233 = tpu.memref_squeeze %dma_start3A_232 : memref<1x100x100xi32, #tpu.memory_space<hbm>> -> memref<100x100xi32, #tpu.memory_space<hbm>>
      tpu.enqueue_dma source(%dma_start3A_233 : memref<100x100xi32, #tpu.memory_space<hbm>>) target(%arg8 : memref<100x100xi32, #tpu.memory_space<vmem>>) target_semaphore(%run_scoped3A : memref<!tpu.dma_semaphore, #tpu.memory_space<semaphore_mem>>)
      %dma_wait3A_234 = arith.constant 0 : i32
      %dma_wait3A_235 = arith.constant 0 : i32
      %dma_wait3A_236 = tpu.memref_slice %arg4[%add3A, %dma_wait3A_234, %dma_wait3A_235] : memref<32x100x100xi32, #tpu.memory_space<hbm>> -> memref<1x100x100xi32, #tpu.memory_space<hbm>>
      %dma_wait3A_237 = tpu.memref_squeeze %dma_wait3A_236 : memref<1x100x100xi32, #tpu.memory_space<hbm>> -> memref<100x100xi32, #tpu.memory_space<hbm>>
      %dma_wait3A_238 = arith.constant 0 : i32
      %dma_wait3A_239 = arith.constant 0 : i32
      %dma_wait3A_240 = tpu.memref_slice %arg4[%add3A, %dma_wait3A_238, %dma_wait3A_239] : memref<32x100x100xi32, #tpu.memory_space<hbm>> -> memref<1x100x100xi32, #tpu.memory_space<hbm>>
      %dma_wait3A_241 = tpu.memref_squeeze %dma_wait3A_240 : memref<1x100x100xi32, #tpu.memory_space<hbm>> -> memref<100x100xi32, #tpu.memory_space<hbm>>
      tpu.wait_dma2 semaphore(%run_scoped3A : memref<!tpu.dma_semaphore, #tpu.memory_space<semaphore_mem>>) src(%dma_wait3A_241 : memref<100x100xi32, #tpu.memory_space<hbm>>) dst(%arg8 : memref<100x100xi32, #tpu.memory_space<vmem>>)
      tpu.yield
    }) : () -> ()
    "tpu.region"() ({
      %run_scoped3A = tpu.sem_alloc : memref<!tpu.dma_semaphore, #tpu.memory_space<semaphore_mem>>
      %dma_start3A_226 = arith.constant 0 : i32
      %dma_start3A_227 = arith.constant 0 : i32
      %dma_start3A_228 = tpu.memref_slice %arg5[%add3A, %dma_start3A_226, %dma_start3A_227] : memref<32x100x100xi32, #tpu.memory_space<hbm>> -> memref<1x100x100xi32, #tpu.memory_space<hbm>>
      %dma_start3A_229 = tpu.memref_squeeze %dma_start3A_228 : memref<1x100x100xi32, #tpu.memory_space<hbm>> -> memref<100x100xi32, #tpu.memory_space<hbm>>
      %dma_start3A_230 = arith.constant 0 : i32
      %dma_start3A_231 = arith.constant 0 : i32
      %dma_start3A_232 = tpu.memref_slice %arg5[%add3A, %dma_start3A_230, %dma_start3A_231] : memref<32x100x100xi32, #tpu.memory_space<hbm>> -> memref<1x100x100xi32, #tpu.memory_space<hbm>>
      %dma_start3A_233 = tpu.memref_squeeze %dma_start3A_232 : memref<1x100x100xi32, #tpu.memory_space<hbm>> -> memref<100x100xi32, #tpu.memory_space<hbm>>
      tpu.enqueue_dma source(%dma_start3A_233 : memref<100x100xi32, #tpu.memory_space<hbm>>) target(%arg9 : memref<100x100xi32, #tpu.memory_space<vmem>>) target_semaphore(%run_scoped3A : memref<!tpu.dma_semaphore, #tpu.memory_space<semaphore_mem>>)
      %dma_wait3A_234 = arith.constant 0 : i32
      %dma_wait3A_235 = arith.constant 0 : i32
      %dma_wait3A_236 = tpu.memref_slice %arg5[%add3A, %dma_wait3A_234, %dma_wait3A_235] : memref<32x100x100xi32, #tpu.memory_space<hbm>> -> memref<1x100x100xi32, #tpu.memory_space<hbm>>
      %dma_wait3A_237 = tpu.memref_squeeze %dma_wait3A_236 : memref<1x100x100xi32, #tpu.memory_space<hbm>> -> memref<100x100xi32, #tpu.memory_space<hbm>>
      %dma_wait3A_238 = arith.constant 0 : i32
      %dma_wait3A_239 = arith.constant 0 : i32
      %dma_wait3A_240 = tpu.memref_slice %arg5[%add3A, %dma_wait3A_238, %dma_wait3A_239] : memref<32x100x100xi32, #tpu.memory_space<hbm>> -> memref<1x100x100xi32, #tpu.memory_space<hbm>>
      %dma_wait3A_241 = tpu.memref_squeeze %dma_wait3A_240 : memref<1x100x100xi32, #tpu.memory_space<hbm>> -> memref<100x100xi32, #tpu.memory_space<hbm>>
      tpu.wait_dma2 semaphore(%run_scoped3A : memref<!tpu.dma_semaphore, #tpu.memory_space<semaphore_mem>>) src(%dma_wait3A_241 : memref<100x100xi32, #tpu.memory_space<hbm>>) dst(%arg9 : memref<100x100xi32, #tpu.memory_space<vmem>>)
      tpu.yield
    }) : () -> ()
    %barrier3A = arith.constant 0 : index
    tpu.barrier barrier_id(%barrier3A)
    %iota3A = tpu.iota {dimensions = array<i32: 0>} : vector<16xi32>
    %shift_right_arithmetic3A = arith.constant 3 : i32
    %shift_right_arithmetic3A_7 = vector.broadcast %shift_right_arithmetic3A : i32 to vector<16xi32>
    %shift_right_arithmetic3A_8 = arith.shrsi %iota3A, %shift_right_arithmetic3A_7 : vector<16xi32>
    %add3A_9 = arith.constant 0 : i32
    %add3A_10 = vector.broadcast %add3A_9 : i32 to vector<16xi32>
    %add3A_11 = arith.addi %add3A_10, %shift_right_arithmetic3A_8 : vector<16xi32>
    %add3A_12 = arith.constant 2 : i32
    %add3A_13 = vector.broadcast %add3A_12 : i32 to vector<16xi32>
    %add3A_14 = arith.addi %add3A_13, %shift_right_arithmetic3A_8 : vector<16xi32>
    %add3A_15 = arith.constant 4 : i32
    %add3A_16 = vector.broadcast %add3A_15 : i32 to vector<16xi32>
    %add3A_17 = arith.addi %add3A_16, %shift_right_arithmetic3A_8 : vector<16xi32>
    %add3A_18 = arith.constant 6 : i32
    %add3A_19 = vector.broadcast %add3A_18 : i32 to vector<16xi32>
    %add3A_20 = arith.addi %add3A_19, %shift_right_arithmetic3A_8 : vector<16xi32>
    %dma_start3A = arith.constant 0 : i32
    %dma_start3A_21 = arith.constant 0 : i32
    %dma_start3A_22 = arith.constant 0 : i32
    %dma_start3A_23 = arith.constant 0 : i32
    %dma_start3A_24 = arith.constant 0 : i32
    %dma_start3A_25 = tpu.memref_slice %arg10[%dma_start3A_21, %dma_start3A_23, %dma_start3A_24] : memref<4x100x96xbf16, #tpu.memory_space<vmem>> -> memref<1x100x96xbf16, #tpu.memory_space<vmem>>
    %dma_start3A_26 = tpu.memref_squeeze %dma_start3A_25 : memref<1x100x96xbf16, #tpu.memory_space<vmem>> -> memref<100x96xbf16, #tpu.memory_space<vmem>>
    %dma_start3A_27 = arith.constant 0 : i32
    %dma_start3A_28 = tpu.memref_slice %arg8[%dma_start3A, %dma_start3A_27] : memref<100x100xi32, #tpu.memory_space<vmem>> -> memref<1x100xi32, #tpu.memory_space<vmem>>
    %dma_start3A_29 = tpu.memref_squeeze %dma_start3A_28 : memref<1x100xi32, #tpu.memory_space<vmem>> -> memref<100xi32, #tpu.memory_space<vmem>>
    %dma_start3A_30 = arith.constant 0 : i32
    %dma_start3A_31 = arith.constant 0 : i32
    %dma_start3A_32 = tpu.memref_slice %arg2[%dma_start3A_30, %dma_start3A_31] : memref<10000x96xbf16, #tpu.memory_space<hbm>> -> memref<10000x96xbf16, #tpu.memory_space<hbm>>
    %dma_start3A_33 = tpu.memref_slice %arg14[%dma_start3A_22] : memref<4x!tpu.dma_semaphore, #tpu.memory_space<semaphore_mem>> -> memref<1x!tpu.dma_semaphore, #tpu.memory_space<semaphore_mem>>
    %dma_start3A_34 = tpu.memref_squeeze %dma_start3A_33 : memref<1x!tpu.dma_semaphore, #tpu.memory_space<semaphore_mem>> -> memref<!tpu.dma_semaphore, #tpu.memory_space<semaphore_mem>>
    tpu.enqueue_indirect_dma source(%dma_start3A_32 : memref<10000x96xbf16, #tpu.memory_space<hbm>>) target(%dma_start3A_26 : memref<100x96xbf16, #tpu.memory_space<vmem>>) offsets(%dma_start3A_29 : memref<100xi32, #tpu.memory_space<vmem>>) semaphore(%dma_start3A_34 : memref<!tpu.dma_semaphore, #tpu.memory_space<semaphore_mem>>)
    %dma_start3A_35 = arith.constant 0 : i32
    %dma_start3A_36 = arith.constant 0 : i32
    %dma_start3A_37 = arith.constant 0 : i32
    %dma_start3A_38 = arith.constant 0 : i32
    %dma_start3A_39 = arith.constant 0 : i32
    %dma_start3A_40 = tpu.memref_slice %arg11[%dma_start3A_36, %dma_start3A_38, %dma_start3A_39] : memref<4x100x16xf32, #tpu.memory_space<vmem>> -> memref<1x100x16xf32, #tpu.memory_space<vmem>>
    %dma_start3A_41 = tpu.memref_squeeze %dma_start3A_40 : memref<1x100x16xf32, #tpu.memory_space<vmem>> -> memref<100x16xf32, #tpu.memory_space<vmem>>
    %dma_start3A_42 = arith.constant 0 : i32
    %dma_start3A_43 = tpu.memref_slice %arg9[%dma_start3A_35, %dma_start3A_42] : memref<100x100xi32, #tpu.memory_space<vmem>> -> memref<1x100xi32, #tpu.memory_space<vmem>>
    %dma_start3A_44 = tpu.memref_squeeze %dma_start3A_43 : memref<1x100xi32, #tpu.memory_space<vmem>> -> memref<100xi32, #tpu.memory_space<vmem>>
    %dma_start3A_45 = arith.constant 0 : i32
    %dma_start3A_46 = arith.constant 0 : i32
    %dma_start3A_47 = tpu.memref_slice %arg3[%dma_start3A_45, %dma_start3A_46] : memref<10000x16xf32, #tpu.memory_space<hbm>> -> memref<10000x16xf32, #tpu.memory_space<hbm>>
    %dma_start3A_48 = tpu.memref_slice %arg15[%dma_start3A_37] : memref<4x!tpu.dma_semaphore, #tpu.memory_space<semaphore_mem>> -> memref<1x!tpu.dma_semaphore, #tpu.memory_space<semaphore_mem>>
    %dma_start3A_49 = tpu.memref_squeeze %dma_start3A_48 : memref<1x!tpu.dma_semaphore, #tpu.memory_space<semaphore_mem>> -> memref<!tpu.dma_semaphore, #tpu.memory_space<semaphore_mem>>
    tpu.enqueue_indirect_dma source(%dma_start3A_47 : memref<10000x16xf32, #tpu.memory_space<hbm>>) target(%dma_start3A_41 : memref<100x16xf32, #tpu.memory_space<vmem>>) offsets(%dma_start3A_44 : memref<100xi32, #tpu.memory_space<vmem>>) semaphore(%dma_start3A_49 : memref<!tpu.dma_semaphore, #tpu.memory_space<semaphore_mem>>)
    %dma_start3A_50 = arith.constant 1 : i32
    %dma_start3A_51 = arith.constant 1 : i32
    %dma_start3A_52 = arith.constant 1 : i32
    %dma_start3A_53 = arith.constant 0 : i32
    %dma_start3A_54 = arith.constant 0 : i32
    %dma_start3A_55 = tpu.memref_slice %arg10[%dma_start3A_51, %dma_start3A_53, %dma_start3A_54] : memref<4x100x96xbf16, #tpu.memory_space<vmem>> -> memref<1x100x96xbf16, #tpu.memory_space<vmem>>
    %dma_start3A_56 = tpu.memref_squeeze %dma_start3A_55 : memref<1x100x96xbf16, #tpu.memory_space<vmem>> -> memref<100x96xbf16, #tpu.memory_space<vmem>>
    %dma_start3A_57 = arith.constant 0 : i32
    %dma_start3A_58 = tpu.memref_slice %arg8[%dma_start3A_50, %dma_start3A_57] : memref<100x100xi32, #tpu.memory_space<vmem>> -> memref<1x100xi32, #tpu.memory_space<vmem>>
    %dma_start3A_59 = tpu.memref_squeeze %dma_start3A_58 : memref<1x100xi32, #tpu.memory_space<vmem>> -> memref<100xi32, #tpu.memory_space<vmem>>
    %dma_start3A_60 = arith.constant 0 : i32
    %dma_start3A_61 = arith.constant 0 : i32
    %dma_start3A_62 = tpu.memref_slice %arg2[%dma_start3A_60, %dma_start3A_61] : memref<10000x96xbf16, #tpu.memory_space<hbm>> -> memref<10000x96xbf16, #tpu.memory_space<hbm>>
    %dma_start3A_63 = tpu.memref_slice %arg14[%dma_start3A_52] : memref<4x!tpu.dma_semaphore, #tpu.memory_space<semaphore_mem>> -> memref<1x!tpu.dma_semaphore, #tpu.memory_space<semaphore_mem>>
    %dma_start3A_64 = tpu.memref_squeeze %dma_start3A_63 : memref<1x!tpu.dma_semaphore, #tpu.memory_space<semaphore_mem>> -> memref<!tpu.dma_semaphore, #tpu.memory_space<semaphore_mem>>
    tpu.enqueue_indirect_dma source(%dma_start3A_62 : memref<10000x96xbf16, #tpu.memory_space<hbm>>) target(%dma_start3A_56 : memref<100x96xbf16, #tpu.memory_space<vmem>>) offsets(%dma_start3A_59 : memref<100xi32, #tpu.memory_space<vmem>>) semaphore(%dma_start3A_64 : memref<!tpu.dma_semaphore, #tpu.memory_space<semaphore_mem>>)
    %dma_start3A_65 = arith.constant 1 : i32
    %dma_start3A_66 = arith.constant 1 : i32
    %dma_start3A_67 = arith.constant 1 : i32
    %dma_start3A_68 = arith.constant 0 : i32
    %dma_start3A_69 = arith.constant 0 : i32
    %dma_start3A_70 = tpu.memref_slice %arg11[%dma_start3A_66, %dma_start3A_68, %dma_start3A_69] : memref<4x100x16xf32, #tpu.memory_space<vmem>> -> memref<1x100x16xf32, #tpu.memory_space<vmem>>
    %dma_start3A_71 = tpu.memref_squeeze %dma_start3A_70 : memref<1x100x16xf32, #tpu.memory_space<vmem>> -> memref<100x16xf32, #tpu.memory_space<vmem>>
    %dma_start3A_72 = arith.constant 0 : i32
    %dma_start3A_73 = tpu.memref_slice %arg9[%dma_start3A_65, %dma_start3A_72] : memref<100x100xi32, #tpu.memory_space<vmem>> -> memref<1x100xi32, #tpu.memory_space<vmem>>
    %dma_start3A_74 = tpu.memref_squeeze %dma_start3A_73 : memref<1x100xi32, #tpu.memory_space<vmem>> -> memref<100xi32, #tpu.memory_space<vmem>>
    %dma_start3A_75 = arith.constant 0 : i32
    %dma_start3A_76 = arith.constant 0 : i32
    %dma_start3A_77 = tpu.memref_slice %arg3[%dma_start3A_75, %dma_start3A_76] : memref<10000x16xf32, #tpu.memory_space<hbm>> -> memref<10000x16xf32, #tpu.memory_space<hbm>>
    %dma_start3A_78 = tpu.memref_slice %arg15[%dma_start3A_67] : memref<4x!tpu.dma_semaphore, #tpu.memory_space<semaphore_mem>> -> memref<1x!tpu.dma_semaphore, #tpu.memory_space<semaphore_mem>>
    %dma_start3A_79 = tpu.memref_squeeze %dma_start3A_78 : memref<1x!tpu.dma_semaphore, #tpu.memory_space<semaphore_mem>> -> memref<!tpu.dma_semaphore, #tpu.memory_space<semaphore_mem>>
    tpu.enqueue_indirect_dma source(%dma_start3A_77 : memref<10000x16xf32, #tpu.memory_space<hbm>>) target(%dma_start3A_71 : memref<100x16xf32, #tpu.memory_space<vmem>>) offsets(%dma_start3A_74 : memref<100xi32, #tpu.memory_space<vmem>>) semaphore(%dma_start3A_79 : memref<!tpu.dma_semaphore, #tpu.memory_space<semaphore_mem>>)
    %dma_start3A_80 = arith.constant 2 : i32
    %dma_start3A_81 = arith.constant 2 : i32
    %dma_start3A_82 = arith.constant 2 : i32
    %dma_start3A_83 = arith.constant 0 : i32
    %dma_start3A_84 = arith.constant 0 : i32
    %dma_start3A_85 = tpu.memref_slice %arg10[%dma_start3A_81, %dma_start3A_83, %dma_start3A_84] : memref<4x100x96xbf16, #tpu.memory_space<vmem>> -> memref<1x100x96xbf16, #tpu.memory_space<vmem>>
    %dma_start3A_86 = tpu.memref_squeeze %dma_start3A_85 : memref<1x100x96xbf16, #tpu.memory_space<vmem>> -> memref<100x96xbf16, #tpu.memory_space<vmem>>
    %dma_start3A_87 = arith.constant 0 : i32
    %dma_start3A_88 = tpu.memref_slice %arg8[%dma_start3A_80, %dma_start3A_87] : memref<100x100xi32, #tpu.memory_space<vmem>> -> memref<1x100xi32, #tpu.memory_space<vmem>>
    %dma_start3A_89 = tpu.memref_squeeze %dma_start3A_88 : memref<1x100xi32, #tpu.memory_space<vmem>> -> memref<100xi32, #tpu.memory_space<vmem>>
    %dma_start3A_90 = arith.constant 0 : i32
    %dma_start3A_91 = arith.constant 0 : i32
    %dma_start3A_92 = tpu.memref_slice %arg2[%dma_start3A_90, %dma_start3A_91] : memref<10000x96xbf16, #tpu.memory_space<hbm>> -> memref<10000x96xbf16, #tpu.memory_space<hbm>>
    %dma_start3A_93 = tpu.memref_slice %arg14[%dma_start3A_82] : memref<4x!tpu.dma_semaphore, #tpu.memory_space<semaphore_mem>> -> memref<1x!tpu.dma_semaphore, #tpu.memory_space<semaphore_mem>>
    %dma_start3A_94 = tpu.memref_squeeze %dma_start3A_93 : memref<1x!tpu.dma_semaphore, #tpu.memory_space<semaphore_mem>> -> memref<!tpu.dma_semaphore, #tpu.memory_space<semaphore_mem>>
    tpu.enqueue_indirect_dma source(%dma_start3A_92 : memref<10000x96xbf16, #tpu.memory_space<hbm>>) target(%dma_start3A_86 : memref<100x96xbf16, #tpu.memory_space<vmem>>) offsets(%dma_start3A_89 : memref<100xi32, #tpu.memory_space<vmem>>) semaphore(%dma_start3A_94 : memref<!tpu.dma_semaphore, #tpu.memory_space<semaphore_mem>>)
    %dma_start3A_95 = arith.constant 2 : i32
    %dma_start3A_96 = arith.constant 2 : i32
    %dma_start3A_97 = arith.constant 2 : i32
    %dma_start3A_98 = arith.constant 0 : i32
    %dma_start3A_99 = arith.constant 0 : i32
    %dma_start3A_100 = tpu.memref_slice %arg11[%dma_start3A_96, %dma_start3A_98, %dma_start3A_99] : memref<4x100x16xf32, #tpu.memory_space<vmem>> -> memref<1x100x16xf32, #tpu.memory_space<vmem>>
    %dma_start3A_101 = tpu.memref_squeeze %dma_start3A_100 : memref<1x100x16xf32, #tpu.memory_space<vmem>> -> memref<100x16xf32, #tpu.memory_space<vmem>>
    %dma_start3A_102 = arith.constant 0 : i32
    %dma_start3A_103 = tpu.memref_slice %arg9[%dma_start3A_95, %dma_start3A_102] : memref<100x100xi32, #tpu.memory_space<vmem>> -> memref<1x100xi32, #tpu.memory_space<vmem>>
    %dma_start3A_104 = tpu.memref_squeeze %dma_start3A_103 : memref<1x100xi32, #tpu.memory_space<vmem>> -> memref<100xi32, #tpu.memory_space<vmem>>
    %dma_start3A_105 = arith.constant 0 : i32
    %dma_start3A_106 = arith.constant 0 : i32
    %dma_start3A_107 = tpu.memref_slice %arg3[%dma_start3A_105, %dma_start3A_106] : memref<10000x16xf32, #tpu.memory_space<hbm>> -> memref<10000x16xf32, #tpu.memory_space<hbm>>
    %dma_start3A_108 = tpu.memref_slice %arg15[%dma_start3A_97] : memref<4x!tpu.dma_semaphore, #tpu.memory_space<semaphore_mem>> -> memref<1x!tpu.dma_semaphore, #tpu.memory_space<semaphore_mem>>
    %dma_start3A_109 = tpu.memref_squeeze %dma_start3A_108 : memref<1x!tpu.dma_semaphore, #tpu.memory_space<semaphore_mem>> -> memref<!tpu.dma_semaphore, #tpu.memory_space<semaphore_mem>>
    tpu.enqueue_indirect_dma source(%dma_start3A_107 : memref<10000x16xf32, #tpu.memory_space<hbm>>) target(%dma_start3A_101 : memref<100x16xf32, #tpu.memory_space<vmem>>) offsets(%dma_start3A_104 : memref<100xi32, #tpu.memory_space<vmem>>) semaphore(%dma_start3A_109 : memref<!tpu.dma_semaphore, #tpu.memory_space<semaphore_mem>>)
    %dma_start3A_110 = arith.constant 3 : i32
    %dma_start3A_111 = arith.constant 3 : i32
    %dma_start3A_112 = arith.constant 3 : i32
    %dma_start3A_113 = arith.constant 0 : i32
    %dma_start3A_114 = arith.constant 0 : i32
    %dma_start3A_115 = tpu.memref_slice %arg10[%dma_start3A_111, %dma_start3A_113, %dma_start3A_114] : memref<4x100x96xbf16, #tpu.memory_space<vmem>> -> memref<1x100x96xbf16, #tpu.memory_space<vmem>>
    %dma_start3A_116 = tpu.memref_squeeze %dma_start3A_115 : memref<1x100x96xbf16, #tpu.memory_space<vmem>> -> memref<100x96xbf16, #tpu.memory_space<vmem>>
    %dma_start3A_117 = arith.constant 0 : i32
    %dma_start3A_118 = tpu.memref_slice %arg8[%dma_start3A_110, %dma_start3A_117] : memref<100x100xi32, #tpu.memory_space<vmem>> -> memref<1x100xi32, #tpu.memory_space<vmem>>
    %dma_start3A_119 = tpu.memref_squeeze %dma_start3A_118 : memref<1x100xi32, #tpu.memory_space<vmem>> -> memref<100xi32, #tpu.memory_space<vmem>>
    %dma_start3A_120 = arith.constant 0 : i32
    %dma_start3A_121 = arith.constant 0 : i32
    %dma_start3A_122 = tpu.memref_slice %arg2[%dma_start3A_120, %dma_start3A_121] : memref<10000x96xbf16, #tpu.memory_space<hbm>> -> memref<10000x96xbf16, #tpu.memory_space<hbm>>
    %dma_start3A_123 = tpu.memref_slice %arg14[%dma_start3A_112] : memref<4x!tpu.dma_semaphore, #tpu.memory_space<semaphore_mem>> -> memref<1x!tpu.dma_semaphore, #tpu.memory_space<semaphore_mem>>
    %dma_start3A_124 = tpu.memref_squeeze %dma_start3A_123 : memref<1x!tpu.dma_semaphore, #tpu.memory_space<semaphore_mem>> -> memref<!tpu.dma_semaphore, #tpu.memory_space<semaphore_mem>>
    tpu.enqueue_indirect_dma source(%dma_start3A_122 : memref<10000x96xbf16, #tpu.memory_space<hbm>>) target(%dma_start3A_116 : memref<100x96xbf16, #tpu.memory_space<vmem>>) offsets(%dma_start3A_119 : memref<100xi32, #tpu.memory_space<vmem>>) semaphore(%dma_start3A_124 : memref<!tpu.dma_semaphore, #tpu.memory_space<semaphore_mem>>)
    %dma_start3A_125 = arith.constant 3 : i32
    %dma_start3A_126 = arith.constant 3 : i32
    %dma_start3A_127 = arith.constant 3 : i32
    %dma_start3A_128 = arith.constant 0 : i32
    %dma_start3A_129 = arith.constant 0 : i32
    %dma_start3A_130 = tpu.memref_slice %arg11[%dma_start3A_126, %dma_start3A_128, %dma_start3A_129] : memref<4x100x16xf32, #tpu.memory_space<vmem>> -> memref<1x100x16xf32, #tpu.memory_space<vmem>>
    %dma_start3A_131 = tpu.memref_squeeze %dma_start3A_130 : memref<1x100x16xf32, #tpu.memory_space<vmem>> -> memref<100x16xf32, #tpu.memory_space<vmem>>
    %dma_start3A_132 = arith.constant 0 : i32
    %dma_start3A_133 = tpu.memref_slice %arg9[%dma_start3A_125, %dma_start3A_132] : memref<100x100xi32, #tpu.memory_space<vmem>> -> memref<1x100xi32, #tpu.memory_space<vmem>>
    %dma_start3A_134 = tpu.memref_squeeze %dma_start3A_133 : memref<1x100xi32, #tpu.memory_space<vmem>> -> memref<100xi32, #tpu.memory_space<vmem>>
    %dma_start3A_135 = arith.constant 0 : i32
    %dma_start3A_136 = arith.constant 0 : i32
    %dma_start3A_137 = tpu.memref_slice %arg3[%dma_start3A_135, %dma_start3A_136] : memref<10000x16xf32, #tpu.memory_space<hbm>> -> memref<10000x16xf32, #tpu.memory_space<hbm>>
    %dma_start3A_138 = tpu.memref_slice %arg15[%dma_start3A_127] : memref<4x!tpu.dma_semaphore, #tpu.memory_space<semaphore_mem>> -> memref<1x!tpu.dma_semaphore, #tpu.memory_space<semaphore_mem>>
    %dma_start3A_139 = tpu.memref_squeeze %dma_start3A_138 : memref<1x!tpu.dma_semaphore, #tpu.memory_space<semaphore_mem>> -> memref<!tpu.dma_semaphore, #tpu.memory_space<semaphore_mem>>
    tpu.enqueue_indirect_dma source(%dma_start3A_137 : memref<10000x16xf32, #tpu.memory_space<hbm>>) target(%dma_start3A_131 : memref<100x16xf32, #tpu.memory_space<vmem>>) offsets(%dma_start3A_134 : memref<100xi32, #tpu.memory_space<vmem>>) semaphore(%dma_start3A_139 : memref<!tpu.dma_semaphore, #tpu.memory_space<semaphore_mem>>)
    %scan3A = arith.constant 0 : i32
    %scan3A_140 = arith.constant 25 : i32
    %scan3A_141 = arith.addi %scan3A, %scan3A_140 : i32
    %scan3A_142 = arith.constant 1 : i32
    scf.for %scan3A_226 = %scan3A to %scan3A_141 step %scan3A_142  : i32 {
      %mul3A_227 = arith.constant 4 : i32
      %mul3A_228 = arith.muli %scan3A_226, %mul3A_227 : i32
      %add3A_229 = arith.constant 0 : i32
      %add3A_230 = arith.addi %add3A_229, %mul3A_228 : i32
      %add3A_231 = arith.constant 0 : i32
      %add3A_232 = arith.addi %add3A_230, %add3A_231 : i32
      %dma_wait3A_233 = arith.constant 0 : i32
      %dma_wait3A_234 = arith.constant 0 : i32
      %dma_wait3A_235 = arith.constant 0 : i32
      %dma_wait3A_236 = arith.constant 0 : i32
      %dma_wait3A_237 = tpu.memref_slice %arg10[%dma_wait3A_233, %dma_wait3A_235, %dma_wait3A_236] : memref<4x100x96xbf16, #tpu.memory_space<vmem>> -> memref<1x100x96xbf16, #tpu.memory_space<vmem>>
      %dma_wait3A_238 = tpu.memref_squeeze %dma_wait3A_237 : memref<1x100x96xbf16, #tpu.memory_space<vmem>> -> memref<100x96xbf16, #tpu.memory_space<vmem>>
      %dma_wait3A_239 = arith.constant 0 : i32
      %dma_wait3A_240 = tpu.memref_slice %arg8[%add3A_232, %dma_wait3A_239] : memref<100x100xi32, #tpu.memory_space<vmem>> -> memref<1x100xi32, #tpu.memory_space<vmem>>
      %dma_wait3A_241 = tpu.memref_squeeze %dma_wait3A_240 : memref<1x100xi32, #tpu.memory_space<vmem>> -> memref<100xi32, #tpu.memory_space<vmem>>
      %dma_wait3A_242 = arith.constant 0 : i32
      %dma_wait3A_243 = arith.constant 0 : i32
      %dma_wait3A_244 = tpu.memref_slice %arg2[%dma_wait3A_242, %dma_wait3A_243] : memref<10000x96xbf16, #tpu.memory_space<hbm>> -> memref<10000x96xbf16, #tpu.memory_space<hbm>>
      %dma_wait3A_245 = tpu.memref_slice %arg14[%dma_wait3A_234] : memref<4x!tpu.dma_semaphore, #tpu.memory_space<semaphore_mem>> -> memref<1x!tpu.dma_semaphore, #tpu.memory_space<semaphore_mem>>
      %dma_wait3A_246 = tpu.memref_squeeze %dma_wait3A_245 : memref<1x!tpu.dma_semaphore, #tpu.memory_space<semaphore_mem>> -> memref<!tpu.dma_semaphore, #tpu.memory_space<semaphore_mem>>
      tpu.wait_indirect_dma semaphore(%dma_wait3A_246 : memref<!tpu.dma_semaphore, #tpu.memory_space<semaphore_mem>>) src(%dma_wait3A_244 : memref<10000x96xbf16, #tpu.memory_space<hbm>>) dst(%dma_wait3A_238 : memref<100x96xbf16, #tpu.memory_space<vmem>>)
      %dma_wait3A_247 = arith.constant 0 : i32
      %dma_wait3A_248 = arith.constant 0 : i32
      %dma_wait3A_249 = arith.constant 0 : i32
      %dma_wait3A_250 = arith.constant 0 : i32
      %dma_wait3A_251 = tpu.memref_slice %arg11[%dma_wait3A_247, %dma_wait3A_249, %dma_wait3A_250] : memref<4x100x16xf32, #tpu.memory_space<vmem>> -> memref<1x100x16xf32, #tpu.memory_space<vmem>>
      %dma_wait3A_252 = tpu.memref_squeeze %dma_wait3A_251 : memref<1x100x16xf32, #tpu.memory_space<vmem>> -> memref<100x16xf32, #tpu.memory_space<vmem>>
      %dma_wait3A_253 = arith.constant 0 : i32
      %dma_wait3A_254 = tpu.memref_slice %arg9[%add3A_232, %dma_wait3A_253] : memref<100x100xi32, #tpu.memory_space<vmem>> -> memref<1x100xi32, #tpu.memory_space<vmem>>
      %dma_wait3A_255 = tpu.memref_squeeze %dma_wait3A_254 : memref<1x100xi32, #tpu.memory_space<vmem>> -> memref<100xi32, #tpu.memory_space<vmem>>
      %dma_wait3A_256 = arith.constant 0 : i32
      %dma_wait3A_257 = arith.constant 0 : i32
      %dma_wait3A_258 = tpu.memref_slice %arg3[%dma_wait3A_256, %dma_wait3A_257] : memref<10000x16xf32, #tpu.memory_space<hbm>> -> memref<10000x16xf32, #tpu.memory_space<hbm>>
      %dma_wait3A_259 = tpu.memref_slice %arg15[%dma_wait3A_248] : memref<4x!tpu.dma_semaphore, #tpu.memory_space<semaphore_mem>> -> memref<1x!tpu.dma_semaphore, #tpu.memory_space<semaphore_mem>>
      %dma_wait3A_260 = tpu.memref_squeeze %dma_wait3A_259 : memref<1x!tpu.dma_semaphore, #tpu.memory_space<semaphore_mem>> -> memref<!tpu.dma_semaphore, #tpu.memory_space<semaphore_mem>>
      tpu.wait_indirect_dma semaphore(%dma_wait3A_260 : memref<!tpu.dma_semaphore, #tpu.memory_space<semaphore_mem>>) src(%dma_wait3A_258 : memref<10000x16xf32, #tpu.memory_space<hbm>>) dst(%dma_wait3A_252 : memref<100x16xf32, #tpu.memory_space<vmem>>)
      %ge3A = arith.constant 4 : i32
      %ge3A_261 = arith.cmpi sge, %add3A_232, %ge3A : i32
      %convert_element_type3A_262 = arith.extui %ge3A_261 : i1 to i32
      %cond3A_263 = arith.constant 0 : i32
      %cond3A_264 = arith.cmpi ne, %convert_element_type3A_262, %cond3A_263 : i32
      scf.if %cond3A_264 {
        %dma_wait3A_465 = arith.constant 0 : i32
        %dma_wait3A_466 = arith.constant 0 : i32
        %dma_wait3A_467 = arith.constant 0 : i32
        %dma_wait3A_468 = arith.constant 0 : i32
        %dma_wait3A_469 = tpu.memref_slice %arg12[%dma_wait3A_465, %dma_wait3A_467, %dma_wait3A_468] : memref<4x100x72xf32, #tpu.memory_space<vmem>> -> memref<1x100x72xf32, #tpu.memory_space<vmem>>
        %dma_wait3A_470 = tpu.memref_squeeze %dma_wait3A_469 : memref<1x100x72xf32, #tpu.memory_space<vmem>> -> memref<100x72xf32, #tpu.memory_space<vmem>>
        %dma_wait3A_471 = arith.constant 0 : i32
        %dma_wait3A_472 = tpu.memref_slice %arg9[%add3A_232, %dma_wait3A_471] : memref<100x100xi32, #tpu.memory_space<vmem>> -> memref<1x100xi32, #tpu.memory_space<vmem>>
        %dma_wait3A_473 = tpu.memref_squeeze %dma_wait3A_472 : memref<1x100xi32, #tpu.memory_space<vmem>> -> memref<100xi32, #tpu.memory_space<vmem>>
        %dma_wait3A_474 = arith.constant 0 : i32
        %dma_wait3A_475 = arith.constant 0 : i32
        %dma_wait3A_476 = tpu.memref_slice %arg13[%dma_wait3A_474, %dma_wait3A_475] : memref<10000x72xf32, #tpu.memory_space<vmem_shared>> -> memref<10000x72xf32, #tpu.memory_space<vmem_shared>>
        %dma_wait3A_477 = tpu.memref_slice %arg16[%dma_wait3A_466] : memref<4x!tpu.dma_semaphore, #tpu.memory_space<semaphore_mem>> -> memref<1x!tpu.dma_semaphore, #tpu.memory_space<semaphore_mem>>
        %dma_wait3A_478 = tpu.memref_squeeze %dma_wait3A_477 : memref<1x!tpu.dma_semaphore, #tpu.memory_space<semaphore_mem>> -> memref<!tpu.dma_semaphore, #tpu.memory_space<semaphore_mem>>
        tpu.wait_indirect_dma semaphore(%dma_wait3A_478 : memref<!tpu.dma_semaphore, #tpu.memory_space<semaphore_mem>>) src(%dma_wait3A_470 : memref<100x72xf32, #tpu.memory_space<vmem>>) dst(%dma_wait3A_476 : memref<10000x72xf32, #tpu.memory_space<vmem_shared>>)
      } else {
      }
      %parallel_loop3A = arith.constant 0 : i32
      %parallel_loop3A_265 = arith.constant 100 : i32
      %parallel_loop3A_266 = arith.constant 1 : i32
      scf.for %parallel_loop3A_465 = %parallel_loop3A to %parallel_loop3A_265 step %parallel_loop3A_266  : i32 {
        %parallel_loop3A_466 = arith.constant 0 : i32
        %parallel_loop3A_467 = arith.index_cast %parallel_loop3A_466 : i32 to index
        %parallel_loop3A_468 = arith.index_cast %parallel_loop3A_465 : i32 to index
        %parallel_loop3A_469 = arith.constant 64 : index
        %parallel_loop3A_470 = tpu.vector_load %arg10[%parallel_loop3A_467, %parallel_loop3A_468, %parallel_loop3A_469] {strides = array<i32>} : memref<4x100x96xbf16, #tpu.memory_space<vmem>>, vector<32xbf16>,
        %parallel_loop3A_471 = tpu.unpack_subelements %parallel_loop3A_470, 0 {pack_format = #tpu.pack_format<interleaved>} : vector<32xbf16> -> vector<16xf32>
        %parallel_loop3A_472 = tpu.unpack_subelements %parallel_loop3A_470, 1 {pack_format = #tpu.pack_format<interleaved>} : vector<32xbf16> -> vector<16xf32>
        %parallel_loop3A_473 = arith.constant 0 : i32
        %parallel_loop3A_474 = arith.index_cast %parallel_loop3A_473 : i32 to index
        %parallel_loop3A_475 = arith.index_cast %parallel_loop3A_465 : i32 to index
        %parallel_loop3A_476 = arith.constant 0 : index
        %parallel_loop3A_477 = tpu.vector_load %arg11[%parallel_loop3A_474, %parallel_loop3A_475, %parallel_loop3A_476] {strides = array<i32>} : memref<4x100x16xf32, #tpu.memory_space<vmem>>, vector<16xf32>,
        %parallel_loop3A_478 = arith.addf %parallel_loop3A_471, %parallel_loop3A_477 : vector<16xf32>
        %parallel_loop3A_479 = arith.constant 0.000000e+00 : f32
        %parallel_loop3A_480 = vector.broadcast %parallel_loop3A_479 : f32 to vector<16xf32>
        %parallel_loop3A_481 = arith.cmpf oge, %parallel_loop3A_478, %parallel_loop3A_480 : vector<16xf32>
        %parallel_loop3A_482 = arith.constant 2.000000e-01 : f32
        %parallel_loop3A_483 = vector.broadcast %parallel_loop3A_482 : f32 to vector<16xf32>
        %parallel_loop3A_484 = arith.mulf %parallel_loop3A_483, %parallel_loop3A_478 : vector<16xf32>
        %parallel_loop3A_485 = arith.select %parallel_loop3A_481, %parallel_loop3A_478, %parallel_loop3A_484 : vector<16xi1>, vector<16xf32>
        %parallel_loop3A_486 = math.exp %parallel_loop3A_485 : vector<16xf32>
        %parallel_loop3A_487 = vector.broadcast %parallel_loop3A_465 : i32 to vector<16xi32>
        %parallel_loop3A_488 = arith.constant 64 : i32
        %parallel_loop3A_489 = vector.broadcast %parallel_loop3A_488 : i32 to vector<16xi32>
        %parallel_loop3A_490 = arith.addi %parallel_loop3A_489, %iota3A : vector<16xi32>
        %parallel_loop3A_491 = arith.constant 8 : i32
        %parallel_loop3A_492 = vector.broadcast %parallel_loop3A_491 : i32 to vector<16xi32>
        %parallel_loop3A_493 = arith.cmpi slt, %iota3A, %parallel_loop3A_492 : vector<16xi32>
        %parallel_loop3A_494 = arith.constant 0 : i32
        %parallel_loop3A_495 = arith.constant 0 : i32
        %parallel_loop3A_496 = arith.constant 0 : i32
        %parallel_loop3A_497 = tpu.memref_slice %arg12[%parallel_loop3A_494, %parallel_loop3A_495, %parallel_loop3A_496] : memref<4x100x72xf32, #tpu.memory_space<vmem>> -> memref<1x100x72xf32, #tpu.memory_space<vmem>>
        %parallel_loop3A_498 = tpu.memref_squeeze %parallel_loop3A_497 : memref<1x100x72xf32, #tpu.memory_space<vmem>> -> memref<100x72xf32, #tpu.memory_space<vmem>>
        tpu.vector_store_idx %parallel_loop3A_498[%parallel_loop3A_487, %parallel_loop3A_490], %parallel_loop3A_486 masked %parallel_loop3A_493 : memref<100x72xf32, #tpu.memory_space<vmem>>[vector<16xi32>, vector<16xi32>], vector<16xf32>, vector<16xi1>
        %parallel_loop3A_499 = arith.constant 0 : i32
        %parallel_loop3A_500 = arith.index_cast %parallel_loop3A_499 : i32 to index
        %parallel_loop3A_501 = arith.index_cast %parallel_loop3A_465 : i32 to index
        %parallel_loop3A_502 = arith.constant 0 : index
        %parallel_loop3A_503 = tpu.vector_load %arg10[%parallel_loop3A_500, %parallel_loop3A_501, %parallel_loop3A_502] {strides = array<i32>} : memref<4x100x96xbf16, #tpu.memory_space<vmem>>, vector<32xbf16>,
        %parallel_loop3A_504 = tpu.unpack_subelements %parallel_loop3A_503, 0 {pack_format = #tpu.pack_format<interleaved>} : vector<32xbf16> -> vector<16xf32>
        %parallel_loop3A_505 = tpu.unpack_subelements %parallel_loop3A_503, 1 {pack_format = #tpu.pack_format<interleaved>} : vector<32xbf16> -> vector<16xf32>
        %parallel_loop3A_506 = vector.shape_cast %add3A_11 : vector<16xi32> to vector<16x1xi32>
        %parallel_loop3A_507 = vector.shape_cast %parallel_loop3A_506 : vector<16x1xi32> to vector<16xi32>
        %parallel_loop3A_508 = tpu.dynamic_gather %parallel_loop3A_486[%parallel_loop3A_507] in [0] : vector<16xf32>, vector<16xi32> -> vector<16xf32>
        %parallel_loop3A_509 = arith.mulf %parallel_loop3A_504, %parallel_loop3A_508 : vector<16xf32>
        %parallel_loop3A_510 = arith.constant 0 : i32
        %parallel_loop3A_511 = arith.index_cast %parallel_loop3A_510 : i32 to index
        %parallel_loop3A_512 = arith.index_cast %parallel_loop3A_465 : i32 to index
        %parallel_loop3A_513 = arith.constant 0 : index
        %parallel_loop3A_514 = tpu.vector_load %arg12[%parallel_loop3A_511, %parallel_loop3A_512, %parallel_loop3A_513] {strides = array<i32>} : memref<4x100x72xf32, #tpu.memory_space<vmem>>, vector<16xf32>,
        tpu.vector_store %arg12[%parallel_loop3A_511, %parallel_loop3A_512, %parallel_loop3A_513], %parallel_loop3A_509 {strides = array<i32>} : memref<4x100x72xf32, #tpu.memory_space<vmem>>, vector<16xf32>,
        %parallel_loop3A_515 = vector.shape_cast %add3A_14 : vector<16xi32> to vector<16x1xi32>
        %parallel_loop3A_516 = vector.shape_cast %parallel_loop3A_515 : vector<16x1xi32> to vector<16xi32>
        %parallel_loop3A_517 = tpu.dynamic_gather %parallel_loop3A_486[%parallel_loop3A_516] in [0] : vector<16xf32>, vector<16xi32> -> vector<16xf32>
        %parallel_loop3A_518 = arith.mulf %parallel_loop3A_505, %parallel_loop3A_517 : vector<16xf32>
        %parallel_loop3A_519 = arith.constant 0 : i32
        %parallel_loop3A_520 = arith.index_cast %parallel_loop3A_519 : i32 to index
        %parallel_loop3A_521 = arith.index_cast %parallel_loop3A_465 : i32 to index
        %parallel_loop3A_522 = arith.constant 16 : index
        %parallel_loop3A_523 = tpu.vector_load %arg12[%parallel_loop3A_520, %parallel_loop3A_521, %parallel_loop3A_522] {strides = array<i32>} : memref<4x100x72xf32, #tpu.memory_space<vmem>>, vector<16xf32>,
        tpu.vector_store %arg12[%parallel_loop3A_520, %parallel_loop3A_521, %parallel_loop3A_522], %parallel_loop3A_518 {strides = array<i32>} : memref<4x100x72xf32, #tpu.memory_space<vmem>>, vector<16xf32>,
        %parallel_loop3A_524 = arith.constant 0 : i32
        %parallel_loop3A_525 = arith.index_cast %parallel_loop3A_524 : i32 to index
        %parallel_loop3A_526 = arith.index_cast %parallel_loop3A_465 : i32 to index
        %parallel_loop3A_527 = arith.constant 32 : index
        %parallel_loop3A_528 = tpu.vector_load %arg10[%parallel_loop3A_525, %parallel_loop3A_526, %parallel_loop3A_527] {strides = array<i32>} : memref<4x100x96xbf16, #tpu.memory_space<vmem>>, vector<32xbf16>,
        %parallel_loop3A_529 = tpu.unpack_subelements %parallel_loop3A_528, 0 {pack_format = #tpu.pack_format<interleaved>} : vector<32xbf16> -> vector<16xf32>
        %parallel_loop3A_530 = tpu.unpack_subelements %parallel_loop3A_528, 1 {pack_format = #tpu.pack_format<interleaved>} : vector<32xbf16> -> vector<16xf32>
        %parallel_loop3A_531 = vector.shape_cast %add3A_17 : vector<16xi32> to vector<16x1xi32>
        %parallel_loop3A_532 = vector.shape_cast %parallel_loop3A_531 : vector<16x1xi32> to vector<16xi32>
        %parallel_loop3A_533 = tpu.dynamic_gather %parallel_loop3A_486[%parallel_loop3A_532] in [0] : vector<16xf32>, vector<16xi32> -> vector<16xf32>
        %parallel_loop3A_534 = arith.mulf %parallel_loop3A_529, %parallel_loop3A_533 : vector<16xf32>
        %parallel_loop3A_535 = arith.constant 0 : i32
        %parallel_loop3A_536 = arith.index_cast %parallel_loop3A_535 : i32 to index
        %parallel_loop3A_537 = arith.index_cast %parallel_loop3A_465 : i32 to index
        %parallel_loop3A_538 = arith.constant 32 : index
        %parallel_loop3A_539 = tpu.vector_load %arg12[%parallel_loop3A_536, %parallel_loop3A_537, %parallel_loop3A_538] {strides = array<i32>} : memref<4x100x72xf32, #tpu.memory_space<vmem>>, vector<16xf32>,
        tpu.vector_store %arg12[%parallel_loop3A_536, %parallel_loop3A_537, %parallel_loop3A_538], %parallel_loop3A_534 {strides = array<i32>} : memref<4x100x72xf32, #tpu.memory_space<vmem>>, vector<16xf32>,
        %parallel_loop3A_540 = vector.shape_cast %add3A_20 : vector<16xi32> to vector<16x1xi32>
        %parallel_loop3A_541 = vector.shape_cast %parallel_loop3A_540 : vector<16x1xi32> to vector<16xi32>
        %parallel_loop3A_542 = tpu.dynamic_gather %parallel_loop3A_486[%parallel_loop3A_541] in [0] : vector<16xf32>, vector<16xi32> -> vector<16xf32>
        %parallel_loop3A_543 = arith.mulf %parallel_loop3A_530, %parallel_loop3A_542 : vector<16xf32>
        %parallel_loop3A_544 = arith.constant 0 : i32
        %parallel_loop3A_545 = arith.index_cast %parallel_loop3A_544 : i32 to index
        %parallel_loop3A_546 = arith.index_cast %parallel_loop3A_465 : i32 to index
        %parallel_loop3A_547 = arith.constant 48 : index
        %parallel_loop3A_548 = tpu.vector_load %arg12[%parallel_loop3A_545, %parallel_loop3A_546, %parallel_loop3A_547] {strides = array<i32>} : memref<4x100x72xf32, #tpu.memory_space<vmem>>, vector<16xf32>,
        tpu.vector_store %arg12[%parallel_loop3A_545, %parallel_loop3A_546, %parallel_loop3A_547], %parallel_loop3A_543 {strides = array<i32>} : memref<4x100x72xf32, #tpu.memory_space<vmem>>, vector<16xf32>,
      } {sc.loop_unroll_factor = 4 : i64, sc.parallel_access}
      %dma_start3A_267 = arith.constant 0 : i32
      %dma_start3A_268 = arith.constant 0 : i32
      %dma_start3A_269 = arith.constant 0 : i32
      %dma_start3A_270 = arith.constant 0 : i32
      %dma_start3A_271 = tpu.memref_slice %arg12[%dma_start3A_267, %dma_start3A_269, %dma_start3A_270] : memref<4x100x72xf32, #tpu.memory_space<vmem>> -> memref<1x100x72xf32, #tpu.memory_space<vmem>>
      %dma_start3A_272 = tpu.memref_squeeze %dma_start3A_271 : memref<1x100x72xf32, #tpu.memory_space<vmem>> -> memref<100x72xf32, #tpu.memory_space<vmem>>
      %dma_start3A_273 = arith.constant 0 : i32
      %dma_start3A_274 = tpu.memref_slice %arg9[%add3A_232, %dma_start3A_273] : memref<100x100xi32, #tpu.memory_space<vmem>> -> memref<1x100xi32, #tpu.memory_space<vmem>>
      %dma_start3A_275 = tpu.memref_squeeze %dma_start3A_274 : memref<1x100xi32, #tpu.memory_space<vmem>> -> memref<100xi32, #tpu.memory_space<vmem>>
      %dma_start3A_276 = arith.constant 0 : i32
      %dma_start3A_277 = arith.constant 0 : i32
      %dma_start3A_278 = tpu.memref_slice %arg13[%dma_start3A_276, %dma_start3A_277] : memref<10000x72xf32, #tpu.memory_space<vmem_shared>> -> memref<10000x72xf32, #tpu.memory_space<vmem_shared>>
      %dma_start3A_279 = tpu.memref_slice %arg16[%dma_start3A_268] : memref<4x!tpu.dma_semaphore, #tpu.memory_space<semaphore_mem>> -> memref<1x!tpu.dma_semaphore, #tpu.memory_space<semaphore_mem>>
      %dma_start3A_280 = tpu.memref_squeeze %dma_start3A_279 : memref<1x!tpu.dma_semaphore, #tpu.memory_space<semaphore_mem>> -> memref<!tpu.dma_semaphore, #tpu.memory_space<semaphore_mem>>
      tpu.enqueue_indirect_dma source(%dma_start3A_272 : memref<100x72xf32, #tpu.memory_space<vmem>>) target(%dma_start3A_278 : memref<10000x72xf32, #tpu.memory_space<vmem_shared>>) offsets(%dma_start3A_275 : memref<100xi32, #tpu.memory_space<vmem>>) semaphore(%dma_start3A_280 : memref<!tpu.dma_semaphore, #tpu.memory_space<semaphore_mem>>) {add = true}
      %add3A_281 = arith.constant 4 : i32
      %add3A_282 = arith.addi %add3A_232, %add3A_281 : i32
      %lt3A_283 = arith.constant 100 : i32
      %lt3A_284 = arith.cmpi slt, %add3A_282, %lt3A_283 : i32
      %convert_element_type3A_285 = arith.extui %lt3A_284 : i1 to i32
      %cond3A_286 = arith.constant 0 : i32
      %cond3A_287 = arith.cmpi ne, %convert_element_type3A_285, %cond3A_286 : i32
      scf.if %cond3A_287 {
        %add3A_465 = arith.constant 4 : i32
        %add3A_466 = arith.addi %add3A_232, %add3A_465 : i32
        %dma_start3A_467 = arith.constant 0 : i32
        %dma_start3A_468 = arith.constant 0 : i32
        %dma_start3A_469 = arith.constant 0 : i32
        %dma_start3A_470 = arith.constant 0 : i32
        %dma_start3A_471 = tpu.memref_slice %arg10[%dma_start3A_467, %dma_start3A_469, %dma_start3A_470] : memref<4x100x96xbf16, #tpu.memory_space<vmem>> -> memref<1x100x96xbf16, #tpu.memory_space<vmem>>
        %dma_start3A_472 = tpu.memref_squeeze %dma_start3A_471 : memref<1x100x96xbf16, #tpu.memory_space<vmem>> -> memref<100x96xbf16, #tpu.memory_space<vmem>>
        %dma_start3A_473 = arith.constant 0 : i32
        %dma_start3A_474 = tpu.memref_slice %arg8[%add3A_466, %dma_start3A_473] : memref<100x100xi32, #tpu.memory_space<vmem>> -> memref<1x100xi32, #tpu.memory_space<vmem>>
        %dma_start3A_475 = tpu.memref_squeeze %dma_start3A_474 : memref<1x100xi32, #tpu.memory_space<vmem>> -> memref<100xi32, #tpu.memory_space<vmem>>
        %dma_start3A_476 = arith.constant 0 : i32
        %dma_start3A_477 = arith.constant 0 : i32
        %dma_start3A_478 = tpu.memref_slice %arg2[%dma_start3A_476, %dma_start3A_477] : memref<10000x96xbf16, #tpu.memory_space<hbm>> -> memref<10000x96xbf16, #tpu.memory_space<hbm>>
        %dma_start3A_479 = tpu.memref_slice %arg14[%dma_start3A_468] : memref<4x!tpu.dma_semaphore, #tpu.memory_space<semaphore_mem>> -> memref<1x!tpu.dma_semaphore, #tpu.memory_space<semaphore_mem>>
        %dma_start3A_480 = tpu.memref_squeeze %dma_start3A_479 : memref<1x!tpu.dma_semaphore, #tpu.memory_space<semaphore_mem>> -> memref<!tpu.dma_semaphore, #tpu.memory_space<semaphore_mem>>
        tpu.enqueue_indirect_dma source(%dma_start3A_478 : memref<10000x96xbf16, #tpu.memory_space<hbm>>) target(%dma_start3A_472 : memref<100x96xbf16, #tpu.memory_space<vmem>>) offsets(%dma_start3A_475 : memref<100xi32, #tpu.memory_space<vmem>>) semaphore(%dma_start3A_480 : memref<!tpu.dma_semaphore, #tpu.memory_space<semaphore_mem>>)
        %dma_start3A_481 = arith.constant 0 : i32
        %dma_start3A_482 = arith.constant 0 : i32
        %dma_start3A_483 = arith.constant 0 : i32
        %dma_start3A_484 = arith.constant 0 : i32
        %dma_start3A_485 = tpu.memref_slice %arg11[%dma_start3A_481, %dma_start3A_483, %dma_start3A_484] : memref<4x100x16xf32, #tpu.memory_space<vmem>> -> memref<1x100x16xf32, #tpu.memory_space<vmem>>
        %dma_start3A_486 = tpu.memref_squeeze %dma_start3A_485 : memref<1x100x16xf32, #tpu.memory_space<vmem>> -> memref<100x16xf32, #tpu.memory_space<vmem>>
        %dma_start3A_487 = arith.constant 0 : i32
        %dma_start3A_488 = tpu.memref_slice %arg9[%add3A_466, %dma_start3A_487] : memref<100x100xi32, #tpu.memory_space<vmem>> -> memref<1x100xi32, #tpu.memory_space<vmem>>
        %dma_start3A_489 = tpu.memref_squeeze %dma_start3A_488 : memref<1x100xi32, #tpu.memory_space<vmem>> -> memref<100xi32, #tpu.memory_space<vmem>>
        %dma_start3A_490 = arith.constant 0 : i32
        %dma_start3A_491 = arith.constant 0 : i32
        %dma_start3A_492 = tpu.memref_slice %arg3[%dma_start3A_490, %dma_start3A_491] : memref<10000x16xf32, #tpu.memory_space<hbm>> -> memref<10000x16xf32, #tpu.memory_space<hbm>>
        %dma_start3A_493 = tpu.memref_slice %arg15[%dma_start3A_482] : memref<4x!tpu.dma_semaphore, #tpu.memory_space<semaphore_mem>> -> memref<1x!tpu.dma_semaphore, #tpu.memory_space<semaphore_mem>>
        %dma_start3A_494 = tpu.memref_squeeze %dma_start3A_493 : memref<1x!tpu.dma_semaphore, #tpu.memory_space<semaphore_mem>> -> memref<!tpu.dma_semaphore, #tpu.memory_space<semaphore_mem>>
        tpu.enqueue_indirect_dma source(%dma_start3A_492 : memref<10000x16xf32, #tpu.memory_space<hbm>>) target(%dma_start3A_486 : memref<100x16xf32, #tpu.memory_space<vmem>>) offsets(%dma_start3A_489 : memref<100xi32, #tpu.memory_space<vmem>>) semaphore(%dma_start3A_494 : memref<!tpu.dma_semaphore, #tpu.memory_space<semaphore_mem>>)
      } else {
      }
      %add3A_288 = arith.constant 1 : i32
      %add3A_289 = arith.addi %add3A_230, %add3A_288 : i32
      %dma_wait3A_290 = arith.constant 1 : i32
      %dma_wait3A_291 = arith.constant 1 : i32
      %dma_wait3A_292 = arith.constant 0 : i32
      %dma_wait3A_293 = arith.constant 0 : i32
      %dma_wait3A_294 = tpu.memref_slice %arg10[%dma_wait3A_290, %dma_wait3A_292, %dma_wait3A_293] : memref<4x100x96xbf16, #tpu.memory_space<vmem>> -> memref<1x100x96xbf16, #tpu.memory_space<vmem>>
      %dma_wait3A_295 = tpu.memref_squeeze %dma_wait3A_294 : memref<1x100x96xbf16, #tpu.memory_space<vmem>> -> memref<100x96xbf16, #tpu.memory_space<vmem>>
      %dma_wait3A_296 = arith.constant 0 : i32
      %dma_wait3A_297 = tpu.memref_slice %arg8[%add3A_289, %dma_wait3A_296] : memref<100x100xi32, #tpu.memory_space<vmem>> -> memref<1x100xi32, #tpu.memory_space<vmem>>
      %dma_wait3A_298 = tpu.memref_squeeze %dma_wait3A_297 : memref<1x100xi32, #tpu.memory_space<vmem>> -> memref<100xi32, #tpu.memory_space<vmem>>
      %dma_wait3A_299 = arith.constant 0 : i32
      %dma_wait3A_300 = arith.constant 0 : i32
      %dma_wait3A_301 = tpu.memref_slice %arg2[%dma_wait3A_299, %dma_wait3A_300] : memref<10000x96xbf16, #tpu.memory_space<hbm>> -> memref<10000x96xbf16, #tpu.memory_space<hbm>>
      %dma_wait3A_302 = tpu.memref_slice %arg14[%dma_wait3A_291] : memref<4x!tpu.dma_semaphore, #tpu.memory_space<semaphore_mem>> -> memref<1x!tpu.dma_semaphore, #tpu.memory_space<semaphore_mem>>
      %dma_wait3A_303 = tpu.memref_squeeze %dma_wait3A_302 : memref<1x!tpu.dma_semaphore, #tpu.memory_space<semaphore_mem>> -> memref<!tpu.dma_semaphore, #tpu.memory_space<semaphore_mem>>
      tpu.wait_indirect_dma semaphore(%dma_wait3A_303 : memref<!tpu.dma_semaphore, #tpu.memory_space<semaphore_mem>>) src(%dma_wait3A_301 : memref<10000x96xbf16, #tpu.memory_space<hbm>>) dst(%dma_wait3A_295 : memref<100x96xbf16, #tpu.memory_space<vmem>>)
      %dma_wait3A_304 = arith.constant 1 : i32
      %dma_wait3A_305 = arith.constant 1 : i32
      %dma_wait3A_306 = arith.constant 0 : i32
      %dma_wait3A_307 = arith.constant 0 : i32
      %dma_wait3A_308 = tpu.memref_slice %arg11[%dma_wait3A_304, %dma_wait3A_306, %dma_wait3A_307] : memref<4x100x16xf32, #tpu.memory_space<vmem>> -> memref<1x100x16xf32, #tpu.memory_space<vmem>>
      %dma_wait3A_309 = tpu.memref_squeeze %dma_wait3A_308 : memref<1x100x16xf32, #tpu.memory_space<vmem>> -> memref<100x16xf32, #tpu.memory_space<vmem>>
      %dma_wait3A_310 = arith.constant 0 : i32
      %dma_wait3A_311 = tpu.memref_slice %arg9[%add3A_289, %dma_wait3A_310] : memref<100x100xi32, #tpu.memory_space<vmem>> -> memref<1x100xi32, #tpu.memory_space<vmem>>
      %dma_wait3A_312 = tpu.memref_squeeze %dma_wait3A_311 : memref<1x100xi32, #tpu.memory_space<vmem>> -> memref<100xi32, #tpu.memory_space<vmem>>
      %dma_wait3A_313 = arith.constant 0 : i32
      %dma_wait3A_314 = arith.constant 0 : i32
      %dma_wait3A_315 = tpu.memref_slice %arg3[%dma_wait3A_313, %dma_wait3A_314] : memref<10000x16xf32, #tpu.memory_space<hbm>> -> memref<10000x16xf32, #tpu.memory_space<hbm>>
      %dma_wait3A_316 = tpu.memref_slice %arg15[%dma_wait3A_305] : memref<4x!tpu.dma_semaphore, #tpu.memory_space<semaphore_mem>> -> memref<1x!tpu.dma_semaphore, #tpu.memory_space<semaphore_mem>>
      %dma_wait3A_317 = tpu.memref_squeeze %dma_wait3A_316 : memref<1x!tpu.dma_semaphore, #tpu.memory_space<semaphore_mem>> -> memref<!tpu.dma_semaphore, #tpu.memory_space<semaphore_mem>>
      tpu.wait_indirect_dma semaphore(%dma_wait3A_317 : memref<!tpu.dma_semaphore, #tpu.memory_space<semaphore_mem>>) src(%dma_wait3A_315 : memref<10000x16xf32, #tpu.memory_space<hbm>>) dst(%dma_wait3A_309 : memref<100x16xf32, #tpu.memory_space<vmem>>)
      %ge3A_318 = arith.constant 4 : i32
      %ge3A_319 = arith.cmpi sge, %add3A_289, %ge3A_318 : i32
      %convert_element_type3A_320 = arith.extui %ge3A_319 : i1 to i32
      %cond3A_321 = arith.constant 0 : i32
      %cond3A_322 = arith.cmpi ne, %convert_element_type3A_320, %cond3A_321 : i32
      scf.if %cond3A_322 {
        %dma_wait3A_465 = arith.constant 1 : i32
        %dma_wait3A_466 = arith.constant 1 : i32
        %dma_wait3A_467 = arith.constant 0 : i32
        %dma_wait3A_468 = arith.constant 0 : i32
        %dma_wait3A_469 = tpu.memref_slice %arg12[%dma_wait3A_465, %dma_wait3A_467, %dma_wait3A_468] : memref<4x100x72xf32, #tpu.memory_space<vmem>> -> memref<1x100x72xf32, #tpu.memory_space<vmem>>
        %dma_wait3A_470 = tpu.memref_squeeze %dma_wait3A_469 : memref<1x100x72xf32, #tpu.memory_space<vmem>> -> memref<100x72xf32, #tpu.memory_space<vmem>>
        %dma_wait3A_471 = arith.constant 0 : i32
        %dma_wait3A_472 = tpu.memref_slice %arg9[%add3A_289, %dma_wait3A_471] : memref<100x100xi32, #tpu.memory_space<vmem>> -> memref<1x100xi32, #tpu.memory_space<vmem>>
        %dma_wait3A_473 = tpu.memref_squeeze %dma_wait3A_472 : memref<1x100xi32, #tpu.memory_space<vmem>> -> memref<100xi32, #tpu.memory_space<vmem>>
        %dma_wait3A_474 = arith.constant 0 : i32
        %dma_wait3A_475 = arith.constant 0 : i32
        %dma_wait3A_476 = tpu.memref_slice %arg13[%dma_wait3A_474, %dma_wait3A_475] : memref<10000x72xf32, #tpu.memory_space<vmem_shared>> -> memref<10000x72xf32, #tpu.memory_space<vmem_shared>>
        %dma_wait3A_477 = tpu.memref_slice %arg16[%dma_wait3A_466] : memref<4x!tpu.dma_semaphore, #tpu.memory_space<semaphore_mem>> -> memref<1x!tpu.dma_semaphore, #tpu.memory_space<semaphore_mem>>
        %dma_wait3A_478 = tpu.memref_squeeze %dma_wait3A_477 : memref<1x!tpu.dma_semaphore, #tpu.memory_space<semaphore_mem>> -> memref<!tpu.dma_semaphore, #tpu.memory_space<semaphore_mem>>
        tpu.wait_indirect_dma semaphore(%dma_wait3A_478 : memref<!tpu.dma_semaphore, #tpu.memory_space<semaphore_mem>>) src(%dma_wait3A_470 : memref<100x72xf32, #tpu.memory_space<vmem>>) dst(%dma_wait3A_476 : memref<10000x72xf32, #tpu.memory_space<vmem_shared>>)
      } else {
      }
      %parallel_loop3A_323 = arith.constant 0 : i32
      %parallel_loop3A_324 = arith.constant 100 : i32
      %parallel_loop3A_325 = arith.constant 1 : i32
      scf.for %parallel_loop3A_465 = %parallel_loop3A_323 to %parallel_loop3A_324 step %parallel_loop3A_325  : i32 {
        %parallel_loop3A_466 = arith.constant 1 : i32
        %parallel_loop3A_467 = arith.index_cast %parallel_loop3A_466 : i32 to index
        %parallel_loop3A_468 = arith.index_cast %parallel_loop3A_465 : i32 to index
        %parallel_loop3A_469 = arith.constant 64 : index
        %parallel_loop3A_470 = tpu.vector_load %arg10[%parallel_loop3A_467, %parallel_loop3A_468, %parallel_loop3A_469] {strides = array<i32>} : memref<4x100x96xbf16, #tpu.memory_space<vmem>>, vector<32xbf16>,
        %parallel_loop3A_471 = tpu.unpack_subelements %parallel_loop3A_470, 0 {pack_format = #tpu.pack_format<interleaved>} : vector<32xbf16> -> vector<16xf32>
        %parallel_loop3A_472 = tpu.unpack_subelements %parallel_loop3A_470, 1 {pack_format = #tpu.pack_format<interleaved>} : vector<32xbf16> -> vector<16xf32>
        %parallel_loop3A_473 = arith.constant 1 : i32
        %parallel_loop3A_474 = arith.index_cast %parallel_loop3A_473 : i32 to index
        %parallel_loop3A_475 = arith.index_cast %parallel_loop3A_465 : i32 to index
        %parallel_loop3A_476 = arith.constant 0 : index
        %parallel_loop3A_477 = tpu.vector_load %arg11[%parallel_loop3A_474, %parallel_loop3A_475, %parallel_loop3A_476] {strides = array<i32>} : memref<4x100x16xf32, #tpu.memory_space<vmem>>, vector<16xf32>,
        %parallel_loop3A_478 = arith.addf %parallel_loop3A_471, %parallel_loop3A_477 : vector<16xf32>
        %parallel_loop3A_479 = arith.constant 0.000000e+00 : f32
        %parallel_loop3A_480 = vector.broadcast %parallel_loop3A_479 : f32 to vector<16xf32>
        %parallel_loop3A_481 = arith.cmpf oge, %parallel_loop3A_478, %parallel_loop3A_480 : vector<16xf32>
        %parallel_loop3A_482 = arith.constant 2.000000e-01 : f32
        %parallel_loop3A_483 = vector.broadcast %parallel_loop3A_482 : f32 to vector<16xf32>
        %parallel_loop3A_484 = arith.mulf %parallel_loop3A_483, %parallel_loop3A_478 : vector<16xf32>
        %parallel_loop3A_485 = arith.select %parallel_loop3A_481, %parallel_loop3A_478, %parallel_loop3A_484 : vector<16xi1>, vector<16xf32>
        %parallel_loop3A_486 = math.exp %parallel_loop3A_485 : vector<16xf32>
        %parallel_loop3A_487 = vector.broadcast %parallel_loop3A_465 : i32 to vector<16xi32>
        %parallel_loop3A_488 = arith.constant 64 : i32
        %parallel_loop3A_489 = vector.broadcast %parallel_loop3A_488 : i32 to vector<16xi32>
        %parallel_loop3A_490 = arith.addi %parallel_loop3A_489, %iota3A : vector<16xi32>
        %parallel_loop3A_491 = arith.constant 8 : i32
        %parallel_loop3A_492 = vector.broadcast %parallel_loop3A_491 : i32 to vector<16xi32>
        %parallel_loop3A_493 = arith.cmpi slt, %iota3A, %parallel_loop3A_492 : vector<16xi32>
        %parallel_loop3A_494 = arith.constant 1 : i32
        %parallel_loop3A_495 = arith.constant 0 : i32
        %parallel_loop3A_496 = arith.constant 0 : i32
        %parallel_loop3A_497 = tpu.memref_slice %arg12[%parallel_loop3A_494, %parallel_loop3A_495, %parallel_loop3A_496] : memref<4x100x72xf32, #tpu.memory_space<vmem>> -> memref<1x100x72xf32, #tpu.memory_space<vmem>>
        %parallel_loop3A_498 = tpu.memref_squeeze %parallel_loop3A_497 : memref<1x100x72xf32, #tpu.memory_space<vmem>> -> memref<100x72xf32, #tpu.memory_space<vmem>>
        tpu.vector_store_idx %parallel_loop3A_498[%parallel_loop3A_487, %parallel_loop3A_490], %parallel_loop3A_486 masked %parallel_loop3A_493 : memref<100x72xf32, #tpu.memory_space<vmem>>[vector<16xi32>, vector<16xi32>], vector<16xf32>, vector<16xi1>
        %parallel_loop3A_499 = arith.constant 1 : i32
        %parallel_loop3A_500 = arith.index_cast %parallel_loop3A_499 : i32 to index
        %parallel_loop3A_501 = arith.index_cast %parallel_loop3A_465 : i32 to index
        %parallel_loop3A_502 = arith.constant 0 : index
        %parallel_loop3A_503 = tpu.vector_load %arg10[%parallel_loop3A_500, %parallel_loop3A_501, %parallel_loop3A_502] {strides = array<i32>} : memref<4x100x96xbf16, #tpu.memory_space<vmem>>, vector<32xbf16>,
        %parallel_loop3A_504 = tpu.unpack_subelements %parallel_loop3A_503, 0 {pack_format = #tpu.pack_format<interleaved>} : vector<32xbf16> -> vector<16xf32>
        %parallel_loop3A_505 = tpu.unpack_subelements %parallel_loop3A_503, 1 {pack_format = #tpu.pack_format<interleaved>} : vector<32xbf16> -> vector<16xf32>
        %parallel_loop3A_506 = vector.shape_cast %add3A_11 : vector<16xi32> to vector<16x1xi32>
        %parallel_loop3A_507 = vector.shape_cast %parallel_loop3A_506 : vector<16x1xi32> to vector<16xi32>
        %parallel_loop3A_508 = tpu.dynamic_gather %parallel_loop3A_486[%parallel_loop3A_507] in [0] : vector<16xf32>, vector<16xi32> -> vector<16xf32>
        %parallel_loop3A_509 = arith.mulf %parallel_loop3A_504, %parallel_loop3A_508 : vector<16xf32>
        %parallel_loop3A_510 = arith.constant 1 : i32
        %parallel_loop3A_511 = arith.index_cast %parallel_loop3A_510 : i32 to index
        %parallel_loop3A_512 = arith.index_cast %parallel_loop3A_465 : i32 to index
        %parallel_loop3A_513 = arith.constant 0 : index
        %parallel_loop3A_514 = tpu.vector_load %arg12[%parallel_loop3A_511, %parallel_loop3A_512, %parallel_loop3A_513] {strides = array<i32>} : memref<4x100x72xf32, #tpu.memory_space<vmem>>, vector<16xf32>,
        tpu.vector_store %arg12[%parallel_loop3A_511, %parallel_loop3A_512, %parallel_loop3A_513], %parallel_loop3A_509 {strides = array<i32>} : memref<4x100x72xf32, #tpu.memory_space<vmem>>, vector<16xf32>,
        %parallel_loop3A_515 = vector.shape_cast %add3A_14 : vector<16xi32> to vector<16x1xi32>
        %parallel_loop3A_516 = vector.shape_cast %parallel_loop3A_515 : vector<16x1xi32> to vector<16xi32>
        %parallel_loop3A_517 = tpu.dynamic_gather %parallel_loop3A_486[%parallel_loop3A_516] in [0] : vector<16xf32>, vector<16xi32> -> vector<16xf32>
        %parallel_loop3A_518 = arith.mulf %parallel_loop3A_505, %parallel_loop3A_517 : vector<16xf32>
        %parallel_loop3A_519 = arith.constant 1 : i32
        %parallel_loop3A_520 = arith.index_cast %parallel_loop3A_519 : i32 to index
        %parallel_loop3A_521 = arith.index_cast %parallel_loop3A_465 : i32 to index
        %parallel_loop3A_522 = arith.constant 16 : index
        %parallel_loop3A_523 = tpu.vector_load %arg12[%parallel_loop3A_520, %parallel_loop3A_521, %parallel_loop3A_522] {strides = array<i32>} : memref<4x100x72xf32, #tpu.memory_space<vmem>>, vector<16xf32>,
        tpu.vector_store %arg12[%parallel_loop3A_520, %parallel_loop3A_521, %parallel_loop3A_522], %parallel_loop3A_518 {strides = array<i32>} : memref<4x100x72xf32, #tpu.memory_space<vmem>>, vector<16xf32>,
        %parallel_loop3A_524 = arith.constant 1 : i32
        %parallel_loop3A_525 = arith.index_cast %parallel_loop3A_524 : i32 to index
        %parallel_loop3A_526 = arith.index_cast %parallel_loop3A_465 : i32 to index
        %parallel_loop3A_527 = arith.constant 32 : index
        %parallel_loop3A_528 = tpu.vector_load %arg10[%parallel_loop3A_525, %parallel_loop3A_526, %parallel_loop3A_527] {strides = array<i32>} : memref<4x100x96xbf16, #tpu.memory_space<vmem>>, vector<32xbf16>,
        %parallel_loop3A_529 = tpu.unpack_subelements %parallel_loop3A_528, 0 {pack_format = #tpu.pack_format<interleaved>} : vector<32xbf16> -> vector<16xf32>
        %parallel_loop3A_530 = tpu.unpack_subelements %parallel_loop3A_528, 1 {pack_format = #tpu.pack_format<interleaved>} : vector<32xbf16> -> vector<16xf32>
        %parallel_loop3A_531 = vector.shape_cast %add3A_17 : vector<16xi32> to vector<16x1xi32>
        %parallel_loop3A_532 = vector.shape_cast %parallel_loop3A_531 : vector<16x1xi32> to vector<16xi32>
        %parallel_loop3A_533 = tpu.dynamic_gather %parallel_loop3A_486[%parallel_loop3A_532] in [0] : vector<16xf32>, vector<16xi32> -> vector<16xf32>
        %parallel_loop3A_534 = arith.mulf %parallel_loop3A_529, %parallel_loop3A_533 : vector<16xf32>
        %parallel_loop3A_535 = arith.constant 1 : i32
        %parallel_loop3A_536 = arith.index_cast %parallel_loop3A_535 : i32 to index
        %parallel_loop3A_537 = arith.index_cast %parallel_loop3A_465 : i32 to index
        %parallel_loop3A_538 = arith.constant 32 : index
        %parallel_loop3A_539 = tpu.vector_load %arg12[%parallel_loop3A_536, %parallel_loop3A_537, %parallel_loop3A_538] {strides = array<i32>} : memref<4x100x72xf32, #tpu.memory_space<vmem>>, vector<16xf32>,
        tpu.vector_store %arg12[%parallel_loop3A_536, %parallel_loop3A_537, %parallel_loop3A_538], %parallel_loop3A_534 {strides = array<i32>} : memref<4x100x72xf32, #tpu.memory_space<vmem>>, vector<16xf32>,
        %parallel_loop3A_540 = vector.shape_cast %add3A_20 : vector<16xi32> to vector<16x1xi32>
        %parallel_loop3A_541 = vector.shape_cast %parallel_loop3A_540 : vector<16x1xi32> to vector<16xi32>
        %parallel_loop3A_542 = tpu.dynamic_gather %parallel_loop3A_486[%parallel_loop3A_541] in [0] : vector<16xf32>, vector<16xi32> -> vector<16xf32>
        %parallel_loop3A_543 = arith.mulf %parallel_loop3A_530, %parallel_loop3A_542 : vector<16xf32>
        %parallel_loop3A_544 = arith.constant 1 : i32
        %parallel_loop3A_545 = arith.index_cast %parallel_loop3A_544 : i32 to index
        %parallel_loop3A_546 = arith.index_cast %parallel_loop3A_465 : i32 to index
        %parallel_loop3A_547 = arith.constant 48 : index
        %parallel_loop3A_548 = tpu.vector_load %arg12[%parallel_loop3A_545, %parallel_loop3A_546, %parallel_loop3A_547] {strides = array<i32>} : memref<4x100x72xf32, #tpu.memory_space<vmem>>, vector<16xf32>,
        tpu.vector_store %arg12[%parallel_loop3A_545, %parallel_loop3A_546, %parallel_loop3A_547], %parallel_loop3A_543 {strides = array<i32>} : memref<4x100x72xf32, #tpu.memory_space<vmem>>, vector<16xf32>,
      } {sc.loop_unroll_factor = 4 : i64, sc.parallel_access}
      %dma_start3A_326 = arith.constant 1 : i32
      %dma_start3A_327 = arith.constant 1 : i32
      %dma_start3A_328 = arith.constant 0 : i32
      %dma_start3A_329 = arith.constant 0 : i32
      %dma_start3A_330 = tpu.memref_slice %arg12[%dma_start3A_326, %dma_start3A_328, %dma_start3A_329] : memref<4x100x72xf32, #tpu.memory_space<vmem>> -> memref<1x100x72xf32, #tpu.memory_space<vmem>>
      %dma_start3A_331 = tpu.memref_squeeze %dma_start3A_330 : memref<1x100x72xf32, #tpu.memory_space<vmem>> -> memref<100x72xf32, #tpu.memory_space<vmem>>
      %dma_start3A_332 = arith.constant 0 : i32
      %dma_start3A_333 = tpu.memref_slice %arg9[%add3A_289, %dma_start3A_332] : memref<100x100xi32, #tpu.memory_space<vmem>> -> memref<1x100xi32, #tpu.memory_space<vmem>>
      %dma_start3A_334 = tpu.memref_squeeze %dma_start3A_333 : memref<1x100xi32, #tpu.memory_space<vmem>> -> memref<100xi32, #tpu.memory_space<vmem>>
      %dma_start3A_335 = arith.constant 0 : i32
      %dma_start3A_336 = arith.constant 0 : i32
      %dma_start3A_337 = tpu.memref_slice %arg13[%dma_start3A_335, %dma_start3A_336] : memref<10000x72xf32, #tpu.memory_space<vmem_shared>> -> memref<10000x72xf32, #tpu.memory_space<vmem_shared>>
      %dma_start3A_338 = tpu.memref_slice %arg16[%dma_start3A_327] : memref<4x!tpu.dma_semaphore, #tpu.memory_space<semaphore_mem>> -> memref<1x!tpu.dma_semaphore, #tpu.memory_space<semaphore_mem>>
      %dma_start3A_339 = tpu.memref_squeeze %dma_start3A_338 : memref<1x!tpu.dma_semaphore, #tpu.memory_space<semaphore_mem>> -> memref<!tpu.dma_semaphore, #tpu.memory_space<semaphore_mem>>
      tpu.enqueue_indirect_dma source(%dma_start3A_331 : memref<100x72xf32, #tpu.memory_space<vmem>>) target(%dma_start3A_337 : memref<10000x72xf32, #tpu.memory_space<vmem_shared>>) offsets(%dma_start3A_334 : memref<100xi32, #tpu.memory_space<vmem>>) semaphore(%dma_start3A_339 : memref<!tpu.dma_semaphore, #tpu.memory_space<semaphore_mem>>) {add = true}
      %add3A_340 = arith.constant 4 : i32
      %add3A_341 = arith.addi %add3A_289, %add3A_340 : i32
      %lt3A_342 = arith.constant 100 : i32
      %lt3A_343 = arith.cmpi slt, %add3A_341, %lt3A_342 : i32
      %convert_element_type3A_344 = arith.extui %lt3A_343 : i1 to i32
      %cond3A_345 = arith.constant 0 : i32
      %cond3A_346 = arith.cmpi ne, %convert_element_type3A_344, %cond3A_345 : i32
      scf.if %cond3A_346 {
        %add3A_465 = arith.constant 4 : i32
        %add3A_466 = arith.addi %add3A_289, %add3A_465 : i32
        %dma_start3A_467 = arith.constant 1 : i32
        %dma_start3A_468 = arith.constant 1 : i32
        %dma_start3A_469 = arith.constant 0 : i32
        %dma_start3A_470 = arith.constant 0 : i32
        %dma_start3A_471 = tpu.memref_slice %arg10[%dma_start3A_467, %dma_start3A_469, %dma_start3A_470] : memref<4x100x96xbf16, #tpu.memory_space<vmem>> -> memref<1x100x96xbf16, #tpu.memory_space<vmem>>
        %dma_start3A_472 = tpu.memref_squeeze %dma_start3A_471 : memref<1x100x96xbf16, #tpu.memory_space<vmem>> -> memref<100x96xbf16, #tpu.memory_space<vmem>>
        %dma_start3A_473 = arith.constant 0 : i32
        %dma_start3A_474 = tpu.memref_slice %arg8[%add3A_466, %dma_start3A_473] : memref<100x100xi32, #tpu.memory_space<vmem>> -> memref<1x100xi32, #tpu.memory_space<vmem>>
        %dma_start3A_475 = tpu.memref_squeeze %dma_start3A_474 : memref<1x100xi32, #tpu.memory_space<vmem>> -> memref<100xi32, #tpu.memory_space<vmem>>
        %dma_start3A_476 = arith.constant 0 : i32
        %dma_start3A_477 = arith.constant 0 : i32
        %dma_start3A_478 = tpu.memref_slice %arg2[%dma_start3A_476, %dma_start3A_477] : memref<10000x96xbf16, #tpu.memory_space<hbm>> -> memref<10000x96xbf16, #tpu.memory_space<hbm>>
        %dma_start3A_479 = tpu.memref_slice %arg14[%dma_start3A_468] : memref<4x!tpu.dma_semaphore, #tpu.memory_space<semaphore_mem>> -> memref<1x!tpu.dma_semaphore, #tpu.memory_space<semaphore_mem>>
        %dma_start3A_480 = tpu.memref_squeeze %dma_start3A_479 : memref<1x!tpu.dma_semaphore, #tpu.memory_space<semaphore_mem>> -> memref<!tpu.dma_semaphore, #tpu.memory_space<semaphore_mem>>
        tpu.enqueue_indirect_dma source(%dma_start3A_478 : memref<10000x96xbf16, #tpu.memory_space<hbm>>) target(%dma_start3A_472 : memref<100x96xbf16, #tpu.memory_space<vmem>>) offsets(%dma_start3A_475 : memref<100xi32, #tpu.memory_space<vmem>>) semaphore(%dma_start3A_480 : memref<!tpu.dma_semaphore, #tpu.memory_space<semaphore_mem>>)
        %dma_start3A_481 = arith.constant 1 : i32
        %dma_start3A_482 = arith.constant 1 : i32
        %dma_start3A_483 = arith.constant 0 : i32
        %dma_start3A_484 = arith.constant 0 : i32
        %dma_start3A_485 = tpu.memref_slice %arg11[%dma_start3A_481, %dma_start3A_483, %dma_start3A_484] : memref<4x100x16xf32, #tpu.memory_space<vmem>> -> memref<1x100x16xf32, #tpu.memory_space<vmem>>
        %dma_start3A_486 = tpu.memref_squeeze %dma_start3A_485 : memref<1x100x16xf32, #tpu.memory_space<vmem>> -> memref<100x16xf32, #tpu.memory_space<vmem>>
        %dma_start3A_487 = arith.constant 0 : i32
        %dma_start3A_488 = tpu.memref_slice %arg9[%add3A_466, %dma_start3A_487] : memref<100x100xi32, #tpu.memory_space<vmem>> -> memref<1x100xi32, #tpu.memory_space<vmem>>
        %dma_start3A_489 = tpu.memref_squeeze %dma_start3A_488 : memref<1x100xi32, #tpu.memory_space<vmem>> -> memref<100xi32, #tpu.memory_space<vmem>>
        %dma_start3A_490 = arith.constant 0 : i32
        %dma_start3A_491 = arith.constant 0 : i32
        %dma_start3A_492 = tpu.memref_slice %arg3[%dma_start3A_490, %dma_start3A_491] : memref<10000x16xf32, #tpu.memory_space<hbm>> -> memref<10000x16xf32, #tpu.memory_space<hbm>>
        %dma_start3A_493 = tpu.memref_slice %arg15[%dma_start3A_482] : memref<4x!tpu.dma_semaphore, #tpu.memory_space<semaphore_mem>> -> memref<1x!tpu.dma_semaphore, #tpu.memory_space<semaphore_mem>>
        %dma_start3A_494 = tpu.memref_squeeze %dma_start3A_493 : memref<1x!tpu.dma_semaphore, #tpu.memory_space<semaphore_mem>> -> memref<!tpu.dma_semaphore, #tpu.memory_space<semaphore_mem>>
        tpu.enqueue_indirect_dma source(%dma_start3A_492 : memref<10000x16xf32, #tpu.memory_space<hbm>>) target(%dma_start3A_486 : memref<100x16xf32, #tpu.memory_space<vmem>>) offsets(%dma_start3A_489 : memref<100xi32, #tpu.memory_space<vmem>>) semaphore(%dma_start3A_494 : memref<!tpu.dma_semaphore, #tpu.memory_space<semaphore_mem>>)
      } else {
      }
      %add3A_347 = arith.constant 2 : i32
      %add3A_348 = arith.addi %add3A_230, %add3A_347 : i32
      %dma_wait3A_349 = arith.constant 2 : i32
      %dma_wait3A_350 = arith.constant 2 : i32
      %dma_wait3A_351 = arith.constant 0 : i32
      %dma_wait3A_352 = arith.constant 0 : i32
      %dma_wait3A_353 = tpu.memref_slice %arg10[%dma_wait3A_349, %dma_wait3A_351, %dma_wait3A_352] : memref<4x100x96xbf16, #tpu.memory_space<vmem>> -> memref<1x100x96xbf16, #tpu.memory_space<vmem>>
      %dma_wait3A_354 = tpu.memref_squeeze %dma_wait3A_353 : memref<1x100x96xbf16, #tpu.memory_space<vmem>> -> memref<100x96xbf16, #tpu.memory_space<vmem>>
      %dma_wait3A_355 = arith.constant 0 : i32
      %dma_wait3A_356 = tpu.memref_slice %arg8[%add3A_348, %dma_wait3A_355] : memref<100x100xi32, #tpu.memory_space<vmem>> -> memref<1x100xi32, #tpu.memory_space<vmem>>
      %dma_wait3A_357 = tpu.memref_squeeze %dma_wait3A_356 : memref<1x100xi32, #tpu.memory_space<vmem>> -> memref<100xi32, #tpu.memory_space<vmem>>
      %dma_wait3A_358 = arith.constant 0 : i32
      %dma_wait3A_359 = arith.constant 0 : i32
      %dma_wait3A_360 = tpu.memref_slice %arg2[%dma_wait3A_358, %dma_wait3A_359] : memref<10000x96xbf16, #tpu.memory_space<hbm>> -> memref<10000x96xbf16, #tpu.memory_space<hbm>>
      %dma_wait3A_361 = tpu.memref_slice %arg14[%dma_wait3A_350] : memref<4x!tpu.dma_semaphore, #tpu.memory_space<semaphore_mem>> -> memref<1x!tpu.dma_semaphore, #tpu.memory_space<semaphore_mem>>
      %dma_wait3A_362 = tpu.memref_squeeze %dma_wait3A_361 : memref<1x!tpu.dma_semaphore, #tpu.memory_space<semaphore_mem>> -> memref<!tpu.dma_semaphore, #tpu.memory_space<semaphore_mem>>
      tpu.wait_indirect_dma semaphore(%dma_wait3A_362 : memref<!tpu.dma_semaphore, #tpu.memory_space<semaphore_mem>>) src(%dma_wait3A_360 : memref<10000x96xbf16, #tpu.memory_space<hbm>>) dst(%dma_wait3A_354 : memref<100x96xbf16, #tpu.memory_space<vmem>>)
      %dma_wait3A_363 = arith.constant 2 : i32
      %dma_wait3A_364 = arith.constant 2 : i32
      %dma_wait3A_365 = arith.constant 0 : i32
      %dma_wait3A_366 = arith.constant 0 : i32
      %dma_wait3A_367 = tpu.memref_slice %arg11[%dma_wait3A_363, %dma_wait3A_365, %dma_wait3A_366] : memref<4x100x16xf32, #tpu.memory_space<vmem>> -> memref<1x100x16xf32, #tpu.memory_space<vmem>>
      %dma_wait3A_368 = tpu.memref_squeeze %dma_wait3A_367 : memref<1x100x16xf32, #tpu.memory_space<vmem>> -> memref<100x16xf32, #tpu.memory_space<vmem>>
      %dma_wait3A_369 = arith.constant 0 : i32
      %dma_wait3A_370 = tpu.memref_slice %arg9[%add3A_348, %dma_wait3A_369] : memref<100x100xi32, #tpu.memory_space<vmem>> -> memref<1x100xi32, #tpu.memory_space<vmem>>
      %dma_wait3A_371 = tpu.memref_squeeze %dma_wait3A_370 : memref<1x100xi32, #tpu.memory_space<vmem>> -> memref<100xi32, #tpu.memory_space<vmem>>
      %dma_wait3A_372 = arith.constant 0 : i32
      %dma_wait3A_373 = arith.constant 0 : i32
      %dma_wait3A_374 = tpu.memref_slice %arg3[%dma_wait3A_372, %dma_wait3A_373] : memref<10000x16xf32, #tpu.memory_space<hbm>> -> memref<10000x16xf32, #tpu.memory_space<hbm>>
      %dma_wait3A_375 = tpu.memref_slice %arg15[%dma_wait3A_364] : memref<4x!tpu.dma_semaphore, #tpu.memory_space<semaphore_mem>> -> memref<1x!tpu.dma_semaphore, #tpu.memory_space<semaphore_mem>>
      %dma_wait3A_376 = tpu.memref_squeeze %dma_wait3A_375 : memref<1x!tpu.dma_semaphore, #tpu.memory_space<semaphore_mem>> -> memref<!tpu.dma_semaphore, #tpu.memory_space<semaphore_mem>>
      tpu.wait_indirect_dma semaphore(%dma_wait3A_376 : memref<!tpu.dma_semaphore, #tpu.memory_space<semaphore_mem>>) src(%dma_wait3A_374 : memref<10000x16xf32, #tpu.memory_space<hbm>>) dst(%dma_wait3A_368 : memref<100x16xf32, #tpu.memory_space<vmem>>)
      %ge3A_377 = arith.constant 4 : i32
      %ge3A_378 = arith.cmpi sge, %add3A_348, %ge3A_377 : i32
      %convert_element_type3A_379 = arith.extui %ge3A_378 : i1 to i32
      %cond3A_380 = arith.constant 0 : i32
      %cond3A_381 = arith.cmpi ne, %convert_element_type3A_379, %cond3A_380 : i32
      scf.if %cond3A_381 {
        %dma_wait3A_465 = arith.constant 2 : i32
        %dma_wait3A_466 = arith.constant 2 : i32
        %dma_wait3A_467 = arith.constant 0 : i32
        %dma_wait3A_468 = arith.constant 0 : i32
        %dma_wait3A_469 = tpu.memref_slice %arg12[%dma_wait3A_465, %dma_wait3A_467, %dma_wait3A_468] : memref<4x100x72xf32, #tpu.memory_space<vmem>> -> memref<1x100x72xf32, #tpu.memory_space<vmem>>
        %dma_wait3A_470 = tpu.memref_squeeze %dma_wait3A_469 : memref<1x100x72xf32, #tpu.memory_space<vmem>> -> memref<100x72xf32, #tpu.memory_space<vmem>>
        %dma_wait3A_471 = arith.constant 0 : i32
        %dma_wait3A_472 = tpu.memref_slice %arg9[%add3A_348, %dma_wait3A_471] : memref<100x100xi32, #tpu.memory_space<vmem>> -> memref<1x100xi32, #tpu.memory_space<vmem>>
        %dma_wait3A_473 = tpu.memref_squeeze %dma_wait3A_472 : memref<1x100xi32, #tpu.memory_space<vmem>> -> memref<100xi32, #tpu.memory_space<vmem>>
        %dma_wait3A_474 = arith.constant 0 : i32
        %dma_wait3A_475 = arith.constant 0 : i32
        %dma_wait3A_476 = tpu.memref_slice %arg13[%dma_wait3A_474, %dma_wait3A_475] : memref<10000x72xf32, #tpu.memory_space<vmem_shared>> -> memref<10000x72xf32, #tpu.memory_space<vmem_shared>>
        %dma_wait3A_477 = tpu.memref_slice %arg16[%dma_wait3A_466] : memref<4x!tpu.dma_semaphore, #tpu.memory_space<semaphore_mem>> -> memref<1x!tpu.dma_semaphore, #tpu.memory_space<semaphore_mem>>
        %dma_wait3A_478 = tpu.memref_squeeze %dma_wait3A_477 : memref<1x!tpu.dma_semaphore, #tpu.memory_space<semaphore_mem>> -> memref<!tpu.dma_semaphore, #tpu.memory_space<semaphore_mem>>
        tpu.wait_indirect_dma semaphore(%dma_wait3A_478 : memref<!tpu.dma_semaphore, #tpu.memory_space<semaphore_mem>>) src(%dma_wait3A_470 : memref<100x72xf32, #tpu.memory_space<vmem>>) dst(%dma_wait3A_476 : memref<10000x72xf32, #tpu.memory_space<vmem_shared>>)
      } else {
      }
      %parallel_loop3A_382 = arith.constant 0 : i32
      %parallel_loop3A_383 = arith.constant 100 : i32
      %parallel_loop3A_384 = arith.constant 1 : i32
      scf.for %parallel_loop3A_465 = %parallel_loop3A_382 to %parallel_loop3A_383 step %parallel_loop3A_384  : i32 {
        %parallel_loop3A_466 = arith.constant 2 : i32
        %parallel_loop3A_467 = arith.index_cast %parallel_loop3A_466 : i32 to index
        %parallel_loop3A_468 = arith.index_cast %parallel_loop3A_465 : i32 to index
        %parallel_loop3A_469 = arith.constant 64 : index
        %parallel_loop3A_470 = tpu.vector_load %arg10[%parallel_loop3A_467, %parallel_loop3A_468, %parallel_loop3A_469] {strides = array<i32>} : memref<4x100x96xbf16, #tpu.memory_space<vmem>>, vector<32xbf16>,
        %parallel_loop3A_471 = tpu.unpack_subelements %parallel_loop3A_470, 0 {pack_format = #tpu.pack_format<interleaved>} : vector<32xbf16> -> vector<16xf32>
        %parallel_loop3A_472 = tpu.unpack_subelements %parallel_loop3A_470, 1 {pack_format = #tpu.pack_format<interleaved>} : vector<32xbf16> -> vector<16xf32>
        %parallel_loop3A_473 = arith.constant 2 : i32
        %parallel_loop3A_474 = arith.index_cast %parallel_loop3A_473 : i32 to index
        %parallel_loop3A_475 = arith.index_cast %parallel_loop3A_465 : i32 to index
        %parallel_loop3A_476 = arith.constant 0 : index
        %parallel_loop3A_477 = tpu.vector_load %arg11[%parallel_loop3A_474, %parallel_loop3A_475, %parallel_loop3A_476] {strides = array<i32>} : memref<4x100x16xf32, #tpu.memory_space<vmem>>, vector<16xf32>,
        %parallel_loop3A_478 = arith.addf %parallel_loop3A_471, %parallel_loop3A_477 : vector<16xf32>
        %parallel_loop3A_479 = arith.constant 0.000000e+00 : f32
        %parallel_loop3A_480 = vector.broadcast %parallel_loop3A_479 : f32 to vector<16xf32>
        %parallel_loop3A_481 = arith.cmpf oge, %parallel_loop3A_478, %parallel_loop3A_480 : vector<16xf32>
        %parallel_loop3A_482 = arith.constant 2.000000e-01 : f32
        %parallel_loop3A_483 = vector.broadcast %parallel_loop3A_482 : f32 to vector<16xf32>
        %parallel_loop3A_484 = arith.mulf %parallel_loop3A_483, %parallel_loop3A_478 : vector<16xf32>
        %parallel_loop3A_485 = arith.select %parallel_loop3A_481, %parallel_loop3A_478, %parallel_loop3A_484 : vector<16xi1>, vector<16xf32>
        %parallel_loop3A_486 = math.exp %parallel_loop3A_485 : vector<16xf32>
        %parallel_loop3A_487 = vector.broadcast %parallel_loop3A_465 : i32 to vector<16xi32>
        %parallel_loop3A_488 = arith.constant 64 : i32
        %parallel_loop3A_489 = vector.broadcast %parallel_loop3A_488 : i32 to vector<16xi32>
        %parallel_loop3A_490 = arith.addi %parallel_loop3A_489, %iota3A : vector<16xi32>
        %parallel_loop3A_491 = arith.constant 8 : i32
        %parallel_loop3A_492 = vector.broadcast %parallel_loop3A_491 : i32 to vector<16xi32>
        %parallel_loop3A_493 = arith.cmpi slt, %iota3A, %parallel_loop3A_492 : vector<16xi32>
        %parallel_loop3A_494 = arith.constant 2 : i32
        %parallel_loop3A_495 = arith.constant 0 : i32
        %parallel_loop3A_496 = arith.constant 0 : i32
        %parallel_loop3A_497 = tpu.memref_slice %arg12[%parallel_loop3A_494, %parallel_loop3A_495, %parallel_loop3A_496] : memref<4x100x72xf32, #tpu.memory_space<vmem>> -> memref<1x100x72xf32, #tpu.memory_space<vmem>>
        %parallel_loop3A_498 = tpu.memref_squeeze %parallel_loop3A_497 : memref<1x100x72xf32, #tpu.memory_space<vmem>> -> memref<100x72xf32, #tpu.memory_space<vmem>>
        tpu.vector_store_idx %parallel_loop3A_498[%parallel_loop3A_487, %parallel_loop3A_490], %parallel_loop3A_486 masked %parallel_loop3A_493 : memref<100x72xf32, #tpu.memory_space<vmem>>[vector<16xi32>, vector<16xi32>], vector<16xf32>, vector<16xi1>
        %parallel_loop3A_499 = arith.constant 2 : i32
        %parallel_loop3A_500 = arith.index_cast %parallel_loop3A_499 : i32 to index
        %parallel_loop3A_501 = arith.index_cast %parallel_loop3A_465 : i32 to index
        %parallel_loop3A_502 = arith.constant 0 : index
        %parallel_loop3A_503 = tpu.vector_load %arg10[%parallel_loop3A_500, %parallel_loop3A_501, %parallel_loop3A_502] {strides = array<i32>} : memref<4x100x96xbf16, #tpu.memory_space<vmem>>, vector<32xbf16>,
        %parallel_loop3A_504 = tpu.unpack_subelements %parallel_loop3A_503, 0 {pack_format = #tpu.pack_format<interleaved>} : vector<32xbf16> -> vector<16xf32>
        %parallel_loop3A_505 = tpu.unpack_subelements %parallel_loop3A_503, 1 {pack_format = #tpu.pack_format<interleaved>} : vector<32xbf16> -> vector<16xf32>
        %parallel_loop3A_506 = vector.shape_cast %add3A_11 : vector<16xi32> to vector<16x1xi32>
        %parallel_loop3A_507 = vector.shape_cast %parallel_loop3A_506 : vector<16x1xi32> to vector<16xi32>
        %parallel_loop3A_508 = tpu.dynamic_gather %parallel_loop3A_486[%parallel_loop3A_507] in [0] : vector<16xf32>, vector<16xi32> -> vector<16xf32>
        %parallel_loop3A_509 = arith.mulf %parallel_loop3A_504, %parallel_loop3A_508 : vector<16xf32>
        %parallel_loop3A_510 = arith.constant 2 : i32
        %parallel_loop3A_511 = arith.index_cast %parallel_loop3A_510 : i32 to index
        %parallel_loop3A_512 = arith.index_cast %parallel_loop3A_465 : i32 to index
        %parallel_loop3A_513 = arith.constant 0 : index
        %parallel_loop3A_514 = tpu.vector_load %arg12[%parallel_loop3A_511, %parallel_loop3A_512, %parallel_loop3A_513] {strides = array<i32>} : memref<4x100x72xf32, #tpu.memory_space<vmem>>, vector<16xf32>,
        tpu.vector_store %arg12[%parallel_loop3A_511, %parallel_loop3A_512, %parallel_loop3A_513], %parallel_loop3A_509 {strides = array<i32>} : memref<4x100x72xf32, #tpu.memory_space<vmem>>, vector<16xf32>,
        %parallel_loop3A_515 = vector.shape_cast %add3A_14 : vector<16xi32> to vector<16x1xi32>
        %parallel_loop3A_516 = vector.shape_cast %parallel_loop3A_515 : vector<16x1xi32> to vector<16xi32>
        %parallel_loop3A_517 = tpu.dynamic_gather %parallel_loop3A_486[%parallel_loop3A_516] in [0] : vector<16xf32>, vector<16xi32> -> vector<16xf32>
        %parallel_loop3A_518 = arith.mulf %parallel_loop3A_505, %parallel_loop3A_517 : vector<16xf32>
        %parallel_loop3A_519 = arith.constant 2 : i32
        %parallel_loop3A_520 = arith.index_cast %parallel_loop3A_519 : i32 to index
        %parallel_loop3A_521 = arith.index_cast %parallel_loop3A_465 : i32 to index
        %parallel_loop3A_522 = arith.constant 16 : index
        %parallel_loop3A_523 = tpu.vector_load %arg12[%parallel_loop3A_520, %parallel_loop3A_521, %parallel_loop3A_522] {strides = array<i32>} : memref<4x100x72xf32, #tpu.memory_space<vmem>>, vector<16xf32>,
        tpu.vector_store %arg12[%parallel_loop3A_520, %parallel_loop3A_521, %parallel_loop3A_522], %parallel_loop3A_518 {strides = array<i32>} : memref<4x100x72xf32, #tpu.memory_space<vmem>>, vector<16xf32>,
        %parallel_loop3A_524 = arith.constant 2 : i32
        %parallel_loop3A_525 = arith.index_cast %parallel_loop3A_524 : i32 to index
        %parallel_loop3A_526 = arith.index_cast %parallel_loop3A_465 : i32 to index
        %parallel_loop3A_527 = arith.constant 32 : index
        %parallel_loop3A_528 = tpu.vector_load %arg10[%parallel_loop3A_525, %parallel_loop3A_526, %parallel_loop3A_527] {strides = array<i32>} : memref<4x100x96xbf16, #tpu.memory_space<vmem>>, vector<32xbf16>,
        %parallel_loop3A_529 = tpu.unpack_subelements %parallel_loop3A_528, 0 {pack_format = #tpu.pack_format<interleaved>} : vector<32xbf16> -> vector<16xf32>
        %parallel_loop3A_530 = tpu.unpack_subelements %parallel_loop3A_528, 1 {pack_format = #tpu.pack_format<interleaved>} : vector<32xbf16> -> vector<16xf32>
        %parallel_loop3A_531 = vector.shape_cast %add3A_17 : vector<16xi32> to vector<16x1xi32>
        %parallel_loop3A_532 = vector.shape_cast %parallel_loop3A_531 : vector<16x1xi32> to vector<16xi32>
        %parallel_loop3A_533 = tpu.dynamic_gather %parallel_loop3A_486[%parallel_loop3A_532] in [0] : vector<16xf32>, vector<16xi32> -> vector<16xf32>
        %parallel_loop3A_534 = arith.mulf %parallel_loop3A_529, %parallel_loop3A_533 : vector<16xf32>
        %parallel_loop3A_535 = arith.constant 2 : i32
        %parallel_loop3A_536 = arith.index_cast %parallel_loop3A_535 : i32 to index
        %parallel_loop3A_537 = arith.index_cast %parallel_loop3A_465 : i32 to index
        %parallel_loop3A_538 = arith.constant 32 : index
        %parallel_loop3A_539 = tpu.vector_load %arg12[%parallel_loop3A_536, %parallel_loop3A_537, %parallel_loop3A_538] {strides = array<i32>} : memref<4x100x72xf32, #tpu.memory_space<vmem>>, vector<16xf32>,
        tpu.vector_store %arg12[%parallel_loop3A_536, %parallel_loop3A_537, %parallel_loop3A_538], %parallel_loop3A_534 {strides = array<i32>} : memref<4x100x72xf32, #tpu.memory_space<vmem>>, vector<16xf32>,
        %parallel_loop3A_540 = vector.shape_cast %add3A_20 : vector<16xi32> to vector<16x1xi32>
        %parallel_loop3A_541 = vector.shape_cast %parallel_loop3A_540 : vector<16x1xi32> to vector<16xi32>
        %parallel_loop3A_542 = tpu.dynamic_gather %parallel_loop3A_486[%parallel_loop3A_541] in [0] : vector<16xf32>, vector<16xi32> -> vector<16xf32>
        %parallel_loop3A_543 = arith.mulf %parallel_loop3A_530, %parallel_loop3A_542 : vector<16xf32>
        %parallel_loop3A_544 = arith.constant 2 : i32
        %parallel_loop3A_545 = arith.index_cast %parallel_loop3A_544 : i32 to index
        %parallel_loop3A_546 = arith.index_cast %parallel_loop3A_465 : i32 to index
        %parallel_loop3A_547 = arith.constant 48 : index
        %parallel_loop3A_548 = tpu.vector_load %arg12[%parallel_loop3A_545, %parallel_loop3A_546, %parallel_loop3A_547] {strides = array<i32>} : memref<4x100x72xf32, #tpu.memory_space<vmem>>, vector<16xf32>,
        tpu.vector_store %arg12[%parallel_loop3A_545, %parallel_loop3A_546, %parallel_loop3A_547], %parallel_loop3A_543 {strides = array<i32>} : memref<4x100x72xf32, #tpu.memory_space<vmem>>, vector<16xf32>,
      } {sc.loop_unroll_factor = 4 : i64, sc.parallel_access}
      %dma_start3A_385 = arith.constant 2 : i32
      %dma_start3A_386 = arith.constant 2 : i32
      %dma_start3A_387 = arith.constant 0 : i32
      %dma_start3A_388 = arith.constant 0 : i32
      %dma_start3A_389 = tpu.memref_slice %arg12[%dma_start3A_385, %dma_start3A_387, %dma_start3A_388] : memref<4x100x72xf32, #tpu.memory_space<vmem>> -> memref<1x100x72xf32, #tpu.memory_space<vmem>>
      %dma_start3A_390 = tpu.memref_squeeze %dma_start3A_389 : memref<1x100x72xf32, #tpu.memory_space<vmem>> -> memref<100x72xf32, #tpu.memory_space<vmem>>
      %dma_start3A_391 = arith.constant 0 : i32
      %dma_start3A_392 = tpu.memref_slice %arg9[%add3A_348, %dma_start3A_391] : memref<100x100xi32, #tpu.memory_space<vmem>> -> memref<1x100xi32, #tpu.memory_space<vmem>>
      %dma_start3A_393 = tpu.memref_squeeze %dma_start3A_392 : memref<1x100xi32, #tpu.memory_space<vmem>> -> memref<100xi32, #tpu.memory_space<vmem>>
      %dma_start3A_394 = arith.constant 0 : i32
      %dma_start3A_395 = arith.constant 0 : i32
      %dma_start3A_396 = tpu.memref_slice %arg13[%dma_start3A_394, %dma_start3A_395] : memref<10000x72xf32, #tpu.memory_space<vmem_shared>> -> memref<10000x72xf32, #tpu.memory_space<vmem_shared>>
      %dma_start3A_397 = tpu.memref_slice %arg16[%dma_start3A_386] : memref<4x!tpu.dma_semaphore, #tpu.memory_space<semaphore_mem>> -> memref<1x!tpu.dma_semaphore, #tpu.memory_space<semaphore_mem>>
      %dma_start3A_398 = tpu.memref_squeeze %dma_start3A_397 : memref<1x!tpu.dma_semaphore, #tpu.memory_space<semaphore_mem>> -> memref<!tpu.dma_semaphore, #tpu.memory_space<semaphore_mem>>
      tpu.enqueue_indirect_dma source(%dma_start3A_390 : memref<100x72xf32, #tpu.memory_space<vmem>>) target(%dma_start3A_396 : memref<10000x72xf32, #tpu.memory_space<vmem_shared>>) offsets(%dma_start3A_393 : memref<100xi32, #tpu.memory_space<vmem>>) semaphore(%dma_start3A_398 : memref<!tpu.dma_semaphore, #tpu.memory_space<semaphore_mem>>) {add = true}
      %add3A_399 = arith.constant 4 : i32
      %add3A_400 = arith.addi %add3A_348, %add3A_399 : i32
      %lt3A_401 = arith.constant 100 : i32
      %lt3A_402 = arith.cmpi slt, %add3A_400, %lt3A_401 : i32
      %convert_element_type3A_403 = arith.extui %lt3A_402 : i1 to i32
      %cond3A_404 = arith.constant 0 : i32
      %cond3A_405 = arith.cmpi ne, %convert_element_type3A_403, %cond3A_404 : i32
      scf.if %cond3A_405 {
        %add3A_465 = arith.constant 4 : i32
        %add3A_466 = arith.addi %add3A_348, %add3A_465 : i32
        %dma_start3A_467 = arith.constant 2 : i32
        %dma_start3A_468 = arith.constant 2 : i32
        %dma_start3A_469 = arith.constant 0 : i32
        %dma_start3A_470 = arith.constant 0 : i32
        %dma_start3A_471 = tpu.memref_slice %arg10[%dma_start3A_467, %dma_start3A_469, %dma_start3A_470] : memref<4x100x96xbf16, #tpu.memory_space<vmem>> -> memref<1x100x96xbf16, #tpu.memory_space<vmem>>
        %dma_start3A_472 = tpu.memref_squeeze %dma_start3A_471 : memref<1x100x96xbf16, #tpu.memory_space<vmem>> -> memref<100x96xbf16, #tpu.memory_space<vmem>>
        %dma_start3A_473 = arith.constant 0 : i32
        %dma_start3A_474 = tpu.memref_slice %arg8[%add3A_466, %dma_start3A_473] : memref<100x100xi32, #tpu.memory_space<vmem>> -> memref<1x100xi32, #tpu.memory_space<vmem>>
        %dma_start3A_475 = tpu.memref_squeeze %dma_start3A_474 : memref<1x100xi32, #tpu.memory_space<vmem>> -> memref<100xi32, #tpu.memory_space<vmem>>
        %dma_start3A_476 = arith.constant 0 : i32
        %dma_start3A_477 = arith.constant 0 : i32
        %dma_start3A_478 = tpu.memref_slice %arg2[%dma_start3A_476, %dma_start3A_477] : memref<10000x96xbf16, #tpu.memory_space<hbm>> -> memref<10000x96xbf16, #tpu.memory_space<hbm>>
        %dma_start3A_479 = tpu.memref_slice %arg14[%dma_start3A_468] : memref<4x!tpu.dma_semaphore, #tpu.memory_space<semaphore_mem>> -> memref<1x!tpu.dma_semaphore, #tpu.memory_space<semaphore_mem>>
        %dma_start3A_480 = tpu.memref_squeeze %dma_start3A_479 : memref<1x!tpu.dma_semaphore, #tpu.memory_space<semaphore_mem>> -> memref<!tpu.dma_semaphore, #tpu.memory_space<semaphore_mem>>
        tpu.enqueue_indirect_dma source(%dma_start3A_478 : memref<10000x96xbf16, #tpu.memory_space<hbm>>) target(%dma_start3A_472 : memref<100x96xbf16, #tpu.memory_space<vmem>>) offsets(%dma_start3A_475 : memref<100xi32, #tpu.memory_space<vmem>>) semaphore(%dma_start3A_480 : memref<!tpu.dma_semaphore, #tpu.memory_space<semaphore_mem>>)
        %dma_start3A_481 = arith.constant 2 : i32
        %dma_start3A_482 = arith.constant 2 : i32
        %dma_start3A_483 = arith.constant 0 : i32
        %dma_start3A_484 = arith.constant 0 : i32
        %dma_start3A_485 = tpu.memref_slice %arg11[%dma_start3A_481, %dma_start3A_483, %dma_start3A_484] : memref<4x100x16xf32, #tpu.memory_space<vmem>> -> memref<1x100x16xf32, #tpu.memory_space<vmem>>
        %dma_start3A_486 = tpu.memref_squeeze %dma_start3A_485 : memref<1x100x16xf32, #tpu.memory_space<vmem>> -> memref<100x16xf32, #tpu.memory_space<vmem>>
        %dma_start3A_487 = arith.constant 0 : i32
        %dma_start3A_488 = tpu.memref_slice %arg9[%add3A_466, %dma_start3A_487] : memref<100x100xi32, #tpu.memory_space<vmem>> -> memref<1x100xi32, #tpu.memory_space<vmem>>
        %dma_start3A_489 = tpu.memref_squeeze %dma_start3A_488 : memref<1x100xi32, #tpu.memory_space<vmem>> -> memref<100xi32, #tpu.memory_space<vmem>>
        %dma_start3A_490 = arith.constant 0 : i32
        %dma_start3A_491 = arith.constant 0 : i32
        %dma_start3A_492 = tpu.memref_slice %arg3[%dma_start3A_490, %dma_start3A_491] : memref<10000x16xf32, #tpu.memory_space<hbm>> -> memref<10000x16xf32, #tpu.memory_space<hbm>>
        %dma_start3A_493 = tpu.memref_slice %arg15[%dma_start3A_482] : memref<4x!tpu.dma_semaphore, #tpu.memory_space<semaphore_mem>> -> memref<1x!tpu.dma_semaphore, #tpu.memory_space<semaphore_mem>>
        %dma_start3A_494 = tpu.memref_squeeze %dma_start3A_493 : memref<1x!tpu.dma_semaphore, #tpu.memory_space<semaphore_mem>> -> memref<!tpu.dma_semaphore, #tpu.memory_space<semaphore_mem>>
        tpu.enqueue_indirect_dma source(%dma_start3A_492 : memref<10000x16xf32, #tpu.memory_space<hbm>>) target(%dma_start3A_486 : memref<100x16xf32, #tpu.memory_space<vmem>>) offsets(%dma_start3A_489 : memref<100xi32, #tpu.memory_space<vmem>>) semaphore(%dma_start3A_494 : memref<!tpu.dma_semaphore, #tpu.memory_space<semaphore_mem>>)
      } else {
      }
      %add3A_406 = arith.constant 3 : i32
      %add3A_407 = arith.addi %add3A_230, %add3A_406 : i32
      %dma_wait3A_408 = arith.constant 3 : i32
      %dma_wait3A_409 = arith.constant 3 : i32
      %dma_wait3A_410 = arith.constant 0 : i32
      %dma_wait3A_411 = arith.constant 0 : i32
      %dma_wait3A_412 = tpu.memref_slice %arg10[%dma_wait3A_408, %dma_wait3A_410, %dma_wait3A_411] : memref<4x100x96xbf16, #tpu.memory_space<vmem>> -> memref<1x100x96xbf16, #tpu.memory_space<vmem>>
      %dma_wait3A_413 = tpu.memref_squeeze %dma_wait3A_412 : memref<1x100x96xbf16, #tpu.memory_space<vmem>> -> memref<100x96xbf16, #tpu.memory_space<vmem>>
      %dma_wait3A_414 = arith.constant 0 : i32
      %dma_wait3A_415 = tpu.memref_slice %arg8[%add3A_407, %dma_wait3A_414] : memref<100x100xi32, #tpu.memory_space<vmem>> -> memref<1x100xi32, #tpu.memory_space<vmem>>
      %dma_wait3A_416 = tpu.memref_squeeze %dma_wait3A_415 : memref<1x100xi32, #tpu.memory_space<vmem>> -> memref<100xi32, #tpu.memory_space<vmem>>
      %dma_wait3A_417 = arith.constant 0 : i32
      %dma_wait3A_418 = arith.constant 0 : i32
      %dma_wait3A_419 = tpu.memref_slice %arg2[%dma_wait3A_417, %dma_wait3A_418] : memref<10000x96xbf16, #tpu.memory_space<hbm>> -> memref<10000x96xbf16, #tpu.memory_space<hbm>>
      %dma_wait3A_420 = tpu.memref_slice %arg14[%dma_wait3A_409] : memref<4x!tpu.dma_semaphore, #tpu.memory_space<semaphore_mem>> -> memref<1x!tpu.dma_semaphore, #tpu.memory_space<semaphore_mem>>
      %dma_wait3A_421 = tpu.memref_squeeze %dma_wait3A_420 : memref<1x!tpu.dma_semaphore, #tpu.memory_space<semaphore_mem>> -> memref<!tpu.dma_semaphore, #tpu.memory_space<semaphore_mem>>
      tpu.wait_indirect_dma semaphore(%dma_wait3A_421 : memref<!tpu.dma_semaphore, #tpu.memory_space<semaphore_mem>>) src(%dma_wait3A_419 : memref<10000x96xbf16, #tpu.memory_space<hbm>>) dst(%dma_wait3A_413 : memref<100x96xbf16, #tpu.memory_space<vmem>>)
      %dma_wait3A_422 = arith.constant 3 : i32
      %dma_wait3A_423 = arith.constant 3 : i32
      %dma_wait3A_424 = arith.constant 0 : i32
      %dma_wait3A_425 = arith.constant 0 : i32
      %dma_wait3A_426 = tpu.memref_slice %arg11[%dma_wait3A_422, %dma_wait3A_424, %dma_wait3A_425] : memref<4x100x16xf32, #tpu.memory_space<vmem>> -> memref<1x100x16xf32, #tpu.memory_space<vmem>>
      %dma_wait3A_427 = tpu.memref_squeeze %dma_wait3A_426 : memref<1x100x16xf32, #tpu.memory_space<vmem>> -> memref<100x16xf32, #tpu.memory_space<vmem>>
      %dma_wait3A_428 = arith.constant 0 : i32
      %dma_wait3A_429 = tpu.memref_slice %arg9[%add3A_407, %dma_wait3A_428] : memref<100x100xi32, #tpu.memory_space<vmem>> -> memref<1x100xi32, #tpu.memory_space<vmem>>
      %dma_wait3A_430 = tpu.memref_squeeze %dma_wait3A_429 : memref<1x100xi32, #tpu.memory_space<vmem>> -> memref<100xi32, #tpu.memory_space<vmem>>
      %dma_wait3A_431 = arith.constant 0 : i32
      %dma_wait3A_432 = arith.constant 0 : i32
      %dma_wait3A_433 = tpu.memref_slice %arg3[%dma_wait3A_431, %dma_wait3A_432] : memref<10000x16xf32, #tpu.memory_space<hbm>> -> memref<10000x16xf32, #tpu.memory_space<hbm>>
      %dma_wait3A_434 = tpu.memref_slice %arg15[%dma_wait3A_423] : memref<4x!tpu.dma_semaphore, #tpu.memory_space<semaphore_mem>> -> memref<1x!tpu.dma_semaphore, #tpu.memory_space<semaphore_mem>>
      %dma_wait3A_435 = tpu.memref_squeeze %dma_wait3A_434 : memref<1x!tpu.dma_semaphore, #tpu.memory_space<semaphore_mem>> -> memref<!tpu.dma_semaphore, #tpu.memory_space<semaphore_mem>>
      tpu.wait_indirect_dma semaphore(%dma_wait3A_435 : memref<!tpu.dma_semaphore, #tpu.memory_space<semaphore_mem>>) src(%dma_wait3A_433 : memref<10000x16xf32, #tpu.memory_space<hbm>>) dst(%dma_wait3A_427 : memref<100x16xf32, #tpu.memory_space<vmem>>)
      %ge3A_436 = arith.constant 4 : i32
      %ge3A_437 = arith.cmpi sge, %add3A_407, %ge3A_436 : i32
      %convert_element_type3A_438 = arith.extui %ge3A_437 : i1 to i32
      %cond3A_439 = arith.constant 0 : i32
      %cond3A_440 = arith.cmpi ne, %convert_element_type3A_438, %cond3A_439 : i32
      scf.if %cond3A_440 {
        %dma_wait3A_465 = arith.constant 3 : i32
        %dma_wait3A_466 = arith.constant 3 : i32
        %dma_wait3A_467 = arith.constant 0 : i32
        %dma_wait3A_468 = arith.constant 0 : i32
        %dma_wait3A_469 = tpu.memref_slice %arg12[%dma_wait3A_465, %dma_wait3A_467, %dma_wait3A_468] : memref<4x100x72xf32, #tpu.memory_space<vmem>> -> memref<1x100x72xf32, #tpu.memory_space<vmem>>
        %dma_wait3A_470 = tpu.memref_squeeze %dma_wait3A_469 : memref<1x100x72xf32, #tpu.memory_space<vmem>> -> memref<100x72xf32, #tpu.memory_space<vmem>>
        %dma_wait3A_471 = arith.constant 0 : i32
        %dma_wait3A_472 = tpu.memref_slice %arg9[%add3A_407, %dma_wait3A_471] : memref<100x100xi32, #tpu.memory_space<vmem>> -> memref<1x100xi32, #tpu.memory_space<vmem>>
        %dma_wait3A_473 = tpu.memref_squeeze %dma_wait3A_472 : memref<1x100xi32, #tpu.memory_space<vmem>> -> memref<100xi32, #tpu.memory_space<vmem>>
        %dma_wait3A_474 = arith.constant 0 : i32
        %dma_wait3A_475 = arith.constant 0 : i32
        %dma_wait3A_476 = tpu.memref_slice %arg13[%dma_wait3A_474, %dma_wait3A_475] : memref<10000x72xf32, #tpu.memory_space<vmem_shared>> -> memref<10000x72xf32, #tpu.memory_space<vmem_shared>>
        %dma_wait3A_477 = tpu.memref_slice %arg16[%dma_wait3A_466] : memref<4x!tpu.dma_semaphore, #tpu.memory_space<semaphore_mem>> -> memref<1x!tpu.dma_semaphore, #tpu.memory_space<semaphore_mem>>
        %dma_wait3A_478 = tpu.memref_squeeze %dma_wait3A_477 : memref<1x!tpu.dma_semaphore, #tpu.memory_space<semaphore_mem>> -> memref<!tpu.dma_semaphore, #tpu.memory_space<semaphore_mem>>
        tpu.wait_indirect_dma semaphore(%dma_wait3A_478 : memref<!tpu.dma_semaphore, #tpu.memory_space<semaphore_mem>>) src(%dma_wait3A_470 : memref<100x72xf32, #tpu.memory_space<vmem>>) dst(%dma_wait3A_476 : memref<10000x72xf32, #tpu.memory_space<vmem_shared>>)
      } else {
      }
      %parallel_loop3A_441 = arith.constant 0 : i32
      %parallel_loop3A_442 = arith.constant 100 : i32
      %parallel_loop3A_443 = arith.constant 1 : i32
      scf.for %parallel_loop3A_465 = %parallel_loop3A_441 to %parallel_loop3A_442 step %parallel_loop3A_443  : i32 {
        %parallel_loop3A_466 = arith.constant 3 : i32
        %parallel_loop3A_467 = arith.index_cast %parallel_loop3A_466 : i32 to index
        %parallel_loop3A_468 = arith.index_cast %parallel_loop3A_465 : i32 to index
        %parallel_loop3A_469 = arith.constant 64 : index
        %parallel_loop3A_470 = tpu.vector_load %arg10[%parallel_loop3A_467, %parallel_loop3A_468, %parallel_loop3A_469] {strides = array<i32>} : memref<4x100x96xbf16, #tpu.memory_space<vmem>>, vector<32xbf16>,
        %parallel_loop3A_471 = tpu.unpack_subelements %parallel_loop3A_470, 0 {pack_format = #tpu.pack_format<interleaved>} : vector<32xbf16> -> vector<16xf32>
        %parallel_loop3A_472 = tpu.unpack_subelements %parallel_loop3A_470, 1 {pack_format = #tpu.pack_format<interleaved>} : vector<32xbf16> -> vector<16xf32>
        %parallel_loop3A_473 = arith.constant 3 : i32
        %parallel_loop3A_474 = arith.index_cast %parallel_loop3A_473 : i32 to index
        %parallel_loop3A_475 = arith.index_cast %parallel_loop3A_465 : i32 to index
        %parallel_loop3A_476 = arith.constant 0 : index
        %parallel_loop3A_477 = tpu.vector_load %arg11[%parallel_loop3A_474, %parallel_loop3A_475, %parallel_loop3A_476] {strides = array<i32>} : memref<4x100x16xf32, #tpu.memory_space<vmem>>, vector<16xf32>,
        %parallel_loop3A_478 = arith.addf %parallel_loop3A_471, %parallel_loop3A_477 : vector<16xf32>
        %parallel_loop3A_479 = arith.constant 0.000000e+00 : f32
        %parallel_loop3A_480 = vector.broadcast %parallel_loop3A_479 : f32 to vector<16xf32>
        %parallel_loop3A_481 = arith.cmpf oge, %parallel_loop3A_478, %parallel_loop3A_480 : vector<16xf32>
        %parallel_loop3A_482 = arith.constant 2.000000e-01 : f32
        %parallel_loop3A_483 = vector.broadcast %parallel_loop3A_482 : f32 to vector<16xf32>
        %parallel_loop3A_484 = arith.mulf %parallel_loop3A_483, %parallel_loop3A_478 : vector<16xf32>
        %parallel_loop3A_485 = arith.select %parallel_loop3A_481, %parallel_loop3A_478, %parallel_loop3A_484 : vector<16xi1>, vector<16xf32>
        %parallel_loop3A_486 = math.exp %parallel_loop3A_485 : vector<16xf32>
        %parallel_loop3A_487 = vector.broadcast %parallel_loop3A_465 : i32 to vector<16xi32>
        %parallel_loop3A_488 = arith.constant 64 : i32
        %parallel_loop3A_489 = vector.broadcast %parallel_loop3A_488 : i32 to vector<16xi32>
        %parallel_loop3A_490 = arith.addi %parallel_loop3A_489, %iota3A : vector<16xi32>
        %parallel_loop3A_491 = arith.constant 8 : i32
        %parallel_loop3A_492 = vector.broadcast %parallel_loop3A_491 : i32 to vector<16xi32>
        %parallel_loop3A_493 = arith.cmpi slt, %iota3A, %parallel_loop3A_492 : vector<16xi32>
        %parallel_loop3A_494 = arith.constant 3 : i32
        %parallel_loop3A_495 = arith.constant 0 : i32
        %parallel_loop3A_496 = arith.constant 0 : i32
        %parallel_loop3A_497 = tpu.memref_slice %arg12[%parallel_loop3A_494, %parallel_loop3A_495, %parallel_loop3A_496] : memref<4x100x72xf32, #tpu.memory_space<vmem>> -> memref<1x100x72xf32, #tpu.memory_space<vmem>>
        %parallel_loop3A_498 = tpu.memref_squeeze %parallel_loop3A_497 : memref<1x100x72xf32, #tpu.memory_space<vmem>> -> memref<100x72xf32, #tpu.memory_space<vmem>>
        tpu.vector_store_idx %parallel_loop3A_498[%parallel_loop3A_487, %parallel_loop3A_490], %parallel_loop3A_486 masked %parallel_loop3A_493 : memref<100x72xf32, #tpu.memory_space<vmem>>[vector<16xi32>, vector<16xi32>], vector<16xf32>, vector<16xi1>
        %parallel_loop3A_499 = arith.constant 3 : i32
        %parallel_loop3A_500 = arith.index_cast %parallel_loop3A_499 : i32 to index
        %parallel_loop3A_501 = arith.index_cast %parallel_loop3A_465 : i32 to index
        %parallel_loop3A_502 = arith.constant 0 : index
        %parallel_loop3A_503 = tpu.vector_load %arg10[%parallel_loop3A_500, %parallel_loop3A_501, %parallel_loop3A_502] {strides = array<i32>} : memref<4x100x96xbf16, #tpu.memory_space<vmem>>, vector<32xbf16>,
        %parallel_loop3A_504 = tpu.unpack_subelements %parallel_loop3A_503, 0 {pack_format = #tpu.pack_format<interleaved>} : vector<32xbf16> -> vector<16xf32>
        %parallel_loop3A_505 = tpu.unpack_subelements %parallel_loop3A_503, 1 {pack_format = #tpu.pack_format<interleaved>} : vector<32xbf16> -> vector<16xf32>
        %parallel_loop3A_506 = vector.shape_cast %add3A_11 : vector<16xi32> to vector<16x1xi32>
        %parallel_loop3A_507 = vector.shape_cast %parallel_loop3A_506 : vector<16x1xi32> to vector<16xi32>
        %parallel_loop3A_508 = tpu.dynamic_gather %parallel_loop3A_486[%parallel_loop3A_507] in [0] : vector<16xf32>, vector<16xi32> -> vector<16xf32>
        %parallel_loop3A_509 = arith.mulf %parallel_loop3A_504, %parallel_loop3A_508 : vector<16xf32>
        %parallel_loop3A_510 = arith.constant 3 : i32
        %parallel_loop3A_511 = arith.index_cast %parallel_loop3A_510 : i32 to index
        %parallel_loop3A_512 = arith.index_cast %parallel_loop3A_465 : i32 to index
        %parallel_loop3A_513 = arith.constant 0 : index
        %parallel_loop3A_514 = tpu.vector_load %arg12[%parallel_loop3A_511, %parallel_loop3A_512, %parallel_loop3A_513] {strides = array<i32>} : memref<4x100x72xf32, #tpu.memory_space<vmem>>, vector<16xf32>,
        tpu.vector_store %arg12[%parallel_loop3A_511, %parallel_loop3A_512, %parallel_loop3A_513], %parallel_loop3A_509 {strides = array<i32>} : memref<4x100x72xf32, #tpu.memory_space<vmem>>, vector<16xf32>,
        %parallel_loop3A_515 = vector.shape_cast %add3A_14 : vector<16xi32> to vector<16x1xi32>
        %parallel_loop3A_516 = vector.shape_cast %parallel_loop3A_515 : vector<16x1xi32> to vector<16xi32>
        %parallel_loop3A_517 = tpu.dynamic_gather %parallel_loop3A_486[%parallel_loop3A_516] in [0] : vector<16xf32>, vector<16xi32> -> vector<16xf32>
        %parallel_loop3A_518 = arith.mulf %parallel_loop3A_505, %parallel_loop3A_517 : vector<16xf32>
        %parallel_loop3A_519 = arith.constant 3 : i32
        %parallel_loop3A_520 = arith.index_cast %parallel_loop3A_519 : i32 to index
        %parallel_loop3A_521 = arith.index_cast %parallel_loop3A_465 : i32 to index
        %parallel_loop3A_522 = arith.constant 16 : index
        %parallel_loop3A_523 = tpu.vector_load %arg12[%parallel_loop3A_520, %parallel_loop3A_521, %parallel_loop3A_522] {strides = array<i32>} : memref<4x100x72xf32, #tpu.memory_space<vmem>>, vector<16xf32>,
        tpu.vector_store %arg12[%parallel_loop3A_520, %parallel_loop3A_521, %parallel_loop3A_522], %parallel_loop3A_518 {strides = array<i32>} : memref<4x100x72xf32, #tpu.memory_space<vmem>>, vector<16xf32>,
        %parallel_loop3A_524 = arith.constant 3 : i32
        %parallel_loop3A_525 = arith.index_cast %parallel_loop3A_524 : i32 to index
        %parallel_loop3A_526 = arith.index_cast %parallel_loop3A_465 : i32 to index
        %parallel_loop3A_527 = arith.constant 32 : index
        %parallel_loop3A_528 = tpu.vector_load %arg10[%parallel_loop3A_525, %parallel_loop3A_526, %parallel_loop3A_527] {strides = array<i32>} : memref<4x100x96xbf16, #tpu.memory_space<vmem>>, vector<32xbf16>,
        %parallel_loop3A_529 = tpu.unpack_subelements %parallel_loop3A_528, 0 {pack_format = #tpu.pack_format<interleaved>} : vector<32xbf16> -> vector<16xf32>
        %parallel_loop3A_530 = tpu.unpack_subelements %parallel_loop3A_528, 1 {pack_format = #tpu.pack_format<interleaved>} : vector<32xbf16> -> vector<16xf32>
        %parallel_loop3A_531 = vector.shape_cast %add3A_17 : vector<16xi32> to vector<16x1xi32>
        %parallel_loop3A_532 = vector.shape_cast %parallel_loop3A_531 : vector<16x1xi32> to vector<16xi32>
        %parallel_loop3A_533 = tpu.dynamic_gather %parallel_loop3A_486[%parallel_loop3A_532] in [0] : vector<16xf32>, vector<16xi32> -> vector<16xf32>
        %parallel_loop3A_534 = arith.mulf %parallel_loop3A_529, %parallel_loop3A_533 : vector<16xf32>
        %parallel_loop3A_535 = arith.constant 3 : i32
        %parallel_loop3A_536 = arith.index_cast %parallel_loop3A_535 : i32 to index
        %parallel_loop3A_537 = arith.index_cast %parallel_loop3A_465 : i32 to index
        %parallel_loop3A_538 = arith.constant 32 : index
        %parallel_loop3A_539 = tpu.vector_load %arg12[%parallel_loop3A_536, %parallel_loop3A_537, %parallel_loop3A_538] {strides = array<i32>} : memref<4x100x72xf32, #tpu.memory_space<vmem>>, vector<16xf32>,
        tpu.vector_store %arg12[%parallel_loop3A_536, %parallel_loop3A_537, %parallel_loop3A_538], %parallel_loop3A_534 {strides = array<i32>} : memref<4x100x72xf32, #tpu.memory_space<vmem>>, vector<16xf32>,
        %parallel_loop3A_540 = vector.shape_cast %add3A_20 : vector<16xi32> to vector<16x1xi32>
        %parallel_loop3A_541 = vector.shape_cast %parallel_loop3A_540 : vector<16x1xi32> to vector<16xi32>
        %parallel_loop3A_542 = tpu.dynamic_gather %parallel_loop3A_486[%parallel_loop3A_541] in [0] : vector<16xf32>, vector<16xi32> -> vector<16xf32>
        %parallel_loop3A_543 = arith.mulf %parallel_loop3A_530, %parallel_loop3A_542 : vector<16xf32>
        %parallel_loop3A_544 = arith.constant 3 : i32
        %parallel_loop3A_545 = arith.index_cast %parallel_loop3A_544 : i32 to index
        %parallel_loop3A_546 = arith.index_cast %parallel_loop3A_465 : i32 to index
        %parallel_loop3A_547 = arith.constant 48 : index
        %parallel_loop3A_548 = tpu.vector_load %arg12[%parallel_loop3A_545, %parallel_loop3A_546, %parallel_loop3A_547] {strides = array<i32>} : memref<4x100x72xf32, #tpu.memory_space<vmem>>, vector<16xf32>,
        tpu.vector_store %arg12[%parallel_loop3A_545, %parallel_loop3A_546, %parallel_loop3A_547], %parallel_loop3A_543 {strides = array<i32>} : memref<4x100x72xf32, #tpu.memory_space<vmem>>, vector<16xf32>,
      } {sc.loop_unroll_factor = 4 : i64, sc.parallel_access}
      %dma_start3A_444 = arith.constant 3 : i32
      %dma_start3A_445 = arith.constant 3 : i32
      %dma_start3A_446 = arith.constant 0 : i32
      %dma_start3A_447 = arith.constant 0 : i32
      %dma_start3A_448 = tpu.memref_slice %arg12[%dma_start3A_444, %dma_start3A_446, %dma_start3A_447] : memref<4x100x72xf32, #tpu.memory_space<vmem>> -> memref<1x100x72xf32, #tpu.memory_space<vmem>>
      %dma_start3A_449 = tpu.memref_squeeze %dma_start3A_448 : memref<1x100x72xf32, #tpu.memory_space<vmem>> -> memref<100x72xf32, #tpu.memory_space<vmem>>
      %dma_start3A_450 = arith.constant 0 : i32
      %dma_start3A_451 = tpu.memref_slice %arg9[%add3A_407, %dma_start3A_450] : memref<100x100xi32, #tpu.memory_space<vmem>> -> memref<1x100xi32, #tpu.memory_space<vmem>>
      %dma_start3A_452 = tpu.memref_squeeze %dma_start3A_451 : memref<1x100xi32, #tpu.memory_space<vmem>> -> memref<100xi32, #tpu.memory_space<vmem>>
      %dma_start3A_453 = arith.constant 0 : i32
      %dma_start3A_454 = arith.constant 0 : i32
      %dma_start3A_455 = tpu.memref_slice %arg13[%dma_start3A_453, %dma_start3A_454] : memref<10000x72xf32, #tpu.memory_space<vmem_shared>> -> memref<10000x72xf32, #tpu.memory_space<vmem_shared>>
      %dma_start3A_456 = tpu.memref_slice %arg16[%dma_start3A_445] : memref<4x!tpu.dma_semaphore, #tpu.memory_space<semaphore_mem>> -> memref<1x!tpu.dma_semaphore, #tpu.memory_space<semaphore_mem>>
      %dma_start3A_457 = tpu.memref_squeeze %dma_start3A_456 : memref<1x!tpu.dma_semaphore, #tpu.memory_space<semaphore_mem>> -> memref<!tpu.dma_semaphore, #tpu.memory_space<semaphore_mem>>
      tpu.enqueue_indirect_dma source(%dma_start3A_449 : memref<100x72xf32, #tpu.memory_space<vmem>>) target(%dma_start3A_455 : memref<10000x72xf32, #tpu.memory_space<vmem_shared>>) offsets(%dma_start3A_452 : memref<100xi32, #tpu.memory_space<vmem>>) semaphore(%dma_start3A_457 : memref<!tpu.dma_semaphore, #tpu.memory_space<semaphore_mem>>) {add = true}
      %add3A_458 = arith.constant 4 : i32
      %add3A_459 = arith.addi %add3A_407, %add3A_458 : i32
      %lt3A_460 = arith.constant 100 : i32
      %lt3A_461 = arith.cmpi slt, %add3A_459, %lt3A_460 : i32
      %convert_element_type3A_462 = arith.extui %lt3A_461 : i1 to i32
      %cond3A_463 = arith.constant 0 : i32
      %cond3A_464 = arith.cmpi ne, %convert_element_type3A_462, %cond3A_463 : i32
      scf.if %cond3A_464 {
        %add3A_465 = arith.constant 4 : i32
        %add3A_466 = arith.addi %add3A_407, %add3A_465 : i32
        %dma_start3A_467 = arith.constant 3 : i32
        %dma_start3A_468 = arith.constant 3 : i32
        %dma_start3A_469 = arith.constant 0 : i32
        %dma_start3A_470 = arith.constant 0 : i32
        %dma_start3A_471 = tpu.memref_slice %arg10[%dma_start3A_467, %dma_start3A_469, %dma_start3A_470] : memref<4x100x96xbf16, #tpu.memory_space<vmem>> -> memref<1x100x96xbf16, #tpu.memory_space<vmem>>
        %dma_start3A_472 = tpu.memref_squeeze %dma_start3A_471 : memref<1x100x96xbf16, #tpu.memory_space<vmem>> -> memref<100x96xbf16, #tpu.memory_space<vmem>>
        %dma_start3A_473 = arith.constant 0 : i32
        %dma_start3A_474 = tpu.memref_slice %arg8[%add3A_466, %dma_start3A_473] : memref<100x100xi32, #tpu.memory_space<vmem>> -> memref<1x100xi32, #tpu.memory_space<vmem>>
        %dma_start3A_475 = tpu.memref_squeeze %dma_start3A_474 : memref<1x100xi32, #tpu.memory_space<vmem>> -> memref<100xi32, #tpu.memory_space<vmem>>
        %dma_start3A_476 = arith.constant 0 : i32
        %dma_start3A_477 = arith.constant 0 : i32
        %dma_start3A_478 = tpu.memref_slice %arg2[%dma_start3A_476, %dma_start3A_477] : memref<10000x96xbf16, #tpu.memory_space<hbm>> -> memref<10000x96xbf16, #tpu.memory_space<hbm>>
        %dma_start3A_479 = tpu.memref_slice %arg14[%dma_start3A_468] : memref<4x!tpu.dma_semaphore, #tpu.memory_space<semaphore_mem>> -> memref<1x!tpu.dma_semaphore, #tpu.memory_space<semaphore_mem>>
        %dma_start3A_480 = tpu.memref_squeeze %dma_start3A_479 : memref<1x!tpu.dma_semaphore, #tpu.memory_space<semaphore_mem>> -> memref<!tpu.dma_semaphore, #tpu.memory_space<semaphore_mem>>
        tpu.enqueue_indirect_dma source(%dma_start3A_478 : memref<10000x96xbf16, #tpu.memory_space<hbm>>) target(%dma_start3A_472 : memref<100x96xbf16, #tpu.memory_space<vmem>>) offsets(%dma_start3A_475 : memref<100xi32, #tpu.memory_space<vmem>>) semaphore(%dma_start3A_480 : memref<!tpu.dma_semaphore, #tpu.memory_space<semaphore_mem>>)
        %dma_start3A_481 = arith.constant 3 : i32
        %dma_start3A_482 = arith.constant 3 : i32
        %dma_start3A_483 = arith.constant 0 : i32
        %dma_start3A_484 = arith.constant 0 : i32
        %dma_start3A_485 = tpu.memref_slice %arg11[%dma_start3A_481, %dma_start3A_483, %dma_start3A_484] : memref<4x100x16xf32, #tpu.memory_space<vmem>> -> memref<1x100x16xf32, #tpu.memory_space<vmem>>
        %dma_start3A_486 = tpu.memref_squeeze %dma_start3A_485 : memref<1x100x16xf32, #tpu.memory_space<vmem>> -> memref<100x16xf32, #tpu.memory_space<vmem>>
        %dma_start3A_487 = arith.constant 0 : i32
        %dma_start3A_488 = tpu.memref_slice %arg9[%add3A_466, %dma_start3A_487] : memref<100x100xi32, #tpu.memory_space<vmem>> -> memref<1x100xi32, #tpu.memory_space<vmem>>
        %dma_start3A_489 = tpu.memref_squeeze %dma_start3A_488 : memref<1x100xi32, #tpu.memory_space<vmem>> -> memref<100xi32, #tpu.memory_space<vmem>>
        %dma_start3A_490 = arith.constant 0 : i32
        %dma_start3A_491 = arith.constant 0 : i32
        %dma_start3A_492 = tpu.memref_slice %arg3[%dma_start3A_490, %dma_start3A_491] : memref<10000x16xf32, #tpu.memory_space<hbm>> -> memref<10000x16xf32, #tpu.memory_space<hbm>>
        %dma_start3A_493 = tpu.memref_slice %arg15[%dma_start3A_482] : memref<4x!tpu.dma_semaphore, #tpu.memory_space<semaphore_mem>> -> memref<1x!tpu.dma_semaphore, #tpu.memory_space<semaphore_mem>>
        %dma_start3A_494 = tpu.memref_squeeze %dma_start3A_493 : memref<1x!tpu.dma_semaphore, #tpu.memory_space<semaphore_mem>> -> memref<!tpu.dma_semaphore, #tpu.memory_space<semaphore_mem>>
        tpu.enqueue_indirect_dma source(%dma_start3A_492 : memref<10000x16xf32, #tpu.memory_space<hbm>>) target(%dma_start3A_486 : memref<100x16xf32, #tpu.memory_space<vmem>>) offsets(%dma_start3A_489 : memref<100xi32, #tpu.memory_space<vmem>>) semaphore(%dma_start3A_494 : memref<!tpu.dma_semaphore, #tpu.memory_space<semaphore_mem>>)
      } else {
      }
    }
    %scan3A_143 = arith.constant 25 : i32
    %dma_wait3A = arith.constant 0 : i32
    %dma_wait3A_144 = arith.constant 0 : i32
    %dma_wait3A_145 = arith.constant 0 : i32
    %dma_wait3A_146 = arith.constant 0 : i32
    %dma_wait3A_147 = tpu.memref_slice %arg12[%dma_wait3A, %dma_wait3A_145, %dma_wait3A_146] : memref<4x100x72xf32, #tpu.memory_space<vmem>> -> memref<1x100x72xf32, #tpu.memory_space<vmem>>
    %dma_wait3A_148 = tpu.memref_squeeze %dma_wait3A_147 : memref<1x100x72xf32, #tpu.memory_space<vmem>> -> memref<100x72xf32, #tpu.memory_space<vmem>>
    %dma_wait3A_149 = arith.constant 0 : i32
    %dma_wait3A_150 = arith.constant 0 : i32
    %dma_wait3A_151 = tpu.memref_slice %arg13[%dma_wait3A_149, %dma_wait3A_150] : memref<10000x72xf32, #tpu.memory_space<vmem_shared>> -> memref<100x72xf32, #tpu.memory_space<vmem_shared>>
    %dma_wait3A_152 = tpu.memref_slice %arg16[%dma_wait3A_144] : memref<4x!tpu.dma_semaphore, #tpu.memory_space<semaphore_mem>> -> memref<1x!tpu.dma_semaphore, #tpu.memory_space<semaphore_mem>>
    %dma_wait3A_153 = tpu.memref_squeeze %dma_wait3A_152 : memref<1x!tpu.dma_semaphore, #tpu.memory_space<semaphore_mem>> -> memref<!tpu.dma_semaphore, #tpu.memory_space<semaphore_mem>>
    %dma_wait3A_154 = arith.constant 0 : i32
    %dma_wait3A_155 = arith.constant 0 : i32
    %dma_wait3A_156 = tpu.memref_slice %arg13[%dma_wait3A_154, %dma_wait3A_155] : memref<10000x72xf32, #tpu.memory_space<vmem_shared>> -> memref<100x72xf32, #tpu.memory_space<vmem_shared>>
    %dma_wait3A_157 = arith.constant 0 : i32
    %dma_wait3A_158 = arith.constant 0 : i32
    %dma_wait3A_159 = tpu.memref_slice %arg12[%dma_wait3A, %dma_wait3A_157, %dma_wait3A_158] : memref<4x100x72xf32, #tpu.memory_space<vmem>> -> memref<1x100x72xf32, #tpu.memory_space<vmem>>
    %dma_wait3A_160 = tpu.memref_squeeze %dma_wait3A_159 : memref<1x100x72xf32, #tpu.memory_space<vmem>> -> memref<100x72xf32, #tpu.memory_space<vmem>>
    tpu.wait_dma2 semaphore(%dma_wait3A_153 : memref<!tpu.dma_semaphore, #tpu.memory_space<semaphore_mem>>) src(%dma_wait3A_160 : memref<100x72xf32, #tpu.memory_space<vmem>>) dst(%dma_wait3A_156 : memref<100x72xf32, #tpu.memory_space<vmem_shared>>)
    %dma_wait3A_161 = arith.constant 1 : i32
    %dma_wait3A_162 = arith.constant 1 : i32
    %dma_wait3A_163 = arith.constant 0 : i32
    %dma_wait3A_164 = arith.constant 0 : i32
    %dma_wait3A_165 = tpu.memref_slice %arg12[%dma_wait3A_161, %dma_wait3A_163, %dma_wait3A_164] : memref<4x100x72xf32, #tpu.memory_space<vmem>> -> memref<1x100x72xf32, #tpu.memory_space<vmem>>
    %dma_wait3A_166 = tpu.memref_squeeze %dma_wait3A_165 : memref<1x100x72xf32, #tpu.memory_space<vmem>> -> memref<100x72xf32, #tpu.memory_space<vmem>>
    %dma_wait3A_167 = arith.constant 0 : i32
    %dma_wait3A_168 = arith.constant 0 : i32
    %dma_wait3A_169 = tpu.memref_slice %arg13[%dma_wait3A_167, %dma_wait3A_168] : memref<10000x72xf32, #tpu.memory_space<vmem_shared>> -> memref<100x72xf32, #tpu.memory_space<vmem_shared>>
    %dma_wait3A_170 = tpu.memref_slice %arg16[%dma_wait3A_162] : memref<4x!tpu.dma_semaphore, #tpu.memory_space<semaphore_mem>> -> memref<1x!tpu.dma_semaphore, #tpu.memory_space<semaphore_mem>>
    %dma_wait3A_171 = tpu.memref_squeeze %dma_wait3A_170 : memref<1x!tpu.dma_semaphore, #tpu.memory_space<semaphore_mem>> -> memref<!tpu.dma_semaphore, #tpu.memory_space<semaphore_mem>>
    %dma_wait3A_172 = arith.constant 0 : i32
    %dma_wait3A_173 = arith.constant 0 : i32
    %dma_wait3A_174 = tpu.memref_slice %arg13[%dma_wait3A_172, %dma_wait3A_173] : memref<10000x72xf32, #tpu.memory_space<vmem_shared>> -> memref<100x72xf32, #tpu.memory_space<vmem_shared>>
    %dma_wait3A_175 = arith.constant 0 : i32
    %dma_wait3A_176 = arith.constant 0 : i32
    %dma_wait3A_177 = tpu.memref_slice %arg12[%dma_wait3A_161, %dma_wait3A_175, %dma_wait3A_176] : memref<4x100x72xf32, #tpu.memory_space<vmem>> -> memref<1x100x72xf32, #tpu.memory_space<vmem>>
    %dma_wait3A_178 = tpu.memref_squeeze %dma_wait3A_177 : memref<1x100x72xf32, #tpu.memory_space<vmem>> -> memref<100x72xf32, #tpu.memory_space<vmem>>
    tpu.wait_dma2 semaphore(%dma_wait3A_171 : memref<!tpu.dma_semaphore, #tpu.memory_space<semaphore_mem>>) src(%dma_wait3A_178 : memref<100x72xf32, #tpu.memory_space<vmem>>) dst(%dma_wait3A_174 : memref<100x72xf32, #tpu.memory_space<vmem_shared>>)
    %dma_wait3A_179 = arith.constant 2 : i32
    %dma_wait3A_180 = arith.constant 2 : i32
    %dma_wait3A_181 = arith.constant 0 : i32
    %dma_wait3A_182 = arith.constant 0 : i32
    %dma_wait3A_183 = tpu.memref_slice %arg12[%dma_wait3A_179, %dma_wait3A_181, %dma_wait3A_182] : memref<4x100x72xf32, #tpu.memory_space<vmem>> -> memref<1x100x72xf32, #tpu.memory_space<vmem>>
    %dma_wait3A_184 = tpu.memref_squeeze %dma_wait3A_183 : memref<1x100x72xf32, #tpu.memory_space<vmem>> -> memref<100x72xf32, #tpu.memory_space<vmem>>
    %dma_wait3A_185 = arith.constant 0 : i32
    %dma_wait3A_186 = arith.constant 0 : i32
    %dma_wait3A_187 = tpu.memref_slice %arg13[%dma_wait3A_185, %dma_wait3A_186] : memref<10000x72xf32, #tpu.memory_space<vmem_shared>> -> memref<100x72xf32, #tpu.memory_space<vmem_shared>>
    %dma_wait3A_188 = tpu.memref_slice %arg16[%dma_wait3A_180] : memref<4x!tpu.dma_semaphore, #tpu.memory_space<semaphore_mem>> -> memref<1x!tpu.dma_semaphore, #tpu.memory_space<semaphore_mem>>
    %dma_wait3A_189 = tpu.memref_squeeze %dma_wait3A_188 : memref<1x!tpu.dma_semaphore, #tpu.memory_space<semaphore_mem>> -> memref<!tpu.dma_semaphore, #tpu.memory_space<semaphore_mem>>
    %dma_wait3A_190 = arith.constant 0 : i32
    %dma_wait3A_191 = arith.constant 0 : i32
    %dma_wait3A_192 = tpu.memref_slice %arg13[%dma_wait3A_190, %dma_wait3A_191] : memref<10000x72xf32, #tpu.memory_space<vmem_shared>> -> memref<100x72xf32, #tpu.memory_space<vmem_shared>>
    %dma_wait3A_193 = arith.constant 0 : i32
    %dma_wait3A_194 = arith.constant 0 : i32
    %dma_wait3A_195 = tpu.memref_slice %arg12[%dma_wait3A_179, %dma_wait3A_193, %dma_wait3A_194] : memref<4x100x72xf32, #tpu.memory_space<vmem>> -> memref<1x100x72xf32, #tpu.memory_space<vmem>>
    %dma_wait3A_196 = tpu.memref_squeeze %dma_wait3A_195 : memref<1x100x72xf32, #tpu.memory_space<vmem>> -> memref<100x72xf32, #tpu.memory_space<vmem>>
    tpu.wait_dma2 semaphore(%dma_wait3A_189 : memref<!tpu.dma_semaphore, #tpu.memory_space<semaphore_mem>>) src(%dma_wait3A_196 : memref<100x72xf32, #tpu.memory_space<vmem>>) dst(%dma_wait3A_192 : memref<100x72xf32, #tpu.memory_space<vmem_shared>>)
    %dma_wait3A_197 = arith.constant 3 : i32
    %dma_wait3A_198 = arith.constant 3 : i32
    %dma_wait3A_199 = arith.constant 0 : i32
    %dma_wait3A_200 = arith.constant 0 : i32
    %dma_wait3A_201 = tpu.memref_slice %arg12[%dma_wait3A_197, %dma_wait3A_199, %dma_wait3A_200] : memref<4x100x72xf32, #tpu.memory_space<vmem>> -> memref<1x100x72xf32, #tpu.memory_space<vmem>>
    %dma_wait3A_202 = tpu.memref_squeeze %dma_wait3A_201 : memref<1x100x72xf32, #tpu.memory_space<vmem>> -> memref<100x72xf32, #tpu.memory_space<vmem>>
    %dma_wait3A_203 = arith.constant 0 : i32
    %dma_wait3A_204 = arith.constant 0 : i32
    %dma_wait3A_205 = tpu.memref_slice %arg13[%dma_wait3A_203, %dma_wait3A_204] : memref<10000x72xf32, #tpu.memory_space<vmem_shared>> -> memref<100x72xf32, #tpu.memory_space<vmem_shared>>
    %dma_wait3A_206 = tpu.memref_slice %arg16[%dma_wait3A_198] : memref<4x!tpu.dma_semaphore, #tpu.memory_space<semaphore_mem>> -> memref<1x!tpu.dma_semaphore, #tpu.memory_space<semaphore_mem>>
    %dma_wait3A_207 = tpu.memref_squeeze %dma_wait3A_206 : memref<1x!tpu.dma_semaphore, #tpu.memory_space<semaphore_mem>> -> memref<!tpu.dma_semaphore, #tpu.memory_space<semaphore_mem>>
    %dma_wait3A_208 = arith.constant 0 : i32
    %dma_wait3A_209 = arith.constant 0 : i32
    %dma_wait3A_210 = tpu.memref_slice %arg13[%dma_wait3A_208, %dma_wait3A_209] : memref<10000x72xf32, #tpu.memory_space<vmem_shared>> -> memref<100x72xf32, #tpu.memory_space<vmem_shared>>
    %dma_wait3A_211 = arith.constant 0 : i32
    %dma_wait3A_212 = arith.constant 0 : i32
    %dma_wait3A_213 = tpu.memref_slice %arg12[%dma_wait3A_197, %dma_wait3A_211, %dma_wait3A_212] : memref<4x100x72xf32, #tpu.memory_space<vmem>> -> memref<1x100x72xf32, #tpu.memory_space<vmem>>
    %dma_wait3A_214 = tpu.memref_squeeze %dma_wait3A_213 : memref<1x100x72xf32, #tpu.memory_space<vmem>> -> memref<100x72xf32, #tpu.memory_space<vmem>>
    tpu.wait_dma2 semaphore(%dma_wait3A_207 : memref<!tpu.dma_semaphore, #tpu.memory_space<semaphore_mem>>) src(%dma_wait3A_214 : memref<100x72xf32, #tpu.memory_space<vmem>>) dst(%dma_wait3A_210 : memref<100x72xf32, #tpu.memory_space<vmem_shared>>)
    %barrier3A_215 = arith.constant 0 : index
    tpu.barrier barrier_id(%barrier3A_215)
    %lt3A_216 = arith.constant 15 : i32
    %lt3A_217 = arith.cmpi slt, %arg1, %lt3A_216 : i32
    %convert_element_type3A_218 = arith.extui %lt3A_217 : i1 to i32
    %cond3A_219 = arith.constant 0 : i32
    %cond3A_220 = arith.cmpi ne, %convert_element_type3A_218, %cond3A_219 : i32
    scf.if %cond3A_220 {
      %mul3A_226 = arith.constant 624 : i32
      %mul3A_227 = arith.muli %arg1, %mul3A_226 : i32
      %multiple_of3A = tpu.assume_multiple %mul3A_227, 8 : i32
      "tpu.region"() ({
        %run_scoped3A = tpu.sem_alloc : memref<!tpu.dma_semaphore, #tpu.memory_space<semaphore_mem>>
        %dma_start3A_228 = arith.constant 0 : i32
        %dma_start3A_229 = arith.constant 0 : i32
        %dma_start3A_230 = tpu.memref_slice %arg7[%arg0, %dma_start3A_228, %dma_start3A_229] : memref<2x10000x72xf32, #tpu.memory_space<hbm>> -> memref<1x10000x72xf32, #tpu.memory_space<hbm>>
        %dma_start3A_231 = tpu.memref_squeeze %dma_start3A_230 : memref<1x10000x72xf32, #tpu.memory_space<hbm>> -> memref<10000x72xf32, #tpu.memory_space<hbm>>
        %dma_start3A_232 = arith.constant 0 : i32
        %dma_start3A_233 = tpu.memref_slice %dma_start3A_231[%multiple_of3A, %dma_start3A_232] : memref<10000x72xf32, #tpu.memory_space<hbm>> -> memref<624x72xf32, #tpu.memory_space<hbm>>
        %dma_start3A_234 = arith.constant 0 : i32
        %dma_start3A_235 = tpu.memref_slice %arg13[%multiple_of3A, %dma_start3A_234] : memref<10000x72xf32, #tpu.memory_space<vmem_shared>> -> memref<624x72xf32, #tpu.memory_space<vmem_shared>>
        tpu.enqueue_dma source(%dma_start3A_235 : memref<624x72xf32, #tpu.memory_space<vmem_shared>>) target(%dma_start3A_233 : memref<624x72xf32, #tpu.memory_space<hbm>>) target_semaphore(%run_scoped3A : memref<!tpu.dma_semaphore, #tpu.memory_space<semaphore_mem>>)
        %dma_wait3A_236 = arith.constant 0 : i32
        %dma_wait3A_237 = arith.constant 0 : i32
        %dma_wait3A_238 = tpu.memref_slice %arg7[%arg0, %dma_wait3A_236, %dma_wait3A_237] : memref<2x10000x72xf32, #tpu.memory_space<hbm>> -> memref<1x10000x72xf32, #tpu.memory_space<hbm>>
        %dma_wait3A_239 = tpu.memref_squeeze %dma_wait3A_238 : memref<1x10000x72xf32, #tpu.memory_space<hbm>> -> memref<10000x72xf32, #tpu.memory_space<hbm>>
        %dma_wait3A_240 = arith.constant 0 : i32
        %dma_wait3A_241 = tpu.memref_slice %dma_wait3A_239[%multiple_of3A, %dma_wait3A_240] : memref<10000x72xf32, #tpu.memory_space<hbm>> -> memref<624x72xf32, #tpu.memory_space<hbm>>
        %dma_wait3A_242 = arith.constant 0 : i32
        %dma_wait3A_243 = tpu.memref_slice %arg13[%multiple_of3A, %dma_wait3A_242] : memref<10000x72xf32, #tpu.memory_space<vmem_shared>> -> memref<624x72xf32, #tpu.memory_space<vmem_shared>>
        tpu.wait_dma2 semaphore(%run_scoped3A : memref<!tpu.dma_semaphore, #tpu.memory_space<semaphore_mem>>) src(%dma_wait3A_243 : memref<624x72xf32, #tpu.memory_space<vmem_shared>>) dst(%dma_wait3A_241 : memref<624x72xf32, #tpu.memory_space<hbm>>)
        tpu.yield
      }) : () -> ()
    } else {
    }
    %eq3A_221 = arith.constant 15 : i32
    %eq3A_222 = arith.cmpi eq, %arg1, %eq3A_221 : i32
    %convert_element_type3A_223 = arith.extui %eq3A_222 : i1 to i32
    %cond3A_224 = arith.constant 0 : i32
    %cond3A_225 = arith.cmpi ne, %convert_element_type3A_223, %cond3A_224 : i32
    scf.if %cond3A_225 {
      "tpu.region"() ({
        %run_scoped3A = tpu.sem_alloc : memref<!tpu.dma_semaphore, #tpu.memory_space<semaphore_mem>>
        %dma_start3A_226 = arith.constant 0 : i32
        %dma_start3A_227 = arith.constant 0 : i32
        %dma_start3A_228 = tpu.memref_slice %arg7[%arg0, %dma_start3A_226, %dma_start3A_227] : memref<2x10000x72xf32, #tpu.memory_space<hbm>> -> memref<1x10000x72xf32, #tpu.memory_space<hbm>>
        %dma_start3A_229 = tpu.memref_squeeze %dma_start3A_228 : memref<1x10000x72xf32, #tpu.memory_space<hbm>> -> memref<10000x72xf32, #tpu.memory_space<hbm>>
        %dma_start3A_230 = arith.constant 9360 : i32
        %dma_start3A_231 = arith.constant 0 : i32
        %dma_start3A_232 = tpu.memref_slice %dma_start3A_229[%dma_start3A_230, %dma_start3A_231] : memref<10000x72xf32, #tpu.memory_space<hbm>> -> memref<640x72xf32, #tpu.memory_space<hbm>>
        %dma_start3A_233 = arith.constant 9360 : i32
        %dma_start3A_234 = arith.constant 0 : i32
        %dma_start3A_235 = tpu.memref_slice %arg13[%dma_start3A_233, %dma_start3A_234] : memref<10000x72xf32, #tpu.memory_space<vmem_shared>> -> memref<640x72xf32, #tpu.memory_space<vmem_shared>>
        tpu.enqueue_dma source(%dma_start3A_235 : memref<640x72xf32, #tpu.memory_space<vmem_shared>>) target(%dma_start3A_232 : memref<640x72xf32, #tpu.memory_space<hbm>>) target_semaphore(%run_scoped3A : memref<!tpu.dma_semaphore, #tpu.memory_space<semaphore_mem>>)
        %dma_wait3A_236 = arith.constant 0 : i32
        %dma_wait3A_237 = arith.constant 0 : i32
        %dma_wait3A_238 = tpu.memref_slice %arg7[%arg0, %dma_wait3A_236, %dma_wait3A_237] : memref<2x10000x72xf32, #tpu.memory_space<hbm>> -> memref<1x10000x72xf32, #tpu.memory_space<hbm>>
        %dma_wait3A_239 = tpu.memref_squeeze %dma_wait3A_238 : memref<1x10000x72xf32, #tpu.memory_space<hbm>> -> memref<10000x72xf32, #tpu.memory_space<hbm>>
        %dma_wait3A_240 = arith.constant 9360 : i32
        %dma_wait3A_241 = arith.constant 0 : i32
        %dma_wait3A_242 = tpu.memref_slice %dma_wait3A_239[%dma_wait3A_240, %dma_wait3A_241] : memref<10000x72xf32, #tpu.memory_space<hbm>> -> memref<640x72xf32, #tpu.memory_space<hbm>>
        %dma_wait3A_243 = arith.constant 9360 : i32
        %dma_wait3A_244 = arith.constant 0 : i32
        %dma_wait3A_245 = tpu.memref_slice %arg13[%dma_wait3A_243, %dma_wait3A_244] : memref<10000x72xf32, #tpu.memory_space<vmem_shared>> -> memref<640x72xf32, #tpu.memory_space<vmem_shared>>
        tpu.wait_dma2 semaphore(%run_scoped3A : memref<!tpu.dma_semaphore, #tpu.memory_space<semaphore_mem>>) src(%dma_wait3A_245 : memref<640x72xf32, #tpu.memory_space<vmem_shared>>) dst(%dma_wait3A_242 : memref<640x72xf32, #tpu.memory_space<hbm>>)
        tpu.yield
      }) : () -> ()
    } else {
    }
    return
  }
}

module attributes {stable_mosaic.version = 14 : i64} {
  func.func @_mm_body(%arg0: i32, %arg1: memref<2000x128xf32, #tpu.memory_space<vmem>>, %arg2: memref<128x112xf32, #tpu.memory_space<vmem>>, %arg3: memref<2000x96xbf16, #tpu.memory_space<vmem>>, %arg4: memref<2000x16xf32, #tpu.memory_space<vmem>>) attributes {dimension_semantics = [#tpu.dimension_semantics<arbitrary>], iteration_bounds = array<i64: 5>, scalar_prefetch = 0 : i64, scratch_operands = 0 : i64, tpu.core_type = #tpu.core_type<tc>, window_params = [{transform_indices = @transform_0, window_bounds = array<i64: 2000, 128>}, {pipeline_mode = #tpu.pipeline_mode<synchronous>, transform_indices = @transform_1, window_bounds = array<i64: 128, 112>}, {transform_indices = @transform_2, window_bounds = array<i64: 2000, 96>}, {transform_indices = @transform_3, window_bounds = array<i64: 2000, 16>}]} {
    %get3A = arith.constant 0 : index
    %get3A_0 = arith.constant 0 : index
    %get3A_1 = vector.load %arg1[%get3A, %get3A_0] : memref<2000x128xf32, #tpu.memory_space<vmem>>, vector<2000x128xf32>
    %get3A_2 = arith.constant 0 : index
    %get3A_3 = arith.constant 0 : index
    %get3A_4 = vector.load %arg2[%get3A_2, %get3A_3] : memref<128x112xf32, #tpu.memory_space<vmem>>, vector<128x112xf32>
    %dot_general3A = arith.constant dense<0.000000e+00> : vector<2000x112xf32>
    %dot_general3A_5 = tpu.matmul %get3A_1, %get3A_4, %dot_general3A {dimension_numbers = #tpu.dot_dimension_numbers<[1], [0], [0], [1], [0, 0, 1, 1], [], []>, transpose_lhs_hint = false} : vector<2000x128xf32>, vector<128x112xf32>, vector<2000x112xf32> -> vector<2000x112xf32>
    %slice3A = vector.extract_strided_slice %dot_general3A_5 {offsets = [0, 0], sizes = [2000, 96], strides = [1, 1]} : vector<2000x112xf32> to vector<2000x96xf32>
    %convert_element_type3A = arith.truncf %slice3A : vector<2000x96xf32> to vector<2000x96xbf16>
    %swap3A = arith.constant 0 : index
    %swap3A_6 = arith.constant 0 : index
    %swap3A_7 = vector.load %arg3[%swap3A, %swap3A_6] : memref<2000x96xbf16, #tpu.memory_space<vmem>>, vector<2000x96xbf16>
    tpu.vector_store %arg3[%swap3A, %swap3A_6], %convert_element_type3A {strides = array<i32>} : memref<2000x96xbf16, #tpu.memory_space<vmem>>, vector<2000x96xbf16>,
    %slice3A_8 = vector.extract_strided_slice %dot_general3A_5 {offsets = [0, 96], sizes = [2000, 16], strides = [1, 1]} : vector<2000x112xf32> to vector<2000x16xf32>
    %swap3A_9 = arith.constant 0 : index
    %swap3A_10 = arith.constant 0 : index
    %swap3A_11 = vector.load %arg4[%swap3A_9, %swap3A_10] : memref<2000x16xf32, #tpu.memory_space<vmem>>, vector<2000x16xf32>
    tpu.vector_store %arg4[%swap3A_9, %swap3A_10], %slice3A_8 {strides = array<i32>} : memref<2000x16xf32, #tpu.memory_space<vmem>>, vector<2000x16xf32>,
    return
  }
  func.func @transform_0(%arg0: i32) -> (i32, i32) {
    %c0_i32 = arith.constant 0 : i32
    %c0_i32_0 = arith.constant 0 : i32
    return %arg0, %c0_i32 : i32, i32
  }
  func.func @transform_1(%arg0: i32) -> (i32, i32) {
    %c0_i32 = arith.constant 0 : i32
    %c0_i32_0 = arith.constant 0 : i32
    %c0_i32_1 = arith.constant 0 : i32
    return %c0_i32, %c0_i32_0 : i32, i32
  }
  func.func @transform_2(%arg0: i32) -> (i32, i32) {
    %c0_i32 = arith.constant 0 : i32
    %c0_i32_0 = arith.constant 0 : i32
    return %arg0, %c0_i32 : i32, i32
  }
  func.func @transform_3(%arg0: i32) -> (i32, i32) {
    %c0_i32 = arith.constant 0 : i32
    %c0_i32_0 = arith.constant 0 : i32
    return %arg0, %c0_i32 : i32, i32
  }
}

module attributes {stable_mosaic.version = 14 : i64} {
  func.func @_mid_body(%arg0: i32, %arg1: memref<2x2000x72xf32, #tpu.memory_space<vmem>>, %arg2: memref<64x80xf32, #tpu.memory_space<vmem>>, %arg3: memref<1x64xf32, #tpu.memory_space<vmem>>, %arg4: memref<2000x64xbf16, #tpu.memory_space<vmem>>, %arg5: memref<2000x16xf32, #tpu.memory_space<vmem>>) attributes {dimension_semantics = [#tpu.dimension_semantics<arbitrary>], iteration_bounds = array<i64: 5>, scalar_prefetch = 0 : i64, scratch_operands = 0 : i64, tpu.core_type = #tpu.core_type<tc>, window_params = [{transform_indices = @transform_0, window_bounds = array<i64: 2, 2000, 72>}, {pipeline_mode = #tpu.pipeline_mode<synchronous>, transform_indices = @transform_1, window_bounds = array<i64: 64, 80>}, {pipeline_mode = #tpu.pipeline_mode<synchronous>, transform_indices = @transform_2, window_bounds = array<i64: 1, 64>}, {transform_indices = @transform_3, window_bounds = array<i64: 2000, 64>}, {transform_indices = @transform_4, window_bounds = array<i64: 2000, 16>}]} {
    %get3A = arith.constant 0 : index
    %get3A_0 = arith.constant 0 : index
    %get3A_1 = arith.constant 0 : index
    %get3A_2 = vector.load %arg1[%get3A, %get3A_0, %get3A_1] : memref<2x2000x72xf32, #tpu.memory_space<vmem>>, vector<1x2000x72xf32>
    %get3A_3 = vector.shape_cast %get3A_2 : vector<1x2000x72xf32> to vector<2000x72xf32>
    %get3A_4 = arith.constant 1 : index
    %get3A_5 = arith.constant 0 : index
    %get3A_6 = arith.constant 0 : index
    %get3A_7 = vector.load %arg1[%get3A_4, %get3A_5, %get3A_6] : memref<2x2000x72xf32, #tpu.memory_space<vmem>>, vector<1x2000x72xf32>
    %get3A_8 = vector.shape_cast %get3A_7 : vector<1x2000x72xf32> to vector<2000x72xf32>
    %add3A = arith.addf %get3A_3, %get3A_8 : vector<2000x72xf32>
    %slice3A = vector.extract_strided_slice %add3A {offsets = [0, 64], sizes = [2000, 8], strides = [1, 1]} : vector<2000x72xf32> to vector<2000x8xf32>
    %ne3A = arith.constant 0.000000e+00 : f32
    %ne3A_9 = vector.broadcast %ne3A : f32 to vector<2000x8xf32>
    %ne3A_10 = arith.cmpf one, %slice3A, %ne3A_9 : vector<2000x8xf32>
    %jit3A = arith.constant 1.000000e+00 : f32
    %broadcast_in_dim3A = vector.broadcast %jit3A : f32 to vector<2000x8xf32>
    %select_n3A = arith.select %ne3A_10, %slice3A, %broadcast_in_dim3A : vector<2000x8xi1>, vector<2000x8xf32>
    %div3A = arith.constant 1.000000e+00 : f32
    %div3A_11 = vector.broadcast %div3A : f32 to vector<2000x8xf32>
    %div3A_12 = arith.divf %div3A_11, %select_n3A : vector<2000x8xf32>
    %slice3A_13 = vector.extract_strided_slice %add3A {offsets = [0, 0], sizes = [2000, 8], strides = [1, 1]} : vector<2000x72xf32> to vector<2000x8xf32>
    %slice3A_14 = vector.extract_strided_slice %div3A_12 {offsets = [0, 0], sizes = [2000, 1], strides = [1, 1]} : vector<2000x8xf32> to vector<2000x1xf32>
    %mul3A = vector.broadcast %slice3A_14 : vector<2000x1xf32> to vector<2000x8xf32>
    %mul3A_15 = arith.mulf %slice3A_13, %mul3A : vector<2000x8xf32>
    %slice3A_16 = vector.extract_strided_slice %add3A {offsets = [0, 8], sizes = [2000, 8], strides = [1, 1]} : vector<2000x72xf32> to vector<2000x8xf32>
    %slice3A_17 = vector.extract_strided_slice %div3A_12 {offsets = [0, 1], sizes = [2000, 1], strides = [1, 1]} : vector<2000x8xf32> to vector<2000x1xf32>
    %mul3A_18 = vector.broadcast %slice3A_17 : vector<2000x1xf32> to vector<2000x8xf32>
    %mul3A_19 = arith.mulf %slice3A_16, %mul3A_18 : vector<2000x8xf32>
    %slice3A_20 = vector.extract_strided_slice %add3A {offsets = [0, 16], sizes = [2000, 8], strides = [1, 1]} : vector<2000x72xf32> to vector<2000x8xf32>
    %slice3A_21 = vector.extract_strided_slice %div3A_12 {offsets = [0, 2], sizes = [2000, 1], strides = [1, 1]} : vector<2000x8xf32> to vector<2000x1xf32>
    %mul3A_22 = vector.broadcast %slice3A_21 : vector<2000x1xf32> to vector<2000x8xf32>
    %mul3A_23 = arith.mulf %slice3A_20, %mul3A_22 : vector<2000x8xf32>
    %slice3A_24 = vector.extract_strided_slice %add3A {offsets = [0, 24], sizes = [2000, 8], strides = [1, 1]} : vector<2000x72xf32> to vector<2000x8xf32>
    %slice3A_25 = vector.extract_strided_slice %div3A_12 {offsets = [0, 3], sizes = [2000, 1], strides = [1, 1]} : vector<2000x8xf32> to vector<2000x1xf32>
    %mul3A_26 = vector.broadcast %slice3A_25 : vector<2000x1xf32> to vector<2000x8xf32>
    %mul3A_27 = arith.mulf %slice3A_24, %mul3A_26 : vector<2000x8xf32>
    %slice3A_28 = vector.extract_strided_slice %add3A {offsets = [0, 32], sizes = [2000, 8], strides = [1, 1]} : vector<2000x72xf32> to vector<2000x8xf32>
    %slice3A_29 = vector.extract_strided_slice %div3A_12 {offsets = [0, 4], sizes = [2000, 1], strides = [1, 1]} : vector<2000x8xf32> to vector<2000x1xf32>
    %mul3A_30 = vector.broadcast %slice3A_29 : vector<2000x1xf32> to vector<2000x8xf32>
    %mul3A_31 = arith.mulf %slice3A_28, %mul3A_30 : vector<2000x8xf32>
    %slice3A_32 = vector.extract_strided_slice %add3A {offsets = [0, 40], sizes = [2000, 8], strides = [1, 1]} : vector<2000x72xf32> to vector<2000x8xf32>
    %slice3A_33 = vector.extract_strided_slice %div3A_12 {offsets = [0, 5], sizes = [2000, 1], strides = [1, 1]} : vector<2000x8xf32> to vector<2000x1xf32>
    %mul3A_34 = vector.broadcast %slice3A_33 : vector<2000x1xf32> to vector<2000x8xf32>
    %mul3A_35 = arith.mulf %slice3A_32, %mul3A_34 : vector<2000x8xf32>
    %slice3A_36 = vector.extract_strided_slice %add3A {offsets = [0, 48], sizes = [2000, 8], strides = [1, 1]} : vector<2000x72xf32> to vector<2000x8xf32>
    %slice3A_37 = vector.extract_strided_slice %div3A_12 {offsets = [0, 6], sizes = [2000, 1], strides = [1, 1]} : vector<2000x8xf32> to vector<2000x1xf32>
    %mul3A_38 = vector.broadcast %slice3A_37 : vector<2000x1xf32> to vector<2000x8xf32>
    %mul3A_39 = arith.mulf %slice3A_36, %mul3A_38 : vector<2000x8xf32>
    %slice3A_40 = vector.extract_strided_slice %add3A {offsets = [0, 56], sizes = [2000, 8], strides = [1, 1]} : vector<2000x72xf32> to vector<2000x8xf32>
    %slice3A_41 = vector.extract_strided_slice %div3A_12 {offsets = [0, 7], sizes = [2000, 1], strides = [1, 1]} : vector<2000x8xf32> to vector<2000x1xf32>
    %mul3A_42 = vector.broadcast %slice3A_41 : vector<2000x1xf32> to vector<2000x8xf32>
    %mul3A_43 = arith.mulf %slice3A_40, %mul3A_42 : vector<2000x8xf32>
    %concatenate3A = tpu.concatenate %mul3A_15, %mul3A_19, %mul3A_23, %mul3A_27, %mul3A_31, %mul3A_35, %mul3A_39, %mul3A_43 in 1 : vector<2000x8xf32>, vector<2000x8xf32>, vector<2000x8xf32>, vector<2000x8xf32>, vector<2000x8xf32>, vector<2000x8xf32>, vector<2000x8xf32>, vector<2000x8xf32> -> vector<2000x64xf32>
    %get3A_44 = arith.constant 0 : index
    %get3A_45 = arith.constant 0 : index
    %get3A_46 = vector.load %arg3[%get3A_44, %get3A_45] : memref<1x64xf32, #tpu.memory_space<vmem>>, vector<1x64xf32>
    %add3A_47 = vector.broadcast %get3A_46 : vector<1x64xf32> to vector<2000x64xf32>
    %add3A_48 = arith.addf %concatenate3A, %add3A_47 : vector<2000x64xf32>
    %max3A = arith.constant 0.000000e+00 : f32
    %max3A_49 = vector.broadcast %max3A : f32 to vector<2000x64xf32>
    %max3A_50 = arith.maximumf %add3A_48, %max3A_49 : vector<2000x64xf32>
    %get3A_51 = arith.constant 0 : index
    %get3A_52 = arith.constant 0 : index
    %get3A_53 = vector.load %arg2[%get3A_51, %get3A_52] : memref<64x80xf32, #tpu.memory_space<vmem>>, vector<64x80xf32>
    %dot_general3A = arith.constant dense<0.000000e+00> : vector<2000x80xf32>
    %dot_general3A_54 = tpu.matmul %max3A_50, %get3A_53, %dot_general3A {dimension_numbers = #tpu.dot_dimension_numbers<[1], [0], [0], [1], [0, 0, 1, 1], [], []>, transpose_lhs_hint = false} : vector<2000x64xf32>, vector<64x80xf32>, vector<2000x80xf32> -> vector<2000x80xf32>
    %slice3A_55 = vector.extract_strided_slice %dot_general3A_54 {offsets = [0, 0], sizes = [2000, 64], strides = [1, 1]} : vector<2000x80xf32> to vector<2000x64xf32>
    %convert_element_type3A = arith.truncf %slice3A_55 : vector<2000x64xf32> to vector<2000x64xbf16>
    %swap3A = arith.constant 0 : index
    %swap3A_56 = arith.constant 0 : index
    %swap3A_57 = vector.load %arg4[%swap3A, %swap3A_56] : memref<2000x64xbf16, #tpu.memory_space<vmem>>, vector<2000x64xbf16>
    tpu.vector_store %arg4[%swap3A, %swap3A_56], %convert_element_type3A {strides = array<i32>} : memref<2000x64xbf16, #tpu.memory_space<vmem>>, vector<2000x64xbf16>,
    %slice3A_58 = vector.extract_strided_slice %dot_general3A_54 {offsets = [0, 64], sizes = [2000, 16], strides = [1, 1]} : vector<2000x80xf32> to vector<2000x16xf32>
    %swap3A_59 = arith.constant 0 : index
    %swap3A_60 = arith.constant 0 : index
    %swap3A_61 = vector.load %arg5[%swap3A_59, %swap3A_60] : memref<2000x16xf32, #tpu.memory_space<vmem>>, vector<2000x16xf32>
    tpu.vector_store %arg5[%swap3A_59, %swap3A_60], %slice3A_58 {strides = array<i32>} : memref<2000x16xf32, #tpu.memory_space<vmem>>, vector<2000x16xf32>,
    return
  }
  func.func @transform_0(%arg0: i32) -> (i32, i32, i32) {
    %c0_i32 = arith.constant 0 : i32
    %c0_i32_0 = arith.constant 0 : i32
    %c0_i32_1 = arith.constant 0 : i32
    return %c0_i32, %arg0, %c0_i32_0 : i32, i32, i32
  }
  func.func @transform_1(%arg0: i32) -> (i32, i32) {
    %c0_i32 = arith.constant 0 : i32
    %c0_i32_0 = arith.constant 0 : i32
    %c0_i32_1 = arith.constant 0 : i32
    return %c0_i32, %c0_i32_0 : i32, i32
  }
  func.func @transform_2(%arg0: i32) -> (i32, i32) {
    %c0_i32 = arith.constant 0 : i32
    %c0_i32_0 = arith.constant 0 : i32
    %c0_i32_1 = arith.constant 0 : i32
    return %c0_i32, %c0_i32_0 : i32, i32
  }
  func.func @transform_3(%arg0: i32) -> (i32, i32) {
    %c0_i32 = arith.constant 0 : i32
    %c0_i32_0 = arith.constant 0 : i32
    return %arg0, %c0_i32 : i32, i32
  }
  func.func @transform_4(%arg0: i32) -> (i32, i32) {
    %c0_i32 = arith.constant 0 : i32
    %c0_i32_0 = arith.constant 0 : i32
    return %arg0, %c0_i32 : i32, i32
  }
}

module attributes {stable_mosaic.version = 14 : i64} {
  func.func @_final_body(%arg0: i32, %arg1: memref<2x2000x48xf32, #tpu.memory_space<vmem>>, %arg2: memref<1x40xf32, #tpu.memory_space<vmem>>, %arg3: memref<2000x40xf32, #tpu.memory_space<vmem>>) attributes {dimension_semantics = [#tpu.dimension_semantics<arbitrary>], iteration_bounds = array<i64: 5>, scalar_prefetch = 0 : i64, scratch_operands = 0 : i64, tpu.core_type = #tpu.core_type<tc>, window_params = [{transform_indices = @transform_0, window_bounds = array<i64: 2, 2000, 48>}, {pipeline_mode = #tpu.pipeline_mode<synchronous>, transform_indices = @transform_1, window_bounds = array<i64: 1, 40>}, {transform_indices = @transform_2, window_bounds = array<i64: 2000, 40>}]} {
    %get3A = arith.constant 0 : index
    %get3A_0 = arith.constant 0 : index
    %get3A_1 = arith.constant 0 : index
    %get3A_2 = vector.load %arg1[%get3A, %get3A_0, %get3A_1] : memref<2x2000x48xf32, #tpu.memory_space<vmem>>, vector<1x2000x48xf32>
    %get3A_3 = vector.shape_cast %get3A_2 : vector<1x2000x48xf32> to vector<2000x48xf32>
    %get3A_4 = arith.constant 1 : index
    %get3A_5 = arith.constant 0 : index
    %get3A_6 = arith.constant 0 : index
    %get3A_7 = vector.load %arg1[%get3A_4, %get3A_5, %get3A_6] : memref<2x2000x48xf32, #tpu.memory_space<vmem>>, vector<1x2000x48xf32>
    %get3A_8 = vector.shape_cast %get3A_7 : vector<1x2000x48xf32> to vector<2000x48xf32>
    %add3A = arith.addf %get3A_3, %get3A_8 : vector<2000x48xf32>
    %slice3A = vector.extract_strided_slice %add3A {offsets = [0, 40], sizes = [2000, 1], strides = [1, 1]} : vector<2000x48xf32> to vector<2000x1xf32>
    %ne3A = arith.constant 0.000000e+00 : f32
    %ne3A_9 = vector.broadcast %ne3A : f32 to vector<2000x1xf32>
    %ne3A_10 = arith.cmpf one, %slice3A, %ne3A_9 : vector<2000x1xf32>
    %jit3A = arith.constant 1.000000e+00 : f32
    %broadcast_in_dim3A = vector.broadcast %jit3A : f32 to vector<2000x1xf32>
    %select_n3A = arith.select %ne3A_10, %slice3A, %broadcast_in_dim3A : vector<2000x1xi1>, vector<2000x1xf32>
    %slice3A_11 = vector.extract_strided_slice %add3A {offsets = [0, 0], sizes = [2000, 40], strides = [1, 1]} : vector<2000x48xf32> to vector<2000x40xf32>
    %div3A = vector.broadcast %select_n3A : vector<2000x1xf32> to vector<2000x40xf32>
    %div3A_12 = arith.divf %slice3A_11, %div3A : vector<2000x40xf32>
    %get3A_13 = arith.constant 0 : index
    %get3A_14 = arith.constant 0 : index
    %get3A_15 = vector.load %arg2[%get3A_13, %get3A_14] : memref<1x40xf32, #tpu.memory_space<vmem>>, vector<1x40xf32>
    %add3A_16 = vector.broadcast %get3A_15 : vector<1x40xf32> to vector<2000x40xf32>
    %add3A_17 = arith.addf %div3A_12, %add3A_16 : vector<2000x40xf32>
    %reduce_max3A = arith.constant dense<0xFF800000> : vector<2000xf32>
    %reduce_max3A_18 = vector.multi_reduction <maximumf>, %add3A_17, %reduce_max3A [1] : vector<2000x40xf32> to vector<2000xf32>
    %broadcast_in_dim3A_19 = vector.shape_cast %reduce_max3A_18 : vector<2000xf32> to vector<2000x1xf32>
    %sub3A = vector.broadcast %broadcast_in_dim3A_19 : vector<2000x1xf32> to vector<2000x40xf32>
    %sub3A_20 = arith.subf %add3A_17, %sub3A : vector<2000x40xf32>
    %exp3A = math.exp %sub3A_20 : vector<2000x40xf32>
    %reduce_sum3A = arith.constant dense<0.000000e+00> : vector<2000xf32>
    %reduce_sum3A_21 = vector.multi_reduction <add>, %exp3A, %reduce_sum3A [1] : vector<2000x40xf32> to vector<2000xf32>
    %broadcast_in_dim3A_22 = vector.shape_cast %reduce_sum3A_21 : vector<2000xf32> to vector<2000x1xf32>
    %log3A = math.log %broadcast_in_dim3A_22 : vector<2000x1xf32>
    %add3A_23 = arith.addf %broadcast_in_dim3A_19, %log3A : vector<2000x1xf32>
    %sub3A_24 = vector.broadcast %add3A_23 : vector<2000x1xf32> to vector<2000x40xf32>
    %sub3A_25 = arith.subf %add3A_17, %sub3A_24 : vector<2000x40xf32>
    %swap3A = arith.constant 0 : index
    %swap3A_26 = arith.constant 0 : index
    %swap3A_27 = vector.load %arg3[%swap3A, %swap3A_26] : memref<2000x40xf32, #tpu.memory_space<vmem>>, vector<2000x40xf32>
    tpu.vector_store %arg3[%swap3A, %swap3A_26], %sub3A_25 {strides = array<i32>} : memref<2000x40xf32, #tpu.memory_space<vmem>>, vector<2000x40xf32>,
    return
  }
  func.func @transform_0(%arg0: i32) -> (i32, i32, i32) {
    %c0_i32 = arith.constant 0 : i32
    %c0_i32_0 = arith.constant 0 : i32
    %c0_i32_1 = arith.constant 0 : i32
    return %c0_i32, %arg0, %c0_i32_0 : i32, i32, i32
  }
  func.func @transform_1(%arg0: i32) -> (i32, i32) {
    %c0_i32 = arith.constant 0 : i32
    %c0_i32_0 = arith.constant 0 : i32
    %c0_i32_1 = arith.constant 0 : i32
    return %c0_i32, %c0_i32_0 : i32, i32
  }
  func.func @transform_2(%arg0: i32) -> (i32, i32) {
    %c0_i32 = arith.constant 0 : i32
    %c0_i32_0 = arith.constant 0 : i32
    return %arg0, %c0_i32 : i32, i32
  }
}

</mosaic_0001>

<sc_bundles>
// kernel: kernel.10.cloned.1.call-start
scs
__scs_entry_jumppad:
0x0: {  	(pc) =	sbr.rel $0x88, $3  }
0x1: {  	(tag) =	ssettag $0x0;
	lr =	simm.s32 $0x1  }
0x2: {  	[smem:$0x3F97] =	sst lr;
	_ =	strace $0xD0000000  }
0x3: {  	_ = 	snop  }
0x4: {  	_ = 	snop  }
0x5: {  	_ = 	snop  }
0x6: {  	_ = 	snop  }
0x7: {  	_ = 	snop  }
__scs_overlays_trampoline_lowered:
0x8: {  	[smem:$0x3FA6] =	sst s0  }
0x9: {  	[smem:$0x3FA7] =	sst s1  }
0xa: {  	[smem:$0x3FA8] =	sst s2  }
0xb: {  	[smem:$0x3FA9] =	sst s3  }
0xc: {  	[smem:$0x3FAA] =	sst s4  }
0xd: {  	[smem:$0x3FAB] =	sst s5  }
0xe: {  	[smem:$0x3FAC] =	sst s6  }
0xf: {  	[smem:$0x3FAD] =	sst s7  }
0x10: {  	[smem:$0x3FAE] =	sst s8  }
0x11: {  	[smem:$0x3FAF] =	sst s9;
	s0 =	simm.s32 @!p0 $0x0  }
0x12: {  	s1 =	sld [smem:$0x3F95];
	s0 =	simm.s32 @p0 $0x1  }
0x13: {  	[smem:$0x3FB0] =	sst s0;
	s0 =	simm.s32 @!p1 $0x0  }
0x14: {  	s2 =	sld [smem:$0x3F94];
	s0 =	simm.s32 @p1 $0x1  }
0x15: {  	[smem:$0x3FB1] =	sst s0;
	s0 =	simm.s32 @!p2 $0x0  }
0x16: {  	s3 =	sld [smem:$0x3FDB];
	s0 =	simm.s32 @p2 $0x1  }
0x17: {  	s4 =	simm.s32 $0x1BF5;
	[smem:$0x3FB3] =	sst s0  }
0x18: {  	s0 =	sld [smem:$0x3F96];
	_ =	swait.ge [sflag:s4], $0x0  }
0x19: {  	s7 =	sld [smem:$0x3F97]  }
0x1a: {  	s8 =	sadd.s32 $0xFFFFE003, lr  }
0x1b: {  	s9 =	sadd.s32 $0xFFFFFEF7, lr;
	s5 =	simm.s32 $0xFFFFFFFF;
	p2 =	slt.u32 s8, $0xFFFFF086  }
0x1c: {  	p1 =	slt.u32 s9, $0xF7A;
	s5 =	simm.s32 @!p2 $0x0  }
0x1d: {  	s5 =	simm.s32 @p1 $0x1;
	p0 =	seq.s32 s7, s2  }
0x1e: {  	s7 =	smul.u32 @!p0 $0xF7A, s2;
	p2 =	seq.s32 @!p0 s5, $0x0  }
0x1f: {  	s9 =	smul.u32 $0xF7A, s1;
	s8 =	simm.s32 @!p0 $0x1BF5;
	p2 =	por !p2, p0  }
0x20: {  	[sflag:s8] =	ssyncset.s32 @!p0 $0xFFFFF086;
	s6 =	sadd.s32 @!p0 s3, s7;
	s7 =	simm.s32 @!p0 $0x108  }
0x21: {  	s3 =	sadd.s32 s3, s9;
	s6 =	sadd.s32 @!p0 $0x88, s6;
	s7 =	simm.s32 @p2 $0x1082  }
0x22: {  	[simem:s7], [sflag:s8] =	dma.local @!p0 [hbm:s6], $0xF7A  }
0x23: {  	s9 =	sor.u32 $0xD0000000, s2;
	s6 =	simm.s32 $0x108;
	_ =	swait.ge @!p0 [sflag:s8], $0x0  }
0x24: {  	s3 =	sadd.s32 $0x88, s3;
	s6 =	simm.s32 @!p1 $0x1082;
	[sflag:s4] =	ssyncset.s32 $0xFFFFF086  }
0x25: {  	[simem:s6], [sflag:s4] =	dma.local [hbm:s3], $0xF7A  }
0x26: {  	[smem:$0x3F97] =	sst s1;
	(tag) =	ssettag s2;
	_ =	strace s9  }
0x27: {  	s1 =	sld [smem:$0x3FA7]  }
0x28: {  	s2 =	sld [smem:$0x3FA8]  }
0x29: {  	s4 =	sld [smem:$0x3FAA]  }
0x2a: {  	p0 =	seq.s32 s5, $0x0;
	s5 =	sld [smem:$0x3FAB]  }
0x2b: {  	s6 =	sld [smem:$0x3FAC]  }
0x2c: {  	s7 =	sld [smem:$0x3FAD]  }
0x2d: {  	s3 =	simm.s32 $0x108;
	s8 =	sld [smem:$0x3FAE]  }
0x2e: {  	s3 =	simm.s32 @!p0 $0x1082;
	s9 =	sld [smem:$0x3FAF]  }
0x2f: {  	lr =	sadd.s32 s0, s3;
	s0 =	sld [smem:$0x3FA6]  }
0x30: {  	s3 =	sld [smem:$0x3FA9]  }
0x31: {  	[smem:$0x3FB2] =	sst s10  }
0x32: {  	s10 =	sld [smem:$0x3FB0];
	_ =	sdelay $0x3  }
0x33: {  	p0 =	seq.s32 s10, $0x1;
	s10 =	sld [smem:$0x3FB2];
	_ =	sdelay $0x3  }
0x34: {  	[smem:$0x3FB2] =	sst s10  }
0x35: {  	s10 =	sld [smem:$0x3FB1];
	_ =	sdelay $0x3  }
0x36: {  	p1 =	seq.s32 s10, $0x1;
	s10 =	sld [smem:$0x3FB2];
	_ =	sdelay $0x3  }
0x37: {  	[smem:$0x3FB2] =	sst s10  }
0x38: {  	s10 =	sld [smem:$0x3FB3]  }
0x39: {  	_ = 	snop;
	(pc) =	sbr.ind lr, $3  }
0x3a: {  	_ = 	snop  }
0x3b: {  	_ = 	snop  }
0x3c: {  	p2 =	seq.s32 s10, $0x1;
	s10 =	sld [smem:$0x3FB2]  }
0x3d: {  	_ =	shalt  }
0x3e: {  	_ =	shalt  }
0x3f: {  	_ =	shalt  }
0x40: {  	_ =	shalt  }
0x41: {  	_ =	shalt  }
0x42: {  	_ =	shalt  }
0x43: {  	_ =	shalt  }
0x44: {  	_ =	shalt  }
0x45: {  	_ =	shalt  }
0x46: {  	_ =	shalt  }
0x47: {  	_ =	shalt  }
0x48: {  	_ =	shalt  }
0x49: {  	_ =	shalt  }
0x4a: {  	_ =	shalt  }
0x4b: {  	_ =	shalt  }
0x4c: {  	_ =	shalt  }
0x4d: {  	_ =	shalt  }
0x4e: {  	_ =	shalt  }
0x4f: {  	_ =	shalt  }
0x50: {  	_ =	shalt  }
0x51: {  	_ =	shalt  }
0x52: {  	_ =	shalt  }
0x53: {  	_ =	shalt  }
0x54: {  	_ =	shalt  }
0x55: {  	_ =	shalt  }
0x56: {  	_ =	shalt  }
0x57: {  	_ =	shalt  }
0x58: {  	_ =	shalt  }
0x59: {  	_ =	shalt  }
0x5a: {  	_ =	shalt  }
0x5b: {  	_ =	shalt  }
0x5c: {  	_ =	shalt  }
0x5d: {  	_ =	shalt  }
0x5e: {  	_ =	shalt  }
0x5f: {  	_ =	shalt  }
0x60: {  	_ =	shalt  }
0x61: {  	_ =	shalt  }
0x62: {  	_ =	shalt  }
0x63: {  	_ =	shalt  }
0x64: {  	_ =	shalt  }
0x65: {  	_ =	shalt  }
0x66: {  	_ =	shalt  }
0x67: {  	_ =	shalt  }
0x68: {  	_ =	shalt  }
0x69: {  	_ =	shalt  }
0x6a: {  	_ =	shalt  }
0x6b: {  	_ =	shalt  }
0x6c: {  	_ =	shalt  }
0x6d: {  	_ =	shalt  }
0x6e: {  	_ =	shalt  }
0x6f: {  	_ =	shalt  }
0x70: {  	_ =	shalt  }
0x71: {  	_ =	shalt  }
0x72: {  	_ =	shalt  }
0x73: {  	_ =	shalt  }
0x74: {  	_ =	shalt  }
0x75: {  	_ =	shalt  }
0x76: {  	_ =	shalt  }
0x77: {  	_ =	shalt  }
0x78: {  	_ =	shalt  }
0x79: {  	_ =	shalt  }
0x7a: {  	_ =	shalt  }
0x7b: {  	_ =	shalt  }
0x7c: {  	_ =	shalt  }
0x7d: {  	_ =	shalt  }
0x7e: {  	_ =	shalt  }
0x7f: {  	_ =	shalt  }
0x80: {  	_ =	shalt  }
0x81: {  	_ =	shalt  }
0x82: {  	_ =	shalt  }
0x83: {  	_ =	shalt  }
0x84: {  	_ =	shalt  }
0x85: {  	_ =	shalt  }
0x86: {  	_ =	shalt  }
0x87: {  	_ =	shalt  }
.Lfunc_end0:
.L_simem_size_0:
called_computation.1_lowered:
.L_overlay_start_0:
0x88: {  	s2 =	sld [smem:$0x3FD9]  }
0x89: {  	s3 =	sld [smem:$0x3FFE];
	_ =	sdelay $0x1  }
0x8a: {  	s1 =	srdreg.scid  }
0x8b: {  	s0 =	sand.u32 $0x1, s1  }
0x8c: {  	s17 =	sshll.u32 s0, $0xA;
	s2 =	sadd.s32 s3, s2  }
0x8d: {  	s2 =	sadd.s32 s2, s17  }
0x8e: {  	[smem:$0x3FBE] =	sst s2  }
0x8f: {  	_ = 	snop  }
0x90: {  	s2 =	sld [smem:$0x3FD0];
	(tm) =	ssettm $0x1  }
0x91: {  	s18 =	sld [smem:$0x3FFB];
	_ =	sdelay $0x3  }
0x92: {  	_ =	strace s18  }
0x93: {  	s3 =	sld [smem:$0x3FFC];
	_ =	sdelay $0x3  }
0x94: {  	_ =	strace s3  }
0x95: {  	s3 =	sld [smem:$0x3FFD];
	_ =	sdelay $0x3  }
0x96: {  	_ =	strace s3  }
0x97: {  	_ =	strace $0x8FFFFFFF  }
0x98: {  	s19 =	sld [smem:$0x3FDB];
	_ =	sdelay $0x1  }
0x99: {  	s4 =	simm.s32 $_scs_section_size  }
0x9a: {  	s5 =	simm.s32 $_size__tile_overlayer_lowered;
	s6 =	simm.s32 $_tile_overlayer_lowered  }
0x9b: {  	s22 =	simm.s32 $0x1BFF;
	s21 =	sshll.u32 s6, $0x1;
	s3 =	sadd.s32 s4, s19  }
0x9c: {  	s7 =	simm.s32 $0x0;
	s20 =	sshll.u32 s5, $0x1;
	s5 =	sadd.s32 s21, s3  }
0x9d: {  	[timem:s7], [sflag:s22] =	dma.local [hbm:s5], s20  }
0x9e: {  	_ =	swait.ge [sflag:s22], s20  }
0x9f: {  	s4 =	ssub.s32 $0x0, s20;
	[sflag:s22] =	ssyncset.done $0x0  }
0xa0: {  	[sflag:s22] =	ssyncadd.s32 s4;
	_ =	sdelay $0x1  }
0xa1: {  	s23 =	simm.s32 $0x1B8B  }
0xa2: {  	_ =	swait.ge [sflag:s23], $0x1  }
0xa3: {  	[sflag:s23] =	ssyncset.done $0x0  }
0xa4: {  	s25 =	simm.s32 $0x1B8E;
	s24 =	sld [smem:$0x3FFE];
	[sflag:s23] =	ssyncadd.s32 $0xFFFFFFFF  }
0xa5: {  	s26 =	simm.s32 $execute0_lowered;
	[smem:$0x3FD2] =	sst s25  }
0xa6: {  	s5 =	sshll.u32 s26, $0x1;
	_ =	strace $0x80000049;
	[dreg:$0x1] =	wrdreg $0xFFFFFFFF  }
0xa7: {  	s28 =	simm.s32 $_size_execute0_lowered;
	s3 =	sadd.s32 s3, s5;
	[dreg:$0x0] =	wrdreg $0x0  }
0xa8: {  	s5 =	sshll.u32 s28, $0x1;
	[dreg:$0x2] =	wrdreg s3  }
0xa9: {  	[dreg:$0x3] =	wrdreg s5  }
0xaa: {  	[dreg:$0x4] =	wrdreg $0xC0  }
0xab: {  	_ =	task [dreg:s7], $0x5FFFF  }
0xac: {  	[dreg:$0x1] =	wrdreg $0xFFFFFFFF  }
0xad: {  	[dreg:$0x0] =	wrdreg $0x60  }
0xae: {  	[dreg:$0x2] =	wrdreg s24  }
0xaf: {  	[dreg:$0x3] =	wrdreg s2  }
0xb0: {  	[dreg:$0x4] =	wrdreg $0xE7400  }
0xb1: {  	[dreg:$0x5] =	wrdreg $0x9  }
0xb2: {  	_ =	task.clear_ibuf [dreg:s7], $0x6FFFF;
	_ =	strace $0x90000049  }
0xb3: {  	s29 =	simm.s32 $0x9;
	_ =	strace $0x8000004B  }
0xb4: {  	_ =	swait.ge [sflag:s29], $0x1  }
0xb5: {  	[sflag:s29] =	ssyncadd.s32 $0xFFFFFFFF  }
0xb6: {  	_ =	strace $0x9000004B  }
0xb7: {  	_ =	sfence  }
0xb8: {  	s30 =	sld [smem:$0x0];
	_ =	sdelay $0x2  }
0xb9: {  	s31 =	sshll.u32 s1, $0xD;
	s1 =	sshrl.u32 s1, $0x2  }
0xba: {  	s3 =	sand.u32 $0x4000, s31;
	s1 =	sadd.s32 s1, s30  }
0xbb: {  	s0 =	sor.u32 s3, s0;
	s1 =	sshll.u32 s1, $0x11  }
0xbc: {  	s0 =	sor.u32 s1, s0  }
0xbd: {  	s0 =	sadd.s32 $0x8F2B, s0  }
0xbe: {  	[sflag:s0] =	ssyncadd.remote.s32 $0x1  }
0xbf: {  	_ =	sfence.sel $0xFFFF  }
0xc0: {  	[dreg:$0x0] =	wrdreg $0xFFFFFFFF;
	(pc) =	sbr.abs _section_cstart, $3  }
0xc1: {  	[dreg:$0x1] =	wrdreg $0xFFFFFFFF  }
0xc2: {  	_ =	task.clear_ibuf [dreg:s7], $0x2FFFF;
	_ =	strace $0x9FFFFFFF  }
0xc3: {  	(tm) =	ssettm $0x7FFFFFFF  }
tec
execute0_lowered:
.L_overlay_start_1:
0x0: {  	(tag) =	ssettag $0x1  }
0x1: {  	s0 =	rddreg [dreg:$0x0]  }
0x2: {  	s1 =	srdreg.scid;
	s3 =	rddreg [dreg:$0x1]  }
0x3: {  	s2 =	rddreg [dreg:$0x2];
	s12 =	stileid.u32  }
0x4: {  	s5 =	simm.s32 $0x0;
	s16 =	simm.s32 $0xD;
	s18 =	simm.s32 $0x64  }
0x5: {  	s31 =	simm.s32 $0x76C0;
	s19 =	simm.s32 $0x1;
	s20 =	simm.s32 $0x5  }
0x6: {  	s21 =	simm.s32 $0x9C40;
	s22 =	simm.s32 $0x2;
	s28 =	simm.s32 $0xC1C0  }
0x7: {  	s29 =	simm.s32 $0x4;
	s30 =	simm.s32 $0x8;
	s1 =	sand.u32 $0x1, s1  }
0x8: {  	[smem:$0x7FF] =	sst s5;
	s7 =	smul.u32 $0x7500, s12;
	s5 =	sadd.s32 $0x16400, s0  }
0x9: {  	p0 =	seq.s32 s12, $0xF;
	s4 =	sshll.u32 s1, $0x4;
	_ =	strace $0x8000004A  }
0xa: {  	s8 =	smul.u32 $0xEA60, s1;
	s1 =	ssub.s32 $0x2, s1;
	s4 =	sor.u32 s12, s4  }
0xb: {  	s10 =	sshrl.u32 s7, $0x3;
	s11 =	sshrl.u32 s1, $0x1;
	s7 =	sadd.s32 s7, s2  }
0xc: {  	s6 =	smul.u32 $0x514, s4;
	s4 =	sadd.s32 $0xC600, s0;
	[dreg:$0x4] =	wrdreg s10  }
0xd: {  	s10 =	sadd.s32 s10, s0;
	s8 =	sadd.s32 s8, s0;
	s1 =	ssub.s32 s1, s11  }
0xe: {  	s7 =	sshrl.u32 @!p0 s7, $0x3;
	s10 =	sadd.s32 $0x1B400, s10;
	s25 =	sadd.s32 $0x2A000, s8  }
0xf: {  	s26 =	smax.u32 s1, $0x1;
	s1 =	simm.s32 $0x9600;
	[dreg:$0x5] =	wrdreg s10  }
0x10: {  	s9 =	sadd.s32 s6, s0;
	s10 =	sadd.s32 $0x6DB00, s2;
	[dreg:$0x9] =	wrdreg s25  }
0x11: {  	s0 =	sadd.s32 $0x28F60, s0;
	s23 =	sadd.s32 s3, s6;
	[dreg:$0xa] =	wrdreg s26  }
.Ltmp0:
0x12: {  	s25 =	simm.s32 $0x3;
	[dreg:$0x6] =	wrdreg s0;
	(pc) =	sbr.rel .LBB2_1-.Ltmp0, $4  }
0x13: {  	s26 =	simm.s32 $0x7;
	[dreg:$0x7] =	wrdreg s23;
	s24 =	sadd.s32 $0x2200, s9  }
0x14: {  	s8 =	sshrl.u32 @p0 s10, $0x3;
	s0 =	sshll.u32 @!p0 s12, $0x6;
	s23 =	simm.s32 $0x6  }
0x15: {  	v0 =	vimm.s32 $0x8;
	s10 =	simm.s32 $0x0;
	[dreg:$0x8] =	wrdreg s24;
	s9 =	sor.u32 @!p0 $0x1C0D, s0  }
0x16: {  	v1 =	vimm.s32 $0x0;
	vm0 =	vcmask $0x3F24;
	vm1 =	vmmov $0xff;
	s24 =	simm.s32 $0xAF00;
	s0 =	simm.s32 $0xD480;
	[dreg:$0xb] =	wrdreg s9  }
.LBB2_12:
0x17: {  	s3 =	simm.s32 $0x9  }
0x18: {  	_ =	swait.ge [sflag:s3], $0x12C0  }
0x19: {  	[sflag:s3] =	ssyncset.done $0x0  }
0x1a: {  	s11 =	simm.s32 $0xA;
	[sflag:s3] =	ssyncadd.s32 $0xFFFFED40  }
0x1b: {  	_ =	swait.ge [sflag:s11], $0x12C0  }
0x1c: {  	[sflag:s11] =	ssyncset.done $0x0  }
0x1d: {  	s12 =	simm.s32 $0xB;
	[sflag:s11] =	ssyncadd.s32 $0xFFFFED40  }
0x1e: {  	_ =	swait.ge [sflag:s12], $0x12C0  }
0x1f: {  	[sflag:s12] =	ssyncset.done $0x0  }
0x20: {  	s13 =	simm.s32 $0xC;
	[sflag:s12] =	ssyncadd.s32 $0xFFFFED40  }
0x21: {  	_ =	swait.ge [sflag:s13], $0x12C0  }
0x22: {  	[sflag:s13] =	ssyncset.done $0x0  }
0x23: {  	[sflag:s13] =	ssyncadd.s32 $0xFFFFED40  }
0x24: {  	[bflag:$0x0] =	sbarrier.arrive $0xFFFF  }
0x25: {  	s7 =	rddreg [dreg:$0x9]  }
0x26: {  	s6 =	simm.s32 @p0 $0x1FCD;
	s3 =	sadd.s32 @p0 $0xDB60, s7  }
0x27: {  	[hbm:s3], [sflag:s6] =	dma.local @p0 [spmem:s14], $0xF00  }
0x28: {  	s3 =	simm.s32 @p0 $0xD  }
0x29: {  	_ =	swait.ge @p0 [sflag:s3], $0xF00  }
0x2a: {  	[sflag:s3] =	ssyncset.done @p0 $0x0  }
0x2b: {  	[sflag:s3] =	ssyncadd.s32 @p0 $0xFFFFF100;
	s3 =	rddreg [dreg:$0x4]  }
0x2c: {  	s9 =	rddreg [dreg:$0xb];
	s3 =	sadd.s32 @!p0 s3, s7  }
0x2d: {  	[hbm:s3], [sflag:s9] =	dma.local @!p0 [spmem:s15], $0xEA0  }
0x2e: {  	s3 =	simm.s32 @!p0 $0xD  }
0x2f: {  	_ =	swait.ge @!p0 [sflag:s3], $0xEA0  }
0x30: {  	s10 =	sadd.s32 $0x1, s10;
	s17 =	rddreg [dreg:$0xa]  }
0x31: {  	p1 =	sne.s32 s10, s17  }
.Ltmp1:
0x32: {  	_ = 	snop;
	(pc) =	sbr.rel @!p1 .LBB2_13-.Ltmp1, $3  }
0x33: {  	_ =	sdelay $0x1  }
0x34: {  	[sflag:s3] =	ssyncset.done @!p0 $0x0  }
0x35: {  	s8 =	smov.u32 s14;
	s7 =	smov.u32 s15;
	[sflag:s3] =	ssyncadd.s32 @!p0 $0xFFFFF160  }
.LBB2_1:
0x36: {  	s3 =	simm.s32 @p0 $0x1FCD;
	s6 =	rddreg [dreg:$0x6]  }
0x37: {  	[spmem:s8], [sflag:s3] =	dma.local @p0 [hbm:s6], $0xF00  }
0x38: {  	s3 =	simm.s32 @p0 $0xD  }
0x39: {  	_ =	swait.ge @p0 [sflag:s3], $0xF00  }
0x3a: {  	[sflag:s3] =	ssyncset.done @p0 $0x0  }
0x3b: {  	[sflag:s3] =	ssyncadd.s32 @p0 $0xFFFFF100;
	s3 =	rddreg [dreg:$0x5]  }
0x3c: {  	[spmem:s7], [sflag:s9] =	dma.local @!p0 [hbm:s3], $0xEA0  }
0x3d: {  	s3 =	simm.s32 @!p0 $0xD  }
0x3e: {  	_ =	swait.ge @!p0 [sflag:s3], $0xEA0  }
0x3f: {  	s15 =	smov.u32 s7;
	[sflag:s3] =	ssyncset.done @!p0 $0x0  }
0x40: {  	s17 =	simm.s32 $0x0;
	s7 =	rddreg [dreg:$0x7];
	[sflag:s3] =	ssyncadd.s32 @!p0 $0xFFFFF160  }
0x41: {  	[tilespmem:s17], [sflag:$0xD] =	stream.linear.gather [hbm4b:s7+s17], $0x28A0, $0x38;
	[tilespmem:$0x15C70] =	vst v63  }
0x42: {  	_ =	swait.ge [sflag:s16], $0x28A0  }
0x43: {  	s14 =	smov.u32 s8;
	[sflag:s16] =	ssyncset.done $0x0  }
0x44: {  	s9 =	simm.s32 $0x28A0;
	s8 =	rddreg [dreg:$0x8];
	[sflag:s16] =	ssyncadd.s32 $0xFFFFD760  }
0x45: {  	[tilespmem:s9], [sflag:$0xD] =	stream.linear.gather [hbm4b:s8+s17], $0x28A0, $0x38;
	[tilespmem:$0x15C70] =	vst v63  }
0x46: {  	_ =	swait.ge [sflag:s16], $0x28A0  }
0x47: {  	[sflag:s16] =	ssyncset.done $0x0  }
0x48: {  	[sflag:s16] =	ssyncadd.s32 $0xFFFFD760  }
0x49: {  	s11 =	simm.s32 $0x5140;
	[bflag:$0x0] =	sbarrier.arrive $0xFFFF  }
0x4a: {  	[tilespmem:s11], [sflag:$0x1] =	stream.indirect.gather [hbm4b:s4+s18], $0x20, s17, s18, $0xb8;
	[tilespmem:$0x15C70] =	vst v63  }
0x4b: {  	s12 =	simm.s32 $0x8340  }
0x4c: {  	[tilespmem:s12], [sflag:$0x5] =	stream.indirect.gather [hbm4b:s5+s18], $0x10, s9, s18, $0xb8;
	[tilespmem:$0x15C70] =	vst v63  }
0x4d: {  	s13 =	simm.s32 $0x68;
	s17 =	simm.s32 $0x5DC0  }
0x4e: {  	[tilespmem:s17], [sflag:$0x2] =	stream.indirect.gather [hbm4b:s4+s18], $0x20, s13, s18, $0xb8;
	[tilespmem:$0x15C70] =	vst v63  }
0x4f: {  	s6 =	simm.s32 $0x2908;
	s7 =	simm.s32 $0x8980  }
0x50: {  	[tilespmem:s7], [sflag:$0x6] =	stream.indirect.gather [hbm4b:s5+s18], $0x10, s6, s18, $0xb8;
	[tilespmem:$0x15C70] =	vst v63  }
0x51: {  	s8 =	simm.s32 $0xD0;
	s9 =	simm.s32 $0x6A40  }
0x52: {  	[tilespmem:s9], [sflag:$0x3] =	stream.indirect.gather [hbm4b:s4+s18], $0x20, s8, s18, $0xb8;
	[tilespmem:$0x15C70] =	vst v63  }
0x53: {  	s11 =	simm.s32 $0x2970;
	s12 =	simm.s32 $0x8FC0  }
0x54: {  	[tilespmem:s12], [sflag:$0x7] =	stream.indirect.gather [hbm4b:s5+s18], $0x10, s11, s18, $0xb8;
	[tilespmem:$0x15C70] =	vst v63  }
0x55: {  	s13 =	simm.s32 $0x138  }
0x56: {  	[tilespmem:s31], [sflag:$0x4] =	stream.indirect.gather [hbm4b:s4+s18], $0x20, s13, s18, $0xb8;
	[tilespmem:$0x15C70] =	vst v63  }
0x57: {  	s17 =	simm.s32 $0x29D8;
	s12 =	simm.s32 $0x0  }
0x58: {  	[tilespmem:s1], [sflag:$0x8] =	stream.indirect.gather [hbm4b:s5+s18], $0x10, s17, s18, $0xb8;
	[tilespmem:$0x15C70] =	vst v63  }
.LBB2_2:
0x59: {  	_ =	swait.ge [sflag:s19], $0xC80  }
0x5a: {  	[sflag:s19] =	ssyncset.done $0x0  }
0x5b: {  	[sflag:s19] =	ssyncadd.s32 $0xFFFFF380  }
0x5c: {  	_ =	swait.ge [sflag:s20], $0x640  }
0x5d: {  	p1 =	seq.s32 s12, $0x0;
	[sflag:s20] =	ssyncset.done $0x0  }
0x5e: {  	s3 =	simm.s32 @!p1 $0x9;
	[sflag:s20] =	ssyncadd.s32 $0xFFFFF9C0  }
0x5f: {  	_ =	swait.ge @!p1 [sflag:s3], $0x12C0  }
0x60: {  	[sflag:s3] =	ssyncset.done @!p1 $0x0  }
0x61: {  	s7 =	simm.s32 $0x5180;
	[sflag:s3] =	ssyncadd.s32 @!p1 $0xFFFFED40  }
0x62: {  	s17 =	simm.s32 $0x8360;
	v2 =	vld [tilespmem:s7+$0x30]  }
0x63: {  	v3 =	vld [tilespmem:s17+$0x10]  }
0x64: {  	v5 =	vld [tilespmem:s7+$0xFFFFFFF0]  }
0x65: {  	v6 =	vld [tilespmem:s7+$0x10]  }
0x66: {  	v7 =	vld [tilespmem:s17+$0xFFFFFFF0]  }
0x67: {  	v8 =	vld [tilespmem:s17+$0x0]  }
0x68: {  	v4 =	vld [tilespmem:s7+$0xFFFFFFD0];
	v11 =	vunpack.i.l.bf16.f32 v2  }
0x69: {  	v3 =	vperm.xlane v3, v1;
	v2 =	vperm.xlane v11, v0  }
0x6a: {  	v9 =	vld [tilespmem:s17+$0xFFFFFFE0]  }
0x6b: {  	v15 =	vunpack.i.l.bf16.f32 v5;
	v2 =	vadd.f32 v3, v2  }
0x6c: {  	v17 =	vunpack.i.l.bf16.f32 v6;
	v6 =	vperm.xlane v7, v1;
	v8 =	vperm.xlane v8, v1  }
0x6d: {  	v16 =	vunpack.i.l.bf16.f32 v4;
	v4 =	vperm.xlane v15, v0;
	v5 =	vmul.f32 $2.000000030e-01, v2  }
0x6e: {  	v7 =	vperm.xlane v17, v0;
	v3 =	vperm.xlane v16, v0;
	vm2 =	vge.f32 v2, $0.0e+00  }
0x6f: {  	v4 =	vadd.f32 v6, v4;
	v2 =	vsel vm2, v2, v5;
	v5 =	vperm.xlane v9, v1  }
0x70: {  	v6 =	vadd.f32 v8, v7;
	v2 =	vmul.f32 $1.442695020e+00, v2  }
0x71: {  	v3 =	vadd.f32 v5, v3;
	v5 =	vmul.f32 $2.000000030e-01, v4  }
0x72: {  	s3 =	simm.s32 $0x5200;
	vm2 =	vge.f32 v4, $0.0e+00;
	(erf) = vpow2.f32 v2;
	v2 =	vmul.f32 $2.000000030e-01, v6  }
0x73: {  	s6 =	simm.s32 $0x83A0;
	v12 =	vld [tilespmem:s3+$0x30];
	vm3 =	vge.f32 v6, $0.0e+00;
	v7 =	vmul.f32 $2.000000030e-01, v3;
	v4 =	vsel vm2, v4, v5  }
0x74: {  	v20 =	vld [tilespmem:s6+$0xFFFFFFF0];
	vm2 =	vge.f32 v3, $0.0e+00;
	v4 =	vmul.f32 $1.442695020e+00, v4;
	v2 =	vsel vm3, v6, v2  }
0x75: {  	v5 =	vld [tilespmem:s7+$0xFFFFFFC0];
	v3 =	vsel vm2, v3, v7;
	v2 =	vmul.f32 $1.442695020e+00, v2  }
0x76: {  	v3 =	vmul.f32 $1.442695020e+00, v3;
	(erf) = vpow2.f32 v4;
	v4 =	vld [tilespmem:s7+$0x0]  }
0x77: {  	v13 =	vld [tilespmem:s3+$0xFFFFFFD0];
	(erf) = vpow2.f32 v2  }
0x78: {  	(erf) = vpow2.f32 v3;
	v3 =	vld [tilespmem:s6+$0x10]  }
0x79: {  	v18 =	vld [tilespmem:s3+$0x10]  }
0x7a: {  	v14 =	vld [tilespmem:s3+$0xFFFFFFF0];
	v20 =	vperm.xlane v20, v1  }
0x7b: {  	v7 =	vld [tilespmem:s7+$0xFFFFFFE0];
	v6 =	vunpack.i.u.bf16.f32 v5;
	v8 =	vunpack.i.l.bf16.f32 v5;
	v2 =	vpop (erf);
	v10 =	vunpack.i.u.bf16.f32 v4  }
0x7c: {  	v5 =	vmul.f32 v2, v11;
	v11 =	vunpack.i.l.bf16.f32 v12;
	v19 =	vsel vm0, $0x0, v2  }
0x7d: {  	v12 =	vunpack.i.l.bf16.f32 v4;
	v21 =	vperm.xlane v11, v0;
	v22 =	vperm.xlane v3, v1  }
0x7e: {  	v4 =	vunpack.i.l.bf16.f32 v18;
	v3 =	vunpack.i.l.bf16.f32 v13;
	v27 =	vsel vm1, v5, v19;
	v19 =	vld [tilespmem:s6+$0x0]  }
0x7f: {  	v24 =	vld [tilespmem:s6+$0xFFFFFFE0];
	v29 =	vperm.xlane v4, v0;
	v5 =	vunpack.i.l.bf16.f32 v14;
	v13 =	vpop (erf);
	v22 =	vadd.f32 v22, v21  }
0x80: {  	v25 =	vld [tilespmem:s3+$0xFFFFFFC0];
	v9 =	vunpack.i.u.bf16.f32 v7;
	v26 =	vperm.xlane v3, v0;
	v28 =	vperm.xlane v5, v0;
	v14 =	vpop (erf)  }
0x81: {  	v7 =	vunpack.i.l.bf16.f32 v7;
	v15 =	vmul.f32 v13, v15;
	v23 =	vpop (erf);
	v30 =	vmul.f32 $2.000000030e-01, v22  }
0x82: {  	vm2 =	vge.f32 v22, $0.0e+00;
	v20 =	vadd.f32 v20, v28;
	v21 =	vmul.f32 v23, v16  }
0x83: {  	v16 =	vmul.f32 v14, v17;
	v19 =	vperm.xlane v19, v1;
	v22 =	vsel vm2, v22, v30  }
0x84: {  	v18 =	vsel vm0, $0x0, v23;
	v17 =	vperm.xlane v24, v1;
	v30 =	vld [tilespmem:s3+$0xFFFFFFE0];
	v22 =	vmul.f32 $1.442695020e+00, v22  }
0x85: {  	v24 =	vunpack.i.u.bf16.f32 v25;
	v28 =	vmul.f32 $2.000000030e-01, v20;
	v19 =	vadd.f32 v19, v29  }
0x86: {  	vm2 =	vge.f32 v20, $0.0e+00;
	v26 =	vadd.f32 v17, v26;
	v17 =	vld [tilespmem:s7+$0x20];
	(erf) = vpow2.f32 v22  }
0x87: {  	v25 =	vunpack.i.l.bf16.f32 v25;
	v29 =	vld [tilespmem:s3+$0x0];
	v28 =	vsel vm2, v20, v28;
	v22 =	vmul.f32 $2.000000030e-01, v19  }
0x88: {  	vm4 =	vge.f32 v26, $0.0e+00;
	v31 =	vmul.f32 $2.000000030e-01, v26;
	vm3 =	vge.f32 v19, $0.0e+00  }
0x89: {  	v32 =	vmul.f32 $1.442695020e+00, v28;
	v20 =	vunpack.i.u.bf16.f32 v30;
	v19 =	vsel vm3, v19, v22  }
0x8a: {  	s8 =	simm.s32 $0x9CA0;
	v22 =	vsel vm4, v26, v31;
	v26 =	vunpack.i.l.bf16.f32 v30;
	v30 =	vmul.f32 $1.442695020e+00, v19  }
0x8b: {  	[tilespmem:s8+$0x50] =	vst v27;
	(erf) = vpow2.f32 v32;
	v27 =	vunpack.i.u.bf16.f32 v17;
	v28 =	vmul.f32 $1.442695020e+00, v22  }
0x8c: {  	s9 =	simm.s32 $0x4;
	s11 =	simm.s32 $0x5280;
	s7 =	simm.s32 $0x9CA0;
	v19 =	vunpack.i.u.bf16.f32 v29;
	v22 =	vunpack.i.l.bf16.f32 v29;
	(erf) = vpow2.f32 v30  }
.LBB2_3:
0x8d: {  	v29 =	vld [tilespmem:s11+$0x30];
	s9 =	sadd.s32 $0x4, s9;
	s6 =	sadd.s32 $0x40, s6;
	(erf) = vpow2.f32 v28;
	v28 =	vmul.f32 v23, v8;
	v17 =	vunpack.i.l.bf16.f32 v17;
	v8 =	vmovc v25  }
0x8e: {  	v23 =	vmul.f32 v23, v6;
	v30 =	vmul.f32 v13, v7;
	v31 =	vsel vm0, $0x0, v13;
	v6 =	vmovc v24;
	v7 =	vmovc v26;
	v25 =	vld [tilespmem:s6+$0x10];
	p2 =	slt.u32 s9, $0x60  }
0x8f: {  	v32 =	vmul.f32 v14, v12;
	v12 =	vsel vm0, $0x0, v14;
	v24 =	vld [tilespmem:s11+$0xFFFFFFD0];
	v26 =	vpop (erf);
	[tilespmem:s8+$0xFFFFFFA0] =	vst v28;
	v28 =	vmul.f32 v13, v9  }
0x90: {  	v34 =	vmul.f32 v14, v10;
	v33 =	vld [tilespmem:s11+$0xFFFFFFF0];
	v13 =	vmul.f32 v26, v11;
	[tilespmem:s8+$0xFFFFFFB0] =	vst v23;
	v11 =	vsel vm1, v21, v18  }
0x91: {  	v27 =	vmul.f32 v2, v27;
	v35 =	vmul.f32 v2, v17;
	v10 =	vsel vm0, $0x0, v26;
	v2 =	vmovc v26;
	v18 =	vld [tilespmem:s11+$0x10];
	[tilespmem:s8+$0xFFFFFFC0] =	vst v11  }
0x92: {  	v14 =	vsel vm1, v15, v31;
	v9 =	vmovc v20;
	s8 =	sadd.s32 $0xC0, s8;
	v21 =	vld [tilespmem:s6+$0xFFFFFFF0];
	v11 =	vunpack.i.l.bf16.f32 v29;
	v23 =	vsel vm1, v13, v10;
	[tilespmem:s7+$0xFFFFFFD0] =	vst v30  }
0x93: {  	v16 =	vsel vm1, v16, v12;
	v15 =	vperm.xlane v11, v0;
	v20 =	vperm.xlane v25, v1;
	v17 =	vld [tilespmem:s3+$0x20];
	[tilespmem:s8+$0x50] =	vst v23;
	s3 =	smov.u32 s11  }
0x94: {  	v12 =	vmov v22;
	v10 =	vmov v19;
	v24 =	vunpack.i.l.bf16.f32 v24;
	v25 =	vld [tilespmem:s6+$0x0];
	v13 =	vpop (erf);
	[tilespmem:s7+$0xFFFFFFF0] =	vst v14  }
0x95: {  	v19 =	vld [tilespmem:s6+$0xFFFFFFE0];
	v22 =	vperm.xlane v24, v0;
	v26 =	vunpack.i.l.bf16.f32 v33;
	v20 =	vadd.f32 v20, v15;
	v14 =	vpop (erf);
	[tilespmem:s7+$0x20] =	vst v16  }
0x96: {  	v15 =	vmul.f32 v13, v5;
	v29 =	vld [tilespmem:s11+$0xFFFFFFC0];
	v30 =	vperm.xlane v26, v0;
	v31 =	vunpack.i.l.bf16.f32 v18;
	v23 =	vpop (erf);
	[tilespmem:s7+$0xFFFFFFE0] =	vst v28  }
0x97: {  	v5 =	vmovc v26;
	v28 =	vld [tilespmem:s11+$0xFFFFFFE0];
	v33 =	vperm.xlane v31, v0;
	v16 =	vmul.f32 $2.000000030e-01, v20;
	v18 =	vsel vm0, $0x0, v23;
	[tilespmem:s7+$0x0] =	vst v32  }
0x98: {  	v26 =	vperm.xlane v21, v1;
	vm2 =	vge.f32 v20, $0.0e+00;
	v21 =	vmul.f32 v23, v3;
	v3 =	vmovc v24;
	v32 =	vld [tilespmem:s11+$0x0];
	[tilespmem:s7+$0x10] =	vst v34  }
0x99: {  	v34 =	vperm.xlane v25, v1;
	v20 =	vsel vm2, v20, v16;
	v16 =	vmul.f32 v14, v4;
	[tilespmem:s7+$0x30] =	vst v35  }
0x9a: {  	v26 =	vadd.f32 v26, v30;
	v4 =	vmovc v31;
	v19 =	vperm.xlane v19, v1;
	v20 =	vmul.f32 $1.442695020e+00, v20;
	[tilespmem:s7+$0x40] =	vst v27;
	s7 =	smov.u32 s8  }
0x9b: {  	v24 =	vunpack.i.u.bf16.f32 v29;
	v25 =	vunpack.i.l.bf16.f32 v29;
	v27 =	vadd.f32 v34, v33  }
0x9c: {  	v19 =	vadd.f32 v19, v22;
	v22 =	vmul.f32 $2.000000030e-01, v26;
	(erf) = vpow2.f32 v20  }
0x9d: {  	vm2 =	vge.f32 v26, $0.0e+00;
	vm3 =	vge.f32 v27, $0.0e+00;
	v29 =	vmul.f32 $2.000000030e-01, v27  }
.Ltmp2:
0x9e: {  	vm4 =	vge.f32 v19, $0.0e+00;
	v30 =	vmul.f32 $2.000000030e-01, v19;
	v22 =	vsel vm2, v26, v22;
	(pc) =	sbr.rel @p2 .LBB2_3-.Ltmp2, $4  }
0x9f: {  	v20 =	vunpack.i.u.bf16.f32 v28;
	v22 =	vmul.f32 $1.442695020e+00, v22;
	v27 =	vsel vm3, v27, v29  }
0xa0: {  	v26 =	vunpack.i.l.bf16.f32 v28;
	v19 =	vsel vm4, v19, v30;
	v27 =	vmul.f32 $1.442695020e+00, v27  }
0xa1: {  	v28 =	vmul.f32 $1.442695020e+00, v19;
	v19 =	vunpack.i.u.bf16.f32 v32;
	(erf) = vpow2.f32 v22  }
0xa2: {  	s11 =	sadd.s32 $0x80, s11;
	v22 =	vunpack.i.l.bf16.f32 v32;
	(erf) = vpow2.f32 v27;
	v27 =	vunpack.i.u.bf16.f32 v17  }
0xa3: {  	v8 =	vmul.f32 v23, v8  }
0xa4: {  	v6 =	vmul.f32 v23, v6  }
0xa5: {  	[tilespmem:s8+$0xFFFFFFA0] =	vst v8  }
0xa6: {  	(erf) = vpow2.f32 v28;
	v7 =	vmul.f32 v13, v7;
	v23 =	vpop (erf);
	[tilespmem:s8+$0xFFFFFFB0] =	vst v6;
	v6 =	vsel vm1, v21, v18  }
0xa7: {  	v8 =	vmul.f32 v23, v11;
	[tilespmem:s8+$0xFFFFFFC0] =	vst v6;
	v6 =	vsel vm0, $0x0, v13  }
0xa8: {  	[tilespmem:s7+$0xFFFFFFD0] =	vst v7;
	v11 =	vsel vm0, $0x0, v23;
	v6 =	vsel vm1, v15, v6  }
0xa9: {  	s17 =	sadd.s32 $0xC0, s8;
	v8 =	vsel vm1, v8, v11;
	v11 =	vsel vm0, $0x0, v14;
	[tilespmem:s7+$0xFFFFFFF0] =	vst v6  }
0xaa: {  	v7 =	vld [tilespmem:s3+$0x20];
	[tilespmem:s17+$0x50] =	vst v8;
	v8 =	vmul.f32 v13, v9;
	v9 =	vsel vm1, v16, v11  }
0xab: {  	v10 =	vmul.f32 v14, v10;
	v6 =	vmul.f32 v14, v12;
	[tilespmem:s7+$0x20] =	vst v9;
	v9 =	vunpack.i.l.bf16.f32 v17;
	_ =	sdelay $0x1  }
0xac: {  	[tilespmem:s7+$0x10] =	vst v10;
	v11 =	vpop (erf)  }
0xad: {  	[tilespmem:s7+$0xFFFFFFE0] =	vst v8;
	v8 =	vmul.f32 v2, v9;
	v9 =	vpop (erf)  }
0xae: {  	[tilespmem:s7+$0x0] =	vst v6;
	v2 =	vmul.f32 v2, v27;
	v6 =	vpop (erf)  }
0xaf: {  	[tilespmem:s7+$0x30] =	vst v8;
	v8 =	vmul.f32 v6, v25  }
0xb0: {  	[tilespmem:s7+$0x40] =	vst v2;
	v3 =	vmul.f32 v6, v3;
	v2 =	vmul.f32 v6, v24  }
0xb1: {  	v6 =	vsel vm0, $0x0, v6;
	[tilespmem:s17+$0xFFFFFFA0] =	vst v8  }
0xb2: {  	v5 =	vmul.f32 v11, v5;
	v8 =	vmul.f32 v11, v26;
	[tilespmem:s17+$0xFFFFFFB0] =	vst v2;
	v2 =	vsel vm1, v3, v6  }
0xb3: {  	v3 =	vmul.f32 v9, v4;
	v4 =	vsel vm0, $0x0, v11;
	[tilespmem:s17+$0xFFFFFFC0] =	vst v2  }
0xb4: {  	v2 =	vsel vm0, $0x0, v9;
	v4 =	vsel vm1, v5, v4;
	[tilespmem:s17+$0xFFFFFFD0] =	vst v8  }
0xb5: {  	v5 =	vmul.f32 v11, v20;
	v2 =	vsel vm1, v3, v2;
	[tilespmem:s17+$0xFFFFFFF0] =	vst v4  }
0xb6: {  	v3 =	vmul.f32 v9, v22;
	[tilespmem:s17+$0x20] =	vst v2  }
0xb7: {  	v4 =	vmul.f32 v9, v19;
	v2 =	vunpack.i.l.bf16.f32 v7;
	[tilespmem:s17+$0xFFFFFFE0] =	vst v5  }
0xb8: {  	s9 =	smul.u32 $0x680, s12;
	v5 =	vunpack.i.u.bf16.f32 v7;
	v2 =	vmul.f32 v23, v2;
	[tilespmem:s17+$0x0] =	vst v3  }
0xb9: {  	v3 =	vmul.f32 v23, v5;
	[tilespmem:s17+$0x10] =	vst v4  }
0xba: {  	p2 =	seq.s32 s12, $0x18;
	s6 =	sshra.s32 s9, $0x2;
	[tilespmem:s17+$0x30] =	vst v2  }
0xbb: {  	s3 =	smul.u32 @!p2 $0x1A0, s12;
	s11 =	sadd.s32 $0x28A0, s6;
	[tilespmem:s17+$0x40] =	vst v3  }
0xbc: {  	[spmem:s2] =	stream.indirect.scatter.add.f32 [tilespmem:s21], [sflag:$0x9], $0x30, s11, s18, $0xb8;
	[tilespmem:$0x15C70] =	vst v63  }
0xbd: {  	s9 =	simm.s32 @!p2 $0x5140;
	s8 =	simm.s32 @!p2 $0x64;
	s7 =	sadd.s32 @!p2 $0x1A0, s3  }
0xbe: {  	[tilespmem:s9], [sflag:$0x1] =	stream.indirect.gather @!p2 [hbm4b:s4+s8], $0x20, s7, s8, $0xb8;
	[tilespmem:$0x15C70] =	vst v63  }
0xbf: {  	s7 =	sadd.s32 @!p2 $0x2A40, s3;
	s9 =	simm.s32 @!p2 $0x8340  }
0xc0: {  	[tilespmem:s9], [sflag:$0x5] =	stream.indirect.gather @!p2 [hbm4b:s5+s8], $0x10, s7, s8, $0xb8;
	[tilespmem:$0x15C70] =	vst v63  }
0xc1: {  	_ =	swait.ge [sflag:s22], $0xC80  }
0xc2: {  	[sflag:s22] =	ssyncset.done $0x0  }
0xc3: {  	[sflag:s22] =	ssyncadd.s32 $0xFFFFF380  }
0xc4: {  	_ =	swait.ge [sflag:s23], $0x640  }
0xc5: {  	[sflag:s23] =	ssyncset.done $0x0  }
0xc6: {  	s7 =	simm.s32 @!p1 $0xA;
	[sflag:s23] =	ssyncadd.s32 $0xFFFFF9C0  }
0xc7: {  	_ =	swait.ge @!p1 [sflag:s7], $0x12C0  }
0xc8: {  	[sflag:s7] =	ssyncset.done @!p1 $0x0  }
0xc9: {  	s13 =	simm.s32 $0x5E30;
	[sflag:s7] =	ssyncadd.s32 @!p1 $0xFFFFED40  }
0xca: {  	s17 =	simm.s32 $0x89B0;
	v2 =	vld [tilespmem:s13+$0x0]  }
0xcb: {  	v3 =	vld [tilespmem:s17+$0x0]  }
0xcc: {  	v5 =	vld [tilespmem:s13+$0xFFFFFFC0]  }
0xcd: {  	v6 =	vld [tilespmem:s13+$0xFFFFFFE0]  }
0xce: {  	v7 =	vld [tilespmem:s17+$0xFFFFFFE0]  }
0xcf: {  	v8 =	vld [tilespmem:s17+$0xFFFFFFF0]  }
0xd0: {  	v4 =	vld [tilespmem:s13+$0xFFFFFFA0];
	v11 =	vunpack.i.l.bf16.f32 v2  }
0xd1: {  	v3 =	vperm.xlane v3, v1;
	v2 =	vperm.xlane v11, v0  }
0xd2: {  	v9 =	vld [tilespmem:s17+$0xFFFFFFD0]  }
0xd3: {  	v15 =	vunpack.i.l.bf16.f32 v5;
	v2 =	vadd.f32 v3, v2  }
0xd4: {  	v17 =	vunpack.i.l.bf16.f32 v6;
	v6 =	vperm.xlane v7, v1;
	v8 =	vperm.xlane v8, v1  }
0xd5: {  	v16 =	vunpack.i.l.bf16.f32 v4;
	v4 =	vperm.xlane v15, v0;
	v5 =	vmul.f32 $2.000000030e-01, v2  }
0xd6: {  	v7 =	vperm.xlane v17, v0;
	v3 =	vperm.xlane v16, v0;
	vm2 =	vge.f32 v2, $0.0e+00  }
0xd7: {  	v4 =	vadd.f32 v6, v4;
	v2 =	vsel vm2, v2, v5;
	v5 =	vperm.xlane v9, v1  }
0xd8: {  	v6 =	vadd.f32 v8, v7;
	v2 =	vmul.f32 $1.442695020e+00, v2  }
0xd9: {  	v3 =	vadd.f32 v5, v3;
	v5 =	vmul.f32 $2.000000030e-01, v4  }
0xda: {  	s7 =	simm.s32 $0x89F0;
	vm2 =	vge.f32 v4, $0.0e+00;
	(erf) = vpow2.f32 v2;
	v2 =	vmul.f32 $2.000000030e-01, v6  }
0xdb: {  	s17 =	simm.s32 $0x5EB0;
	v20 =	vld [tilespmem:s7+$0xFFFFFFE0];
	vm3 =	vge.f32 v6, $0.0e+00;
	v7 =	vmul.f32 $2.000000030e-01, v3;
	v4 =	vsel vm2, v4, v5  }
0xdc: {  	v12 =	vld [tilespmem:s17+$0x0];
	vm2 =	vge.f32 v3, $0.0e+00;
	v4 =	vmul.f32 $1.442695020e+00, v4;
	v2 =	vsel vm3, v6, v2  }
0xdd: {  	v5 =	vld [tilespmem:s13+$0xFFFFFF90];
	v3 =	vsel vm2, v3, v7;
	v2 =	vmul.f32 $1.442695020e+00, v2  }
0xde: {  	v3 =	vmul.f32 $1.442695020e+00, v3;
	(erf) = vpow2.f32 v4;
	v4 =	vld [tilespmem:s13+$0xFFFFFFD0]  }
0xdf: {  	v13 =	vld [tilespmem:s17+$0xFFFFFFA0];
	(erf) = vpow2.f32 v2  }
0xe0: {  	(erf) = vpow2.f32 v3;
	v3 =	vld [tilespmem:s7+$0x0]  }
0xe1: {  	v18 =	vld [tilespmem:s17+$0xFFFFFFE0]  }
0xe2: {  	v14 =	vld [tilespmem:s17+$0xFFFFFFC0];
	v20 =	vperm.xlane v20, v1  }
0xe3: {  	v7 =	vld [tilespmem:s13+$0xFFFFFFB0];
	v6 =	vunpack.i.u.bf16.f32 v5;
	v8 =	vunpack.i.l.bf16.f32 v5;
	v2 =	vpop (erf);
	v10 =	vunpack.i.u.bf16.f32 v4  }
0xe4: {  	v5 =	vmul.f32 v2, v11;
	v11 =	vunpack.i.l.bf16.f32 v12;
	v19 =	vsel vm0, $0x0, v2  }
0xe5: {  	v12 =	vunpack.i.l.bf16.f32 v4;
	v21 =	vperm.xlane v11, v0;
	v22 =	vperm.xlane v3, v1  }
0xe6: {  	v4 =	vunpack.i.l.bf16.f32 v18;
	v3 =	vunpack.i.l.bf16.f32 v13;
	v27 =	vsel vm1, v5, v19;
	v19 =	vld [tilespmem:s7+$0xFFFFFFF0]  }
0xe7: {  	v24 =	vld [tilespmem:s7+$0xFFFFFFD0];
	v29 =	vperm.xlane v4, v0;
	v5 =	vunpack.i.l.bf16.f32 v14;
	v13 =	vpop (erf);
	v22 =	vadd.f32 v22, v21  }
0xe8: {  	v25 =	vld [tilespmem:s17+$0xFFFFFF90];
	v9 =	vunpack.i.u.bf16.f32 v7;
	v26 =	vperm.xlane v3, v0;
	v28 =	vperm.xlane v5, v0;
	v14 =	vpop (erf)  }
0xe9: {  	v7 =	vunpack.i.l.bf16.f32 v7;
	v15 =	vmul.f32 v13, v15;
	v23 =	vpop (erf);
	v30 =	vmul.f32 $2.000000030e-01, v22  }
0xea: {  	vm2 =	vge.f32 v22, $0.0e+00;
	v20 =	vadd.f32 v20, v28;
	v21 =	vmul.f32 v23, v16  }
0xeb: {  	v16 =	vmul.f32 v14, v17;
	v19 =	vperm.xlane v19, v1;
	v22 =	vsel vm2, v22, v30  }
0xec: {  	v18 =	vsel vm0, $0x0, v23;
	v17 =	vperm.xlane v24, v1;
	v30 =	vld [tilespmem:s17+$0xFFFFFFB0];
	v22 =	vmul.f32 $1.442695020e+00, v22  }
0xed: {  	v24 =	vunpack.i.u.bf16.f32 v25;
	v28 =	vmul.f32 $2.000000030e-01, v20;
	v19 =	vadd.f32 v19, v29  }
0xee: {  	vm2 =	vge.f32 v20, $0.0e+00;
	v26 =	vadd.f32 v17, v26;
	v17 =	vld [tilespmem:s13+$0xFFFFFFF0];
	(erf) = vpow2.f32 v22  }
0xef: {  	v25 =	vunpack.i.l.bf16.f32 v25;
	v29 =	vld [tilespmem:s17+$0xFFFFFFD0];
	v28 =	vsel vm2, v20, v28;
	v22 =	vmul.f32 $2.000000030e-01, v19  }
0xf0: {  	vm4 =	vge.f32 v26, $0.0e+00;
	v31 =	vmul.f32 $2.000000030e-01, v26;
	vm3 =	vge.f32 v19, $0.0e+00  }
0xf1: {  	v32 =	vmul.f32 $1.442695020e+00, v28;
	v20 =	vunpack.i.u.bf16.f32 v30;
	v19 =	vsel vm3, v19, v22  }
0xf2: {  	s9 =	simm.s32 $0xAFB0;
	v22 =	vsel vm4, v26, v31;
	v26 =	vunpack.i.l.bf16.f32 v30;
	v30 =	vmul.f32 $1.442695020e+00, v19  }
0xf3: {  	[tilespmem:s9+$0x0] =	vst v27;
	(erf) = vpow2.f32 v32;
	v27 =	vunpack.i.u.bf16.f32 v17;
	v28 =	vmul.f32 $1.442695020e+00, v22  }
0xf4: {  	s11 =	simm.s32 $0x4;
	s8 =	simm.s32 $0xAFB0;
	s13 =	simm.s32 $0x5F30;
	v19 =	vunpack.i.u.bf16.f32 v29;
	v22 =	vunpack.i.l.bf16.f32 v29;
	(erf) = vpow2.f32 v30  }
.LBB2_5:
0xf5: {  	v29 =	vld [tilespmem:s13+$0x0];
	s11 =	sadd.s32 $0x4, s11;
	s7 =	sadd.s32 $0x40, s7;
	(erf) = vpow2.f32 v28;
	v28 =	vmul.f32 v23, v8;
	v17 =	vunpack.i.l.bf16.f32 v17;
	v8 =	vmovc v25  }
0xf6: {  	v23 =	vmul.f32 v23, v6;
	v30 =	vmul.f32 v13, v7;
	v31 =	vsel vm0, $0x0, v13;
	v6 =	vmovc v24;
	v7 =	vmovc v26;
	v25 =	vld [tilespmem:s7+$0x0];
	p3 =	slt.u32 s11, $0x60  }
0xf7: {  	v32 =	vmul.f32 v14, v12;
	v12 =	vsel vm0, $0x0, v14;
	v24 =	vld [tilespmem:s13+$0xFFFFFFA0];
	v26 =	vpop (erf);
	[tilespmem:s9+$0xFFFFFF50] =	vst v28;
	v28 =	vmul.f32 v13, v9  }
0xf8: {  	v34 =	vmul.f32 v14, v10;
	v33 =	vld [tilespmem:s13+$0xFFFFFFC0];
	v13 =	vmul.f32 v26, v11;
	[tilespmem:s9+$0xFFFFFF60] =	vst v23;
	v11 =	vsel vm1, v21, v18  }
0xf9: {  	v27 =	vmul.f32 v2, v27;
	v35 =	vmul.f32 v2, v17;
	v10 =	vsel vm0, $0x0, v26;
	v2 =	vmovc v26;
	v18 =	vld [tilespmem:s13+$0xFFFFFFE0];
	[tilespmem:s9+$0xFFFFFF70] =	vst v11  }
0xfa: {  	v14 =	vsel vm1, v15, v31;
	v9 =	vmovc v20;
	s9 =	sadd.s32 $0xC0, s9;
	v21 =	vld [tilespmem:s7+$0xFFFFFFE0];
	v11 =	vunpack.i.l.bf16.f32 v29;
	v23 =	vsel vm1, v13, v10;
	[tilespmem:s8+$0xFFFFFF80] =	vst v30  }
0xfb: {  	v16 =	vsel vm1, v16, v12;
	v15 =	vperm.xlane v11, v0;
	v20 =	vperm.xlane v25, v1;
	v17 =	vld [tilespmem:s17+$0xFFFFFFF0];
	[tilespmem:s9+$0x0] =	vst v23;
	s17 =	smov.u32 s13  }
0xfc: {  	v12 =	vmov v22;
	v10 =	vmov v19;
	v24 =	vunpack.i.l.bf16.f32 v24;
	v25 =	vld [tilespmem:s7+$0xFFFFFFF0];
	v13 =	vpop (erf);
	[tilespmem:s8+$0xFFFFFFA0] =	vst v14  }
0xfd: {  	v19 =	vld [tilespmem:s7+$0xFFFFFFD0];
	v22 =	vperm.xlane v24, v0;
	v26 =	vunpack.i.l.bf16.f32 v33;
	v20 =	vadd.f32 v20, v15;
	v14 =	vpop (erf);
	[tilespmem:s8+$0xFFFFFFD0] =	vst v16  }
0xfe: {  	v15 =	vmul.f32 v13, v5;
	v29 =	vld [tilespmem:s13+$0xFFFFFF90];
	v30 =	vperm.xlane v26, v0;
	v31 =	vunpack.i.l.bf16.f32 v18;
	v23 =	vpop (erf);
	[tilespmem:s8+$0xFFFFFF90] =	vst v28  }
0xff: {  	v5 =	vmovc v26;
	v28 =	vld [tilespmem:s13+$0xFFFFFFB0];
	v33 =	vperm.xlane v31, v0;
	v16 =	vmul.f32 $2.000000030e-01, v20;
	v18 =	vsel vm0, $0x0, v23;
	[tilespmem:s8+$0xFFFFFFB0] =	vst v32  }
0x100: {  	v26 =	vperm.xlane v21, v1;
	vm2 =	vge.f32 v20, $0.0e+00;
	v21 =	vmul.f32 v23, v3;
	v3 =	vmovc v24;
	v32 =	vld [tilespmem:s13+$0xFFFFFFD0];
	[tilespmem:s8+$0xFFFFFFC0] =	vst v34  }
0x101: {  	v34 =	vperm.xlane v25, v1;
	v20 =	vsel vm2, v20, v16;
	v16 =	vmul.f32 v14, v4;
	[tilespmem:s8+$0xFFFFFFE0] =	vst v35  }
0x102: {  	v26 =	vadd.f32 v26, v30;
	v4 =	vmovc v31;
	v19 =	vperm.xlane v19, v1;
	v20 =	vmul.f32 $1.442695020e+00, v20;
	[tilespmem:s8+$0xFFFFFFF0] =	vst v27;
	s8 =	smov.u32 s9  }
0x103: {  	v24 =	vunpack.i.u.bf16.f32 v29;
	v25 =	vunpack.i.l.bf16.f32 v29;
	v27 =	vadd.f32 v34, v33  }
0x104: {  	v19 =	vadd.f32 v19, v22;
	v22 =	vmul.f32 $2.000000030e-01, v26;
	(erf) = vpow2.f32 v20  }
0x105: {  	vm2 =	vge.f32 v26, $0.0e+00;
	vm3 =	vge.f32 v27, $0.0e+00;
	v29 =	vmul.f32 $2.000000030e-01, v27  }
.Ltmp3:
0x106: {  	vm4 =	vge.f32 v19, $0.0e+00;
	v30 =	vmul.f32 $2.000000030e-01, v19;
	v22 =	vsel vm2, v26, v22;
	(pc) =	sbr.rel @p3 .LBB2_5-.Ltmp3, $4  }
0x107: {  	v20 =	vunpack.i.u.bf16.f32 v28;
	v22 =	vmul.f32 $1.442695020e+00, v22;
	v27 =	vsel vm3, v27, v29  }
0x108: {  	v26 =	vunpack.i.l.bf16.f32 v28;
	v19 =	vsel vm4, v19, v30;
	v27 =	vmul.f32 $1.442695020e+00, v27  }
0x109: {  	v28 =	vmul.f32 $1.442695020e+00, v19;
	v19 =	vunpack.i.u.bf16.f32 v32;
	(erf) = vpow2.f32 v22  }
0x10a: {  	s13 =	sadd.s32 $0x80, s13;
	v22 =	vunpack.i.l.bf16.f32 v32;
	(erf) = vpow2.f32 v27;
	v27 =	vunpack.i.u.bf16.f32 v17  }
0x10b: {  	v8 =	vmul.f32 v23, v8  }
0x10c: {  	v6 =	vmul.f32 v23, v6  }
0x10d: {  	[tilespmem:s9+$0xFFFFFF50] =	vst v8  }
0x10e: {  	(erf) = vpow2.f32 v28;
	v7 =	vmul.f32 v13, v7;
	v23 =	vpop (erf);
	[tilespmem:s9+$0xFFFFFF60] =	vst v6;
	v6 =	vsel vm1, v21, v18  }
0x10f: {  	v8 =	vmul.f32 v23, v11;
	[tilespmem:s9+$0xFFFFFF70] =	vst v6;
	v6 =	vsel vm0, $0x0, v13  }
0x110: {  	[tilespmem:s8+$0xFFFFFF80] =	vst v7;
	v11 =	vsel vm0, $0x0, v23;
	v6 =	vsel vm1, v15, v6  }
0x111: {  	s7 =	sadd.s32 $0xC0, s9;
	v8 =	vsel vm1, v8, v11;
	v11 =	vsel vm0, $0x0, v14;
	[tilespmem:s8+$0xFFFFFFA0] =	vst v6  }
0x112: {  	v7 =	vld [tilespmem:s17+$0xFFFFFFF0];
	[tilespmem:s7+$0x0] =	vst v8;
	v8 =	vmul.f32 v13, v9;
	v9 =	vsel vm1, v16, v11  }
0x113: {  	v10 =	vmul.f32 v14, v10;
	v6 =	vmul.f32 v14, v12;
	[tilespmem:s8+$0xFFFFFFD0] =	vst v9;
	v9 =	vunpack.i.l.bf16.f32 v17;
	_ =	sdelay $0x1  }
0x114: {  	[tilespmem:s8+$0xFFFFFFC0] =	vst v10;
	v11 =	vpop (erf)  }
0x115: {  	[tilespmem:s8+$0xFFFFFF90] =	vst v8;
	v8 =	vmul.f32 v2, v9;
	v9 =	vpop (erf)  }
0x116: {  	[tilespmem:s8+$0xFFFFFFB0] =	vst v6;
	v2 =	vmul.f32 v2, v27;
	v6 =	vpop (erf)  }
0x117: {  	[tilespmem:s8+$0xFFFFFFE0] =	vst v8;
	v8 =	vmul.f32 v6, v25  }
0x118: {  	[tilespmem:s8+$0xFFFFFFF0] =	vst v2;
	v3 =	vmul.f32 v6, v3;
	v2 =	vmul.f32 v6, v24  }
0x119: {  	v6 =	vsel vm0, $0x0, v6;
	[tilespmem:s7+$0xFFFFFF50] =	vst v8  }
0x11a: {  	v5 =	vmul.f32 v11, v5;
	v8 =	vmul.f32 v11, v26;
	[tilespmem:s7+$0xFFFFFF60] =	vst v2;
	v2 =	vsel vm1, v3, v6  }
0x11b: {  	v3 =	vmul.f32 v9, v4;
	v4 =	vsel vm0, $0x0, v11;
	[tilespmem:s7+$0xFFFFFF70] =	vst v2  }
0x11c: {  	v2 =	vsel vm0, $0x0, v9;
	v4 =	vsel vm1, v5, v4;
	[tilespmem:s7+$0xFFFFFF80] =	vst v8  }
0x11d: {  	v5 =	vmul.f32 v11, v20;
	v2 =	vsel vm1, v3, v2;
	[tilespmem:s7+$0xFFFFFFA0] =	vst v4  }
0x11e: {  	v3 =	vmul.f32 v9, v22;
	[tilespmem:s7+$0xFFFFFFD0] =	vst v2  }
0x11f: {  	v4 =	vmul.f32 v9, v19;
	v2 =	vunpack.i.l.bf16.f32 v7;
	[tilespmem:s7+$0xFFFFFF90] =	vst v5  }
0x120: {  	v5 =	vunpack.i.u.bf16.f32 v7;
	v2 =	vmul.f32 v23, v2;
	[tilespmem:s7+$0xFFFFFFB0] =	vst v3  }
0x121: {  	v3 =	vmul.f32 v23, v5;
	[tilespmem:s7+$0xFFFFFFC0] =	vst v4  }
0x122: {  	[tilespmem:s7+$0xFFFFFFE0] =	vst v2  }
0x123: {  	s11 =	sadd.s32 $0x2908, s6;
	[tilespmem:s7+$0xFFFFFFF0] =	vst v3  }
0x124: {  	[spmem:s2] =	stream.indirect.scatter.add.f32 [tilespmem:s24], [sflag:$0xA], $0x30, s11, s18, $0xb8;
	[tilespmem:$0x15C70] =	vst v63  }
0x125: {  	s9 =	simm.s32 @!p2 $0x5DC0;
	s8 =	simm.s32 @!p2 $0x64;
	s7 =	sadd.s32 @!p2 $0x208, s3  }
0x126: {  	[tilespmem:s9], [sflag:$0x2] =	stream.indirect.gather @!p2 [hbm4b:s4+s8], $0x20, s7, s8, $0xb8;
	[tilespmem:$0x15C70] =	vst v63  }
0x127: {  	s7 =	sadd.s32 @!p2 $0x2AA8, s3;
	s9 =	simm.s32 @!p2 $0x8980  }
0x128: {  	[tilespmem:s9], [sflag:$0x6] =	stream.indirect.gather @!p2 [hbm4b:s5+s8], $0x10, s7, s8, $0xb8;
	[tilespmem:$0x15C70] =	vst v63  }
0x129: {  	_ =	swait.ge [sflag:s25], $0xC80  }
0x12a: {  	[sflag:s25] =	ssyncset.done $0x0  }
0x12b: {  	[sflag:s25] =	ssyncadd.s32 $0xFFFFF380  }
0x12c: {  	_ =	swait.ge [sflag:s26], $0x640  }
0x12d: {  	[sflag:s26] =	ssyncset.done $0x0  }
0x12e: {  	s7 =	simm.s32 @!p1 $0xB;
	[sflag:s26] =	ssyncadd.s32 $0xFFFFF9C0  }
0x12f: {  	_ =	swait.ge @!p1 [sflag:s7], $0x12C0  }
0x130: {  	[sflag:s7] =	ssyncset.done @!p1 $0x0  }
0x131: {  	s13 =	simm.s32 $0x6AB0;
	[sflag:s7] =	ssyncadd.s32 @!p1 $0xFFFFED40  }
0x132: {  	s17 =	simm.s32 $0x8FF0;
	v2 =	vld [tilespmem:s13+$0x0]  }
0x133: {  	v3 =	vld [tilespmem:s17+$0x0]  }
0x134: {  	v5 =	vld [tilespmem:s13+$0xFFFFFFC0]  }
0x135: {  	v6 =	vld [tilespmem:s13+$0xFFFFFFE0]  }
0x136: {  	v7 =	vld [tilespmem:s17+$0xFFFFFFE0]  }
0x137: {  	v8 =	vld [tilespmem:s17+$0xFFFFFFF0]  }
0x138: {  	v4 =	vld [tilespmem:s13+$0xFFFFFFA0];
	v11 =	vunpack.i.l.bf16.f32 v2  }
0x139: {  	v3 =	vperm.xlane v3, v1;
	v2 =	vperm.xlane v11, v0  }
0x13a: {  	v9 =	vld [tilespmem:s17+$0xFFFFFFD0]  }
0x13b: {  	v15 =	vunpack.i.l.bf16.f32 v5;
	v2 =	vadd.f32 v3, v2  }
0x13c: {  	v17 =	vunpack.i.l.bf16.f32 v6;
	v6 =	vperm.xlane v7, v1;
	v8 =	vperm.xlane v8, v1  }
0x13d: {  	v16 =	vunpack.i.l.bf16.f32 v4;
	v4 =	vperm.xlane v15, v0;
	v5 =	vmul.f32 $2.000000030e-01, v2  }
0x13e: {  	v7 =	vperm.xlane v17, v0;
	v3 =	vperm.xlane v16, v0;
	vm2 =	vge.f32 v2, $0.0e+00  }
0x13f: {  	v4 =	vadd.f32 v6, v4;
	v2 =	vsel vm2, v2, v5;
	v5 =	vperm.xlane v9, v1  }
0x140: {  	v6 =	vadd.f32 v8, v7;
	v2 =	vmul.f32 $1.442695020e+00, v2  }
0x141: {  	v3 =	vadd.f32 v5, v3;
	v5 =	vmul.f32 $2.000000030e-01, v4  }
0x142: {  	s7 =	simm.s32 $0x9030;
	vm2 =	vge.f32 v4, $0.0e+00;
	(erf) = vpow2.f32 v2;
	v2 =	vmul.f32 $2.000000030e-01, v6  }
0x143: {  	s17 =	simm.s32 $0x6B30;
	v20 =	vld [tilespmem:s7+$0xFFFFFFE0];
	vm3 =	vge.f32 v6, $0.0e+00;
	v7 =	vmul.f32 $2.000000030e-01, v3;
	v4 =	vsel vm2, v4, v5  }
0x144: {  	v12 =	vld [tilespmem:s17+$0x0];
	vm2 =	vge.f32 v3, $0.0e+00;
	v4 =	vmul.f32 $1.442695020e+00, v4;
	v2 =	vsel vm3, v6, v2  }
0x145: {  	v5 =	vld [tilespmem:s13+$0xFFFFFF90];
	v3 =	vsel vm2, v3, v7;
	v2 =	vmul.f32 $1.442695020e+00, v2  }
0x146: {  	v3 =	vmul.f32 $1.442695020e+00, v3;
	(erf) = vpow2.f32 v4;
	v4 =	vld [tilespmem:s13+$0xFFFFFFD0]  }
0x147: {  	v13 =	vld [tilespmem:s17+$0xFFFFFFA0];
	(erf) = vpow2.f32 v2  }
0x148: {  	(erf) = vpow2.f32 v3;
	v3 =	vld [tilespmem:s7+$0x0]  }
0x149: {  	v18 =	vld [tilespmem:s17+$0xFFFFFFE0]  }
0x14a: {  	v14 =	vld [tilespmem:s17+$0xFFFFFFC0];
	v20 =	vperm.xlane v20, v1  }
0x14b: {  	v7 =	vld [tilespmem:s13+$0xFFFFFFB0];
	v6 =	vunpack.i.u.bf16.f32 v5;
	v8 =	vunpack.i.l.bf16.f32 v5;
	v2 =	vpop (erf);
	v10 =	vunpack.i.u.bf16.f32 v4  }
0x14c: {  	v5 =	vmul.f32 v2, v11;
	v11 =	vunpack.i.l.bf16.f32 v12;
	v19 =	vsel vm0, $0x0, v2  }
0x14d: {  	v12 =	vunpack.i.l.bf16.f32 v4;
	v21 =	vperm.xlane v11, v0;
	v22 =	vperm.xlane v3, v1  }
0x14e: {  	v4 =	vunpack.i.l.bf16.f32 v18;
	v3 =	vunpack.i.l.bf16.f32 v13;
	v27 =	vsel vm1, v5, v19;
	v19 =	vld [tilespmem:s7+$0xFFFFFFF0]  }
0x14f: {  	v24 =	vld [tilespmem:s7+$0xFFFFFFD0];
	v29 =	vperm.xlane v4, v0;
	v5 =	vunpack.i.l.bf16.f32 v14;
	v13 =	vpop (erf);
	v22 =	vadd.f32 v22, v21  }
0x150: {  	v25 =	vld [tilespmem:s17+$0xFFFFFF90];
	v9 =	vunpack.i.u.bf16.f32 v7;
	v26 =	vperm.xlane v3, v0;
	v28 =	vperm.xlane v5, v0;
	v14 =	vpop (erf)  }
0x151: {  	v7 =	vunpack.i.l.bf16.f32 v7;
	v15 =	vmul.f32 v13, v15;
	v23 =	vpop (erf);
	v30 =	vmul.f32 $2.000000030e-01, v22  }
0x152: {  	vm2 =	vge.f32 v22, $0.0e+00;
	v20 =	vadd.f32 v20, v28;
	v21 =	vmul.f32 v23, v16  }
0x153: {  	v16 =	vmul.f32 v14, v17;
	v19 =	vperm.xlane v19, v1;
	v22 =	vsel vm2, v22, v30  }
0x154: {  	v18 =	vsel vm0, $0x0, v23;
	v17 =	vperm.xlane v24, v1;
	v30 =	vld [tilespmem:s17+$0xFFFFFFB0];
	v22 =	vmul.f32 $1.442695020e+00, v22  }
0x155: {  	v24 =	vunpack.i.u.bf16.f32 v25;
	v28 =	vmul.f32 $2.000000030e-01, v20;
	v19 =	vadd.f32 v19, v29  }
0x156: {  	vm2 =	vge.f32 v20, $0.0e+00;
	v26 =	vadd.f32 v17, v26;
	v17 =	vld [tilespmem:s13+$0xFFFFFFF0];
	(erf) = vpow2.f32 v22  }
0x157: {  	v25 =	vunpack.i.l.bf16.f32 v25;
	v29 =	vld [tilespmem:s17+$0xFFFFFFD0];
	v28 =	vsel vm2, v20, v28;
	v22 =	vmul.f32 $2.000000030e-01, v19  }
0x158: {  	vm4 =	vge.f32 v26, $0.0e+00;
	v31 =	vmul.f32 $2.000000030e-01, v26;
	vm3 =	vge.f32 v19, $0.0e+00  }
0x159: {  	v32 =	vmul.f32 $1.442695020e+00, v28;
	v20 =	vunpack.i.u.bf16.f32 v30;
	v19 =	vsel vm3, v19, v22  }
0x15a: {  	s9 =	simm.s32 $0xC270;
	v22 =	vsel vm4, v26, v31;
	v26 =	vunpack.i.l.bf16.f32 v30;
	v30 =	vmul.f32 $1.442695020e+00, v19  }
0x15b: {  	[tilespmem:s9+$0x0] =	vst v27;
	(erf) = vpow2.f32 v32;
	v27 =	vunpack.i.u.bf16.f32 v17;
	v28 =	vmul.f32 $1.442695020e+00, v22  }
0x15c: {  	s11 =	simm.s32 $0x4;
	s8 =	simm.s32 $0xC270;
	s13 =	simm.s32 $0x6BB0;
	v19 =	vunpack.i.u.bf16.f32 v29;
	v22 =	vunpack.i.l.bf16.f32 v29;
	(erf) = vpow2.f32 v30  }
.LBB2_7:
0x15d: {  	v29 =	vld [tilespmem:s13+$0x0];
	s11 =	sadd.s32 $0x4, s11;
	s7 =	sadd.s32 $0x40, s7;
	(erf) = vpow2.f32 v28;
	v28 =	vmul.f32 v23, v8;
	v17 =	vunpack.i.l.bf16.f32 v17;
	v8 =	vmovc v25  }
0x15e: {  	v23 =	vmul.f32 v23, v6;
	v30 =	vmul.f32 v13, v7;
	v31 =	vsel vm0, $0x0, v13;
	v6 =	vmovc v24;
	v7 =	vmovc v26;
	v25 =	vld [tilespmem:s7+$0x0];
	p3 =	slt.u32 s11, $0x60  }
0x15f: {  	v32 =	vmul.f32 v14, v12;
	v12 =	vsel vm0, $0x0, v14;
	v24 =	vld [tilespmem:s13+$0xFFFFFFA0];
	v26 =	vpop (erf);
	[tilespmem:s9+$0xFFFFFF50] =	vst v28;
	v28 =	vmul.f32 v13, v9  }
0x160: {  	v34 =	vmul.f32 v14, v10;
	v33 =	vld [tilespmem:s13+$0xFFFFFFC0];
	v13 =	vmul.f32 v26, v11;
	[tilespmem:s9+$0xFFFFFF60] =	vst v23;
	v11 =	vsel vm1, v21, v18  }
0x161: {  	v27 =	vmul.f32 v2, v27;
	v35 =	vmul.f32 v2, v17;
	v10 =	vsel vm0, $0x0, v26;
	v2 =	vmovc v26;
	v18 =	vld [tilespmem:s13+$0xFFFFFFE0];
	[tilespmem:s9+$0xFFFFFF70] =	vst v11  }
0x162: {  	v14 =	vsel vm1, v15, v31;
	v9 =	vmovc v20;
	s9 =	sadd.s32 $0xC0, s9;
	v21 =	vld [tilespmem:s7+$0xFFFFFFE0];
	v11 =	vunpack.i.l.bf16.f32 v29;
	v23 =	vsel vm1, v13, v10;
	[tilespmem:s8+$0xFFFFFF80] =	vst v30  }
0x163: {  	v16 =	vsel vm1, v16, v12;
	v15 =	vperm.xlane v11, v0;
	v20 =	vperm.xlane v25, v1;
	v17 =	vld [tilespmem:s17+$0xFFFFFFF0];
	[tilespmem:s9+$0x0] =	vst v23;
	s17 =	smov.u32 s13  }
0x164: {  	v12 =	vmov v22;
	v10 =	vmov v19;
	v24 =	vunpack.i.l.bf16.f32 v24;
	v25 =	vld [tilespmem:s7+$0xFFFFFFF0];
	v13 =	vpop (erf);
	[tilespmem:s8+$0xFFFFFFA0] =	vst v14  }
0x165: {  	v19 =	vld [tilespmem:s7+$0xFFFFFFD0];
	v22 =	vperm.xlane v24, v0;
	v26 =	vunpack.i.l.bf16.f32 v33;
	v20 =	vadd.f32 v20, v15;
	v14 =	vpop (erf);
	[tilespmem:s8+$0xFFFFFFD0] =	vst v16  }
0x166: {  	v15 =	vmul.f32 v13, v5;
	v29 =	vld [tilespmem:s13+$0xFFFFFF90];
	v30 =	vperm.xlane v26, v0;
	v31 =	vunpack.i.l.bf16.f32 v18;
	v23 =	vpop (erf);
	[tilespmem:s8+$0xFFFFFF90] =	vst v28  }
0x167: {  	v5 =	vmovc v26;
	v28 =	vld [tilespmem:s13+$0xFFFFFFB0];
	v33 =	vperm.xlane v31, v0;
	v16 =	vmul.f32 $2.000000030e-01, v20;
	v18 =	vsel vm0, $0x0, v23;
	[tilespmem:s8+$0xFFFFFFB0] =	vst v32  }
0x168: {  	v26 =	vperm.xlane v21, v1;
	vm2 =	vge.f32 v20, $0.0e+00;
	v21 =	vmul.f32 v23, v3;
	v3 =	vmovc v24;
	v32 =	vld [tilespmem:s13+$0xFFFFFFD0];
	[tilespmem:s8+$0xFFFFFFC0] =	vst v34  }
0x169: {  	v34 =	vperm.xlane v25, v1;
	v20 =	vsel vm2, v20, v16;
	v16 =	vmul.f32 v14, v4;
	[tilespmem:s8+$0xFFFFFFE0] =	vst v35  }
0x16a: {  	v26 =	vadd.f32 v26, v30;
	v4 =	vmovc v31;
	v19 =	vperm.xlane v19, v1;
	v20 =	vmul.f32 $1.442695020e+00, v20;
	[tilespmem:s8+$0xFFFFFFF0] =	vst v27;
	s8 =	smov.u32 s9  }
0x16b: {  	v24 =	vunpack.i.u.bf16.f32 v29;
	v25 =	vunpack.i.l.bf16.f32 v29;
	v27 =	vadd.f32 v34, v33  }
0x16c: {  	v19 =	vadd.f32 v19, v22;
	v22 =	vmul.f32 $2.000000030e-01, v26;
	(erf) = vpow2.f32 v20  }
0x16d: {  	vm2 =	vge.f32 v26, $0.0e+00;
	vm3 =	vge.f32 v27, $0.0e+00;
	v29 =	vmul.f32 $2.000000030e-01, v27  }
.Ltmp4:
0x16e: {  	vm4 =	vge.f32 v19, $0.0e+00;
	v30 =	vmul.f32 $2.000000030e-01, v19;
	v22 =	vsel vm2, v26, v22;
	(pc) =	sbr.rel @p3 .LBB2_7-.Ltmp4, $4  }
0x16f: {  	v20 =	vunpack.i.u.bf16.f32 v28;
	v22 =	vmul.f32 $1.442695020e+00, v22;
	v27 =	vsel vm3, v27, v29  }
0x170: {  	v26 =	vunpack.i.l.bf16.f32 v28;
	v19 =	vsel vm4, v19, v30;
	v27 =	vmul.f32 $1.442695020e+00, v27  }
0x171: {  	v28 =	vmul.f32 $1.442695020e+00, v19;
	v19 =	vunpack.i.u.bf16.f32 v32;
	(erf) = vpow2.f32 v22  }
0x172: {  	s13 =	sadd.s32 $0x80, s13;
	v22 =	vunpack.i.l.bf16.f32 v32;
	(erf) = vpow2.f32 v27;
	v27 =	vunpack.i.u.bf16.f32 v17  }
0x173: {  	v8 =	vmul.f32 v23, v8  }
0x174: {  	v6 =	vmul.f32 v23, v6  }
0x175: {  	[tilespmem:s9+$0xFFFFFF50] =	vst v8  }
0x176: {  	(erf) = vpow2.f32 v28;
	v7 =	vmul.f32 v13, v7;
	v23 =	vpop (erf);
	[tilespmem:s9+$0xFFFFFF60] =	vst v6;
	v6 =	vsel vm1, v21, v18  }
0x177: {  	v8 =	vmul.f32 v23, v11;
	[tilespmem:s9+$0xFFFFFF70] =	vst v6;
	v6 =	vsel vm0, $0x0, v13  }
0x178: {  	[tilespmem:s8+$0xFFFFFF80] =	vst v7;
	v11 =	vsel vm0, $0x0, v23;
	v6 =	vsel vm1, v15, v6  }
0x179: {  	s7 =	sadd.s32 $0xC0, s9;
	v8 =	vsel vm1, v8, v11;
	v11 =	vsel vm0, $0x0, v14;
	[tilespmem:s8+$0xFFFFFFA0] =	vst v6  }
0x17a: {  	v7 =	vld [tilespmem:s17+$0xFFFFFFF0];
	[tilespmem:s7+$0x0] =	vst v8;
	v8 =	vmul.f32 v13, v9;
	v9 =	vsel vm1, v16, v11  }
0x17b: {  	v10 =	vmul.f32 v14, v10;
	v6 =	vmul.f32 v14, v12;
	[tilespmem:s8+$0xFFFFFFD0] =	vst v9;
	v9 =	vunpack.i.l.bf16.f32 v17;
	_ =	sdelay $0x1  }
0x17c: {  	[tilespmem:s8+$0xFFFFFFC0] =	vst v10;
	v11 =	vpop (erf)  }
0x17d: {  	[tilespmem:s8+$0xFFFFFF90] =	vst v8;
	v8 =	vmul.f32 v2, v9;
	v9 =	vpop (erf)  }
0x17e: {  	[tilespmem:s8+$0xFFFFFFB0] =	vst v6;
	v2 =	vmul.f32 v2, v27;
	v6 =	vpop (erf)  }
0x17f: {  	[tilespmem:s8+$0xFFFFFFE0] =	vst v8;
	v8 =	vmul.f32 v6, v25  }
0x180: {  	[tilespmem:s8+$0xFFFFFFF0] =	vst v2;
	v3 =	vmul.f32 v6, v3;
	v2 =	vmul.f32 v6, v24  }
0x181: {  	v6 =	vsel vm0, $0x0, v6;
	[tilespmem:s7+$0xFFFFFF50] =	vst v8  }
0x182: {  	v5 =	vmul.f32 v11, v5;
	v8 =	vmul.f32 v11, v26;
	[tilespmem:s7+$0xFFFFFF60] =	vst v2;
	v2 =	vsel vm1, v3, v6  }
0x183: {  	v3 =	vmul.f32 v9, v4;
	v4 =	vsel vm0, $0x0, v11;
	[tilespmem:s7+$0xFFFFFF70] =	vst v2  }
0x184: {  	v2 =	vsel vm0, $0x0, v9;
	v4 =	vsel vm1, v5, v4;
	[tilespmem:s7+$0xFFFFFF80] =	vst v8  }
0x185: {  	v5 =	vmul.f32 v11, v20;
	v2 =	vsel vm1, v3, v2;
	[tilespmem:s7+$0xFFFFFFA0] =	vst v4  }
0x186: {  	v3 =	vmul.f32 v9, v22;
	[tilespmem:s7+$0xFFFFFFD0] =	vst v2  }
0x187: {  	v4 =	vmul.f32 v9, v19;
	v2 =	vunpack.i.l.bf16.f32 v7;
	[tilespmem:s7+$0xFFFFFF90] =	vst v5  }
0x188: {  	v5 =	vunpack.i.u.bf16.f32 v7;
	v2 =	vmul.f32 v23, v2;
	[tilespmem:s7+$0xFFFFFFB0] =	vst v3  }
0x189: {  	v3 =	vmul.f32 v23, v5;
	[tilespmem:s7+$0xFFFFFFC0] =	vst v4  }
0x18a: {  	[tilespmem:s7+$0xFFFFFFE0] =	vst v2  }
0x18b: {  	s11 =	sadd.s32 $0x2970, s6;
	[tilespmem:s7+$0xFFFFFFF0] =	vst v3  }
0x18c: {  	[spmem:s2] =	stream.indirect.scatter.add.f32 [tilespmem:s28], [sflag:$0xB], $0x30, s11, s18, $0xb8;
	[tilespmem:$0x15C70] =	vst v63  }
0x18d: {  	s9 =	simm.s32 @!p2 $0x6A40;
	s8 =	simm.s32 @!p2 $0x64;
	s7 =	sadd.s32 @!p2 $0x270, s3  }
0x18e: {  	[tilespmem:s9], [sflag:$0x3] =	stream.indirect.gather @!p2 [hbm4b:s4+s8], $0x20, s7, s8, $0xb8;
	[tilespmem:$0x15C70] =	vst v63  }
0x18f: {  	s3 =	sadd.s32 @!p2 $0x2B10, s3;
	s7 =	simm.s32 @!p2 $0x8FC0  }
0x190: {  	[tilespmem:s7], [sflag:$0x7] =	stream.indirect.gather @!p2 [hbm4b:s5+s8], $0x10, s3, s8, $0xb8;
	[tilespmem:$0x15C70] =	vst v63  }
0x191: {  	_ =	swait.ge [sflag:s29], $0xC80  }
0x192: {  	[sflag:s29] =	ssyncset.done $0x0  }
0x193: {  	[sflag:s29] =	ssyncadd.s32 $0xFFFFF380  }
0x194: {  	_ =	swait.ge [sflag:s30], $0x640  }
0x195: {  	[sflag:s30] =	ssyncset.done $0x0  }
0x196: {  	s3 =	simm.s32 @!p1 $0xC;
	[sflag:s30] =	ssyncadd.s32 $0xFFFFF9C0  }
0x197: {  	_ =	swait.ge @!p1 [sflag:s3], $0x12C0  }
0x198: {  	[sflag:s3] =	ssyncset.done @!p1 $0x0  }
0x199: {  	s13 =	simm.s32 $0x7730;
	[sflag:s3] =	ssyncadd.s32 @!p1 $0xFFFFED40  }
0x19a: {  	s17 =	simm.s32 $0x9630;
	v2 =	vld [tilespmem:s13+$0x0]  }
0x19b: {  	v3 =	vld [tilespmem:s17+$0x0]  }
0x19c: {  	v5 =	vld [tilespmem:s13+$0xFFFFFFC0]  }
0x19d: {  	v6 =	vld [tilespmem:s13+$0xFFFFFFE0]  }
0x19e: {  	v7 =	vld [tilespmem:s17+$0xFFFFFFE0]  }
0x19f: {  	v8 =	vld [tilespmem:s17+$0xFFFFFFF0]  }
0x1a0: {  	v4 =	vld [tilespmem:s13+$0xFFFFFFA0];
	v11 =	vunpack.i.l.bf16.f32 v2  }
0x1a1: {  	v3 =	vperm.xlane v3, v1;
	v2 =	vperm.xlane v11, v0  }
0x1a2: {  	v9 =	vld [tilespmem:s17+$0xFFFFFFD0]  }
0x1a3: {  	v15 =	vunpack.i.l.bf16.f32 v5;
	v2 =	vadd.f32 v3, v2  }
0x1a4: {  	v17 =	vunpack.i.l.bf16.f32 v6;
	v6 =	vperm.xlane v7, v1;
	v8 =	vperm.xlane v8, v1  }
0x1a5: {  	v16 =	vunpack.i.l.bf16.f32 v4;
	v4 =	vperm.xlane v15, v0;
	v5 =	vmul.f32 $2.000000030e-01, v2  }
0x1a6: {  	v7 =	vperm.xlane v17, v0;
	v3 =	vperm.xlane v16, v0;
	vm2 =	vge.f32 v2, $0.0e+00  }
0x1a7: {  	v4 =	vadd.f32 v6, v4;
	v2 =	vsel vm2, v2, v5;
	v5 =	vperm.xlane v9, v1  }
0x1a8: {  	v6 =	vadd.f32 v8, v7;
	v2 =	vmul.f32 $1.442695020e+00, v2  }
0x1a9: {  	v3 =	vadd.f32 v5, v3;
	v5 =	vmul.f32 $2.000000030e-01, v4  }
0x1aa: {  	s3 =	simm.s32 $0x77B0;
	vm2 =	vge.f32 v4, $0.0e+00;
	(erf) = vpow2.f32 v2;
	v2 =	vmul.f32 $2.000000030e-01, v6  }
0x1ab: {  	s7 =	simm.s32 $0x9670;
	v12 =	vld [tilespmem:s3+$0x0];
	vm3 =	vge.f32 v6, $0.0e+00;
	v7 =	vmul.f32 $2.000000030e-01, v3;
	v4 =	vsel vm2, v4, v5  }
0x1ac: {  	v20 =	vld [tilespmem:s7+$0xFFFFFFE0];
	vm2 =	vge.f32 v3, $0.0e+00;
	v4 =	vmul.f32 $1.442695020e+00, v4;
	v2 =	vsel vm3, v6, v2  }
0x1ad: {  	v5 =	vld [tilespmem:s13+$0xFFFFFF90];
	v3 =	vsel vm2, v3, v7;
	v2 =	vmul.f32 $1.442695020e+00, v2  }
0x1ae: {  	v3 =	vmul.f32 $1.442695020e+00, v3;
	(erf) = vpow2.f32 v4;
	v4 =	vld [tilespmem:s13+$0xFFFFFFD0]  }
0x1af: {  	v13 =	vld [tilespmem:s3+$0xFFFFFFA0];
	(erf) = vpow2.f32 v2  }
0x1b0: {  	(erf) = vpow2.f32 v3;
	v3 =	vld [tilespmem:s7+$0x0]  }
0x1b1: {  	v18 =	vld [tilespmem:s3+$0xFFFFFFE0]  }
0x1b2: {  	v14 =	vld [tilespmem:s3+$0xFFFFFFC0];
	v20 =	vperm.xlane v20, v1  }
0x1b3: {  	v7 =	vld [tilespmem:s13+$0xFFFFFFB0];
	v6 =	vunpack.i.u.bf16.f32 v5;
	v8 =	vunpack.i.l.bf16.f32 v5;
	v2 =	vpop (erf);
	v10 =	vunpack.i.u.bf16.f32 v4  }
0x1b4: {  	v5 =	vmul.f32 v2, v11;
	v11 =	vunpack.i.l.bf16.f32 v12;
	v19 =	vsel vm0, $0x0, v2  }
0x1b5: {  	v12 =	vunpack.i.l.bf16.f32 v4;
	v21 =	vperm.xlane v11, v0;
	v22 =	vperm.xlane v3, v1  }
0x1b6: {  	v4 =	vunpack.i.l.bf16.f32 v18;
	v3 =	vunpack.i.l.bf16.f32 v13;
	v27 =	vsel vm1, v5, v19;
	v19 =	vld [tilespmem:s7+$0xFFFFFFF0]  }
0x1b7: {  	v24 =	vld [tilespmem:s7+$0xFFFFFFD0];
	v29 =	vperm.xlane v4, v0;
	v5 =	vunpack.i.l.bf16.f32 v14;
	v13 =	vpop (erf);
	v22 =	vadd.f32 v22, v21  }
0x1b8: {  	v25 =	vld [tilespmem:s3+$0xFFFFFF90];
	v9 =	vunpack.i.u.bf16.f32 v7;
	v26 =	vperm.xlane v3, v0;
	v28 =	vperm.xlane v5, v0;
	v14 =	vpop (erf)  }
0x1b9: {  	v7 =	vunpack.i.l.bf16.f32 v7;
	v15 =	vmul.f32 v13, v15;
	v23 =	vpop (erf);
	v30 =	vmul.f32 $2.000000030e-01, v22  }
0x1ba: {  	vm2 =	vge.f32 v22, $0.0e+00;
	v20 =	vadd.f32 v20, v28;
	v21 =	vmul.f32 v23, v16  }
0x1bb: {  	v16 =	vmul.f32 v14, v17;
	v19 =	vperm.xlane v19, v1;
	v22 =	vsel vm2, v22, v30  }
0x1bc: {  	v18 =	vsel vm0, $0x0, v23;
	v17 =	vperm.xlane v24, v1;
	v30 =	vld [tilespmem:s3+$0xFFFFFFB0];
	v22 =	vmul.f32 $1.442695020e+00, v22  }
0x1bd: {  	v24 =	vunpack.i.u.bf16.f32 v25;
	v28 =	vmul.f32 $2.000000030e-01, v20;
	v19 =	vadd.f32 v19, v29  }
0x1be: {  	vm2 =	vge.f32 v20, $0.0e+00;
	v26 =	vadd.f32 v17, v26;
	v17 =	vld [tilespmem:s13+$0xFFFFFFF0];
	(erf) = vpow2.f32 v22  }
0x1bf: {  	v25 =	vunpack.i.l.bf16.f32 v25;
	v29 =	vld [tilespmem:s3+$0xFFFFFFD0];
	v28 =	vsel vm2, v20, v28;
	v22 =	vmul.f32 $2.000000030e-01, v19  }
0x1c0: {  	vm4 =	vge.f32 v26, $0.0e+00;
	v31 =	vmul.f32 $2.000000030e-01, v26;
	vm3 =	vge.f32 v19, $0.0e+00  }
0x1c1: {  	v32 =	vmul.f32 $1.442695020e+00, v28;
	v20 =	vunpack.i.u.bf16.f32 v30;
	v19 =	vsel vm3, v19, v22  }
0x1c2: {  	s9 =	simm.s32 $0xD530;
	v22 =	vsel vm4, v26, v31;
	v26 =	vunpack.i.l.bf16.f32 v30;
	v30 =	vmul.f32 $1.442695020e+00, v19  }
0x1c3: {  	[tilespmem:s9+$0x0] =	vst v27;
	(erf) = vpow2.f32 v32;
	v27 =	vunpack.i.u.bf16.f32 v17;
	v28 =	vmul.f32 $1.442695020e+00, v22  }
0x1c4: {  	s11 =	simm.s32 $0x4;
	s8 =	simm.s32 $0xD530;
	s13 =	simm.s32 $0x7830;
	v19 =	vunpack.i.u.bf16.f32 v29;
	v22 =	vunpack.i.l.bf16.f32 v29;
	(erf) = vpow2.f32 v30  }
.LBB2_9:
0x1c5: {  	v29 =	vld [tilespmem:s13+$0x0];
	s11 =	sadd.s32 $0x4, s11;
	s7 =	sadd.s32 $0x40, s7;
	(erf) = vpow2.f32 v28;
	v28 =	vmul.f32 v23, v8;
	v17 =	vunpack.i.l.bf16.f32 v17;
	v8 =	vmovc v25  }
0x1c6: {  	v23 =	vmul.f32 v23, v6;
	v30 =	vmul.f32 v13, v7;
	v31 =	vsel vm0, $0x0, v13;
	v6 =	vmovc v24;
	v7 =	vmovc v26;
	v25 =	vld [tilespmem:s7+$0x0];
	p1 =	slt.u32 s11, $0x60  }
0x1c7: {  	v32 =	vmul.f32 v14, v12;
	v12 =	vsel vm0, $0x0, v14;
	v24 =	vld [tilespmem:s13+$0xFFFFFFA0];
	v26 =	vpop (erf);
	[tilespmem:s9+$0xFFFFFF50] =	vst v28;
	v28 =	vmul.f32 v13, v9  }
0x1c8: {  	v34 =	vmul.f32 v14, v10;
	v33 =	vld [tilespmem:s13+$0xFFFFFFC0];
	v13 =	vmul.f32 v26, v11;
	[tilespmem:s9+$0xFFFFFF60] =	vst v23;
	v11 =	vsel vm1, v21, v18  }
0x1c9: {  	v27 =	vmul.f32 v2, v27;
	v35 =	vmul.f32 v2, v17;
	v10 =	vsel vm0, $0x0, v26;
	v2 =	vmovc v26;
	v18 =	vld [tilespmem:s13+$0xFFFFFFE0];
	[tilespmem:s9+$0xFFFFFF70] =	vst v11  }
0x1ca: {  	v14 =	vsel vm1, v15, v31;
	v9 =	vmovc v20;
	s9 =	sadd.s32 $0xC0, s9;
	v21 =	vld [tilespmem:s7+$0xFFFFFFE0];
	v11 =	vunpack.i.l.bf16.f32 v29;
	v23 =	vsel vm1, v13, v10;
	[tilespmem:s8+$0xFFFFFF80] =	vst v30  }
0x1cb: {  	v16 =	vsel vm1, v16, v12;
	v15 =	vperm.xlane v11, v0;
	v20 =	vperm.xlane v25, v1;
	v17 =	vld [tilespmem:s3+$0xFFFFFFF0];
	[tilespmem:s9+$0x0] =	vst v23;
	s3 =	smov.u32 s13  }
0x1cc: {  	v12 =	vmov v22;
	v10 =	vmov v19;
	v24 =	vunpack.i.l.bf16.f32 v24;
	v25 =	vld [tilespmem:s7+$0xFFFFFFF0];
	v13 =	vpop (erf);
	[tilespmem:s8+$0xFFFFFFA0] =	vst v14  }
0x1cd: {  	v19 =	vld [tilespmem:s7+$0xFFFFFFD0];
	v22 =	vperm.xlane v24, v0;
	v26 =	vunpack.i.l.bf16.f32 v33;
	v20 =	vadd.f32 v20, v15;
	v14 =	vpop (erf);
	[tilespmem:s8+$0xFFFFFFD0] =	vst v16  }
0x1ce: {  	v15 =	vmul.f32 v13, v5;
	v29 =	vld [tilespmem:s13+$0xFFFFFF90];
	v30 =	vperm.xlane v26, v0;
	v31 =	vunpack.i.l.bf16.f32 v18;
	v23 =	vpop (erf);
	[tilespmem:s8+$0xFFFFFF90] =	vst v28  }
0x1cf: {  	v5 =	vmovc v26;
	v28 =	vld [tilespmem:s13+$0xFFFFFFB0];
	v33 =	vperm.xlane v31, v0;
	v16 =	vmul.f32 $2.000000030e-01, v20;
	v18 =	vsel vm0, $0x0, v23;
	[tilespmem:s8+$0xFFFFFFB0] =	vst v32  }
0x1d0: {  	v26 =	vperm.xlane v21, v1;
	vm2 =	vge.f32 v20, $0.0e+00;
	v21 =	vmul.f32 v23, v3;
	v3 =	vmovc v24;
	v32 =	vld [tilespmem:s13+$0xFFFFFFD0];
	[tilespmem:s8+$0xFFFFFFC0] =	vst v34  }
0x1d1: {  	v34 =	vperm.xlane v25, v1;
	v20 =	vsel vm2, v20, v16;
	v16 =	vmul.f32 v14, v4;
	[tilespmem:s8+$0xFFFFFFE0] =	vst v35  }
0x1d2: {  	v26 =	vadd.f32 v26, v30;
	v4 =	vmovc v31;
	v19 =	vperm.xlane v19, v1;
	v20 =	vmul.f32 $1.442695020e+00, v20;
	[tilespmem:s8+$0xFFFFFFF0] =	vst v27;
	s8 =	smov.u32 s9  }
0x1d3: {  	v24 =	vunpack.i.u.bf16.f32 v29;
	v25 =	vunpack.i.l.bf16.f32 v29;
	v27 =	vadd.f32 v34, v33  }
0x1d4: {  	v19 =	vadd.f32 v19, v22;
	v22 =	vmul.f32 $2.000000030e-01, v26;
	(erf) = vpow2.f32 v20  }
0x1d5: {  	vm2 =	vge.f32 v26, $0.0e+00;
	vm3 =	vge.f32 v27, $0.0e+00;
	v29 =	vmul.f32 $2.000000030e-01, v27  }
.Ltmp5:
0x1d6: {  	vm4 =	vge.f32 v19, $0.0e+00;
	v30 =	vmul.f32 $2.000000030e-01, v19;
	v22 =	vsel vm2, v26, v22;
	(pc) =	sbr.rel @p1 .LBB2_9-.Ltmp5, $4  }
0x1d7: {  	v20 =	vunpack.i.u.bf16.f32 v28;
	v22 =	vmul.f32 $1.442695020e+00, v22;
	v27 =	vsel vm3, v27, v29  }
0x1d8: {  	v26 =	vunpack.i.l.bf16.f32 v28;
	v19 =	vsel vm4, v19, v30;
	v27 =	vmul.f32 $1.442695020e+00, v27  }
0x1d9: {  	v28 =	vmul.f32 $1.442695020e+00, v19;
	v19 =	vunpack.i.u.bf16.f32 v32;
	(erf) = vpow2.f32 v22  }
0x1da: {  	s13 =	sadd.s32 $0x80, s13;
	v22 =	vunpack.i.l.bf16.f32 v32;
	(erf) = vpow2.f32 v27;
	v27 =	vunpack.i.u.bf16.f32 v17  }
0x1db: {  	v8 =	vmul.f32 v23, v8;
	v45 =	vsel vm1, v21, v18  }
0x1dc: {  	v6 =	vmul.f32 v23, v6;
	[tilespmem:s9+$0xFFFFFF70] =	vst v45  }
0x1dd: {  	v7 =	vmul.f32 v13, v7;
	[tilespmem:s9+$0xFFFFFF50] =	vst v8  }
0x1de: {  	v49 =	vsel vm0, $0x0, v14;
	[tilespmem:s9+$0xFFFFFF60] =	vst v6  }
0x1df: {  	(erf) = vpow2.f32 v28;
	v50 =	vmul.f32 v13, v9;
	v51 =	vsel vm1, v16, v49;
	[tilespmem:s8+$0xFFFFFF80] =	vst v7  }
0x1e0: {  	v52 =	vmul.f32 v14, v12;
	[tilespmem:s8+$0xFFFFFFD0] =	vst v51  }
0x1e1: {  	v10 =	vmul.f32 v14, v10;
	[tilespmem:s8+$0xFFFFFF90] =	vst v50  }
0x1e2: {  	v47 =	vsel vm0, $0x0, v13;
	v53 =	vunpack.i.l.bf16.f32 v17;
	[tilespmem:s8+$0xFFFFFFB0] =	vst v52  }
0x1e3: {  	v55 =	vmul.f32 v2, v53;
	v43 =	vpop (erf);
	v6 =	vsel vm1, v15, v47;
	[tilespmem:s8+$0xFFFFFFC0] =	vst v10  }
0x1e4: {  	v2 =	vmul.f32 v2, v27;
	v44 =	vmul.f32 v43, v11;
	[tilespmem:s8+$0xFFFFFFA0] =	vst v6  }
0x1e5: {  	v46 =	vsel vm0, $0x0, v43;
	[tilespmem:s8+$0xFFFFFFE0] =	vst v55;
	v54 =	vpop (erf)  }
0x1e6: {  	s7 =	sadd.s32 $0xC0, s9;
	[tilespmem:s8+$0xFFFFFFF0] =	vst v2;
	v8 =	vsel vm1, v44, v46;
	v59 =	vmul.f32 v54, v26  }
0x1e7: {  	v48 =	vld [tilespmem:s3+$0xFFFFFFF0];
	[tilespmem:s7+$0x0] =	vst v8;
	v56 =	vpop (erf);
	v61 =	vmul.f32 v54, v20  }
0x1e8: {  	v57 =	vpop (erf);
	v62 =	vmul.f32 v56, v19;
	[tilespmem:s7+$0xFFFFFF80] =	vst v59  }
0x1e9: {  	v3 =	vmul.f32 v57, v3;
	v2 =	vmul.f32 v57, v24;
	[tilespmem:s7+$0xFFFFFF90] =	vst v61  }
0x1ea: {  	v6 =	vsel vm0, $0x0, v57;
	[tilespmem:s7+$0xFFFFFFC0] =	vst v62  }
0x1eb: {  	v58 =	vmul.f32 v57, v25;
	[tilespmem:s7+$0xFFFFFF60] =	vst v2;
	v2 =	vsel vm1, v3, v6;
	v3 =	vmul.f32 v56, v4  }
0x1ec: {  	v5 =	vmul.f32 v54, v5;
	[tilespmem:s7+$0xFFFFFF70] =	vst v2;
	v2 =	vsel vm0, $0x0, v56  }
0x1ed: {  	v60 =	vsel vm0, $0x0, v54;
	[tilespmem:s7+$0xFFFFFF50] =	vst v58;
	v2 =	vsel vm1, v3, v2  }
0x1ee: {  	v4 =	vsel vm1, v5, v60;
	v3 =	vmul.f32 v56, v22;
	[tilespmem:s7+$0xFFFFFFD0] =	vst v2;
	v2 =	vunpack.i.l.bf16.f32 v48  }
.Ltmp6:
0x1ef: {  	v63 =	vunpack.i.u.bf16.f32 v48;
	[tilespmem:s7+$0xFFFFFFA0] =	vst v4;
	v2 =	vmul.f32 v43, v2;
	(pc) =	sbr.rel @p2 .LBB2_12-.Ltmp6, $4  }
0x1f0: {  	[tilespmem:s7+$0xFFFFFFB0] =	vst v3;
	v3 =	vmul.f32 v43, v63  }
0x1f1: {  	[tilespmem:s7+$0xFFFFFFE0] =	vst v2  }
0x1f2: {  	s17 =	sadd.s32 $0x29D8, s6;
	[tilespmem:s7+$0xFFFFFFF0] =	vst v3  }
0x1f3: {  	[spmem:s2] =	stream.indirect.scatter.add.f32 [tilespmem:s0], [sflag:$0xC], $0x30, s17, s18, $0xb8;
	[tilespmem:$0x15C70] =	vst v63  }
0x1f4: {  	s3 =	smul.u32 $0x1A0, s12  }
.Ltmp7:
0x1f5: {  	_ = 	snop;
	(pc) =	sbr.rel .LBB2_2-.Ltmp7, $4  }
0x1f6: {  	s6 =	sadd.s32 $0x2D8, s3  }
0x1f7: {  	[tilespmem:s31], [sflag:$0x4] =	stream.indirect.gather [hbm4b:s4+s18], $0x20, s6, s18, $0xb8;
	[tilespmem:$0x15C70] =	vst v63  }
0x1f8: {  	s12 =	sadd.s32 $0x1, s12;
	s3 =	sadd.s32 $0x2B78, s3  }
0x1f9: {  	[tilespmem:s1], [sflag:$0x8] =	stream.indirect.gather [hbm4b:s5+s18], $0x10, s3, s18, $0xb8;
	[tilespmem:$0x15C70] =	vst v63  }
.LBB2_13:
0x1fa: {  	_ =	sfence.sel $0x180000  }
0x1fb: {  	[bflag:$0x0] =	sbarrier.arrive $0xFFFF  }
0x1fc: {  	_ =	strace $0x9000004A  }
0x1fd: {  	s0 =	stileid.u32;
	[bflag:$0x2] =	sbarrier.arrive $0xFFFF  }
0x1fe: {  	p0 =	sne.s32 s0, $0x0;
	s0 =	rddreg [dreg:$0x3]  }
0x1ff: {  	s0 =	sadd.s32 @!p0 $0x100000, s0  }
0x200: {  	[sflag:s0] =	ssyncadd.tile.s32 @!p0 $0x1;
	_ =	shalt  }
.Lfunc_end2:
_tile_overlayer_lowered:
.L_overlay_start_2:
0x201: {  	(tag) =	ssettag $0x2  }
0x202: {  	s0 =	rddreg [dreg:$0x0];
	s2 =	stileid.u32  }
0x203: {  	s1 =	rddreg [dreg:$0x1];
	p0 =	sne.s32 s2, $0x0  }
0x204: {  	s3 =	rddreg [dreg:$0x2];
	[bflag:$0x3] =	sbarrier.arrive $0xFFFF;
	s2 =	simm.s32 @!p0 $0x1C0D  }
0x205: {  	[timem:s3], [sflag:s2] =	dma.local @!p0 [hbm:s0], s1  }
0x206: {  	s0 =	simm.s32 @!p0 $0xD  }
0x207: {  	_ =	swait.ge @!p0 [sflag:s0], s1  }
0x208: {  	s1 =	ssub.s32 @!p0 $0x0, s1;
	[sflag:s0] =	ssyncset.done @!p0 $0x0  }
0x209: {  	[sflag:s0] =	ssyncadd.s32 @!p0 s1  }
0x20a: {  	[bflag:$0x3] =	sbarrier.arrive $0xFFFF  }
0x20b: {  	_ =	shalt  }

// kernel: kernel.7.cloned.1.call-start
scs
__scs_entry_jumppad:
0x0: {  	(pc) =	sbr.rel $0x88, $3  }
0x1: {  	(tag) =	ssettag $0x0;
	lr =	simm.s32 $0x1  }
0x2: {  	[smem:$0x3F97] =	sst lr;
	_ =	strace $0xD0000000  }
0x3: {  	_ = 	snop  }
0x4: {  	_ = 	snop  }
0x5: {  	_ = 	snop  }
0x6: {  	_ = 	snop  }
0x7: {  	_ = 	snop  }
__scs_overlays_trampoline_lowered:
0x8: {  	[smem:$0x3FA6] =	sst s0  }
0x9: {  	[smem:$0x3FA7] =	sst s1  }
0xa: {  	[smem:$0x3FA8] =	sst s2  }
0xb: {  	[smem:$0x3FA9] =	sst s3  }
0xc: {  	[smem:$0x3FAA] =	sst s4  }
0xd: {  	[smem:$0x3FAB] =	sst s5  }
0xe: {  	[smem:$0x3FAC] =	sst s6  }
0xf: {  	[smem:$0x3FAD] =	sst s7  }
0x10: {  	[smem:$0x3FAE] =	sst s8  }
0x11: {  	[smem:$0x3FAF] =	sst s9;
	s0 =	simm.s32 @!p0 $0x0  }
0x12: {  	s1 =	sld [smem:$0x3F95];
	s0 =	simm.s32 @p0 $0x1  }
0x13: {  	[smem:$0x3FB0] =	sst s0;
	s0 =	simm.s32 @!p1 $0x0  }
0x14: {  	s2 =	sld [smem:$0x3F94];
	s0 =	simm.s32 @p1 $0x1  }
0x15: {  	[smem:$0x3FB1] =	sst s0;
	s0 =	simm.s32 @!p2 $0x0  }
0x16: {  	s3 =	sld [smem:$0x3FDB];
	s0 =	simm.s32 @p2 $0x1  }
0x17: {  	s4 =	simm.s32 $0x1BF5;
	[smem:$0x3FB3] =	sst s0  }
0x18: {  	s0 =	sld [smem:$0x3F96];
	_ =	swait.ge [sflag:s4], $0x0  }
0x19: {  	s7 =	sld [smem:$0x3F97]  }
0x1a: {  	s8 =	sadd.s32 $0xFFFFE003, lr  }
0x1b: {  	s9 =	sadd.s32 $0xFFFFFEF7, lr;
	s5 =	simm.s32 $0xFFFFFFFF;
	p2 =	slt.u32 s8, $0xFFFFF086  }
0x1c: {  	p1 =	slt.u32 s9, $0xF7A;
	s5 =	simm.s32 @!p2 $0x0  }
0x1d: {  	s5 =	simm.s32 @p1 $0x1;
	p0 =	seq.s32 s7, s2  }
0x1e: {  	s7 =	smul.u32 @!p0 $0xF7A, s2;
	p2 =	seq.s32 @!p0 s5, $0x0  }
0x1f: {  	s9 =	smul.u32 $0xF7A, s1;
	s8 =	simm.s32 @!p0 $0x1BF5;
	p2 =	por !p2, p0  }
0x20: {  	[sflag:s8] =	ssyncset.s32 @!p0 $0xFFFFF086;
	s6 =	sadd.s32 @!p0 s3, s7;
	s7 =	simm.s32 @!p0 $0x108  }
0x21: {  	s3 =	sadd.s32 s3, s9;
	s6 =	sadd.s32 @!p0 $0x88, s6;
	s7 =	simm.s32 @p2 $0x1082  }
0x22: {  	[simem:s7], [sflag:s8] =	dma.local @!p0 [hbm:s6], $0xF7A  }
0x23: {  	s9 =	sor.u32 $0xD0000000, s2;
	s6 =	simm.s32 $0x108;
	_ =	swait.ge @!p0 [sflag:s8], $0x0  }
0x24: {  	s3 =	sadd.s32 $0x88, s3;
	s6 =	simm.s32 @!p1 $0x1082;
	[sflag:s4] =	ssyncset.s32 $0xFFFFF086  }
0x25: {  	[simem:s6], [sflag:s4] =	dma.local [hbm:s3], $0xF7A  }
0x26: {  	[smem:$0x3F97] =	sst s1;
	(tag) =	ssettag s2;
	_ =	strace s9  }
0x27: {  	s1 =	sld [smem:$0x3FA7]  }
0x28: {  	s2 =	sld [smem:$0x3FA8]  }
0x29: {  	s4 =	sld [smem:$0x3FAA]  }
0x2a: {  	p0 =	seq.s32 s5, $0x0;
	s5 =	sld [smem:$0x3FAB]  }
0x2b: {  	s6 =	sld [smem:$0x3FAC]  }
0x2c: {  	s7 =	sld [smem:$0x3FAD]  }
0x2d: {  	s3 =	simm.s32 $0x108;
	s8 =	sld [smem:$0x3FAE]  }
0x2e: {  	s3 =	simm.s32 @!p0 $0x1082;
	s9 =	sld [smem:$0x3FAF]  }
0x2f: {  	lr =	sadd.s32 s0, s3;
	s0 =	sld [smem:$0x3FA6]  }
0x30: {  	s3 =	sld [smem:$0x3FA9]  }
0x31: {  	[smem:$0x3FB2] =	sst s10  }
0x32: {  	s10 =	sld [smem:$0x3FB0];
	_ =	sdelay $0x3  }
0x33: {  	p0 =	seq.s32 s10, $0x1;
	s10 =	sld [smem:$0x3FB2];
	_ =	sdelay $0x3  }
0x34: {  	[smem:$0x3FB2] =	sst s10  }
0x35: {  	s10 =	sld [smem:$0x3FB1];
	_ =	sdelay $0x3  }
0x36: {  	p1 =	seq.s32 s10, $0x1;
	s10 =	sld [smem:$0x3FB2];
	_ =	sdelay $0x3  }
0x37: {  	[smem:$0x3FB2] =	sst s10  }
0x38: {  	s10 =	sld [smem:$0x3FB3]  }
0x39: {  	_ = 	snop;
	(pc) =	sbr.ind lr, $3  }
0x3a: {  	_ = 	snop  }
0x3b: {  	_ = 	snop  }
0x3c: {  	p2 =	seq.s32 s10, $0x1;
	s10 =	sld [smem:$0x3FB2]  }
0x3d: {  	_ =	shalt  }
0x3e: {  	_ =	shalt  }
0x3f: {  	_ =	shalt  }
0x40: {  	_ =	shalt  }
0x41: {  	_ =	shalt  }
0x42: {  	_ =	shalt  }
0x43: {  	_ =	shalt  }
0x44: {  	_ =	shalt  }
0x45: {  	_ =	shalt  }
0x46: {  	_ =	shalt  }
0x47: {  	_ =	shalt  }
0x48: {  	_ =	shalt  }
0x49: {  	_ =	shalt  }
0x4a: {  	_ =	shalt  }
0x4b: {  	_ =	shalt  }
0x4c: {  	_ =	shalt  }
0x4d: {  	_ =	shalt  }
0x4e: {  	_ =	shalt  }
0x4f: {  	_ =	shalt  }
0x50: {  	_ =	shalt  }
0x51: {  	_ =	shalt  }
0x52: {  	_ =	shalt  }
0x53: {  	_ =	shalt  }
0x54: {  	_ =	shalt  }
0x55: {  	_ =	shalt  }
0x56: {  	_ =	shalt  }
0x57: {  	_ =	shalt  }
0x58: {  	_ =	shalt  }
0x59: {  	_ =	shalt  }
0x5a: {  	_ =	shalt  }
0x5b: {  	_ =	shalt  }
0x5c: {  	_ =	shalt  }
0x5d: {  	_ =	shalt  }
0x5e: {  	_ =	shalt  }
0x5f: {  	_ =	shalt  }
0x60: {  	_ =	shalt  }
0x61: {  	_ =	shalt  }
0x62: {  	_ =	shalt  }
0x63: {  	_ =	shalt  }
0x64: {  	_ =	shalt  }
0x65: {  	_ =	shalt  }
0x66: {  	_ =	shalt  }
0x67: {  	_ =	shalt  }
0x68: {  	_ =	shalt  }
0x69: {  	_ =	shalt  }
0x6a: {  	_ =	shalt  }
0x6b: {  	_ =	shalt  }
0x6c: {  	_ =	shalt  }
0x6d: {  	_ =	shalt  }
0x6e: {  	_ =	shalt  }
0x6f: {  	_ =	shalt  }
0x70: {  	_ =	shalt  }
0x71: {  	_ =	shalt  }
0x72: {  	_ =	shalt  }
0x73: {  	_ =	shalt  }
0x74: {  	_ =	shalt  }
0x75: {  	_ =	shalt  }
0x76: {  	_ =	shalt  }
0x77: {  	_ =	shalt  }
0x78: {  	_ =	shalt  }
0x79: {  	_ =	shalt  }
0x7a: {  	_ =	shalt  }
0x7b: {  	_ =	shalt  }
0x7c: {  	_ =	shalt  }
0x7d: {  	_ =	shalt  }
0x7e: {  	_ =	shalt  }
0x7f: {  	_ =	shalt  }
0x80: {  	_ =	shalt  }
0x81: {  	_ =	shalt  }
0x82: {  	_ =	shalt  }
0x83: {  	_ =	shalt  }
0x84: {  	_ =	shalt  }
0x85: {  	_ =	shalt  }
0x86: {  	_ =	shalt  }
0x87: {  	_ =	shalt  }
.Lfunc_end0:
.L_simem_size_0:
called_computation_lowered:
.L_overlay_start_0:
0x88: {  	s2 =	sld [smem:$0x3FD9]  }
0x89: {  	s3 =	sld [smem:$0x3FFE];
	_ =	sdelay $0x1  }
0x8a: {  	s1 =	srdreg.scid  }
0x8b: {  	s0 =	sand.u32 $0x1, s1  }
0x8c: {  	s17 =	sshll.u32 s0, $0xA;
	s2 =	sadd.s32 s3, s2  }
0x8d: {  	s2 =	sadd.s32 s2, s17  }
0x8e: {  	[smem:$0x3FBE] =	sst s2  }
0x8f: {  	_ = 	snop  }
0x90: {  	s2 =	sld [smem:$0x3FD0];
	(tm) =	ssettm $0x1  }
0x91: {  	s18 =	sld [smem:$0x3FFB];
	_ =	sdelay $0x3  }
0x92: {  	_ =	strace s18  }
0x93: {  	s3 =	sld [smem:$0x3FFC];
	_ =	sdelay $0x3  }
0x94: {  	_ =	strace s3  }
0x95: {  	s3 =	sld [smem:$0x3FFD];
	_ =	sdelay $0x3  }
0x96: {  	_ =	strace s3  }
0x97: {  	_ =	strace $0x8FFFFFFF  }
0x98: {  	s19 =	sld [smem:$0x3FDB];
	_ =	sdelay $0x1  }
0x99: {  	s4 =	simm.s32 $_scs_section_size  }
0x9a: {  	s5 =	simm.s32 $_size__tile_overlayer_lowered;
	s6 =	simm.s32 $_tile_overlayer_lowered  }
0x9b: {  	s22 =	simm.s32 $0x1BFF;
	s21 =	sshll.u32 s6, $0x1;
	s3 =	sadd.s32 s4, s19  }
0x9c: {  	s7 =	simm.s32 $0x0;
	s20 =	sshll.u32 s5, $0x1;
	s5 =	sadd.s32 s21, s3  }
0x9d: {  	[timem:s7], [sflag:s22] =	dma.local [hbm:s5], s20  }
0x9e: {  	_ =	swait.ge [sflag:s22], s20  }
0x9f: {  	s4 =	ssub.s32 $0x0, s20;
	[sflag:s22] =	ssyncset.done $0x0  }
0xa0: {  	[sflag:s22] =	ssyncadd.s32 s4;
	_ =	sdelay $0x1  }
0xa1: {  	s23 =	simm.s32 $0x1B8B  }
0xa2: {  	_ =	swait.ge [sflag:s23], $0x1  }
0xa3: {  	[sflag:s23] =	ssyncset.done $0x0  }
0xa4: {  	s25 =	simm.s32 $0x1B8E;
	s24 =	sld [smem:$0x3FFE];
	[sflag:s23] =	ssyncadd.s32 $0xFFFFFFFF  }
0xa5: {  	s26 =	simm.s32 $execute0_lowered;
	[smem:$0x3FD2] =	sst s25  }
0xa6: {  	s5 =	sshll.u32 s26, $0x1;
	_ =	strace $0x80000046;
	[dreg:$0x1] =	wrdreg $0xFFFFFFFF  }
0xa7: {  	s28 =	simm.s32 $_size_execute0_lowered;
	s3 =	sadd.s32 s3, s5;
	[dreg:$0x0] =	wrdreg $0x0  }
0xa8: {  	s5 =	sshll.u32 s28, $0x1;
	[dreg:$0x2] =	wrdreg s3  }
0xa9: {  	[dreg:$0x3] =	wrdreg s5  }
0xaa: {  	[dreg:$0x4] =	wrdreg $0xC0  }
0xab: {  	_ =	task [dreg:s7], $0x5FFFF  }
0xac: {  	[dreg:$0x1] =	wrdreg $0xFFFFFFFF  }
0xad: {  	[dreg:$0x0] =	wrdreg $0x60  }
0xae: {  	[dreg:$0x2] =	wrdreg s24  }
0xaf: {  	[dreg:$0x3] =	wrdreg s2  }
0xb0: {  	[dreg:$0x4] =	wrdreg $0x125C00  }
0xb1: {  	[dreg:$0x5] =	wrdreg $0x9  }
0xb2: {  	_ =	task.clear_ibuf [dreg:s7], $0x6FFFF;
	_ =	strace $0x90000046  }
0xb3: {  	s29 =	simm.s32 $0x9;
	_ =	strace $0x80000048  }
0xb4: {  	_ =	swait.ge [sflag:s29], $0x1  }
0xb5: {  	[sflag:s29] =	ssyncadd.s32 $0xFFFFFFFF  }
0xb6: {  	_ =	strace $0x90000048  }
0xb7: {  	_ =	sfence  }
0xb8: {  	s30 =	sld [smem:$0x0];
	_ =	sdelay $0x2  }
0xb9: {  	s31 =	sshll.u32 s1, $0xD;
	s1 =	sshrl.u32 s1, $0x2  }
0xba: {  	s3 =	sand.u32 $0x4000, s31;
	s1 =	sadd.s32 s1, s30  }
0xbb: {  	s0 =	sor.u32 s3, s0;
	s1 =	sshll.u32 s1, $0x11  }
0xbc: {  	s0 =	sor.u32 s1, s0  }
0xbd: {  	s0 =	sadd.s32 $0x8F2B, s0  }
0xbe: {  	[sflag:s0] =	ssyncadd.remote.s32 $0x1  }
0xbf: {  	_ =	sfence.sel $0xFFFF  }
0xc0: {  	[dreg:$0x0] =	wrdreg $0xFFFFFFFF;
	(pc) =	sbr.abs _section_cstart, $3  }
0xc1: {  	[dreg:$0x1] =	wrdreg $0xFFFFFFFF  }
0xc2: {  	_ =	task.clear_ibuf [dreg:s7], $0x2FFFF;
	_ =	strace $0x9FFFFFFF  }
0xc3: {  	(tm) =	ssettm $0x7FFFFFFF  }
tec
execute0_lowered:
.L_overlay_start_1:
0x0: {  	(tag) =	ssettag $0x1  }
0x1: {  	s0 =	rddreg [dreg:$0x0]  }
0x2: {  	s3 =	rddreg [dreg:$0x1]  }
0x3: {  	s1 =	srdreg.scid;
	s2 =	rddreg [dreg:$0x2]  }
0x4: {  	s12 =	stileid.u32;
	s5 =	simm.s32 $0x0;
	s18 =	simm.s32 $0x64  }
0x5: {  	s19 =	simm.s32 $0x1;
	s20 =	simm.s32 $0x5;
	s21 =	simm.s32 $0xB540  }
0x6: {  	s22 =	simm.s32 $0x2;
	s23 =	simm.s32 $0x6;
	s28 =	simm.s32 $0xED80  }
0x7: {  	s29 =	simm.s32 $0x4;
	s30 =	simm.s32 $0x8;
	s1 =	sand.u32 $0x1, s1  }
0x8: {  	[smem:$0x7FF] =	sst s5;
	s7 =	smul.u32 $0xAF80, s12;
	s5 =	sadd.s32 $0x1B200, s0  }
0x9: {  	p0 =	seq.s32 s12, $0xF;
	s4 =	sshll.u32 s1, $0x4;
	_ =	strace $0x80000047  }
0xa: {  	s8 =	smul.u32 $0x15F90, s1;
	s1 =	ssub.s32 $0x2, s1;
	s4 =	sor.u32 s12, s4  }
0xb: {  	s10 =	sshrl.u32 s7, $0x3;
	s11 =	sshrl.u32 s1, $0x1;
	s7 =	sadd.s32 s7, s2  }
0xc: {  	s6 =	smul.u32 $0x514, s4;
	s4 =	sadd.s32 $0xC600, s0;
	[dreg:$0x4] =	wrdreg s10  }
0xd: {  	s10 =	sadd.s32 s10, s0;
	s8 =	sadd.s32 s8, s0;
	s7 =	sshrl.u32 @!p0 s7, $0x3  }
0xe: {  	s1 =	ssub.s32 s1, s11;
	s10 =	sadd.s32 $0x20200, s10;
	[dreg:$0xd] =	wrdreg s7  }
0xf: {  	s26 =	sadd.s32 $0x36200, s8;
	s31 =	smax.u32 s1, $0x1;
	[dreg:$0x5] =	wrdreg s10  }
0x10: {  	s9 =	sadd.s32 s6, s0;
	s10 =	sadd.s32 $0xA4880, s2;
	[dreg:$0x9] =	wrdreg s26  }
0x11: {  	s0 =	sadd.s32 $0x34B10, s0;
	s24 =	sadd.s32 s3, s6;
	[dreg:$0xa] =	wrdreg s31  }
.Ltmp0:
0x12: {  	s26 =	simm.s32 $0x7;
	[dreg:$0x6] =	wrdreg s0;
	(pc) =	sbr.rel .LBB2_1-.Ltmp0, $4  }
0x13: {  	[dreg:$0x7] =	wrdreg s24;
	s25 =	sadd.s32 $0x2200, s9;
	s8 =	sshrl.u32 @p0 s10, $0x3  }
0x14: {  	v1 =	vlaneseq.u32;
	s0 =	sshll.u32 @!p0 s12, $0x6;
	s24 =	simm.s32 $0xD160;
	[dreg:$0x8] =	wrdreg s25  }
0x15: {  	v0 =	vor.u32 $0x40, v1;
	v1 =	vshrl.u32 v1, $0x3;
	s9 =	simm.s32 $0x0;
	s6 =	sor.u32 @!p0 $0x1C0D, s0;
	[dreg:$0xb] =	wrdreg s8  }
0x16: {  	v2 =	vor.u32 $0x2, v1;
	v3 =	vor.u32 $0x4, v1;
	v4 =	vor.u32 $0x6, v1;
	s25 =	simm.s32 $0x3;
	s0 =	simm.s32 $0x109A0;
	[dreg:$0xc] =	wrdreg s6  }
.LBB2_12:
0x17: {  	s1 =	simm.s32 $0x9  }
0x18: {  	_ =	swait.ge [sflag:s1], $0x1C20  }
0x19: {  	[sflag:s1] =	ssyncset.done $0x0  }
0x1a: {  	s15 =	simm.s32 $0xA;
	[sflag:s1] =	ssyncadd.s32 $0xFFFFE3E0  }
0x1b: {  	_ =	swait.ge [sflag:s15], $0x1C20  }
0x1c: {  	[sflag:s15] =	ssyncset.done $0x0  }
0x1d: {  	s16 =	simm.s32 $0xB;
	[sflag:s15] =	ssyncadd.s32 $0xFFFFE3E0  }
0x1e: {  	_ =	swait.ge [sflag:s16], $0x1C20  }
0x1f: {  	[sflag:s16] =	ssyncset.done $0x0  }
0x20: {  	s17 =	simm.s32 $0xC;
	[sflag:s16] =	ssyncadd.s32 $0xFFFFE3E0  }
0x21: {  	_ =	swait.ge [sflag:s17], $0x1C20  }
0x22: {  	[sflag:s17] =	ssyncset.done $0x0  }
0x23: {  	[sflag:s17] =	ssyncadd.s32 $0xFFFFE3E0  }
0x24: {  	[bflag:$0x0] =	sbarrier.arrive $0xFFFF  }
0x25: {  	s6 =	rddreg [dreg:$0x9]  }
0x26: {  	s3 =	simm.s32 @p0 $0x1FCD;
	s8 =	rddreg [dreg:$0xb];
	s1 =	sadd.s32 @p0 $0x14910, s6  }
0x27: {  	[hbm:s1], [sflag:s3] =	dma.local @p0 [spmem:s8], $0x1680  }
0x28: {  	s1 =	simm.s32 @p0 $0xD  }
0x29: {  	_ =	swait.ge @p0 [sflag:s1], $0x1680  }
0x2a: {  	[sflag:s1] =	ssyncset.done @p0 $0x0;
	s7 =	rddreg [dreg:$0xd]  }
0x2b: {  	[sflag:s1] =	ssyncadd.s32 @p0 $0xFFFFE980;
	s1 =	rddreg [dreg:$0x4]  }
0x2c: {  	s1 =	sadd.s32 @!p0 s1, s6;
	s6 =	rddreg [dreg:$0xc]  }
0x2d: {  	[hbm:s1], [sflag:s6] =	dma.local @!p0 [spmem:s7], $0x15F0  }
0x2e: {  	s1 =	simm.s32 @!p0 $0xD  }
0x2f: {  	_ =	swait.ge @!p0 [sflag:s1], $0x15F0  }
0x30: {  	s9 =	rddreg [dreg:$0xe]  }
0x31: {  	s31 =	rddreg [dreg:$0xa];
	s9 =	sadd.s32 $0x1, s9  }
0x32: {  	p1 =	sne.s32 s9, s31  }
.Ltmp1:
0x33: {  	_ = 	snop;
	(pc) =	sbr.rel @!p1 .LBB2_13-.Ltmp1, $3  }
0x34: {  	_ =	sdelay $0x1  }
0x35: {  	[sflag:s1] =	ssyncset.done @!p0 $0x0  }
0x36: {  	[sflag:s1] =	ssyncadd.s32 @!p0 $0xFFFFEA10  }
.LBB2_1:
0x37: {  	[dreg:$0xe] =	wrdreg s9  }
0x38: {  	s3 =	simm.s32 @p0 $0x1FCD;
	s1 =	rddreg [dreg:$0x6]  }
0x39: {  	[spmem:s8], [sflag:s3] =	dma.local @p0 [hbm:s1], $0x1680  }
0x3a: {  	s3 =	simm.s32 @p0 $0xD  }
0x3b: {  	_ =	swait.ge @p0 [sflag:s3], $0x1680  }
0x3c: {  	[sflag:s3] =	ssyncset.done @p0 $0x0  }
0x3d: {  	s1 =	rddreg [dreg:$0x5];
	[sflag:s3] =	ssyncadd.s32 @p0 $0xFFFFE980;
	s3 =	simm.s32 @!p0 $0xD  }
0x3e: {  	[spmem:s7], [sflag:s6] =	dma.local @!p0 [hbm:s1], $0x15F0  }
0x3f: {  	_ =	swait.ge @!p0 [sflag:s3], $0x15F0  }
0x40: {  	s13 =	simm.s32 $0x0;
	[sflag:s3] =	ssyncset.done @!p0 $0x0  }
0x41: {  	s15 =	simm.s32 $0xD;
	s14 =	rddreg [dreg:$0x7];
	[sflag:s3] =	ssyncadd.s32 @!p0 $0xFFFFEA10  }
0x42: {  	[tilespmem:s13], [sflag:$0xD] =	stream.linear.gather [hbm4b:s14+s13], $0x28A0, $0x38;
	[tilespmem:$0x1D588] =	vst v63  }
0x43: {  	_ =	swait.ge [sflag:s15], $0x28A0  }
0x44: {  	[sflag:s15] =	ssyncset.done $0x0  }
0x45: {  	s17 =	simm.s32 $0x28A0;
	s16 =	rddreg [dreg:$0x8];
	[sflag:s15] =	ssyncadd.s32 $0xFFFFD760  }
0x46: {  	[tilespmem:s17], [sflag:$0xD] =	stream.linear.gather [hbm4b:s16+s13], $0x28A0, $0x38;
	[tilespmem:$0x1D588] =	vst v63  }
0x47: {  	_ =	swait.ge [sflag:s15], $0x28A0  }
0x48: {  	[sflag:s15] =	ssyncset.done $0x0  }
0x49: {  	[sflag:s15] =	ssyncadd.s32 $0xFFFFD760  }
0x4a: {  	s31 =	simm.s32 $0x5140;
	[bflag:$0x0] =	sbarrier.arrive $0xFFFF  }
0x4b: {  	[tilespmem:s31], [sflag:$0x1] =	stream.indirect.gather [hbm4b:s4+s18], $0x30, s13, s18, $0xb8;
	[tilespmem:$0x1D588] =	vst v63  }
0x4c: {  	s6 =	simm.s32 $0x9C40  }
0x4d: {  	[tilespmem:s6], [sflag:$0x5] =	stream.indirect.gather [hbm4b:s5+s18], $0x10, s17, s18, $0xb8;
	[tilespmem:$0x1D588] =	vst v63  }
0x4e: {  	s8 =	simm.s32 $0x6400;
	s7 =	simm.s32 $0x68  }
0x4f: {  	[tilespmem:s8], [sflag:$0x2] =	stream.indirect.gather [hbm4b:s4+s18], $0x30, s7, s18, $0xb8;
	[tilespmem:$0x1D588] =	vst v63  }
0x50: {  	s9 =	simm.s32 $0x2908;
	s10 =	simm.s32 $0xA280  }
0x51: {  	[tilespmem:s10], [sflag:$0x6] =	stream.indirect.gather [hbm4b:s5+s18], $0x10, s9, s18, $0xb8;
	[tilespmem:$0x1D588] =	vst v63  }
0x52: {  	s11 =	simm.s32 $0xD0;
	s12 =	simm.s32 $0x76C0  }
0x53: {  	[tilespmem:s12], [sflag:$0x3] =	stream.indirect.gather [hbm4b:s4+s18], $0x30, s11, s18, $0xb8;
	[tilespmem:$0x1D588] =	vst v63  }
0x54: {  	s14 =	simm.s32 $0xA8C0;
	s13 =	simm.s32 $0x2970  }
0x55: {  	[tilespmem:s14], [sflag:$0x7] =	stream.indirect.gather [hbm4b:s5+s18], $0x10, s13, s18, $0xb8;
	[tilespmem:$0x1D588] =	vst v63  }
0x56: {  	s16 =	simm.s32 $0x8980;
	s15 =	simm.s32 $0x138  }
0x57: {  	[tilespmem:s16], [sflag:$0x4] =	stream.indirect.gather [hbm4b:s4+s18], $0x30, s15, s18, $0xb8;
	[tilespmem:$0x1D588] =	vst v63  }
0x58: {  	s31 =	simm.s32 $0xAF00;
	s17 =	simm.s32 $0x29D8;
	s12 =	simm.s32 $0x0  }
0x59: {  	[tilespmem:s31], [sflag:$0x8] =	stream.indirect.gather [hbm4b:s5+s18], $0x10, s17, s18, $0xb8;
	[tilespmem:$0x1D588] =	vst v63  }
.LBB2_2:
0x5a: {  	_ =	swait.ge [sflag:s19], $0x12C0  }
0x5b: {  	[sflag:s19] =	ssyncset.done $0x0  }
0x5c: {  	[sflag:s19] =	ssyncadd.s32 $0xFFFFED40  }
0x5d: {  	_ =	swait.ge [sflag:s20], $0x640  }
0x5e: {  	p2 =	seq.s32 s12, $0x0;
	[sflag:s20] =	ssyncset.done $0x0  }
0x5f: {  	s3 =	simm.s32 @!p2 $0x9;
	[sflag:s20] =	ssyncadd.s32 $0xFFFFF9C0  }
0x60: {  	_ =	swait.ge @!p2 [sflag:s3], $0x1C20  }
0x61: {  	[sflag:s3] =	ssyncset.done @!p2 $0x0  }
0x62: {  	[sflag:s3] =	ssyncadd.s32 @!p2 $0xFFFFE3E0;
	s3 =	simm.s32 $0x51A0  }
0x63: {  	v5 =	vld [tilespmem:s3+$0x50]  }
0x64: {  	s6 =	simm.s32 $0x9C60;
	v6 =	vld [tilespmem:s3+$0xFFFFFFF0]  }
0x65: {  	v7 =	vld [tilespmem:s6+$0xFFFFFFF0]  }
0x66: {  	v8 =	vld [tilespmem:s6+$0x10]  }
0x67: {  	v9 =	vld [tilespmem:s3+$0xFFFFFFC0]  }
0x68: {  	v10 =	vld [tilespmem:s3+$0x20]  }
0x69: {  	v11 =	vld [tilespmem:s6+$0x0]  }
0x6a: {  	v12 =	vld [tilespmem:s6+$0xFFFFFFE0];
	v5 =	vunpack.i.l.bf16.f32 v5  }
0x6b: {  	s13 =	simm.s32 $0x1;
	v6 =	vunpack.i.l.bf16.f32 v6;
	v5 =	vadd.f32 v8, v5  }
0x6c: {  	v8 =	vmov s13;
	v6 =	vadd.f32 v7, v6  }
0x6d: {  	v7 =	vunpack.i.l.bf16.f32 v9;
	v9 =	vunpack.i.l.bf16.f32 v10;
	v10 =	vmul.f32 $2.000000030e-01, v5  }
0x6e: {  	v9 =	vadd.f32 v11, v9;
	vm0 =	vge.f32 v5, $0.0e+00;
	v11 =	vmul.f32 $2.000000030e-01, v6  }
0x6f: {  	v7 =	vadd.f32 v12, v7;
	vm1 =	vge.f32 v6, $0.0e+00;
	v5 =	vsel vm0, v5, v10  }
0x70: {  	v10 =	vmul.f32 $2.000000030e-01, v9;
	v6 =	vsel vm1, v6, v11;
	v5 =	vmul.f32 $1.442695020e+00, v5  }
0x71: {  	vm11 =	vge.f32 v9, $0.0e+00;
	v11 =	vmul.f32 $2.000000030e-01, v7;
	v6 =	vmul.f32 $1.442695020e+00, v6  }
0x72: {  	vm12 =	vge.f32 v7, $0.0e+00;
	(erf) = vpow2.f32 v5;
	v5 =	vsel vm11, v9, v10  }
0x73: {  	(erf) = vpow2.f32 v6;
	v5 =	vmul.f32 $1.442695020e+00, v5;
	v6 =	vsel vm12, v7, v11  }
0x74: {  	s14 =	simm.s32 $0x3;
	v7 =	vmul.u32 $0x48, v8;
	v6 =	vmul.f32 $1.442695020e+00, v6  }
0x75: {  	s7 =	simm.s32 $0x0;
	v8 =	vmov s14;
	(erf) = vpow2.f32 v5  }
0x76: {  	s8 =	simm.s32 $0x2;
	v5 =	vbroadcast v7, $0x0;
	v7 =	vmov s7;
	(erf) = vpow2.f32 v6  }
0x77: {  	v6 =	vmul.u32 $0x48, v8;
	v8 =	vmov s8;
	v7 =	vmul.u32 $0x48, v7  }
0x78: {  	s9 =	simm.s32 $0x9CA0;
	s17 =	simm.s32 $0x6;
	v8 =	vmul.u32 $0x48, v8  }
0x79: {  	v15 =	vmov s17;
	s6 =	simm.s32 $0x5260;
	v14 =	vld [tilespmem:s9+$0x0];
	v11 =	vadd.s32 v0, v5;
	v5 =	vbroadcast v7, $0x0  }
0x7a: {  	s15 =	simm.s32 $0x5;
	s16 =	simm.s32 $0x7;
	v15 =	vmul.u32 $0x48, v15;
	v12 =	vld [tilespmem:s6+$0xFFFFFFF0];
	v8 =	vbroadcast v8, $0x0  }
0x7b: {  	v9 =	vmov s16;
	v13 =	vbroadcast v6, $0x0;
	v7 =	vld [tilespmem:s9+$0xFFFFFFF0];
	v6 =	vmov s15  }
0x7c: {  	v21 =	vld [tilespmem:s6+$0x20];
	v9 =	vmul.u32 $0x48, v9;
	v6 =	vmul.u32 $0x48, v6  }
0x7d: {  	v27 =	vbroadcast v15, $0x0;
	v17 =	vld [tilespmem:s6+$0xFFFFFFC0];
	v18 =	vadd.s32 v0, v5;
	v19 =	vadd.s32 v0, v8;
	v5 =	vpop (erf)  }
0x7e: {  	v10 =	vld [tilespmem:s6+$0x50];
	v22 =	vbroadcast v9, $0x0;
	v26 =	vadd.s32 v0, v13;
	v20 =	vbroadcast v6, $0x0;
	v8 =	vpop (erf)  }
0x7f: {  	v24 =	vperm.xlane v5, v2;
	v16 =	vperm.xlane v5, v1;
	[tilespmem:v11+s21+$0x0] =	vst.idx.msk $0xff, v8;
	v11 =	vunpack.i.l.bf16.f32 v12;
	v12 =	vld [tilespmem:s9+$0xFFFFFFE0]  }
0x80: {  	v9 =	vperm.xlane v8, v4;
	v23 =	vperm.xlane v8, v1;
	v6 =	vpop (erf);
	v25 =	vadd.f32 v7, v11;
	v11 =	vld [tilespmem:s9+$0x10]  }
0x81: {  	v21 =	vunpack.i.l.bf16.f32 v21;
	v28 =	vperm.xlane v8, v2;
	v29 =	vld [tilespmem:s3+$0xFFFFFFD0];
	v30 =	vperm.xlane v6, v2  }
0x82: {  	v17 =	vunpack.i.l.bf16.f32 v17;
	v7 =	vpop (erf);
	v63 =	vperm.xlane v6, v1;
	[tilespmem:v19+s21+$0x0] =	vst.idx.msk $0xff, v6;
	v19 =	vadd.f32 v14, v21  }
0x83: {  	v10 =	vunpack.i.l.bf16.f32 v10;
	[tilespmem:v26+s21+$0x0] =	vst.idx.msk $0xff, v5;
	v13 =	vperm.xlane v7, v1;
	v15 =	vperm.xlane v7, v2  }
0x84: {  	v32 =	vld [tilespmem:s3+$0x30];
	vm13 =	vge.f32 v25, $0.0e+00;
	v60 =	vmul.f32 $2.000000030e-01, v19;
	vm14 =	vge.f32 v19, $0.0e+00  }
0x85: {  	s31 =	simm.s32 $0x4;
	v31 =	vld [tilespmem:s3+$0x0];
	v21 =	vadd.f32 v12, v17;
	v17 =	vadd.s32 v0, v20;
	v10 =	vadd.f32 v11, v10  }
0x86: {  	v20 =	vmul.f32 $2.000000030e-01, v25;
	v11 =	vmov s31;
	v12 =	vunpack.i.u.bf16.f32 v29  }
0x87: {  	v11 =	vmul.u32 $0x48, v11;
	v28 =	vmul.f32 v28, v12;
	v12 =	vmul.f32 $2.000000030e-01, v10  }
0x88: {  	v19 =	vsel vm14, v19, v60;
	v20 =	vsel vm13, v25, v20;
	vm2 =	vge.f32 v10, $0.0e+00  }
0x89: {  	v61 =	vunpack.i.u.bf16.f32 v32;
	v14 =	vbroadcast v11, $0x0;
	v12 =	vsel vm2, v10, v12  }
0x8a: {  	[tilespmem:v18+s21+$0x0] =	vst.idx.msk $0xff, v7;
	v62 =	vmul.f32 $2.000000030e-01, v21;
	v18 =	vunpack.i.u.bf16.f32 v31;
	v33 =	vmul.f32 $1.442695020e+00, v12  }
0x8b: {  	v20 =	vmul.f32 $1.442695020e+00, v20;
	v10 =	vadd.s32 v0, v14;
	v14 =	vadd.s32 v0, v22;
	v22 =	vld [tilespmem:s3+$0xFFFFFFA0]  }
0x8c: {  	vm15 =	vge.f32 v21, $0.0e+00;
	v18 =	vmul.f32 v30, v18;
	(erf) = vpow2.f32 v33  }
0x8d: {  	s8 =	simm.s32 $0xB5D0;
	v19 =	vmul.f32 $1.442695020e+00, v19;
	(erf) = vpow2.f32 v20;
	v20 =	vunpack.i.l.bf16.f32 v29  }
0x8e: {  	v24 =	vmul.f32 v24, v61;
	[tilespmem:s8+$0x10] =	vst v18;
	v18 =	vsel vm15, v21, v62;
	v23 =	vmul.f32 v23, v20  }
0x8f: {  	v11 =	vperm.xlane v5, v4;
	[tilespmem:s8+$0xFFFFFFC8] =	vst v28;
	v12 =	vadd.s32 v0, v27;
	v21 =	vmul.f32 $1.442695020e+00, v18  }
0x90: {  	(erf) = vpow2.f32 v19;
	v19 =	vunpack.i.l.bf16.f32 v31;
	v20 =	vunpack.i.u.bf16.f32 v22;
	[tilespmem:s8+$0xFFFFFFB8] =	vst v23  }
0x91: {  	s10 =	simm.s32 $0x8;
	s11 =	simm.s32 $0x5320;
	s7 =	simm.s32 $0xB6F0;
	[tilespmem:s8+$0x58] =	vst v24;
	v22 =	vunpack.i.l.bf16.f32 v22;
	v19 =	vmul.f32 v63, v19;
	v23 =	vunpack.i.l.bf16.f32 v32;
	v18 =	vld [tilespmem:s3+$0xFFFFFFE0]  }
.LBB2_3:
0x92: {  	s15 =	sadd.s32 $0x3, s10  }
0x93: {  	v24 =	vld [tilespmem:s11+$0x50];
	s9 =	sadd.s32 $0x40, s9;
	v15 =	vmul.f32 v15, v20;
	v16 =	vmul.f32 v16, v23;
	s14 =	smov.u32 s10;
	s13 =	sadd.s32 $0x4, s10  }
0x94: {  	p1 =	slt.u32 s10, $0x60;
	v13 =	vmul.f32 v13, v22;
	v20 =	vld [tilespmem:s11+$0xFFFFFFF0];
	s16 =	sadd.s32 $0x1, s14;
	v23 =	vmov s15;
	(erf) = vpow2.f32 v21  }
0x95: {  	v25 =	vperm.xlane v7, v3;
	v26 =	vperm.xlane v5, v3;
	v21 =	vld [tilespmem:s9+$0xFFFFFFF0];
	v22 =	vmov s16;
	[tilespmem:s8+$0xFFFFFF80] =	vst v15;
	v5 =	vpop (erf)  }
0x96: {  	v27 =	vperm.xlane v7, v4;
	v28 =	vperm.xlane v6, v4;
	v15 =	vmul.u32 $0x48, v22;
	v22 =	vld [tilespmem:s9+$0x0];
	[tilespmem:s8+$0xFFFFFF70] =	vst v13  }
0x97: {  	s10 =	sadd.s32 $0x2, s14;
	v36 =	vmul.u32 $0x48, v23;
	v23 =	vperm.xlane v8, v3;
	v29 =	vld [tilespmem:s11+$0xFFFFFFC0];
	v13 =	vunpack.i.u.bf16.f32 v18;
	v8 =	vpop (erf);
	[tilespmem:s8+$0x0] =	vst v19  }
0x98: {  	v19 =	vbroadcast v15, $0x0;
	v15 =	vmov s10;
	v30 =	vld [tilespmem:s3+$0xFFFFFFB0];
	v13 =	vmul.f32 v9, v13;
	[tilespmem:s8+$0x48] =	vst v16  }
0x99: {  	v31 =	vbroadcast v36, $0x0;
	v9 =	vperm.xlane v8, v4;
	v15 =	vmul.u32 $0x48, v15;
	v32 =	vld [tilespmem:s3+$0x10]  }
0x9a: {  	v35 =	vperm.xlane v5, v2;
	v34 =	vperm.xlane v8, v1;
	v16 =	vunpack.i.l.bf16.f32 v18;
	v33 =	vld [tilespmem:s11+$0x20];
	[tilespmem:v17+s21+$0x0] =	vst.idx.msk $0xff, v8;
	v7 =	vpop (erf)  }
0x9b: {  	v17 =	vunpack.i.l.bf16.f32 v20;
	v20 =	vperm.xlane v8, v2;
	v18 =	vbroadcast v15, $0x0;
	[tilespmem:s8+$0xFFFFFFE8] =	vst v13;
	v36 =	vld [tilespmem:s3+$0x40];
	s3 =	smov.u32 s6;
	s6 =	smov.u32 s11  }
0x9c: {  	v21 =	vadd.f32 v21, v17;
	v17 =	vmul.f32 v23, v16;
	v23 =	vperm.xlane v6, v3;
	v6 =	vmovc v7;
	v37 =	vld [tilespmem:s3+$0xFFFFFFD0]  }
0x9d: {  	v39 =	vperm.xlane v6, v2;
	v38 =	vld [tilespmem:s9+$0xFFFFFFE0];
	v7 =	vpop (erf);
	v40 =	vunpack.i.u.bf16.f32 v30;
	v30 =	vunpack.i.l.bf16.f32 v30  }
0x9e: {  	vm0 =	vge.f32 v21, $0.0e+00;
	v41 =	vld [tilespmem:s9+$0x10];
	v13 =	vperm.xlane v7, v1;
	v15 =	vperm.xlane v7, v2;
	[tilespmem:v14+s21+$0x0] =	vst.idx.msk $0xff, v5  }
0x9f: {  	v16 =	vperm.xlane v5, v1;
	v14 =	vmul.f32 v27, v40;
	[tilespmem:s8+$0xFFFFFFD8] =	vst v17;
	v17 =	vunpack.i.u.bf16.f32 v32  }
0xa0: {  	v27 =	vunpack.i.l.bf16.f32 v29;
	v29 =	vunpack.i.l.bf16.f32 v33;
	v33 =	vunpack.i.l.bf16.f32 v36  }
0xa1: {  	v24 =	vunpack.i.l.bf16.f32 v24;
	[tilespmem:v12+s21+$0x0] =	vst.idx.msk $0xff, v6;
	v12 =	vunpack.i.l.bf16.f32 v32;
	v32 =	vunpack.i.u.bf16.f32 v36  }
0xa2: {  	v22 =	vadd.f32 v22, v29;
	v27 =	vadd.f32 v38, v27;
	v11 =	vmul.f32 v11, v32  }
0xa3: {  	v17 =	vmul.f32 v28, v17;
	v12 =	vmul.f32 v23, v12;
	v24 =	vadd.f32 v41, v24;
	v29 =	vld [tilespmem:s3+$0x0]  }
0xa4: {  	v28 =	vunpack.i.u.bf16.f32 v37;
	v26 =	vmul.f32 v26, v33;
	v23 =	vmov s14;
	[tilespmem:s8+$0x78] =	vst v11  }
0xa5: {  	v20 =	vmul.f32 v20, v28;
	v11 =	vmul.u32 $0x48, v23;
	v23 =	vmul.f32 $2.000000030e-01, v22;
	[tilespmem:s8+$0x20] =	vst v12  }
0xa6: {  	vm1 =	vge.f32 v22, $0.0e+00;
	vm2 =	vge.f32 v24, $0.0e+00;
	v12 =	vmul.f32 $2.000000030e-01, v24;
	v28 =	vld [tilespmem:s3+$0x30];
	[tilespmem:s8+$0x30] =	vst v17  }
0xa7: {  	v32 =	vbroadcast v11, $0x0;
	v17 =	vadd.s32 v0, v19;
	v11 =	vperm.xlane v5, v4;
	[tilespmem:v10+s21+$0x0] =	vst.idx.msk $0xff, v7  }
0xa8: {  	v19 =	vmul.f32 $2.000000030e-01, v21;
	v24 =	vsel vm2, v24, v12;
	v33 =	vunpack.i.u.bf16.f32 v29;
	[tilespmem:s8+$0xFFFFFFA0] =	vst v14  }
0xa9: {  	v12 =	vadd.s32 v0, v18;
	v10 =	vadd.s32 v0, v32;
	v18 =	vmul.f32 $1.442695020e+00, v24;
	[tilespmem:s7+$0xFFFFFFC8] =	vst v20  }
0xaa: {  	v19 =	vsel vm0, v21, v19;
	v14 =	vadd.s32 v0, v31;
	v20 =	vmul.f32 v25, v30;
	v24 =	vld [tilespmem:s3+$0xFFFFFFA0];
	[tilespmem:s8+$0x68] =	vst v26  }
0xab: {  	v19 =	vmul.f32 $1.442695020e+00, v19;
	(erf) = vpow2.f32 v18;
	v18 =	vunpack.i.u.bf16.f32 v28  }
0xac: {  	v22 =	vsel vm1, v22, v23;
	v21 =	vmul.f32 $2.000000030e-01, v27;
	v23 =	vmul.f32 v39, v33;
	[tilespmem:s8+$0xFFFFFF90] =	vst v20;
	s8 =	smov.u32 s7  }
.Ltmp2:
0xad: {  	v18 =	vmul.f32 v35, v18;
	(erf) = vpow2.f32 v19;
	v19 =	vunpack.i.l.bf16.f32 v37;
	(pc) =	sbr.rel @p1 .LBB2_3-.Ltmp2, $4  }
0xae: {  	v22 =	vmul.f32 $1.442695020e+00, v22;
	vm0 =	vge.f32 v27, $0.0e+00;
	v19 =	vmul.f32 v34, v19;
	[tilespmem:s7+$0x10] =	vst v23  }
0xaf: {  	v25 =	vperm.xlane v6, v1;
	v21 =	vsel vm0, v27, v21;
	v20 =	vunpack.i.u.bf16.f32 v24;
	[tilespmem:s7+$0x58] =	vst v18  }
0xb0: {  	v23 =	vunpack.i.l.bf16.f32 v28;
	(erf) = vpow2.f32 v22;
	[tilespmem:s7+$0xFFFFFFB8] =	vst v19;
	v19 =	vunpack.i.l.bf16.f32 v29  }
0xb1: {  	s10 =	smov.u32 s13;
	s11 =	sadd.s32 $0xC0, s11;
	v21 =	vmul.f32 $1.442695020e+00, v21;
	v22 =	vunpack.i.l.bf16.f32 v24;
	s7 =	sadd.s32 $0x120, s7;
	v18 =	vld [tilespmem:s3+$0xFFFFFFE0];
	v19 =	vmul.f32 v25, v19  }
0xb2: {  	_ = 	snop  }
0xb3: {  	v16 =	vmul.f32 v16, v23  }
0xb4: {  	v15 =	vmul.f32 v15, v20;
	v13 =	vmul.f32 v13, v22  }
0xb5: {  	(erf) = vpow2.f32 v21;
	[tilespmem:s8+$0x48] =	vst v16  }
0xb6: {  	[tilespmem:s8+$0xFFFFFF80] =	vst v15;
	v15 =	vld [tilespmem:s3+$0x40]  }
0xb7: {  	[tilespmem:s8+$0x0] =	vst v19;
	v16 =	vpop (erf)  }
0xb8: {  	[tilespmem:s8+$0xFFFFFF70] =	vst v13;
	v20 =	vld [tilespmem:s3+$0x10];
	v19 =	vunpack.i.u.bf16.f32 v18;
	v13 =	vpop (erf)  }
0xb9: {  	v8 =	vperm.xlane v8, v3;
	v9 =	vmul.f32 v9, v19;
	[tilespmem:v17+s21+$0x0] =	vst.idx.msk $0xff, v13;
	v17 =	vpop (erf)  }
0xba: {  	v18 =	vunpack.i.l.bf16.f32 v18;
	v19 =	vld [tilespmem:s6+$0xFFFFFFD0];
	[tilespmem:v12+s21+$0x0] =	vst.idx.msk $0xff, v17  }
0xbb: {  	v8 =	vmul.f32 v8, v18;
	[tilespmem:s8+$0xFFFFFFE8] =	vst v9;
	v9 =	vunpack.i.u.bf16.f32 v15;
	v12 =	vld [tilespmem:s6+$0x0]  }
0xbc: {  	v18 =	vperm.xlane v6, v3;
	[tilespmem:v14+s21+$0x0] =	vst.idx.msk $0xff, v16;
	v9 =	vmul.f32 v11, v9  }
0xbd: {  	v6 =	vperm.xlane v6, v4;
	[tilespmem:s8+$0xFFFFFFD8] =	vst v8;
	v8 =	vunpack.i.l.bf16.f32 v20;
	v11 =	vld [tilespmem:s6+$0x30]  }
0xbe: {  	v14 =	vperm.xlane v13, v2;
	v20 =	vunpack.i.u.bf16.f32 v20;
	v8 =	vmul.f32 v18, v8;
	v21 =	vpop (erf);
	[tilespmem:s8+$0x78] =	vst v9  }
0xbf: {  	v6 =	vmul.f32 v6, v20;
	v9 =	vperm.xlane v17, v2;
	[tilespmem:v10+s21+$0x0] =	vst.idx.msk $0xff, v21;
	v18 =	vunpack.i.u.bf16.f32 v19  }
0xc0: {  	[tilespmem:s8+$0x20] =	vst v8;
	v10 =	vperm.xlane v13, v1;
	v14 =	vmul.f32 v14, v18;
	v18 =	vld [tilespmem:s6+$0xFFFFFFA0];
	v8 =	vunpack.i.u.bf16.f32 v12  }
0xc1: {  	v20 =	vperm.xlane v16, v2;
	[tilespmem:s8+$0x30] =	vst v6;
	v6 =	vmul.f32 v9, v8;
	v8 =	vunpack.i.l.bf16.f32 v19  }
0xc2: {  	v9 =	vld [tilespmem:s3+$0xFFFFFFB0];
	v19 =	vperm.xlane v16, v1;
	[tilespmem:s7+$0xFFFFFFC8] =	vst v14;
	v14 =	vunpack.i.u.bf16.f32 v11;
	v8 =	vmul.f32 v10, v8  }
0xc3: {  	v11 =	vunpack.i.l.bf16.f32 v11;
	v10 =	vmul.f32 v20, v14;
	[tilespmem:s7+$0x10] =	vst v6;
	v6 =	vperm.xlane v17, v1  }
0xc4: {  	v14 =	vperm.xlane v21, v2;
	v11 =	vmul.f32 v19, v11;
	[tilespmem:s7+$0xFFFFFFB8] =	vst v8;
	v8 =	vunpack.i.l.bf16.f32 v12  }
0xc5: {  	v12 =	vperm.xlane v21, v1;
	v19 =	vunpack.i.u.bf16.f32 v18;
	[tilespmem:s7+$0x58] =	vst v10;
	v10 =	vld [tilespmem:s6+$0xFFFFFFE0];
	v6 =	vmul.f32 v6, v8  }
0xc6: {  	v18 =	vunpack.i.l.bf16.f32 v18;
	v8 =	vperm.xlane v7, v4;
	v14 =	vmul.f32 v14, v19;
	[tilespmem:s7+$0x48] =	vst v11  }
0xc7: {  	v5 =	vperm.xlane v5, v3;
	v11 =	vunpack.i.u.bf16.f32 v9;
	v12 =	vmul.f32 v12, v18;
	[tilespmem:s7+$0x0] =	vst v6;
	v6 =	vld [tilespmem:s6+$0x40]  }
0xc8: {  	v7 =	vperm.xlane v7, v3;
	v8 =	vmul.f32 v8, v11;
	v11 =	vunpack.i.l.bf16.f32 v15;
	[tilespmem:s7+$0xFFFFFF80] =	vst v14;
	v14 =	vld [tilespmem:s6+$0x10]  }
0xc9: {  	v9 =	vunpack.i.l.bf16.f32 v9;
	v15 =	vperm.xlane v13, v4;
	v5 =	vmul.f32 v5, v11;
	[tilespmem:s7+$0xFFFFFF70] =	vst v12  }
0xca: {  	v7 =	vmul.f32 v7, v9;
	v9 =	vperm.xlane v13, v3;
	[tilespmem:s8+$0xFFFFFFA0] =	vst v8;
	v11 =	vld [tilespmem:s6+$0xFFFFFFB0];
	v8 =	vunpack.i.u.bf16.f32 v10  }
0xcb: {  	v12 =	vperm.xlane v16, v4;
	[tilespmem:s8+$0x68] =	vst v5;
	v5 =	vmul.f32 v15, v8;
	v8 =	vunpack.i.l.bf16.f32 v10  }
0xcc: {  	[tilespmem:s8+$0xFFFFFF90] =	vst v7;
	v7 =	vmul.f32 v9, v8;
	v8 =	vperm.xlane v17, v3;
	v9 =	vunpack.i.u.bf16.f32 v6  }
0xcd: {  	v10 =	vperm.xlane v17, v4;
	[tilespmem:s7+$0xFFFFFFE8] =	vst v5;
	v5 =	vunpack.i.l.bf16.f32 v14;
	v9 =	vmul.f32 v12, v9  }
0xce: {  	v12 =	vperm.xlane v21, v4;
	[tilespmem:s7+$0xFFFFFFD8] =	vst v7;
	v7 =	vunpack.i.u.bf16.f32 v14;
	v5 =	vmul.f32 v8, v5  }
0xcf: {  	v8 =	vperm.xlane v16, v3;
	v13 =	vunpack.i.u.bf16.f32 v11;
	v7 =	vmul.f32 v10, v7;
	[tilespmem:s7+$0x78] =	vst v9  }
0xd0: {  	v6 =	vunpack.i.l.bf16.f32 v6;
	v9 =	vperm.xlane v21, v3;
	v10 =	vmul.f32 v12, v13;
	[tilespmem:s7+$0x20] =	vst v5  }
0xd1: {  	s17 =	smul.u32 $0x680, s12;
	v5 =	vunpack.i.l.bf16.f32 v11;
	v6 =	vmul.f32 v8, v6;
	[tilespmem:s7+$0x30] =	vst v7  }
0xd2: {  	[tilespmem:s7+$0xFFFFFFA0] =	vst v10;
	v5 =	vmul.f32 v9, v5  }
0xd3: {  	p1 =	seq.s32 s12, $0x18;
	s6 =	sshra.s32 s17, $0x2;
	[tilespmem:s7+$0x68] =	vst v6  }
0xd4: {  	s3 =	smul.u32 @!p1 $0x1A0, s12;
	s31 =	sadd.s32 $0x28A0, s6;
	[tilespmem:s7+$0xFFFFFF90] =	vst v5  }
0xd5: {  	[spmem:s2] =	stream.indirect.scatter.add.f32 [tilespmem:s21], [sflag:$0x9], $0x48, s31, s18, $0xb8;
	[tilespmem:$0x1D588] =	vst v63  }
0xd6: {  	s9 =	simm.s32 @!p1 $0x5140;
	s8 =	simm.s32 @!p1 $0x64;
	s7 =	sadd.s32 @!p1 $0x1A0, s3  }
0xd7: {  	[tilespmem:s9], [sflag:$0x1] =	stream.indirect.gather @!p1 [hbm4b:s4+s8], $0x30, s7, s8, $0xb8;
	[tilespmem:$0x1D588] =	vst v63  }
0xd8: {  	s7 =	sadd.s32 @!p1 $0x2A40, s3;
	s9 =	simm.s32 @!p1 $0x9C40  }
0xd9: {  	[tilespmem:s9], [sflag:$0x5] =	stream.indirect.gather @!p1 [hbm4b:s5+s8], $0x10, s7, s8, $0xb8;
	[tilespmem:$0x1D588] =	vst v63  }
0xda: {  	_ =	swait.ge [sflag:s22], $0x12C0  }
0xdb: {  	[sflag:s22] =	ssyncset.done $0x0  }
0xdc: {  	[sflag:s22] =	ssyncadd.s32 $0xFFFFED40  }
0xdd: {  	_ =	swait.ge [sflag:s23], $0x640  }
0xde: {  	[sflag:s23] =	ssyncset.done $0x0  }
0xdf: {  	s7 =	simm.s32 @!p2 $0xA;
	[sflag:s23] =	ssyncadd.s32 $0xFFFFF9C0  }
0xe0: {  	_ =	swait.ge @!p2 [sflag:s7], $0x1C20  }
0xe1: {  	[sflag:s7] =	ssyncset.done @!p2 $0x0  }
0xe2: {  	[sflag:s7] =	ssyncadd.s32 @!p2 $0xFFFFE3E0;
	s7 =	simm.s32 $0x64B0  }
0xe3: {  	v5 =	vld [tilespmem:s7+$0x0]  }
0xe4: {  	s1 =	simm.s32 $0xA2B0;
	v6 =	vld [tilespmem:s7+$0xFFFFFFA0]  }
0xe5: {  	v7 =	vld [tilespmem:s1+$0xFFFFFFE0]  }
0xe6: {  	v8 =	vld [tilespmem:s1+$0x0]  }
0xe7: {  	v9 =	vld [tilespmem:s7+$0xFFFFFF70]  }
0xe8: {  	v10 =	vld [tilespmem:s7+$0xFFFFFFD0]  }
0xe9: {  	v11 =	vld [tilespmem:s1+$0xFFFFFFF0]  }
0xea: {  	v12 =	vld [tilespmem:s1+$0xFFFFFFD0];
	v5 =	vunpack.i.l.bf16.f32 v5  }
0xeb: {  	s9 =	simm.s32 $0x1;
	v6 =	vunpack.i.l.bf16.f32 v6;
	v5 =	vadd.f32 v8, v5  }
0xec: {  	v8 =	vmov s9;
	v6 =	vadd.f32 v7, v6  }
0xed: {  	v7 =	vunpack.i.l.bf16.f32 v9;
	v9 =	vunpack.i.l.bf16.f32 v10;
	v10 =	vmul.f32 $2.000000030e-01, v5  }
0xee: {  	v9 =	vadd.f32 v11, v9;
	vm0 =	vge.f32 v5, $0.0e+00;
	v11 =	vmul.f32 $2.000000030e-01, v6  }
0xef: {  	v7 =	vadd.f32 v12, v7;
	vm1 =	vge.f32 v6, $0.0e+00;
	v5 =	vsel vm0, v5, v10  }
0xf0: {  	v10 =	vmul.f32 $2.000000030e-01, v9;
	v6 =	vsel vm1, v6, v11;
	v5 =	vmul.f32 $1.442695020e+00, v5  }
0xf1: {  	vm11 =	vge.f32 v9, $0.0e+00;
	v11 =	vmul.f32 $2.000000030e-01, v7;
	v6 =	vmul.f32 $1.442695020e+00, v6  }
0xf2: {  	vm12 =	vge.f32 v7, $0.0e+00;
	(erf) = vpow2.f32 v5;
	v5 =	vsel vm11, v9, v10  }
0xf3: {  	(erf) = vpow2.f32 v6;
	v5 =	vmul.f32 $1.442695020e+00, v5;
	v6 =	vsel vm12, v7, v11  }
0xf4: {  	s10 =	simm.s32 $0x3;
	v7 =	vmul.u32 $0x48, v8;
	v6 =	vmul.f32 $1.442695020e+00, v6  }
0xf5: {  	s11 =	simm.s32 $0x0;
	v8 =	vmov s10;
	(erf) = vpow2.f32 v5  }
0xf6: {  	s13 =	simm.s32 $0x2;
	v5 =	vbroadcast v7, $0x0;
	v7 =	vmov s11;
	(erf) = vpow2.f32 v6  }
0xf7: {  	v6 =	vmul.u32 $0x48, v8;
	v8 =	vmov s13;
	v7 =	vmul.u32 $0x48, v7  }
0xf8: {  	s16 =	simm.s32 $0x6;
	s17 =	simm.s32 $0x6570;
	v8 =	vmul.u32 $0x48, v8  }
0xf9: {  	v15 =	vmov s16;
	v17 =	vld [tilespmem:s17+$0xFFFFFF70];
	v11 =	vadd.s32 v0, v5;
	v5 =	vbroadcast v7, $0x0  }
0xfa: {  	s14 =	simm.s32 $0x5;
	s15 =	simm.s32 $0x7;
	v15 =	vmul.u32 $0x48, v15;
	v12 =	vld [tilespmem:s17+$0xFFFFFFA0];
	s11 =	simm.s32 $0xA2F0;
	v8 =	vbroadcast v8, $0x0  }
0xfb: {  	v9 =	vmov s15;
	v13 =	vbroadcast v6, $0x0;
	v7 =	vld [tilespmem:s11+$0xFFFFFFE0];
	v6 =	vmov s14  }
0xfc: {  	v21 =	vld [tilespmem:s17+$0xFFFFFFD0];
	v9 =	vmul.u32 $0x48, v9;
	v6 =	vmul.u32 $0x48, v6  }
0xfd: {  	v27 =	vbroadcast v15, $0x0;
	v14 =	vld [tilespmem:s11+$0xFFFFFFF0];
	v18 =	vadd.s32 v0, v5;
	v19 =	vadd.s32 v0, v8;
	v5 =	vpop (erf)  }
0xfe: {  	v10 =	vld [tilespmem:s17+$0x0];
	v22 =	vbroadcast v9, $0x0;
	v26 =	vadd.s32 v0, v13;
	v20 =	vbroadcast v6, $0x0;
	v8 =	vpop (erf)  }
0xff: {  	v24 =	vperm.xlane v5, v2;
	v16 =	vperm.xlane v5, v1;
	[tilespmem:v11+s24+$0x0] =	vst.idx.msk $0xff, v8;
	v11 =	vunpack.i.l.bf16.f32 v12;
	v12 =	vld [tilespmem:s11+$0xFFFFFFD0]  }
0x100: {  	v9 =	vperm.xlane v8, v4;
	v23 =	vperm.xlane v8, v1;
	v6 =	vpop (erf);
	v25 =	vadd.f32 v7, v11;
	v11 =	vld [tilespmem:s11+$0x0]  }
0x101: {  	v21 =	vunpack.i.l.bf16.f32 v21;
	v28 =	vperm.xlane v8, v2;
	v29 =	vld [tilespmem:s7+$0xFFFFFF80];
	v30 =	vperm.xlane v6, v2  }
0x102: {  	v17 =	vunpack.i.l.bf16.f32 v17;
	v7 =	vpop (erf);
	v63 =	vperm.xlane v6, v1;
	[tilespmem:v19+s24+$0x0] =	vst.idx.msk $0xff, v6;
	v19 =	vadd.f32 v14, v21  }
0x103: {  	v10 =	vunpack.i.l.bf16.f32 v10;
	[tilespmem:v26+s24+$0x0] =	vst.idx.msk $0xff, v5;
	v13 =	vperm.xlane v7, v1;
	v15 =	vperm.xlane v7, v2  }
0x104: {  	v32 =	vld [tilespmem:s7+$0xFFFFFFE0];
	vm13 =	vge.f32 v25, $0.0e+00;
	v60 =	vmul.f32 $2.000000030e-01, v19;
	vm14 =	vge.f32 v19, $0.0e+00  }
0x105: {  	s31 =	simm.s32 $0x4;
	v31 =	vld [tilespmem:s7+$0xFFFFFFB0];
	v21 =	vadd.f32 v12, v17;
	v17 =	vadd.s32 v0, v20;
	v10 =	vadd.f32 v11, v10  }
0x106: {  	v20 =	vmul.f32 $2.000000030e-01, v25;
	v11 =	vmov s31;
	v12 =	vunpack.i.u.bf16.f32 v29  }
0x107: {  	v11 =	vmul.u32 $0x48, v11;
	v28 =	vmul.f32 v28, v12;
	v12 =	vmul.f32 $2.000000030e-01, v10  }
0x108: {  	v19 =	vsel vm14, v19, v60;
	v20 =	vsel vm13, v25, v20;
	vm2 =	vge.f32 v10, $0.0e+00  }
0x109: {  	v61 =	vunpack.i.u.bf16.f32 v32;
	v14 =	vbroadcast v11, $0x0;
	v12 =	vsel vm2, v10, v12  }
0x10a: {  	[tilespmem:v18+s24+$0x0] =	vst.idx.msk $0xff, v7;
	v62 =	vmul.f32 $2.000000030e-01, v21;
	v18 =	vunpack.i.u.bf16.f32 v31;
	v33 =	vmul.f32 $1.442695020e+00, v12  }
0x10b: {  	v20 =	vmul.f32 $1.442695020e+00, v20;
	v10 =	vadd.s32 v0, v14;
	v14 =	vadd.s32 v0, v22;
	v22 =	vld [tilespmem:s7+$0xFFFFFF50]  }
0x10c: {  	vm15 =	vge.f32 v21, $0.0e+00;
	v18 =	vmul.f32 v30, v18;
	(erf) = vpow2.f32 v33  }
0x10d: {  	s9 =	simm.s32 $0xD268;
	v19 =	vmul.f32 $1.442695020e+00, v19;
	(erf) = vpow2.f32 v20;
	v20 =	vunpack.i.l.bf16.f32 v29  }
0x10e: {  	v24 =	vmul.f32 v24, v61;
	[tilespmem:s9+$0xFFFFFF98] =	vst v18;
	v18 =	vsel vm15, v21, v62;
	v23 =	vmul.f32 v23, v20  }
0x10f: {  	v11 =	vperm.xlane v5, v4;
	[tilespmem:s9+$0xFFFFFF50] =	vst v28;
	v12 =	vadd.s32 v0, v27;
	v21 =	vmul.f32 $1.442695020e+00, v18  }
0x110: {  	(erf) = vpow2.f32 v19;
	v19 =	vunpack.i.l.bf16.f32 v31;
	v20 =	vunpack.i.u.bf16.f32 v22;
	[tilespmem:s9+$0xFFFFFF40] =	vst v23  }
0x111: {  	s8 =	simm.s32 $0xD388;
	s10 =	simm.s32 $0x8;
	s13 =	simm.s32 $0x6630;
	[tilespmem:s9+$0xFFFFFFE0] =	vst v24;
	v22 =	vunpack.i.l.bf16.f32 v22;
	v19 =	vmul.f32 v63, v19;
	v23 =	vunpack.i.l.bf16.f32 v32;
	v18 =	vld [tilespmem:s7+$0xFFFFFF90]  }
.LBB2_5:
0x112: {  	s16 =	sadd.s32 $0x3, s10  }
0x113: {  	v24 =	vld [tilespmem:s13+$0x0];
	s11 =	sadd.s32 $0x40, s11;
	v15 =	vmul.f32 v15, v20;
	v16 =	vmul.f32 v16, v23;
	s15 =	smov.u32 s10;
	s14 =	sadd.s32 $0x4, s10  }
0x114: {  	p3 =	slt.u32 s10, $0x60;
	v13 =	vmul.f32 v13, v22;
	v20 =	vld [tilespmem:s13+$0xFFFFFFA0];
	s31 =	sadd.s32 $0x1, s15;
	v23 =	vmov s16;
	(erf) = vpow2.f32 v21  }
0x115: {  	v25 =	vperm.xlane v7, v3;
	v26 =	vperm.xlane v5, v3;
	v21 =	vld [tilespmem:s11+$0xFFFFFFE0];
	v22 =	vmov s31;
	[tilespmem:s9+$0xFFFFFF08] =	vst v15;
	v5 =	vpop (erf)  }
0x116: {  	v27 =	vperm.xlane v7, v4;
	v28 =	vperm.xlane v6, v4;
	v15 =	vmul.u32 $0x48, v22;
	v22 =	vld [tilespmem:s11+$0xFFFFFFF0];
	[tilespmem:s9+$0xFFFFFEF8] =	vst v13  }
0x117: {  	s10 =	sadd.s32 $0x2, s15;
	v36 =	vmul.u32 $0x48, v23;
	v23 =	vperm.xlane v8, v3;
	v29 =	vld [tilespmem:s13+$0xFFFFFF70];
	v13 =	vunpack.i.u.bf16.f32 v18;
	v8 =	vpop (erf);
	[tilespmem:s9+$0xFFFFFF88] =	vst v19  }
0x118: {  	v19 =	vbroadcast v15, $0x0;
	v15 =	vmov s10;
	v30 =	vld [tilespmem:s7+$0xFFFFFF60];
	v13 =	vmul.f32 v9, v13;
	[tilespmem:s9+$0xFFFFFFD0] =	vst v16  }
0x119: {  	v31 =	vbroadcast v36, $0x0;
	v9 =	vperm.xlane v8, v4;
	v15 =	vmul.u32 $0x48, v15;
	v32 =	vld [tilespmem:s7+$0xFFFFFFC0]  }
0x11a: {  	v35 =	vperm.xlane v5, v2;
	v34 =	vperm.xlane v8, v1;
	v16 =	vunpack.i.l.bf16.f32 v18;
	v33 =	vld [tilespmem:s13+$0xFFFFFFD0];
	[tilespmem:v17+s24+$0x0] =	vst.idx.msk $0xff, v8;
	v7 =	vpop (erf)  }
0x11b: {  	v17 =	vunpack.i.l.bf16.f32 v20;
	v20 =	vperm.xlane v8, v2;
	v18 =	vbroadcast v15, $0x0;
	[tilespmem:s9+$0xFFFFFF70] =	vst v13;
	v36 =	vld [tilespmem:s7+$0xFFFFFFF0];
	s7 =	smov.u32 s17;
	s17 =	smov.u32 s13  }
0x11c: {  	v21 =	vadd.f32 v21, v17;
	v17 =	vmul.f32 v23, v16;
	v23 =	vperm.xlane v6, v3;
	v6 =	vmovc v7;
	v37 =	vld [tilespmem:s7+$0xFFFFFF80]  }
0x11d: {  	v39 =	vperm.xlane v6, v2;
	v38 =	vld [tilespmem:s11+$0xFFFFFFD0];
	v7 =	vpop (erf);
	v40 =	vunpack.i.u.bf16.f32 v30;
	v30 =	vunpack.i.l.bf16.f32 v30  }
0x11e: {  	vm0 =	vge.f32 v21, $0.0e+00;
	v41 =	vld [tilespmem:s11+$0x0];
	v13 =	vperm.xlane v7, v1;
	v15 =	vperm.xlane v7, v2;
	[tilespmem:v14+s24+$0x0] =	vst.idx.msk $0xff, v5  }
0x11f: {  	v16 =	vperm.xlane v5, v1;
	v14 =	vmul.f32 v27, v40;
	[tilespmem:s9+$0xFFFFFF60] =	vst v17;
	v17 =	vunpack.i.u.bf16.f32 v32  }
0x120: {  	v27 =	vunpack.i.l.bf16.f32 v29;
	v29 =	vunpack.i.l.bf16.f32 v33;
	v33 =	vunpack.i.l.bf16.f32 v36  }
0x121: {  	v24 =	vunpack.i.l.bf16.f32 v24;
	[tilespmem:v12+s24+$0x0] =	vst.idx.msk $0xff, v6;
	v12 =	vunpack.i.l.bf16.f32 v32;
	v32 =	vunpack.i.u.bf16.f32 v36  }
0x122: {  	v22 =	vadd.f32 v22, v29;
	v27 =	vadd.f32 v38, v27;
	v11 =	vmul.f32 v11, v32  }
0x123: {  	v17 =	vmul.f32 v28, v17;
	v12 =	vmul.f32 v23, v12;
	v24 =	vadd.f32 v41, v24;
	v29 =	vld [tilespmem:s7+$0xFFFFFFB0]  }
0x124: {  	v28 =	vunpack.i.u.bf16.f32 v37;
	v26 =	vmul.f32 v26, v33;
	v23 =	vmov s15;
	[tilespmem:s9+$0x0] =	vst v11  }
0x125: {  	v20 =	vmul.f32 v20, v28;
	v11 =	vmul.u32 $0x48, v23;
	v23 =	vmul.f32 $2.000000030e-01, v22;
	[tilespmem:s9+$0xFFFFFFA8] =	vst v12  }
0x126: {  	vm1 =	vge.f32 v22, $0.0e+00;
	vm2 =	vge.f32 v24, $0.0e+00;
	v12 =	vmul.f32 $2.000000030e-01, v24;
	v28 =	vld [tilespmem:s7+$0xFFFFFFE0];
	[tilespmem:s9+$0xFFFFFFB8] =	vst v17  }
0x127: {  	v32 =	vbroadcast v11, $0x0;
	v17 =	vadd.s32 v0, v19;
	v11 =	vperm.xlane v5, v4;
	[tilespmem:v10+s24+$0x0] =	vst.idx.msk $0xff, v7  }
0x128: {  	v19 =	vmul.f32 $2.000000030e-01, v21;
	v24 =	vsel vm2, v24, v12;
	v33 =	vunpack.i.u.bf16.f32 v29;
	[tilespmem:s9+$0xFFFFFF28] =	vst v14  }
0x129: {  	v12 =	vadd.s32 v0, v18;
	v10 =	vadd.s32 v0, v32;
	v18 =	vmul.f32 $1.442695020e+00, v24;
	[tilespmem:s8+$0xFFFFFF50] =	vst v20  }
0x12a: {  	v19 =	vsel vm0, v21, v19;
	v14 =	vadd.s32 v0, v31;
	v20 =	vmul.f32 v25, v30;
	v24 =	vld [tilespmem:s7+$0xFFFFFF50];
	[tilespmem:s9+$0xFFFFFFF0] =	vst v26  }
0x12b: {  	v19 =	vmul.f32 $1.442695020e+00, v19;
	(erf) = vpow2.f32 v18;
	v18 =	vunpack.i.u.bf16.f32 v28  }
0x12c: {  	v22 =	vsel vm1, v22, v23;
	v21 =	vmul.f32 $2.000000030e-01, v27;
	v23 =	vmul.f32 v39, v33;
	[tilespmem:s9+$0xFFFFFF18] =	vst v20;
	s9 =	smov.u32 s8  }
.Ltmp3:
0x12d: {  	v18 =	vmul.f32 v35, v18;
	(erf) = vpow2.f32 v19;
	v19 =	vunpack.i.l.bf16.f32 v37;
	(pc) =	sbr.rel @p3 .LBB2_5-.Ltmp3, $4  }
0x12e: {  	v22 =	vmul.f32 $1.442695020e+00, v22;
	vm0 =	vge.f32 v27, $0.0e+00;
	v19 =	vmul.f32 v34, v19;
	[tilespmem:s8+$0xFFFFFF98] =	vst v23  }
0x12f: {  	v25 =	vperm.xlane v6, v1;
	v21 =	vsel vm0, v27, v21;
	v20 =	vunpack.i.u.bf16.f32 v24;
	[tilespmem:s8+$0xFFFFFFE0] =	vst v18  }
0x130: {  	v23 =	vunpack.i.l.bf16.f32 v28;
	(erf) = vpow2.f32 v22;
	[tilespmem:s8+$0xFFFFFF40] =	vst v19;
	v19 =	vunpack.i.l.bf16.f32 v29  }
0x131: {  	s10 =	smov.u32 s14;
	s13 =	sadd.s32 $0xC0, s13;
	v21 =	vmul.f32 $1.442695020e+00, v21;
	v22 =	vunpack.i.l.bf16.f32 v24;
	s8 =	sadd.s32 $0x120, s8;
	v18 =	vld [tilespmem:s7+$0xFFFFFF90];
	v19 =	vmul.f32 v25, v19  }
0x132: {  	_ = 	snop  }
0x133: {  	v16 =	vmul.f32 v16, v23  }
0x134: {  	v15 =	vmul.f32 v15, v20;
	v13 =	vmul.f32 v13, v22  }
0x135: {  	(erf) = vpow2.f32 v21;
	[tilespmem:s9+$0xFFFFFFD0] =	vst v16  }
0x136: {  	[tilespmem:s9+$0xFFFFFF08] =	vst v15;
	v15 =	vld [tilespmem:s7+$0xFFFFFFF0]  }
0x137: {  	[tilespmem:s9+$0xFFFFFF88] =	vst v19;
	v16 =	vpop (erf)  }
0x138: {  	[tilespmem:s9+$0xFFFFFEF8] =	vst v13;
	v20 =	vld [tilespmem:s7+$0xFFFFFFC0];
	v19 =	vunpack.i.u.bf16.f32 v18;
	v13 =	vpop (erf)  }
0x139: {  	v8 =	vperm.xlane v8, v3;
	v9 =	vmul.f32 v9, v19;
	[tilespmem:v17+s24+$0x0] =	vst.idx.msk $0xff, v13;
	v17 =	vpop (erf)  }
0x13a: {  	v18 =	vunpack.i.l.bf16.f32 v18;
	v19 =	vld [tilespmem:s17+$0xFFFFFF80];
	[tilespmem:v12+s24+$0x0] =	vst.idx.msk $0xff, v17  }
0x13b: {  	v8 =	vmul.f32 v8, v18;
	[tilespmem:s9+$0xFFFFFF70] =	vst v9;
	v9 =	vunpack.i.u.bf16.f32 v15;
	v12 =	vld [tilespmem:s17+$0xFFFFFFB0]  }
0x13c: {  	v18 =	vperm.xlane v6, v3;
	[tilespmem:v14+s24+$0x0] =	vst.idx.msk $0xff, v16;
	v9 =	vmul.f32 v11, v9  }
0x13d: {  	v6 =	vperm.xlane v6, v4;
	[tilespmem:s9+$0xFFFFFF60] =	vst v8;
	v8 =	vunpack.i.l.bf16.f32 v20;
	v11 =	vld [tilespmem:s17+$0xFFFFFFE0]  }
0x13e: {  	v14 =	vperm.xlane v13, v2;
	v20 =	vunpack.i.u.bf16.f32 v20;
	v8 =	vmul.f32 v18, v8;
	v21 =	vpop (erf);
	[tilespmem:s9+$0x0] =	vst v9  }
0x13f: {  	v6 =	vmul.f32 v6, v20;
	v9 =	vperm.xlane v17, v2;
	[tilespmem:v10+s24+$0x0] =	vst.idx.msk $0xff, v21;
	v18 =	vunpack.i.u.bf16.f32 v19  }
0x140: {  	[tilespmem:s9+$0xFFFFFFA8] =	vst v8;
	v10 =	vperm.xlane v13, v1;
	v14 =	vmul.f32 v14, v18;
	v18 =	vld [tilespmem:s17+$0xFFFFFF50];
	v8 =	vunpack.i.u.bf16.f32 v12  }
0x141: {  	v20 =	vperm.xlane v16, v2;
	[tilespmem:s9+$0xFFFFFFB8] =	vst v6;
	v6 =	vmul.f32 v9, v8;
	v8 =	vunpack.i.l.bf16.f32 v19  }
0x142: {  	v9 =	vld [tilespmem:s7+$0xFFFFFF60];
	v19 =	vperm.xlane v16, v1;
	[tilespmem:s8+$0xFFFFFF50] =	vst v14;
	v14 =	vunpack.i.u.bf16.f32 v11;
	v8 =	vmul.f32 v10, v8  }
0x143: {  	v11 =	vunpack.i.l.bf16.f32 v11;
	v10 =	vmul.f32 v20, v14;
	[tilespmem:s8+$0xFFFFFF98] =	vst v6;
	v6 =	vperm.xlane v17, v1  }
0x144: {  	v14 =	vperm.xlane v21, v2;
	v11 =	vmul.f32 v19, v11;
	[tilespmem:s8+$0xFFFFFF40] =	vst v8;
	v8 =	vunpack.i.l.bf16.f32 v12  }
0x145: {  	v12 =	vperm.xlane v21, v1;
	v19 =	vunpack.i.u.bf16.f32 v18;
	[tilespmem:s8+$0xFFFFFFE0] =	vst v10;
	v10 =	vld [tilespmem:s17+$0xFFFFFF90];
	v6 =	vmul.f32 v6, v8  }
0x146: {  	v18 =	vunpack.i.l.bf16.f32 v18;
	v8 =	vperm.xlane v7, v4;
	v14 =	vmul.f32 v14, v19;
	[tilespmem:s8+$0xFFFFFFD0] =	vst v11  }
0x147: {  	v5 =	vperm.xlane v5, v3;
	v11 =	vunpack.i.u.bf16.f32 v9;
	v12 =	vmul.f32 v12, v18;
	[tilespmem:s8+$0xFFFFFF88] =	vst v6;
	v6 =	vld [tilespmem:s17+$0xFFFFFFF0]  }
0x148: {  	v7 =	vperm.xlane v7, v3;
	v8 =	vmul.f32 v8, v11;
	v11 =	vunpack.i.l.bf16.f32 v15;
	[tilespmem:s8+$0xFFFFFF08] =	vst v14;
	v14 =	vld [tilespmem:s17+$0xFFFFFFC0]  }
0x149: {  	v9 =	vunpack.i.l.bf16.f32 v9;
	v15 =	vperm.xlane v13, v4;
	v5 =	vmul.f32 v5, v11;
	[tilespmem:s8+$0xFFFFFEF8] =	vst v12  }
0x14a: {  	v7 =	vmul.f32 v7, v9;
	v9 =	vperm.xlane v13, v3;
	[tilespmem:s9+$0xFFFFFF28] =	vst v8;
	v11 =	vld [tilespmem:s17+$0xFFFFFF60];
	v8 =	vunpack.i.u.bf16.f32 v10  }
0x14b: {  	v12 =	vperm.xlane v16, v4;
	[tilespmem:s9+$0xFFFFFFF0] =	vst v5;
	v5 =	vmul.f32 v15, v8;
	v8 =	vunpack.i.l.bf16.f32 v10  }
0x14c: {  	[tilespmem:s9+$0xFFFFFF18] =	vst v7;
	v7 =	vmul.f32 v9, v8;
	v8 =	vperm.xlane v17, v3;
	v9 =	vunpack.i.u.bf16.f32 v6  }
0x14d: {  	v10 =	vperm.xlane v17, v4;
	[tilespmem:s8+$0xFFFFFF70] =	vst v5;
	v5 =	vunpack.i.l.bf16.f32 v14;
	v9 =	vmul.f32 v12, v9  }
0x14e: {  	v12 =	vperm.xlane v21, v4;
	[tilespmem:s8+$0xFFFFFF60] =	vst v7;
	v7 =	vunpack.i.u.bf16.f32 v14;
	v5 =	vmul.f32 v8, v5  }
0x14f: {  	v8 =	vperm.xlane v16, v3;
	v13 =	vunpack.i.u.bf16.f32 v11;
	v7 =	vmul.f32 v10, v7;
	[tilespmem:s8+$0x0] =	vst v9  }
0x150: {  	v6 =	vunpack.i.l.bf16.f32 v6;
	v9 =	vperm.xlane v21, v3;
	v10 =	vmul.f32 v12, v13;
	[tilespmem:s8+$0xFFFFFFA8] =	vst v5  }
0x151: {  	v5 =	vunpack.i.l.bf16.f32 v11;
	v6 =	vmul.f32 v8, v6;
	[tilespmem:s8+$0xFFFFFFB8] =	vst v7  }
0x152: {  	[tilespmem:s8+$0xFFFFFF28] =	vst v10;
	v5 =	vmul.f32 v9, v5  }
0x153: {  	[tilespmem:s8+$0xFFFFFFF0] =	vst v6  }
0x154: {  	s31 =	sadd.s32 $0x2908, s6;
	[tilespmem:s8+$0xFFFFFF18] =	vst v5  }
0x155: {  	[spmem:s2] =	stream.indirect.scatter.add.f32 [tilespmem:s24], [sflag:$0xA], $0x48, s31, s18, $0xb8;
	[tilespmem:$0x1D588] =	vst v63  }
0x156: {  	s7 =	sadd.s32 @!p1 $0x208, s3;
	s9 =	simm.s32 @!p1 $0x6400;
	s8 =	simm.s32 @!p1 $0x64  }
0x157: {  	[tilespmem:s9], [sflag:$0x2] =	stream.indirect.gather @!p1 [hbm4b:s4+s8], $0x30, s7, s8, $0xb8;
	[tilespmem:$0x1D588] =	vst v63  }
0x158: {  	s7 =	sadd.s32 @!p1 $0x2AA8, s3;
	s9 =	simm.s32 @!p1 $0xA280  }
0x159: {  	[tilespmem:s9], [sflag:$0x6] =	stream.indirect.gather @!p1 [hbm4b:s5+s8], $0x10, s7, s8, $0xb8;
	[tilespmem:$0x1D588] =	vst v63  }
0x15a: {  	_ =	swait.ge [sflag:s25], $0x12C0  }
0x15b: {  	[sflag:s25] =	ssyncset.done $0x0  }
0x15c: {  	[sflag:s25] =	ssyncadd.s32 $0xFFFFED40  }
0x15d: {  	_ =	swait.ge [sflag:s26], $0x640  }
0x15e: {  	[sflag:s26] =	ssyncset.done $0x0  }
0x15f: {  	s7 =	simm.s32 @!p2 $0xB;
	[sflag:s26] =	ssyncadd.s32 $0xFFFFF9C0  }
0x160: {  	_ =	swait.ge @!p2 [sflag:s7], $0x1C20  }
0x161: {  	[sflag:s7] =	ssyncset.done @!p2 $0x0  }
0x162: {  	[sflag:s7] =	ssyncadd.s32 @!p2 $0xFFFFE3E0;
	s7 =	simm.s32 $0x7770  }
0x163: {  	v5 =	vld [tilespmem:s7+$0x0]  }
0x164: {  	s1 =	simm.s32 $0xA8F0;
	v6 =	vld [tilespmem:s7+$0xFFFFFFA0]  }
0x165: {  	v7 =	vld [tilespmem:s1+$0xFFFFFFE0]  }
0x166: {  	v8 =	vld [tilespmem:s1+$0x0]  }
0x167: {  	v9 =	vld [tilespmem:s7+$0xFFFFFF70]  }
0x168: {  	v10 =	vld [tilespmem:s7+$0xFFFFFFD0]  }
0x169: {  	v11 =	vld [tilespmem:s1+$0xFFFFFFF0]  }
0x16a: {  	v12 =	vld [tilespmem:s1+$0xFFFFFFD0];
	v5 =	vunpack.i.l.bf16.f32 v5  }
0x16b: {  	s9 =	simm.s32 $0x1;
	v6 =	vunpack.i.l.bf16.f32 v6;
	v5 =	vadd.f32 v8, v5  }
0x16c: {  	v8 =	vmov s9;
	v6 =	vadd.f32 v7, v6  }
0x16d: {  	v7 =	vunpack.i.l.bf16.f32 v9;
	v9 =	vunpack.i.l.bf16.f32 v10;
	v10 =	vmul.f32 $2.000000030e-01, v5  }
0x16e: {  	v9 =	vadd.f32 v11, v9;
	vm0 =	vge.f32 v5, $0.0e+00;
	v11 =	vmul.f32 $2.000000030e-01, v6  }
0x16f: {  	v7 =	vadd.f32 v12, v7;
	vm1 =	vge.f32 v6, $0.0e+00;
	v5 =	vsel vm0, v5, v10  }
0x170: {  	v10 =	vmul.f32 $2.000000030e-01, v9;
	v6 =	vsel vm1, v6, v11;
	v5 =	vmul.f32 $1.442695020e+00, v5  }
0x171: {  	vm11 =	vge.f32 v9, $0.0e+00;
	v11 =	vmul.f32 $2.000000030e-01, v7;
	v6 =	vmul.f32 $1.442695020e+00, v6  }
0x172: {  	vm12 =	vge.f32 v7, $0.0e+00;
	(erf) = vpow2.f32 v5;
	v5 =	vsel vm11, v9, v10  }
0x173: {  	(erf) = vpow2.f32 v6;
	v5 =	vmul.f32 $1.442695020e+00, v5;
	v6 =	vsel vm12, v7, v11  }
0x174: {  	s10 =	simm.s32 $0x3;
	v7 =	vmul.u32 $0x48, v8;
	v6 =	vmul.f32 $1.442695020e+00, v6  }
0x175: {  	s11 =	simm.s32 $0x0;
	v8 =	vmov s10;
	(erf) = vpow2.f32 v5  }
0x176: {  	s13 =	simm.s32 $0x2;
	v5 =	vbroadcast v7, $0x0;
	v7 =	vmov s11;
	(erf) = vpow2.f32 v6  }
0x177: {  	v6 =	vmul.u32 $0x48, v8;
	v8 =	vmov s13;
	v7 =	vmul.u32 $0x48, v7  }
0x178: {  	s16 =	simm.s32 $0x6;
	s17 =	simm.s32 $0x7830;
	v8 =	vmul.u32 $0x48, v8  }
0x179: {  	v15 =	vmov s16;
	v17 =	vld [tilespmem:s17+$0xFFFFFF70];
	v11 =	vadd.s32 v0, v5;
	v5 =	vbroadcast v7, $0x0  }
0x17a: {  	s14 =	simm.s32 $0x5;
	s15 =	simm.s32 $0x7;
	v15 =	vmul.u32 $0x48, v15;
	v12 =	vld [tilespmem:s17+$0xFFFFFFA0];
	s11 =	simm.s32 $0xA930;
	v8 =	vbroadcast v8, $0x0  }
0x17b: {  	v9 =	vmov s15;
	v13 =	vbroadcast v6, $0x0;
	v7 =	vld [tilespmem:s11+$0xFFFFFFE0];
	v6 =	vmov s14  }
0x17c: {  	v21 =	vld [tilespmem:s17+$0xFFFFFFD0];
	v9 =	vmul.u32 $0x48, v9;
	v6 =	vmul.u32 $0x48, v6  }
0x17d: {  	v27 =	vbroadcast v15, $0x0;
	v14 =	vld [tilespmem:s11+$0xFFFFFFF0];
	v18 =	vadd.s32 v0, v5;
	v19 =	vadd.s32 v0, v8;
	v5 =	vpop (erf)  }
0x17e: {  	v10 =	vld [tilespmem:s17+$0x0];
	v22 =	vbroadcast v9, $0x0;
	v26 =	vadd.s32 v0, v13;
	v20 =	vbroadcast v6, $0x0;
	v8 =	vpop (erf)  }
0x17f: {  	v24 =	vperm.xlane v5, v2;
	v16 =	vperm.xlane v5, v1;
	[tilespmem:v11+s28+$0x0] =	vst.idx.msk $0xff, v8;
	v11 =	vunpack.i.l.bf16.f32 v12;
	v12 =	vld [tilespmem:s11+$0xFFFFFFD0]  }
0x180: {  	v9 =	vperm.xlane v8, v4;
	v23 =	vperm.xlane v8, v1;
	v6 =	vpop (erf);
	v25 =	vadd.f32 v7, v11;
	v11 =	vld [tilespmem:s11+$0x0]  }
0x181: {  	v21 =	vunpack.i.l.bf16.f32 v21;
	v28 =	vperm.xlane v8, v2;
	v29 =	vld [tilespmem:s7+$0xFFFFFF80];
	v30 =	vperm.xlane v6, v2  }
0x182: {  	v17 =	vunpack.i.l.bf16.f32 v17;
	v7 =	vpop (erf);
	v63 =	vperm.xlane v6, v1;
	[tilespmem:v19+s28+$0x0] =	vst.idx.msk $0xff, v6;
	v19 =	vadd.f32 v14, v21  }
0x183: {  	v10 =	vunpack.i.l.bf16.f32 v10;
	[tilespmem:v26+s28+$0x0] =	vst.idx.msk $0xff, v5;
	v13 =	vperm.xlane v7, v1;
	v15 =	vperm.xlane v7, v2  }
0x184: {  	v32 =	vld [tilespmem:s7+$0xFFFFFFE0];
	vm13 =	vge.f32 v25, $0.0e+00;
	v60 =	vmul.f32 $2.000000030e-01, v19;
	vm14 =	vge.f32 v19, $0.0e+00  }
0x185: {  	s31 =	simm.s32 $0x4;
	v31 =	vld [tilespmem:s7+$0xFFFFFFB0];
	v21 =	vadd.f32 v12, v17;
	v17 =	vadd.s32 v0, v20;
	v10 =	vadd.f32 v11, v10  }
0x186: {  	v20 =	vmul.f32 $2.000000030e-01, v25;
	v11 =	vmov s31;
	v12 =	vunpack.i.u.bf16.f32 v29  }
0x187: {  	v11 =	vmul.u32 $0x48, v11;
	v28 =	vmul.f32 v28, v12;
	v12 =	vmul.f32 $2.000000030e-01, v10  }
0x188: {  	v19 =	vsel vm14, v19, v60;
	v20 =	vsel vm13, v25, v20;
	vm2 =	vge.f32 v10, $0.0e+00  }
0x189: {  	v61 =	vunpack.i.u.bf16.f32 v32;
	v14 =	vbroadcast v11, $0x0;
	v12 =	vsel vm2, v10, v12  }
0x18a: {  	[tilespmem:v18+s28+$0x0] =	vst.idx.msk $0xff, v7;
	v62 =	vmul.f32 $2.000000030e-01, v21;
	v18 =	vunpack.i.u.bf16.f32 v31;
	v33 =	vmul.f32 $1.442695020e+00, v12  }
0x18b: {  	v20 =	vmul.f32 $1.442695020e+00, v20;
	v10 =	vadd.s32 v0, v14;
	v14 =	vadd.s32 v0, v22;
	v22 =	vld [tilespmem:s7+$0xFFFFFF50]  }
0x18c: {  	vm15 =	vge.f32 v21, $0.0e+00;
	v18 =	vmul.f32 v30, v18;
	(erf) = vpow2.f32 v33  }
0x18d: {  	s9 =	simm.s32 $0xEE88;
	v19 =	vmul.f32 $1.442695020e+00, v19;
	(erf) = vpow2.f32 v20;
	v20 =	vunpack.i.l.bf16.f32 v29  }
0x18e: {  	v24 =	vmul.f32 v24, v61;
	[tilespmem:s9+$0xFFFFFF98] =	vst v18;
	v18 =	vsel vm15, v21, v62;
	v23 =	vmul.f32 v23, v20  }
0x18f: {  	v11 =	vperm.xlane v5, v4;
	[tilespmem:s9+$0xFFFFFF50] =	vst v28;
	v12 =	vadd.s32 v0, v27;
	v21 =	vmul.f32 $1.442695020e+00, v18  }
0x190: {  	(erf) = vpow2.f32 v19;
	v19 =	vunpack.i.l.bf16.f32 v31;
	v20 =	vunpack.i.u.bf16.f32 v22;
	[tilespmem:s9+$0xFFFFFF40] =	vst v23  }
0x191: {  	s8 =	simm.s32 $0xEFA8;
	s10 =	simm.s32 $0x8;
	s13 =	simm.s32 $0x78F0;
	[tilespmem:s9+$0xFFFFFFE0] =	vst v24;
	v22 =	vunpack.i.l.bf16.f32 v22;
	v19 =	vmul.f32 v63, v19;
	v23 =	vunpack.i.l.bf16.f32 v32;
	v18 =	vld [tilespmem:s7+$0xFFFFFF90]  }
.LBB2_7:
0x192: {  	s16 =	sadd.s32 $0x3, s10  }
0x193: {  	v24 =	vld [tilespmem:s13+$0x0];
	s11 =	sadd.s32 $0x40, s11;
	v15 =	vmul.f32 v15, v20;
	v16 =	vmul.f32 v16, v23;
	s15 =	smov.u32 s10;
	s14 =	sadd.s32 $0x4, s10  }
0x194: {  	p3 =	slt.u32 s10, $0x60;
	v13 =	vmul.f32 v13, v22;
	v20 =	vld [tilespmem:s13+$0xFFFFFFA0];
	s31 =	sadd.s32 $0x1, s15;
	v23 =	vmov s16;
	(erf) = vpow2.f32 v21  }
0x195: {  	v25 =	vperm.xlane v7, v3;
	v26 =	vperm.xlane v5, v3;
	v21 =	vld [tilespmem:s11+$0xFFFFFFE0];
	v22 =	vmov s31;
	[tilespmem:s9+$0xFFFFFF08] =	vst v15;
	v5 =	vpop (erf)  }
0x196: {  	v27 =	vperm.xlane v7, v4;
	v28 =	vperm.xlane v6, v4;
	v15 =	vmul.u32 $0x48, v22;
	v22 =	vld [tilespmem:s11+$0xFFFFFFF0];
	[tilespmem:s9+$0xFFFFFEF8] =	vst v13  }
0x197: {  	s10 =	sadd.s32 $0x2, s15;
	v36 =	vmul.u32 $0x48, v23;
	v23 =	vperm.xlane v8, v3;
	v29 =	vld [tilespmem:s13+$0xFFFFFF70];
	v13 =	vunpack.i.u.bf16.f32 v18;
	v8 =	vpop (erf);
	[tilespmem:s9+$0xFFFFFF88] =	vst v19  }
0x198: {  	v19 =	vbroadcast v15, $0x0;
	v15 =	vmov s10;
	v30 =	vld [tilespmem:s7+$0xFFFFFF60];
	v13 =	vmul.f32 v9, v13;
	[tilespmem:s9+$0xFFFFFFD0] =	vst v16  }
0x199: {  	v31 =	vbroadcast v36, $0x0;
	v9 =	vperm.xlane v8, v4;
	v15 =	vmul.u32 $0x48, v15;
	v32 =	vld [tilespmem:s7+$0xFFFFFFC0]  }
0x19a: {  	v35 =	vperm.xlane v5, v2;
	v34 =	vperm.xlane v8, v1;
	v16 =	vunpack.i.l.bf16.f32 v18;
	v33 =	vld [tilespmem:s13+$0xFFFFFFD0];
	[tilespmem:v17+s28+$0x0] =	vst.idx.msk $0xff, v8;
	v7 =	vpop (erf)  }
0x19b: {  	v17 =	vunpack.i.l.bf16.f32 v20;
	v20 =	vperm.xlane v8, v2;
	v18 =	vbroadcast v15, $0x0;
	[tilespmem:s9+$0xFFFFFF70] =	vst v13;
	v36 =	vld [tilespmem:s7+$0xFFFFFFF0];
	s7 =	smov.u32 s17;
	s17 =	smov.u32 s13  }
0x19c: {  	v21 =	vadd.f32 v21, v17;
	v17 =	vmul.f32 v23, v16;
	v23 =	vperm.xlane v6, v3;
	v6 =	vmovc v7;
	v37 =	vld [tilespmem:s7+$0xFFFFFF80]  }
0x19d: {  	v39 =	vperm.xlane v6, v2;
	v38 =	vld [tilespmem:s11+$0xFFFFFFD0];
	v7 =	vpop (erf);
	v40 =	vunpack.i.u.bf16.f32 v30;
	v30 =	vunpack.i.l.bf16.f32 v30  }
0x19e: {  	vm0 =	vge.f32 v21, $0.0e+00;
	v41 =	vld [tilespmem:s11+$0x0];
	v13 =	vperm.xlane v7, v1;
	v15 =	vperm.xlane v7, v2;
	[tilespmem:v14+s28+$0x0] =	vst.idx.msk $0xff, v5  }
0x19f: {  	v16 =	vperm.xlane v5, v1;
	v14 =	vmul.f32 v27, v40;
	[tilespmem:s9+$0xFFFFFF60] =	vst v17;
	v17 =	vunpack.i.u.bf16.f32 v32  }
0x1a0: {  	v27 =	vunpack.i.l.bf16.f32 v29;
	v29 =	vunpack.i.l.bf16.f32 v33;
	v33 =	vunpack.i.l.bf16.f32 v36  }
0x1a1: {  	v24 =	vunpack.i.l.bf16.f32 v24;
	[tilespmem:v12+s28+$0x0] =	vst.idx.msk $0xff, v6;
	v12 =	vunpack.i.l.bf16.f32 v32;
	v32 =	vunpack.i.u.bf16.f32 v36  }
0x1a2: {  	v22 =	vadd.f32 v22, v29;
	v27 =	vadd.f32 v38, v27;
	v11 =	vmul.f32 v11, v32  }
0x1a3: {  	v17 =	vmul.f32 v28, v17;
	v12 =	vmul.f32 v23, v12;
	v24 =	vadd.f32 v41, v24;
	v29 =	vld [tilespmem:s7+$0xFFFFFFB0]  }
0x1a4: {  	v28 =	vunpack.i.u.bf16.f32 v37;
	v26 =	vmul.f32 v26, v33;
	v23 =	vmov s15;
	[tilespmem:s9+$0x0] =	vst v11  }
0x1a5: {  	v20 =	vmul.f32 v20, v28;
	v11 =	vmul.u32 $0x48, v23;
	v23 =	vmul.f32 $2.000000030e-01, v22;
	[tilespmem:s9+$0xFFFFFFA8] =	vst v12  }
0x1a6: {  	vm1 =	vge.f32 v22, $0.0e+00;
	vm2 =	vge.f32 v24, $0.0e+00;
	v12 =	vmul.f32 $2.000000030e-01, v24;
	v28 =	vld [tilespmem:s7+$0xFFFFFFE0];
	[tilespmem:s9+$0xFFFFFFB8] =	vst v17  }
0x1a7: {  	v32 =	vbroadcast v11, $0x0;
	v17 =	vadd.s32 v0, v19;
	v11 =	vperm.xlane v5, v4;
	[tilespmem:v10+s28+$0x0] =	vst.idx.msk $0xff, v7  }
0x1a8: {  	v19 =	vmul.f32 $2.000000030e-01, v21;
	v24 =	vsel vm2, v24, v12;
	v33 =	vunpack.i.u.bf16.f32 v29;
	[tilespmem:s9+$0xFFFFFF28] =	vst v14  }
0x1a9: {  	v12 =	vadd.s32 v0, v18;
	v10 =	vadd.s32 v0, v32;
	v18 =	vmul.f32 $1.442695020e+00, v24;
	[tilespmem:s8+$0xFFFFFF50] =	vst v20  }
0x1aa: {  	v19 =	vsel vm0, v21, v19;
	v14 =	vadd.s32 v0, v31;
	v20 =	vmul.f32 v25, v30;
	v24 =	vld [tilespmem:s7+$0xFFFFFF50];
	[tilespmem:s9+$0xFFFFFFF0] =	vst v26  }
0x1ab: {  	v19 =	vmul.f32 $1.442695020e+00, v19;
	(erf) = vpow2.f32 v18;
	v18 =	vunpack.i.u.bf16.f32 v28  }
0x1ac: {  	v22 =	vsel vm1, v22, v23;
	v21 =	vmul.f32 $2.000000030e-01, v27;
	v23 =	vmul.f32 v39, v33;
	[tilespmem:s9+$0xFFFFFF18] =	vst v20;
	s9 =	smov.u32 s8  }
.Ltmp4:
0x1ad: {  	v18 =	vmul.f32 v35, v18;
	(erf) = vpow2.f32 v19;
	v19 =	vunpack.i.l.bf16.f32 v37;
	(pc) =	sbr.rel @p3 .LBB2_7-.Ltmp4, $4  }
0x1ae: {  	v22 =	vmul.f32 $1.442695020e+00, v22;
	vm0 =	vge.f32 v27, $0.0e+00;
	v19 =	vmul.f32 v34, v19;
	[tilespmem:s8+$0xFFFFFF98] =	vst v23  }
0x1af: {  	v25 =	vperm.xlane v6, v1;
	v21 =	vsel vm0, v27, v21;
	v20 =	vunpack.i.u.bf16.f32 v24;
	[tilespmem:s8+$0xFFFFFFE0] =	vst v18  }
0x1b0: {  	v23 =	vunpack.i.l.bf16.f32 v28;
	(erf) = vpow2.f32 v22;
	[tilespmem:s8+$0xFFFFFF40] =	vst v19;
	v19 =	vunpack.i.l.bf16.f32 v29  }
0x1b1: {  	s10 =	smov.u32 s14;
	s13 =	sadd.s32 $0xC0, s13;
	v21 =	vmul.f32 $1.442695020e+00, v21;
	v22 =	vunpack.i.l.bf16.f32 v24;
	s8 =	sadd.s32 $0x120, s8;
	v18 =	vld [tilespmem:s7+$0xFFFFFF90];
	v19 =	vmul.f32 v25, v19  }
0x1b2: {  	_ = 	snop  }
0x1b3: {  	v16 =	vmul.f32 v16, v23  }
0x1b4: {  	v15 =	vmul.f32 v15, v20;
	v13 =	vmul.f32 v13, v22  }
0x1b5: {  	(erf) = vpow2.f32 v21;
	[tilespmem:s9+$0xFFFFFFD0] =	vst v16  }
0x1b6: {  	[tilespmem:s9+$0xFFFFFF08] =	vst v15;
	v15 =	vld [tilespmem:s7+$0xFFFFFFF0]  }
0x1b7: {  	[tilespmem:s9+$0xFFFFFF88] =	vst v19;
	v16 =	vpop (erf)  }
0x1b8: {  	[tilespmem:s9+$0xFFFFFEF8] =	vst v13;
	v20 =	vld [tilespmem:s7+$0xFFFFFFC0];
	v19 =	vunpack.i.u.bf16.f32 v18;
	v13 =	vpop (erf)  }
0x1b9: {  	v8 =	vperm.xlane v8, v3;
	v9 =	vmul.f32 v9, v19;
	[tilespmem:v17+s28+$0x0] =	vst.idx.msk $0xff, v13;
	v17 =	vpop (erf)  }
0x1ba: {  	v18 =	vunpack.i.l.bf16.f32 v18;
	v19 =	vld [tilespmem:s17+$0xFFFFFF80];
	[tilespmem:v12+s28+$0x0] =	vst.idx.msk $0xff, v17  }
0x1bb: {  	v8 =	vmul.f32 v8, v18;
	[tilespmem:s9+$0xFFFFFF70] =	vst v9;
	v9 =	vunpack.i.u.bf16.f32 v15;
	v12 =	vld [tilespmem:s17+$0xFFFFFFB0]  }
0x1bc: {  	v18 =	vperm.xlane v6, v3;
	[tilespmem:v14+s28+$0x0] =	vst.idx.msk $0xff, v16;
	v9 =	vmul.f32 v11, v9  }
0x1bd: {  	v6 =	vperm.xlane v6, v4;
	[tilespmem:s9+$0xFFFFFF60] =	vst v8;
	v8 =	vunpack.i.l.bf16.f32 v20;
	v11 =	vld [tilespmem:s17+$0xFFFFFFE0]  }
0x1be: {  	v14 =	vperm.xlane v13, v2;
	v20 =	vunpack.i.u.bf16.f32 v20;
	v8 =	vmul.f32 v18, v8;
	v21 =	vpop (erf);
	[tilespmem:s9+$0x0] =	vst v9  }
0x1bf: {  	v6 =	vmul.f32 v6, v20;
	v9 =	vperm.xlane v17, v2;
	[tilespmem:v10+s28+$0x0] =	vst.idx.msk $0xff, v21;
	v18 =	vunpack.i.u.bf16.f32 v19  }
0x1c0: {  	[tilespmem:s9+$0xFFFFFFA8] =	vst v8;
	v10 =	vperm.xlane v13, v1;
	v14 =	vmul.f32 v14, v18;
	v18 =	vld [tilespmem:s17+$0xFFFFFF50];
	v8 =	vunpack.i.u.bf16.f32 v12  }
0x1c1: {  	v20 =	vperm.xlane v16, v2;
	[tilespmem:s9+$0xFFFFFFB8] =	vst v6;
	v6 =	vmul.f32 v9, v8;
	v8 =	vunpack.i.l.bf16.f32 v19  }
0x1c2: {  	v9 =	vld [tilespmem:s7+$0xFFFFFF60];
	v19 =	vperm.xlane v16, v1;
	[tilespmem:s8+$0xFFFFFF50] =	vst v14;
	v14 =	vunpack.i.u.bf16.f32 v11;
	v8 =	vmul.f32 v10, v8  }
0x1c3: {  	v11 =	vunpack.i.l.bf16.f32 v11;
	v10 =	vmul.f32 v20, v14;
	[tilespmem:s8+$0xFFFFFF98] =	vst v6;
	v6 =	vperm.xlane v17, v1  }
0x1c4: {  	v14 =	vperm.xlane v21, v2;
	v11 =	vmul.f32 v19, v11;
	[tilespmem:s8+$0xFFFFFF40] =	vst v8;
	v8 =	vunpack.i.l.bf16.f32 v12  }
0x1c5: {  	v12 =	vperm.xlane v21, v1;
	v19 =	vunpack.i.u.bf16.f32 v18;
	[tilespmem:s8+$0xFFFFFFE0] =	vst v10;
	v10 =	vld [tilespmem:s17+$0xFFFFFF90];
	v6 =	vmul.f32 v6, v8  }
0x1c6: {  	v18 =	vunpack.i.l.bf16.f32 v18;
	v8 =	vperm.xlane v7, v4;
	v14 =	vmul.f32 v14, v19;
	[tilespmem:s8+$0xFFFFFFD0] =	vst v11  }
0x1c7: {  	v5 =	vperm.xlane v5, v3;
	v11 =	vunpack.i.u.bf16.f32 v9;
	v12 =	vmul.f32 v12, v18;
	[tilespmem:s8+$0xFFFFFF88] =	vst v6;
	v6 =	vld [tilespmem:s17+$0xFFFFFFF0]  }
0x1c8: {  	v7 =	vperm.xlane v7, v3;
	v8 =	vmul.f32 v8, v11;
	v11 =	vunpack.i.l.bf16.f32 v15;
	[tilespmem:s8+$0xFFFFFF08] =	vst v14;
	v14 =	vld [tilespmem:s17+$0xFFFFFFC0]  }
0x1c9: {  	v9 =	vunpack.i.l.bf16.f32 v9;
	v15 =	vperm.xlane v13, v4;
	v5 =	vmul.f32 v5, v11;
	[tilespmem:s8+$0xFFFFFEF8] =	vst v12  }
0x1ca: {  	v7 =	vmul.f32 v7, v9;
	v9 =	vperm.xlane v13, v3;
	[tilespmem:s9+$0xFFFFFF28] =	vst v8;
	v11 =	vld [tilespmem:s17+$0xFFFFFF60];
	v8 =	vunpack.i.u.bf16.f32 v10  }
0x1cb: {  	v12 =	vperm.xlane v16, v4;
	[tilespmem:s9+$0xFFFFFFF0] =	vst v5;
	v5 =	vmul.f32 v15, v8;
	v8 =	vunpack.i.l.bf16.f32 v10  }
0x1cc: {  	[tilespmem:s9+$0xFFFFFF18] =	vst v7;
	v7 =	vmul.f32 v9, v8;
	v8 =	vperm.xlane v17, v3;
	v9 =	vunpack.i.u.bf16.f32 v6  }
0x1cd: {  	v10 =	vperm.xlane v17, v4;
	[tilespmem:s8+$0xFFFFFF70] =	vst v5;
	v5 =	vunpack.i.l.bf16.f32 v14;
	v9 =	vmul.f32 v12, v9  }
0x1ce: {  	v12 =	vperm.xlane v21, v4;
	[tilespmem:s8+$0xFFFFFF60] =	vst v7;
	v7 =	vunpack.i.u.bf16.f32 v14;
	v5 =	vmul.f32 v8, v5  }
0x1cf: {  	v8 =	vperm.xlane v16, v3;
	v13 =	vunpack.i.u.bf16.f32 v11;
	v7 =	vmul.f32 v10, v7;
	[tilespmem:s8+$0x0] =	vst v9  }
0x1d0: {  	v6 =	vunpack.i.l.bf16.f32 v6;
	v9 =	vperm.xlane v21, v3;
	v10 =	vmul.f32 v12, v13;
	[tilespmem:s8+$0xFFFFFFA8] =	vst v5  }
0x1d1: {  	v5 =	vunpack.i.l.bf16.f32 v11;
	v6 =	vmul.f32 v8, v6;
	[tilespmem:s8+$0xFFFFFFB8] =	vst v7  }
0x1d2: {  	[tilespmem:s8+$0xFFFFFF28] =	vst v10;
	v5 =	vmul.f32 v9, v5  }
0x1d3: {  	[tilespmem:s8+$0xFFFFFFF0] =	vst v6  }
0x1d4: {  	s11 =	sadd.s32 $0x2970, s6;
	[tilespmem:s8+$0xFFFFFF18] =	vst v5  }
0x1d5: {  	[spmem:s2] =	stream.indirect.scatter.add.f32 [tilespmem:s28], [sflag:$0xB], $0x48, s11, s18, $0xb8;
	[tilespmem:$0x1D588] =	vst v63  }
0x1d6: {  	s7 =	sadd.s32 @!p1 $0x270, s3;
	s9 =	simm.s32 @!p1 $0x76C0;
	s8 =	simm.s32 @!p1 $0x64  }
0x1d7: {  	[tilespmem:s9], [sflag:$0x3] =	stream.indirect.gather @!p1 [hbm4b:s4+s8], $0x30, s7, s8, $0xb8;
	[tilespmem:$0x1D588] =	vst v63  }
0x1d8: {  	s3 =	sadd.s32 @!p1 $0x2B10, s3;
	s7 =	simm.s32 @!p1 $0xA8C0  }
0x1d9: {  	[tilespmem:s7], [sflag:$0x7] =	stream.indirect.gather @!p1 [hbm4b:s5+s8], $0x10, s3, s8, $0xb8;
	[tilespmem:$0x1D588] =	vst v63  }
0x1da: {  	_ =	swait.ge [sflag:s29], $0x12C0  }
0x1db: {  	[sflag:s29] =	ssyncset.done $0x0  }
0x1dc: {  	[sflag:s29] =	ssyncadd.s32 $0xFFFFED40  }
0x1dd: {  	_ =	swait.ge [sflag:s30], $0x640  }
0x1de: {  	[sflag:s30] =	ssyncset.done $0x0  }
0x1df: {  	s3 =	simm.s32 @!p2 $0xC;
	[sflag:s30] =	ssyncadd.s32 $0xFFFFF9C0  }
0x1e0: {  	_ =	swait.ge @!p2 [sflag:s3], $0x1C20  }
0x1e1: {  	[sflag:s3] =	ssyncset.done @!p2 $0x0  }
0x1e2: {  	s17 =	simm.s32 $0x8A30;
	[sflag:s3] =	ssyncadd.s32 @!p2 $0xFFFFE3E0  }
0x1e3: {  	s13 =	simm.s32 $0xAF30;
	v5 =	vld [tilespmem:s17+$0xFFFFFF70]  }
0x1e4: {  	v6 =	vld [tilespmem:s13+$0xFFFFFFD0]  }
0x1e5: {  	v7 =	vld [tilespmem:s17+$0xFFFFFFA0]  }
0x1e6: {  	v8 =	vld [tilespmem:s17+$0x0]  }
0x1e7: {  	s16 =	simm.s32 $0x2;
	v10 =	vld [tilespmem:s13+$0x0]  }
0x1e8: {  	s14 =	simm.s32 $0x1;
	s15 =	simm.s32 $0x3;
	v12 =	vmov s16;
	v13 =	vld [tilespmem:s17+$0xFFFFFFD0]  }
0x1e9: {  	v11 =	vmov s15;
	v12 =	vmul.u32 $0x48, v12;
	v9 =	vmov s14;
	s14 =	simm.s32 $0x4  }
0x1ea: {  	v9 =	vmul.u32 $0x48, v9;
	v25 =	vmov s14;
	v5 =	vunpack.i.l.bf16.f32 v5  }
0x1eb: {  	v25 =	vmul.u32 $0x48, v25;
	v5 =	vadd.f32 v6, v5;
	v6 =	vmul.u32 $0x48, v11;
	v11 =	vld [tilespmem:s13+$0xFFFFFFE0]  }
0x1ec: {  	v9 =	vbroadcast v9, $0x0;
	v8 =	vunpack.i.l.bf16.f32 v8;
	v7 =	vunpack.i.l.bf16.f32 v7  }
0x1ed: {  	s31 =	simm.s32 $0x0;
	v15 =	vld [tilespmem:s13+$0xFFFFFFF0];
	v13 =	vunpack.i.l.bf16.f32 v13;
	v8 =	vadd.f32 v10, v8;
	v14 =	vmul.f32 $2.000000030e-01, v5  }
0x1ee: {  	v10 =	vbroadcast v12, $0x0;
	v12 =	vmov s31;
	s13 =	simm.s32 $0x6;
	vm0 =	vge.f32 v5, $0.0e+00  }
0x1ef: {  	v18 =	vmov s13;
	v6 =	vbroadcast v6, $0x0;
	v5 =	vsel vm0, v5, v14  }
0x1f0: {  	v5 =	vmul.f32 $1.442695020e+00, v5;
	v11 =	vadd.f32 v11, v7;
	v7 =	vmul.u32 $0x48, v12  }
0x1f1: {  	s3 =	simm.s32 $0x8AF0;
	vm7 =	vge.f32 v8, $0.0e+00;
	v18 =	vmul.u32 $0x48, v18;
	v12 =	vmul.f32 $2.000000030e-01, v8  }
0x1f2: {  	v17 =	vld [tilespmem:s3+$0x0];
	(erf) = vpow2.f32 v5;
	v5 =	vadd.f32 v15, v13;
	v7 =	vbroadcast v7, $0x0  }
0x1f3: {  	v20 =	vld [tilespmem:s3+$0xFFFFFFD0];
	v8 =	vsel vm7, v8, v12;
	vm8 =	vge.f32 v11, $0.0e+00;
	v12 =	vmul.f32 $2.000000030e-01, v11  }
0x1f4: {  	v13 =	vadd.s32 v0, v9;
	v8 =	vmul.f32 $1.442695020e+00, v8;
	v9 =	vmul.f32 $2.000000030e-01, v5  }
0x1f5: {  	s1 =	simm.s32 $0xAF70;
	s10 =	simm.s32 $0x5;
	v14 =	vadd.s32 v0, v7;
	v7 =	vadd.s32 v0, v10;
	v10 =	vld [tilespmem:s3+$0xFFFFFFA0];
	vm1 =	vge.f32 v5, $0.0e+00  }
0x1f6: {  	s11 =	simm.s32 $0x7;
	(erf) = vpow2.f32 v8;
	v8 =	vsel vm8, v11, v12;
	v11 =	vmov s10;
	v12 =	vld [tilespmem:s1+$0xFFFFFFE0]  }
0x1f7: {  	v15 =	vld [tilespmem:s3+$0xFFFFFF70];
	v5 =	vsel vm1, v5, v9;
	v9 =	vmov s11;
	v11 =	vmul.u32 $0x48, v11  }
0x1f8: {  	v16 =	vld [tilespmem:s1+$0xFFFFFFD0];
	v17 =	vunpack.i.l.bf16.f32 v17;
	v20 =	vunpack.i.l.bf16.f32 v20;
	v9 =	vmul.u32 $0x48, v9  }
0x1f9: {  	v6 =	vadd.s32 v0, v6;
	v18 =	vbroadcast v18, $0x0;
	v11 =	vbroadcast v11, $0x0  }
0x1fa: {  	v8 =	vmul.f32 $1.442695020e+00, v8;
	v21 =	vbroadcast v9, $0x0;
	v9 =	vunpack.i.l.bf16.f32 v10;
	v10 =	vld [tilespmem:s1+$0x0]  }
0x1fb: {  	v19 =	vmul.f32 $1.442695020e+00, v5;
	v23 =	vadd.f32 v12, v9;
	v12 =	vld [tilespmem:s1+$0xFFFFFFF0];
	v30 =	vadd.s32 v0, v11  }
0x1fc: {  	v11 =	vadd.s32 v0, v18;
	v22 =	vpop (erf);
	(erf) = vpow2.f32 v8;
	v8 =	vunpack.i.l.bf16.f32 v15  }
0x1fd: {  	v5 =	vperm.xlane v22, v4;
	v9 =	vperm.xlane v22, v3;
	v16 =	vadd.f32 v16, v8  }
0x1fe: {  	v18 =	vadd.s32 v0, v21;
	v24 =	vperm.xlane v22, v2;
	v15 =	vperm.xlane v22, v1  }
0x1ff: {  	[tilespmem:v14+s0+$0x0] =	vst.idx.msk $0xff, v22;
	v8 =	vpop (erf);
	v26 =	vmul.f32 $2.000000030e-01, v16;
	v17 =	vadd.f32 v10, v17;
	vm10 =	vge.f32 v16, $0.0e+00  }
0x200: {  	[tilespmem:v6+s0+$0x0] =	vst.idx.msk $0xff, v8;
	v6 =	vmul.f32 $2.000000030e-01, v23;
	v10 =	vperm.xlane v8, v2;
	v14 =	vadd.f32 v12, v20;
	v20 =	vld [tilespmem:s17+$0xFFFFFF50]  }
0x201: {  	v12 =	vbroadcast v25, $0x0;
	v27 =	vld [tilespmem:s17+$0xFFFFFFE0];
	v16 =	vsel vm10, v16, v26;
	v22 =	vmul.f32 $2.000000030e-01, v17  }
0x202: {  	vm9 =	vge.f32 v23, $0.0e+00;
	v16 =	vmul.f32 $1.442695020e+00, v16;
	v25 =	vmul.f32 $2.000000030e-01, v14  }
0x203: {  	vm11 =	vge.f32 v17, $0.0e+00;
	v31 =	vadd.s32 v0, v12;
	vm12 =	vge.f32 v14, $0.0e+00  }
0x204: {  	s13 =	simm.s32 $0xAFB0;
	v6 =	vsel vm9, v23, v6;
	(erf) = vpow2.f32 v16;
	v14 =	vsel vm12, v14, v25  }
0x205: {  	s7 =	simm.s32 $0x8BB0;
	v39 =	vld [tilespmem:s13+$0xFFFFFFD0];
	v28 =	vpop (erf);
	v21 =	vunpack.i.u.bf16.f32 v20;
	v14 =	vmul.f32 $1.442695020e+00, v14;
	(erf) = vpow2.f32 v19  }
0x206: {  	v19 =	vld [tilespmem:s7+$0xFFFFFF70];
	[tilespmem:v13+s0+$0x0] =	vst.idx.msk $0xff, v28;
	v13 =	vsel vm11, v17, v22;
	v12 =	vunpack.i.l.bf16.f32 v27;
	v17 =	vperm.xlane v28, v1  }
0x207: {  	s15 =	simm.s32 $0x9;
	v22 =	vmul.f32 $1.442695020e+00, v6;
	v6 =	vunpack.i.l.bf16.f32 v20;
	v20 =	vmul.f32 v24, v21;
	v16 =	vld [tilespmem:s17+$0xFFFFFF80]  }
0x208: {  	v21 =	vmov s15;
	v42 =	vperm.xlane v28, v3;
	v13 =	vmul.f32 $1.442695020e+00, v13  }
0x209: {  	s9 =	simm.s32 $0x10AA8;
	v29 =	vld [tilespmem:s7+$0x0];
	s10 =	simm.s32 $0xB;
	v43 =	vperm.xlane v28, v4;
	v6 =	vmul.f32 v15, v6;
	v21 =	vmul.u32 $0x48, v21  }
0x20a: {  	s16 =	simm.s32 $0xA;
	v37 =	vld [tilespmem:s13+$0x0];
	v24 =	vmov s10;
	[tilespmem:s9+$0xFFFFFF08] =	vst v20;
	(erf) = vpow2.f32 v13;
	v13 =	vperm.xlane v28, v2  }
0x20b: {  	v23 =	vld [tilespmem:s7+$0xFFFFFFA0];
	[tilespmem:s9+$0xFFFFFEF8] =	vst v6;
	v33 =	vbroadcast v21, $0x0;
	v6 =	vmov s16;
	v36 =	vunpack.i.l.bf16.f32 v19  }
0x20c: {  	v21 =	vunpack.i.u.bf16.f32 v27;
	v25 =	vld [tilespmem:s17+$0xFFFFFF60];
	v36 =	vadd.f32 v39, v36;
	v15 =	vunpack.i.l.bf16.f32 v16  }
0x20d: {  	v32 =	vld [tilespmem:s7+$0xFFFFFFD0];
	v17 =	vmul.f32 v17, v15;
	v15 =	vmul.u32 $0x48, v24;
	v24 =	vmul.u32 $0x48, v6;
	v35 =	vpop (erf)  }
0x20e: {  	v38 =	vld [tilespmem:s13+$0xFFFFFFF0];
	(erf) = vpow2.f32 v22;
	v22 =	vunpack.i.l.bf16.f32 v29;
	v6 =	vperm.xlane v35, v4  }
0x20f: {  	v20 =	vld [tilespmem:s13+$0xFFFFFFE0];
	vm2 =	vge.f32 v36, $0.0e+00;
	v27 =	vperm.xlane v35, v2;
	v26 =	vperm.xlane v35, v1  }
0x210: {  	v37 =	vadd.f32 v37, v22;
	v34 =	vbroadcast v15, $0x0;
	v15 =	vunpack.i.u.bf16.f32 v16  }
0x211: {  	v19 =	vunpack.i.u.bf16.f32 v25;
	v16 =	vmul.f32 v13, v15;
	v15 =	vunpack.i.l.bf16.f32 v23  }
0x212: {  	s31 =	simm.s32 $0x8;
	[tilespmem:s9+$0xFFFFFF40] =	vst v17;
	v17 =	vunpack.i.l.bf16.f32 v32;
	v23 =	vbroadcast v24, $0x0;
	v13 =	vperm.xlane v35, v3  }
0x213: {  	[tilespmem:v31+s0+$0x0] =	vst.idx.msk $0xff, v35;
	v24 =	vunpack.i.l.bf16.f32 v25;
	v25 =	vmov s31;
	v46 =	vadd.f32 v38, v17  }
0x214: {  	v31 =	vmul.f32 $2.000000030e-01, v37;
	v17 =	vadd.s32 v0, v33;
	v20 =	vadd.f32 v20, v15;
	[tilespmem:s9+$0xFFFFFF50] =	vst v16;
	v15 =	vpop (erf)  }
0x215: {  	v35 =	vld [tilespmem:s3+$0xFFFFFF50];
	vm14 =	vge.f32 v37, $0.0e+00;
	v28 =	vadd.s32 v0, v34;
	v60 =	vmul.f32 $2.000000030e-01, v46;
	[tilespmem:v7+s0+$0x0] =	vst.idx.msk $0xff, v15;
	v7 =	vpop (erf)  }
0x216: {  	v38 =	vsel vm14, v37, v31;
	v41 =	vmul.f32 $2.000000030e-01, v20;
	v45 =	vld [tilespmem:s17+$0xFFFFFF90];
	[tilespmem:v18+s0+$0x0] =	vst.idx.msk $0xff, v7;
	v18 =	vmul.u32 $0x48, v25  }
0x217: {  	vm15 =	vge.f32 v46, $0.0e+00;
	v16 =	vperm.xlane v15, v3;
	v40 =	vperm.xlane v15, v1;
	v44 =	vld [tilespmem:s17+$0xFFFFFFB0]  }
0x218: {  	vm13 =	vge.f32 v20, $0.0e+00;
	v32 =	vperm.xlane v15, v2;
	v18 =	vbroadcast v18, $0x0  }
0x219: {  	v46 =	vsel vm15, v46, v60;
	v29 =	vperm.xlane v7, v2;
	v47 =	vsel vm13, v20, v41  }
0x21a: {  	v22 =	vadd.s32 v0, v18;
	v18 =	vadd.s32 v0, v23;
	v23 =	vmul.f32 $2.000000030e-01, v36  }
0x21b: {  	v41 =	vunpack.i.l.bf16.f32 v35;
	v37 =	vmul.f32 $1.442695020e+00, v46;
	v25 =	vld [tilespmem:s3+$0xFFFFFFE0];
	v20 =	vpop (erf);
	v33 =	vmul.f32 $1.442695020e+00, v47  }
0x21c: {  	[tilespmem:v30+s0+$0x0] =	vst.idx.msk $0xff, v20;
	v62 =	vunpack.i.u.bf16.f32 v45;
	v59 =	vunpack.i.l.bf16.f32 v44;
	v23 =	vsel vm2, v36, v23  }
0x21d: {  	v61 =	vmul.f32 v40, v59;
	v40 =	vunpack.i.u.bf16.f32 v35;
	v35 =	vld [tilespmem:s3+$0xFFFFFF80];
	v63 =	vmul.f32 $1.442695020e+00, v23  }
0x21e: {  	v39 =	vperm.xlane v20, v1;
	v45 =	vunpack.i.l.bf16.f32 v45;
	v30 =	vmul.f32 v43, v62  }
0x21f: {  	s14 =	simm.s32 $0x8C70;
	v34 =	vmul.f32 v42, v45;
	v42 =	vunpack.i.u.bf16.f32 v44;
	(erf) = vpow2.f32 v63  }
0x220: {  	s8 =	simm.s32 $0x10CE8;
	s11 =	simm.s32 $0x10BC8;
	s15 =	simm.s32 $0xC;
	v31 =	vunpack.i.l.bf16.f32 v25;
	v36 =	vperm.xlane v8, v1;
	v23 =	vperm.xlane v8, v4;
	[tilespmem:s9+$0xFFFFFF88] =	vst v61  }
.LBB2_9:
0x221: {  	s31 =	sadd.s32 $0x3, s15  }
0x222: {  	v43 =	vld [tilespmem:s14+$0xFFFFFF70];
	v38 =	vmul.f32 $1.442695020e+00, v38;
	s13 =	sadd.s32 $0x40, s13;
	v27 =	vmul.f32 v27, v40;
	v40 =	vunpack.i.l.bf16.f32 v35;
	s16 =	smov.u32 s15;
	s10 =	sadd.s32 $0x4, s15  }
0x223: {  	p2 =	slt.u32 s15, $0x60;
	v21 =	vmul.f32 v10, v21;
	v10 =	vmovc v29;
	v44 =	vld [tilespmem:s14+$0xFFFFFFA0];
	s1 =	sadd.s32 $0x1, s16;
	v45 =	vmov s31;
	v39 =	vmul.f32 v39, v40  }
0x224: {  	v26 =	vmul.f32 v26, v41;
	v24 =	vmul.f32 v9, v24;
	v9 =	vmovc v13;
	v29 =	vld [tilespmem:s13+$0xFFFFFFD0];
	v40 =	vmov s1  }
0x225: {  	v32 =	vmul.f32 v32, v42;
	v13 =	vmul.u32 $0x48, v40;
	v40 =	vld [tilespmem:s13+$0xFFFFFFF0];
	(erf) = vpow2.f32 v14;
	[tilespmem:s9+$0xFFFFFFE0] =	vst v21;
	v14 =	vmovc v37  }
0x226: {  	s1 =	sadd.s32 $0x2, s16;
	v21 =	vmul.u32 $0x48, v45;
	v37 =	vld [tilespmem:s14+$0x0];
	(erf) = vpow2.f32 v38;
	[tilespmem:s11+$0xFFFFFF08] =	vst v27;
	v27 =	vperm.xlane v20, v2  }
0x227: {  	v38 =	vld [tilespmem:s13+$0xFFFFFFE0];
	v41 =	vbroadcast v13, $0x0;
	v13 =	vmov s1;
	[tilespmem:s11+$0xFFFFFEF8] =	vst v26;
	v26 =	vmul.f32 v36, v12;
	v12 =	vmovc v31  }
0x228: {  	v31 =	vbroadcast v21, $0x0;
	v21 =	vunpack.i.u.bf16.f32 v35;
	v13 =	vmul.u32 $0x48, v13;
	v36 =	vpop (erf);
	v42 =	vld [tilespmem:s3+$0xFFFFFF60];
	[tilespmem:s9+$0xFFFFFF98] =	vst v32  }
0x229: {  	v45 =	vmul.f32 v27, v21;
	v21 =	vunpack.i.u.bf16.f32 v25;
	v32 =	vld [tilespmem:s14+$0xFFFFFFD0];
	v35 =	vperm.xlane v36, v4;
	[tilespmem:s9+$0xFFFFFFD0] =	vst v26  }
0x22a: {  	v25 =	vunpack.i.l.bf16.f32 v44;
	v44 =	vbroadcast v13, $0x0;
	v13 =	vperm.xlane v36, v3;
	[tilespmem:s9+$0xFFFFFF18] =	vst v24;
	v46 =	vld [tilespmem:s17+$0xFFFFFFF0]  }
0x22b: {  	v27 =	vperm.xlane v36, v2;
	[tilespmem:s11+$0xFFFFFF50] =	vst v45;
	v45 =	vperm.xlane v20, v3;
	v47 =	vld [tilespmem:s17+$0xFFFFFFC0];
	s17 =	smov.u32 s3;
	s3 =	smov.u32 s7;
	s7 =	smov.u32 s14  }
0x22c: {  	v19 =	vmul.f32 v5, v19;
	v5 =	vmovc v6;
	v43 =	vunpack.i.l.bf16.f32 v43;
	v26 =	vperm.xlane v36, v1;
	v48 =	vld [tilespmem:s13+$0x0];
	[tilespmem:s11+$0xFFFFFF40] =	vst v39  }
0x22d: {  	v50 =	vperm.xlane v20, v4;
	v6 =	vmovc v35;
	v24 =	vunpack.i.l.bf16.f32 v42;
	v49 =	vld [tilespmem:s17+$0xFFFFFF90];
	[tilespmem:s9+$0xFFFFFF60] =	vst v34;
	v34 =	vperm.xlane v15, v4  }
0x22e: {  	v20 =	vperm.xlane v8, v3;
	v39 =	vadd.f32 v38, v25;
	(erf) = vpow2.f32 v33;
	v15 =	vpop (erf);
	[tilespmem:s9+$0xFFFFFF28] =	vst v19  }
0x22f: {  	v19 =	vunpack.i.u.bf16.f32 v42;
	v25 =	vpop (erf);
	[tilespmem:v11+s0+$0x0] =	vst.idx.msk $0xff, v15;
	v33 =	vperm.xlane v15, v3;
	v35 =	vunpack.i.u.bf16.f32 v46  }
0x230: {  	v52 =	vunpack.i.l.bf16.f32 v37;
	v8 =	vmovc v7;
	vm0 =	vge.f32 v39, $0.0e+00;
	v37 =	vperm.xlane v15, v1;
	[tilespmem:v28+s0+$0x0] =	vst.idx.msk $0xff, v25;
	v42 =	vld [tilespmem:s17+$0xFFFFFFB0]  }
0x231: {  	v43 =	vadd.f32 v29, v43;
	v28 =	vunpack.i.l.bf16.f32 v32;
	v7 =	vmovc v25;
	[tilespmem:v22+s0+$0x0] =	vst.idx.msk $0xff, v36;
	v22 =	vunpack.i.l.bf16.f32 v47  }
0x232: {  	v51 =	vmul.f32 $2.000000030e-01, v39;
	v11 =	vmovc v18;
	v38 =	vunpack.i.u.bf16.f32 v47;
	v36 =	vadd.f32 v48, v52  }
0x233: {  	v18 =	vmov s16;
	v29 =	vperm.xlane v7, v2;
	v22 =	vmul.f32 v16, v22;
	v16 =	vmovc v33  }
0x234: {  	v18 =	vmul.u32 $0x48, v18;
	v32 =	vperm.xlane v15, v2;
	v33 =	vadd.f32 v40, v28;
	v47 =	vld [tilespmem:s3+$0xFFFFFF50]  }
0x235: {  	v28 =	vunpack.i.l.bf16.f32 v46;
	v40 =	vmul.f32 $2.000000030e-01, v36;
	v25 =	vld [tilespmem:s3+$0xFFFFFFE0];
	v48 =	vunpack.i.l.bf16.f32 v42;
	[tilespmem:s9+$0xFFFFFF70] =	vst v30  }
0x236: {  	v18 =	vbroadcast v18, $0x0;
	v28 =	vmul.f32 v20, v28;
	v30 =	vadd.s32 v0, v41;
	[tilespmem:s9+$0xFFFFFFA8] =	vst v22  }
0x237: {  	v23 =	vmul.f32 v23, v35;
	vm1 =	vge.f32 v36, $0.0e+00;
	v41 =	vmul.f32 $2.000000030e-01, v33;
	v20 =	vpop (erf)  }
0x238: {  	v34 =	vmul.f32 v34, v38;
	v22 =	vadd.s32 v0, v18;
	v18 =	vadd.s32 v0, v44;
	[tilespmem:s9+$0xFFFFFFF0] =	vst v28  }
0x239: {  	v35 =	vmul.f32 $2.000000030e-01, v43;
	v37 =	vmul.f32 v37, v48;
	v28 =	vadd.s32 v0, v31;
	[tilespmem:s9+$0x0] =	vst v23  }
0x23a: {  	vm2 =	vge.f32 v43, $0.0e+00;
	v38 =	vsel vm1, v36, v40;
	v44 =	vunpack.i.u.bf16.f32 v49;
	[tilespmem:s9+$0xFFFFFFB8] =	vst v34;
	s9 =	smov.u32 s11;
	s11 =	smov.u32 s8  }
0x23b: {  	vm1 =	vge.f32 v33, $0.0e+00;
	v23 =	vsel vm2, v43, v35;
	v31 =	vunpack.i.l.bf16.f32 v25;
	[tilespmem:v17+s0+$0x0] =	vst.idx.msk $0xff, v20;
	v17 =	vmovc v30  }
.Ltmp5:
0x23c: {  	v36 =	vperm.xlane v8, v1;
	v40 =	vunpack.i.u.bf16.f32 v47;
	v30 =	vmul.f32 $1.442695020e+00, v23;
	v35 =	vld [tilespmem:s3+$0xFFFFFF80];
	[tilespmem:s9+$0xFFFFFF88] =	vst v37;
	(pc) =	sbr.rel @p2 .LBB2_9-.Ltmp5, $4  }
0x23d: {  	v34 =	vsel vm0, v39, v51;
	v23 =	vperm.xlane v8, v4;
	v37 =	vsel vm1, v33, v41  }
0x23e: {  	v39 =	vperm.xlane v20, v1;
	v41 =	vunpack.i.l.bf16.f32 v47;
	(erf) = vpow2.f32 v30  }
0x23f: {  	v33 =	vmul.f32 $1.442695020e+00, v34;
	v34 =	vunpack.i.l.bf16.f32 v49;
	v30 =	vmul.f32 v50, v44  }
0x240: {  	s15 =	smov.u32 s10;
	s14 =	sadd.s32 $0xC0, s14;
	v42 =	vunpack.i.u.bf16.f32 v42;
	s8 =	sadd.s32 $0x120, s8;
	v37 =	vmul.f32 $1.442695020e+00, v37;
	v34 =	vmul.f32 v45, v34  }
0x241: {  	v10 =	vmul.f32 v10, v21;
	[tilespmem:s9+$0xFFFFFF70] =	vst v30  }
0x242: {  	v27 =	vmul.f32 v27, v40;
	[tilespmem:s9+$0xFFFFFF60] =	vst v34  }
0x243: {  	(erf) = vpow2.f32 v14;
	v42 =	vmul.f32 v32, v42;
	[tilespmem:s9+$0xFFFFFFE0] =	vst v10  }
0x244: {  	v12 =	vmul.f32 v36, v12;
	[tilespmem:s11+$0xFFFFFF08] =	vst v27  }
0x245: {  	v38 =	vmul.f32 $1.442695020e+00, v38;
	v26 =	vmul.f32 v26, v41;
	[tilespmem:s9+$0xFFFFFF98] =	vst v42  }
0x246: {  	v43 =	vperm.xlane v20, v2;
	v9 =	vmul.f32 v9, v24;
	v45 =	vunpack.i.l.bf16.f32 v35;
	[tilespmem:s9+$0xFFFFFFD0] =	vst v12;
	v46 =	vld [tilespmem:s17+$0xFFFFFFC0]  }
0x247: {  	v44 =	vunpack.i.u.bf16.f32 v35;
	v5 =	vmul.f32 v5, v19;
	[tilespmem:s11+$0xFFFFFEF8] =	vst v26;
	v10 =	vmul.f32 v39, v45;
	v12 =	vld [tilespmem:s17+$0xFFFFFFF0]  }
0x248: {  	(erf) = vpow2.f32 v38;
	v14 =	vmul.f32 v43, v44;
	[tilespmem:s9+$0xFFFFFF18] =	vst v9  }
0x249: {  	[tilespmem:s9+$0xFFFFFF28] =	vst v5  }
0x24a: {  	[tilespmem:s11+$0xFFFFFF50] =	vst v14  }
0x24b: {  	v8 =	vperm.xlane v8, v3;
	[tilespmem:s11+$0xFFFFFF40] =	vst v10;
	v10 =	vpop (erf);
	v47 =	vunpack.i.l.bf16.f32 v46  }
0x24c: {  	(erf) = vpow2.f32 v33;
	[tilespmem:v22+s0+$0x0] =	vst.idx.msk $0xff, v10;
	v48 =	vunpack.i.l.bf16.f32 v12;
	v14 =	vpop (erf);
	v16 =	vmul.f32 v16, v47  }
0x24d: {  	v15 =	vperm.xlane v15, v4;
	v54 =	vld [tilespmem:s3+$0xFFFFFF60];
	v12 =	vunpack.i.u.bf16.f32 v12;
	v8 =	vmul.f32 v8, v48;
	[tilespmem:v11+s0+$0x0] =	vst.idx.msk $0xff, v14  }
0x24e: {  	v9 =	vunpack.i.u.bf16.f32 v46;
	v12 =	vmul.f32 v23, v12;
	[tilespmem:s9+$0xFFFFFFA8] =	vst v16  }
0x24f: {  	v9 =	vmul.f32 v15, v9;
	v11 =	vld [tilespmem:s3+$0xFFFFFFB0];
	[tilespmem:s9+$0xFFFFFFF0] =	vst v8  }
0x250: {  	v52 =	vunpack.i.u.bf16.f32 v25;
	v61 =	vperm.xlane v7, v1;
	(erf) = vpow2.f32 v37;
	[tilespmem:s9+$0x0] =	vst v12  }
0x251: {  	v49 =	vld [tilespmem:s7+$0xFFFFFF50];
	v5 =	vpop (erf);
	[tilespmem:s9+$0xFFFFFFB8] =	vst v9;
	v12 =	vmul.f32 v29, v52  }
0x252: {  	v16 =	vmul.f32 v61, v31;
	v9 =	vunpack.i.u.bf16.f32 v54;
	[tilespmem:v28+s0+$0x0] =	vst.idx.msk $0xff, v5  }
0x253: {  	v50 =	vperm.xlane v14, v1;
	v6 =	vmul.f32 v6, v9;
	[tilespmem:s11+$0xFFFFFFE0] =	vst v12  }
0x254: {  	v60 =	vld [tilespmem:s3+$0xFFFFFF90];
	v57 =	vperm.xlane v14, v2;
	[tilespmem:s11+$0xFFFFFFD0] =	vst v16;
	v51 =	vunpack.i.l.bf16.f32 v11  }
0x255: {  	v53 =	vperm.xlane v10, v2;
	v31 =	vld [tilespmem:s7+$0xFFFFFFE0];
	[tilespmem:s11+$0xFFFFFF28] =	vst v6;
	v19 =	vpop (erf);
	v11 =	vunpack.i.u.bf16.f32 v11;
	v8 =	vmul.f32 v50, v51  }
0x256: {  	v56 =	vunpack.i.u.bf16.f32 v49;
	v35 =	vld [tilespmem:s3+$0xFFFFFFF0];
	[tilespmem:v17+s0+$0x0] =	vst.idx.msk $0xff, v19;
	v11 =	vmul.f32 v57, v11  }
0x257: {  	v55 =	vperm.xlane v10, v1;
	v15 =	vmul.f32 v53, v56;
	[tilespmem:s11+$0xFFFFFF88] =	vst v8  }
0x258: {  	v47 =	vperm.xlane v7, v3;
	v28 =	vperm.xlane v20, v3;
	v59 =	vunpack.i.l.bf16.f32 v49;
	v58 =	vld [tilespmem:s7+$0xFFFFFF80];
	[tilespmem:s11+$0xFFFFFF98] =	vst v11  }
0x259: {  	v32 =	vunpack.i.l.bf16.f32 v60;
	v38 =	vperm.xlane v5, v2;
	[tilespmem:s8+$0xFFFFFF08] =	vst v15;
	v24 =	vpop (erf);
	v8 =	vmul.f32 v55, v59;
	v27 =	vld [tilespmem:s3+$0xFFFFFFC0]  }
0x25a: {  	v7 =	vperm.xlane v7, v4;
	v40 =	vunpack.i.u.bf16.f32 v31;
	[tilespmem:v18+s0+$0x0] =	vst.idx.msk $0xff, v24;
	v18 =	vmul.f32 v28, v32  }
0x25b: {  	v45 =	vmul.f32 v38, v40;
	v9 =	vunpack.i.u.bf16.f32 v35;
	v30 =	vld [tilespmem:s7+$0xFFFFFFB0];
	[tilespmem:s8+$0xFFFFFEF8] =	vst v8  }
0x25c: {  	v62 =	vunpack.i.l.bf16.f32 v54;
	v63 =	vperm.xlane v19, v2;
	v7 =	vmul.f32 v7, v9;
	[tilespmem:s11+$0xFFFFFF60] =	vst v18  }
0x25d: {  	v34 =	vperm.xlane v14, v3;
	v8 =	vmul.f32 v13, v62;
	[tilespmem:s8+$0xFFFFFFE0] =	vst v45;
	v26 =	vunpack.i.u.bf16.f32 v58  }
0x25e: {  	v25 =	vperm.xlane v19, v1;
	[tilespmem:s11+$0x0] =	vst v7;
	v13 =	vmul.f32 v63, v26;
	v37 =	vunpack.i.l.bf16.f32 v27  }
0x25f: {  	v36 =	vperm.xlane v24, v1;
	v29 =	vunpack.i.l.bf16.f32 v58;
	[tilespmem:s11+$0xFFFFFF18] =	vst v8;
	v6 =	vmul.f32 v34, v37  }
0x260: {  	v41 =	vperm.xlane v24, v2;
	v17 =	vmul.f32 v25, v29;
	[tilespmem:s8+$0xFFFFFF50] =	vst v13;
	v39 =	vunpack.i.l.bf16.f32 v30  }
0x261: {  	v43 =	vld [tilespmem:s7+$0xFFFFFF60];
	v44 =	vunpack.i.u.bf16.f32 v30;
	v42 =	vmul.f32 v36, v39;
	[tilespmem:s11+$0xFFFFFFA8] =	vst v6;
	v6 =	vperm.xlane v5, v1  }
0x262: {  	v33 =	vperm.xlane v20, v4;
	v16 =	vunpack.i.l.bf16.f32 v31;
	[tilespmem:s8+$0xFFFFFF40] =	vst v17;
	v48 =	vmul.f32 v41, v44  }
0x263: {  	v12 =	vunpack.i.u.bf16.f32 v60;
	v46 =	vld [tilespmem:s7+$0xFFFFFF90];
	[tilespmem:s8+$0xFFFFFF88] =	vst v42;
	v6 =	vmul.f32 v6, v16  }
0x264: {  	v14 =	vperm.xlane v14, v4;
	v49 =	vunpack.i.l.bf16.f32 v35;
	v8 =	vmul.f32 v33, v12;
	[tilespmem:s8+$0xFFFFFF98] =	vst v48  }
0x265: {  	v50 =	vperm.xlane v10, v3;
	v13 =	vmul.f32 v47, v49;
	v51 =	vunpack.i.u.bf16.f32 v27;
	[tilespmem:s8+$0xFFFFFFD0] =	vst v6;
	v6 =	vld [tilespmem:s7+$0xFFFFFFC0]  }
0x266: {  	v10 =	vperm.xlane v10, v4;
	[tilespmem:s11+$0xFFFFFF70] =	vst v8;
	v14 =	vmul.f32 v14, v51;
	v53 =	vunpack.i.l.bf16.f32 v43  }
0x267: {  	v52 =	vperm.xlane v19, v3;
	[tilespmem:s11+$0xFFFFFFF0] =	vst v13;
	v12 =	vunpack.i.u.bf16.f32 v43;
	v8 =	vmul.f32 v50, v53;
	v54 =	vld [tilespmem:s7+$0xFFFFFFF0]  }
0x268: {  	v55 =	vperm.xlane v19, v4;
	[tilespmem:s11+$0xFFFFFFB8] =	vst v14;
	v58 =	vmul.f32 v10, v12;
	v7 =	vunpack.i.l.bf16.f32 v46  }
0x269: {  	v56 =	vperm.xlane v24, v3;
	[tilespmem:s8+$0xFFFFFF18] =	vst v8;
	v57 =	vunpack.i.u.bf16.f32 v46;
	v7 =	vmul.f32 v52, v7  }
0x26a: {  	v11 =	vperm.xlane v24, v4;
	[tilespmem:s8+$0xFFFFFF28] =	vst v58;
	v59 =	vmul.f32 v55, v57;
	v60 =	vunpack.i.l.bf16.f32 v6  }
0x26b: {  	[tilespmem:s8+$0xFFFFFF60] =	vst v7;
	v7 =	vperm.xlane v5, v3;
	v6 =	vunpack.i.u.bf16.f32 v6;
	v61 =	vmul.f32 v56, v60  }
0x26c: {  	v5 =	vperm.xlane v5, v4;
	[tilespmem:s8+$0xFFFFFF70] =	vst v59;
	v62 =	vunpack.i.l.bf16.f32 v54;
	v6 =	vmul.f32 v11, v6  }
.Ltmp6:
0x26d: {  	v63 =	vunpack.i.u.bf16.f32 v54;
	v7 =	vmul.f32 v7, v62;
	[tilespmem:s8+$0xFFFFFFA8] =	vst v61;
	(pc) =	sbr.rel @p1 .LBB2_12-.Ltmp6, $4  }
0x26e: {  	v5 =	vmul.f32 v5, v63;
	[tilespmem:s8+$0xFFFFFFB8] =	vst v6  }
0x26f: {  	[tilespmem:s8+$0xFFFFFFF0] =	vst v7  }
0x270: {  	s1 =	sadd.s32 $0x29D8, s6;
	[tilespmem:s8+$0x0] =	vst v5  }
0x271: {  	[spmem:s2] =	stream.indirect.scatter.add.f32 [tilespmem:s0], [sflag:$0xC], $0x48, s1, s18, $0xb8;
	[tilespmem:$0x1D588] =	vst v63  }
0x272: {  	s1 =	smul.u32 $0x1A0, s12  }
.Ltmp7:
0x273: {  	_ = 	snop;
	(pc) =	sbr.rel .LBB2_2-.Ltmp7, $4  }
0x274: {  	s6 =	simm.s32 $0x8980;
	s3 =	sadd.s32 $0x2D8, s1  }
0x275: {  	[tilespmem:s6], [sflag:$0x4] =	stream.indirect.gather [hbm4b:s4+s18], $0x30, s3, s18, $0xb8;
	[tilespmem:$0x1D588] =	vst v63  }
0x276: {  	s31 =	simm.s32 $0xAF00;
	s12 =	sadd.s32 $0x1, s12;
	s1 =	sadd.s32 $0x2B78, s1  }
0x277: {  	[tilespmem:s31], [sflag:$0x8] =	stream.indirect.gather [hbm4b:s5+s18], $0x10, s1, s18, $0xb8;
	[tilespmem:$0x1D588] =	vst v63  }
.LBB2_13:
0x278: {  	_ =	sfence.sel $0x180000  }
0x279: {  	[bflag:$0x0] =	sbarrier.arrive $0xFFFF  }
0x27a: {  	_ =	strace $0x90000047  }
0x27b: {  	s0 =	stileid.u32;
	[bflag:$0x2] =	sbarrier.arrive $0xFFFF  }
0x27c: {  	p0 =	sne.s32 s0, $0x0;
	s0 =	rddreg [dreg:$0x3]  }
0x27d: {  	s0 =	sadd.s32 @!p0 $0x100000, s0  }
0x27e: {  	[sflag:s0] =	ssyncadd.tile.s32 @!p0 $0x1;
	_ =	shalt  }
.Lfunc_end2:
_tile_overlayer_lowered:
.L_overlay_start_2:
0x27f: {  	(tag) =	ssettag $0x2  }
0x280: {  	s0 =	rddreg [dreg:$0x0];
	s2 =	stileid.u32  }
0x281: {  	s1 =	rddreg [dreg:$0x1];
	p0 =	sne.s32 s2, $0x0  }
0x282: {  	s3 =	rddreg [dreg:$0x2];
	[bflag:$0x3] =	sbarrier.arrive $0xFFFF;
	s2 =	simm.s32 @!p0 $0x1C0D  }
0x283: {  	[timem:s3], [sflag:s2] =	dma.local @!p0 [hbm:s0], s1  }
0x284: {  	s0 =	simm.s32 @!p0 $0xD  }
0x285: {  	_ =	swait.ge @!p0 [sflag:s0], s1  }
0x286: {  	s1 =	ssub.s32 @!p0 $0x0, s1;
	[sflag:s0] =	ssyncset.done @!p0 $0x0  }
0x287: {  	[sflag:s0] =	ssyncadd.s32 @!p0 s1  }
0x288: {  	[bflag:$0x3] =	sbarrier.arrive $0xFFFF  }
0x289: {  	_ =	shalt  }

</sc_bundles>
